<compile_context>
chip_gen: v7x
topology: tpu7x:2x2x1
jax: 0.10.2.dev20260603
libtpu: 0.0.44.dev20260713+nightly
codegen_flags: <defaults>
</compile_context>

<pallas_src>
import functools

import jax
import jax.numpy as jnp
from jax import lax
from jax.experimental import pallas as pl
from jax.experimental.pallas import tpu as pltpu
from jax.experimental.pallas import tpu_sc as plsc

_N = 100000
_E = 3200000
_HID = 32
_NC = 2
_NS = 16
_NPAD = 100096
_RPT = _NPAD // _NS
_CH = 80
_NCHUNK = _E // _CH
_CPW = _NCHUNK // (_NC * _NS)
_CPT = _NCHUNK // _NS

_mesh = plsc.VectorSubcoreMesh(
    core_axis_name="c", subcore_axis_name="s", num_cores=_NC, num_subcores=_NS)


def _zero_acc(zeros, rows_v, acc, s):
    nzc = _RPT // _CH
    rem = _RPT - nzc * _CH
    pltpu.sync_copy(zeros, rows_v)

    def zstep(k, carry):
        pltpu.sync_copy(rows_v, acc.at[pl.ds(s * _RPT + k * _CH, _CH)])
        return carry

    lax.fori_loop(0, nzc, zstep, 0)
    pltpu.sync_copy(rows_v.at[pl.ds(0, rem)],
                    acc.at[pl.ds(s * _RPT + nzc * _CH, rem)])


def _write_acc(rows_v, acc, out, c, s):
    nzc = _RPT // _CH
    rem = _RPT - nzc * _CH

    def wstep(k, carry):
        r0 = s * _RPT + k * _CH
        pltpu.sync_copy(acc.at[pl.ds(r0, _CH)], rows_v)
        pltpu.sync_copy(rows_v, out.at[pl.ds(c * _NPAD + r0, _CH)])
        return carry

    lax.fori_loop(0, nzc, wstep, 0)
    r0 = s * _RPT + nzc * _CH
    pltpu.sync_copy(acc.at[pl.ds(r0, rem)], rows_v.at[pl.ds(0, rem)])
    pltpu.sync_copy(rows_v.at[pl.ds(0, rem)], out.at[pl.ds(c * _NPAD + r0, rem)])


def _deg_body(dst_h, ones, zeros, out, idx_v, ones_v, rows_v,
              sem_s0, sem_s1, acc):
    c = lax.axis_index("c")
    s = lax.axis_index("s")
    pltpu.sync_copy(ones, ones_v)
    _zero_acc(zeros, rows_v, acc, s)
    plsc.subcore_barrier()
    base = (c * _NS + s) * _CPW * _CH
    sem_s = (sem_s0, sem_s1)

    def wait_scat(b):
        pltpu.make_async_copy(ones_v, acc.at[idx_v.at[b]], sem_s[b]).wait()

    for b in (0, 1):
        pltpu.sync_copy(dst_h.at[pl.ds(base + b * _CH, _CH)], idx_v.at[b])
        pltpu.async_copy(ones_v, acc.at[idx_v.at[b]], sem_s[b], add=True)

    def step(g, carry):
        for b in (0, 1):
            i = 2 * g + b
            wait_scat(b)
            pltpu.sync_copy(dst_h.at[pl.ds(base + i * _CH, _CH)], idx_v.at[b])
            pltpu.async_copy(ones_v, acc.at[idx_v.at[b]], sem_s[b], add=True)
        return carry

    lax.fori_loop(1, _CPW // 2, step, 0)
    wait_scat(0)
    wait_scat(1)
    plsc.subcore_barrier()
    _write_acc(rows_v, acc, out, c, s)


_deg_call = pl.kernel(
    _deg_body,
    out_type=jax.ShapeDtypeStruct((2 * _NPAD, 16), jnp.float32),
    mesh=_mesh,
    compiler_params=pltpu.CompilerParams(use_tc_tiling_on_sc=False),
    scratch_types=[
        pltpu.VMEM((2, _CH), jnp.int32),
        pltpu.VMEM((_CH, 16), jnp.float32),
        pltpu.VMEM((_CH, 16), jnp.float32),
        pltpu.SemaphoreType.DMA,
        pltpu.SemaphoreType.DMA,
        pltpu.VMEM_SHARED((_NPAD, 16), jnp.float32),
    ],
)


def _gather_edge_loop(fire_sidx, src_h, dst_h, table, acc,
                      sidx, didx, dbuf, rows, sem_i, sem_s, base, nit):

    def fire_idx(i, b):
        off = base + i * _CH
        fire_sidx(off, sidx.at[b], sem_i[b])
        pltpu.async_copy(dst_h.at[pl.ds(off, _CH)], didx.at[b], sem_i[b])

    def wait_idx(b):
        pltpu.make_async_copy(src_h.at[pl.ds(0, _CH)], sidx.at[b],
                              sem_i[b]).wait()
        pltpu.make_async_copy(dst_h.at[pl.ds(0, _CH)], didx.at[b],
                              sem_i[b]).wait()

    def wait_scat(b):
        pltpu.make_async_copy(rows.at[b], acc.at[dbuf.at[b]], sem_s[b]).wait()

    def work(i, b):
        pltpu.sync_copy(table.at[sidx.at[b]], rows.at[b])
        for j in range(_CH // 16):
            dbuf[b, pl.ds(j * 16, 16)] = didx[b, pl.ds(j * 16, 16)]

    fire_idx(0, 0)
    fire_idx(1, 1)
    for b in (0, 1):
        wait_idx(b)
        work(b, b)
        fire_idx(b + 2, b)
        pltpu.async_copy(rows.at[b], acc.at[dbuf.at[b]], sem_s[b], add=True)

    def step(g, carry):
        for b in (0, 1):
            i = 2 * g + b
            wait_idx(b)
            wait_scat(b)
            work(i, b)

            @pl.when(i + 2 < nit)
            def _():
                fire_idx(i + 2, b)

            pltpu.async_copy(rows.at[b], acc.at[dbuf.at[b]], sem_s[b],
                             add=True)
        return carry

    lax.fori_loop(1, nit // 2, step, 0)
    wait_scat(0)
    wait_scat(1)


def _l1_body(src_h, dst_h, u, zeros, out, sidx, didx, dbuf, rows, zbuf_v,
             sem_i0, sem_i1, sem_s0, sem_s1, acc):
    c = lax.axis_index("c")
    s = lax.axis_index("s")
    _zero_acc(zeros, zbuf_v, acc, s)
    plsc.subcore_barrier()
    base = (c * _NS + s) * _CPW * _CH

    def fire_sidx(off, dst_ref, sem):
        pltpu.async_copy(src_h.at[pl.ds(off, _CH)], dst_ref, sem)

    _gather_edge_loop(fire_sidx, src_h, dst_h, u, acc, sidx, didx, dbuf,
                      rows, (sem_i0, sem_i1), (sem_s0, sem_s1), base, _CPW)
    plsc.subcore_barrier()
    _write_acc(zbuf_v, acc, out, c, s)


_l1_call = pl.kernel(
    _l1_body,
    out_type=jax.ShapeDtypeStruct((2 * _NPAD, 16), jnp.float32),
    mesh=_mesh,
    compiler_params=pltpu.CompilerParams(use_tc_tiling_on_sc=False),
    scratch_types=[
        pltpu.VMEM((2, _CH), jnp.int32),
        pltpu.VMEM((2, _CH), jnp.int32),
        pltpu.VMEM((2, _CH), jnp.int32),
        pltpu.VMEM((2, _CH, 16), jnp.float32),
        pltpu.VMEM((_CH, 16), jnp.float32),
        pltpu.SemaphoreType.DMA,
        pltpu.SemaphoreType.DMA,
        pltpu.SemaphoreType.DMA,
        pltpu.SemaphoreType.DMA,
        pltpu.VMEM_SHARED((_NPAD, 16), jnp.float32),
    ],
)


_NB = 4


def _l2_body(src_h, srcn_h, dst_h, gt, zeros, out,
             sidx, didx, dbuf, rows, zbuf_v, sem_i, sem_g, sem_s, acc):
    c = lax.axis_index("c")
    s = lax.axis_index("s")
    _zero_acc(zeros, zbuf_v, acc, s)
    plsc.subcore_barrier()
    base = s * _CPT * _CH

    def fire_idx(i, b):
        off = base + i * _CH

        @pl.when(c == 0)
        def _():
            pltpu.async_copy(src_h.at[pl.ds(off, _CH)], sidx.at[b], sem_i[b])

        @pl.when(c == 1)
        def _():
            pltpu.async_copy(srcn_h.at[pl.ds(off, _CH)], sidx.at[b], sem_i[b])

        pltpu.async_copy(dst_h.at[pl.ds(off, _CH)], didx.at[b], sem_i[b])

    def wait_idx(b):
        pltpu.make_async_copy(src_h.at[pl.ds(0, _CH)], sidx.at[b],
                              sem_i[b]).wait()
        pltpu.make_async_copy(dst_h.at[pl.ds(0, _CH)], didx.at[b],
                              sem_i[b]).wait()

    def fire_gather(b):
        pltpu.async_copy(gt.at[sidx.at[b]], rows.at[b], sem_g[b])

    def wait_gather(b):
        pltpu.make_async_copy(gt.at[sidx.at[b]], rows.at[b], sem_g[b]).wait()

    def fire_scat(b):
        pltpu.async_copy(rows.at[b], acc.at[dbuf.at[b]], sem_s[b], add=True)

    def wait_scat(b):
        pltpu.make_async_copy(rows.at[b], acc.at[dbuf.at[b]], sem_s[b]).wait()

    def consume(i, b, nb, do_scat_wait, dyn):
        wait_gather(b)
        for j in range(_CH // 16):
            dbuf[b, pl.ds(j * 16, 16)] = didx[b, pl.ds(j * 16, 16)]
        if dyn:
            @pl.when(i + _NB < _CPT)
            def _():
                fire_idx(i + _NB, b)
        else:
            fire_idx(i + _NB, b)
        fire_scat(b)

        def prep_next():
            wait_idx(nb)
            if do_scat_wait:
                wait_scat(nb)
            fire_gather(nb)

        if dyn:
            @pl.when(i + 1 < _CPT)
            def _():
                prep_next()
        else:
            prep_next()

    for b in range(_NB):
        fire_idx(b, b)
    wait_idx(0)
    fire_gather(0)
    for i in range(_NB - 1):
        consume(i, i, i + 1, do_scat_wait=False, dyn=False)
    consume(_NB - 1, _NB - 1, 0, do_scat_wait=True, dyn=False)

    def steady(g, carry):
        for b in range(_NB):
            i = _NB * g + b
            nb = (b + 1) % _NB
            consume(i, b, nb, do_scat_wait=True, dyn=True)
        return carry

    lax.fori_loop(1, _CPT // _NB, steady, 0)
    for b in range(_NB):
        wait_scat(b)
    plsc.subcore_barrier()
    _write_acc(zbuf_v, acc, out, c, s)


_l2_call = pl.kernel(
    _l2_body,
    out_type=jax.ShapeDtypeStruct((2 * _NPAD, 16), jnp.float32),
    mesh=_mesh,
    compiler_params=pltpu.CompilerParams(use_tc_tiling_on_sc=False),
    scratch_types=[
        pltpu.VMEM((_NB, _CH), jnp.int32),
        pltpu.VMEM((_NB, _CH), jnp.int32),
        pltpu.VMEM((_NB, _CH), jnp.int32),
        pltpu.VMEM((_NB, _CH, 16), jnp.float32),
        pltpu.VMEM((_CH, 16), jnp.float32),
        [pltpu.SemaphoreType.DMA] * _NB,
        [pltpu.SemaphoreType.DMA] * _NB,
        [pltpu.SemaphoreType.DMA] * _NB,
        pltpu.VMEM_SHARED((_NPAD, 16), jnp.float32),
    ],
)


_B = 2000


def _norm_body(p0, p1, x, dinv_o, u_o):
    deg = p0[...] + p1[...] + 1.0
    dinv = lax.rsqrt(deg)
    dinv_o[...] = dinv
    u_o[...] = jnp.concatenate(
        [dinv * x[...], jnp.zeros((_B, 14), jnp.float32)], axis=1)


def _h1_body(s0, s1, u, dinv, w1, b1, g_o, gt_o):
    j = pl.program_id(0)
    d = dinv[...]
    y = d * (s0[...] + s1[...] + u[...])
    w = w1[...]
    h = y[:, 0:1] * w[0:1, :] + y[:, 1:2] * w[1:2, :] + b1[...]
    g = d * jnp.maximum(h, 0.0)
    g_o[...] = g
    gt_o[...] = jnp.where(j == 0, g[:, :16], g[:, 16:])


def _head_body(z0, z1, g, dinv, w2, b2, wp, bp, o):
    zs = jnp.concatenate([z0[...], z1[...]], axis=1) + g[...]
    z = dinv[...] * zs
    h = jnp.maximum(
        jnp.dot(z, w2[...], preferred_element_type=jnp.float32) + b2[...], 0.0)
    o[...] = jax.nn.sigmoid(
        jnp.dot(h, wp[...], preferred_element_type=jnp.float32) + bp[...])


def _row_spec(cols):
    return pl.BlockSpec((_B, cols), lambda i: (i, 0))


def _full_spec(shape):
    return pl.BlockSpec(shape, lambda i: tuple(0 for _ in shape))


_norm_call = pl.pallas_call(
    _norm_body,
    grid=(_N // _B,),
    in_specs=[_row_spec(1), _row_spec(1), _row_spec(2)],
    out_specs=[_row_spec(1), _row_spec(16)],
    out_shape=[
        jax.ShapeDtypeStruct((_N, 1), jnp.float32),
        jax.ShapeDtypeStruct((_N, 16), jnp.float32),
    ],
)

_h1_call = pl.pallas_call(
    _h1_body,
    grid=(2, _N // _B),
    in_specs=[
        pl.BlockSpec((_B, 2), lambda j, i: (i, 0)),
        pl.BlockSpec((_B, 2), lambda j, i: (i, 0)),
        pl.BlockSpec((_B, 2), lambda j, i: (i, 0)),
        pl.BlockSpec((_B, 1), lambda j, i: (i, 0)),
        pl.BlockSpec((2, _HID), lambda j, i: (0, 0)),
        pl.BlockSpec((1, _HID), lambda j, i: (0, 0)),
    ],
    out_specs=[
        pl.BlockSpec((_B, _HID), lambda j, i: (i, 0)),
        pl.BlockSpec((_B, 16), lambda j, i: (j * (_N // _B) + i, 0)),
    ],
    out_shape=[
        jax.ShapeDtypeStruct((_N, _HID), jnp.float32),
        jax.ShapeDtypeStruct((2 * _N, 16), jnp.float32),
    ],
)

_head_call = pl.pallas_call(
    _head_body,
    grid=(_N // _B,),
    in_specs=[_row_spec(16), _row_spec(16), _row_spec(_HID), _row_spec(1),
              _full_spec((_HID, _HID)), _full_spec((1, _HID)),
              _full_spec((_HID, 1)), _full_spec((1, 1))],
    out_specs=_row_spec(1),
    out_shape=jax.ShapeDtypeStruct((_N, 1), jnp.float32),
)


def kernel(x, edge_index, W1, b1, W2, b2, Wp, bp):
    src = edge_index[0].astype(jnp.int32)
    dst = edge_index[1].astype(jnp.int32)
    srcn = src + _N

    ones16 = jnp.ones((_CH, 16), jnp.float32)
    zeros16 = jnp.zeros((_CH, 16), jnp.float32)

    p = _deg_call(dst, ones16, zeros16)
    p0 = p[:_N, 0:1]
    p1 = p[_NPAD:_NPAD + _N, 0:1]
    dinv, u16 = _norm_call(p0, p1, x)
    u = u16[:, :2]

    sacc = _l1_call(src, dst, u16, zeros16)
    s0 = sacc[:_N, :2]
    s1 = sacc[_NPAD:_NPAD + _N, :2]
    g, gt = _h1_call(s0, s1, u, dinv, W1, b1.reshape(1, _HID))
    zacc = _l2_call(src, srcn, dst, gt, zeros16)
    z0 = zacc[:_N]
    z1 = zacc[_NPAD:_NPAD + _N]
    return _head_call(z0, z1, g, dinv, W2, b2.reshape(1, _HID),
                      Wp, bp.reshape(1, 1))

# --- scband reference (transcript-rebuilt; emitter-appended) ---
"""Pipeline reference for scband-bus-stop-predictor-25228637897420 (READ-ONLY COPY).

The authoritative reference and input builder live on the scoring server;
editing this copy changes nothing except your own understanding.
"""

import jax, jax.numpy as jnp
import numpy as np

N = 100000
E = 3200000
IN_DIM = 2
HID = 32
OUT_DIM = 1


def setup_inputs(seed: int = 0) -> dict:
    key = jax.random.key(seed)
    ks = jax.random.split(key, 8)
    x = jax.random.normal(ks[0], (N, IN_DIM), dtype=jnp.float32)
    edge_index = jax.random.randint(ks[1], (2, E), 0, N)
    W1 = jax.random.normal(ks[2], (IN_DIM, HID), dtype=jnp.float32) * (1.0 / np.sqrt(IN_DIM))
    b1 = jnp.zeros((HID,), dtype=jnp.float32)
    W2 = jax.random.normal(ks[3], (HID, HID), dtype=jnp.float32) * (1.0 / np.sqrt(HID))
    b2 = jnp.zeros((HID,), dtype=jnp.float32)
    Wp = jax.random.normal(ks[4], (HID, OUT_DIM), dtype=jnp.float32) * (1.0 / np.sqrt(HID))
    bp = jnp.zeros((OUT_DIM,), dtype=jnp.float32)
    return {"x": x, "edge_index": edge_index, "W1": W1, "b1": b1, "W2": W2, "b2": b2, "Wp": Wp, "bp": bp}


def reference(x, edge_index, W1, b1, W2, b2, Wp, bp):
    # GCNConv with symmetric normalization and self-loops (PyG semantics):
    # x' = D^{-1/2} (A + I) D^{-1/2} X W + b
    src = edge_index[0]
    dst = edge_index[1]
    loops = jnp.arange(N, dtype=src.dtype)
    src_f = jnp.concatenate([src, loops])
    dst_f = jnp.concatenate([dst, loops])
    deg = jax.ops.segment_sum(jnp.ones(src_f.shape[0], dtype=jnp.float32), dst_f, num_segments=N)
    dinv = jnp.where(deg > 0, 1.0 / jnp.sqrt(deg), 0.0)
    norm = dinv[src_f] * dinv[dst_f]

    def gcn_conv(h, W, b):
        h = h @ W
        msg = h[src_f] * norm[:, None]
        out = jax.ops.segment_sum(msg, dst_f, num_segments=N)
        return out + b

    h = jax.nn.relu(gcn_conv(x, W1, b1))
    h = jax.nn.relu(gcn_conv(h, W2, b2))
    return jax.nn.sigmoid(h @ Wp + bp)

if __name__ == "__main__":
    import jax
    _d = setup_inputs()
    print(jax.jit(kernel)(*tuple(_d.values())))

</pallas_src>

<mosaic_0001>
#map = affine_map<(d0, d1) -> (0)>
#map1 = affine_map<(d0, d1) -> (0, 0)>
module attributes {stable_mosaic.version = 14 : i64} {
  func.func @_l2_body(%arg0: i32, %arg1: i32, %arg2: memref<3200000xi32, #tpu.memory_space<hbm>>, %arg3: memref<3200000xi32, #tpu.memory_space<hbm>>, %arg4: memref<3200000xi32, #tpu.memory_space<hbm>>, %arg5: memref<200000x16xf32, #tpu.memory_space<hbm>>, %arg6: memref<80x16xf32, #tpu.memory_space<hbm>>, %arg7: memref<200192x16xf32, #tpu.memory_space<hbm>>, %arg8: memref<4x80xi32, #tpu.memory_space<vmem>>, %arg9: memref<4x80xi32, #tpu.memory_space<vmem>>, %arg10: memref<4x80xi32, #tpu.memory_space<vmem>>, %arg11: memref<4x80x16xf32, #tpu.memory_space<vmem>>, %arg12: memref<80x16xf32, #tpu.memory_space<vmem>>, %arg13: memref<!tpu.dma_semaphore, #tpu.memory_space<semaphore_mem>>, %arg14: memref<!tpu.dma_semaphore, #tpu.memory_space<semaphore_mem>>, %arg15: memref<!tpu.dma_semaphore, #tpu.memory_space<semaphore_mem>>, %arg16: memref<!tpu.dma_semaphore, #tpu.memory_space<semaphore_mem>>, %arg17: memref<!tpu.dma_semaphore, #tpu.memory_space<semaphore_mem>>, %arg18: memref<!tpu.dma_semaphore, #tpu.memory_space<semaphore_mem>>, %arg19: memref<!tpu.dma_semaphore, #tpu.memory_space<semaphore_mem>>, %arg20: memref<!tpu.dma_semaphore, #tpu.memory_space<semaphore_mem>>, %arg21: memref<!tpu.dma_semaphore, #tpu.memory_space<semaphore_mem>>, %arg22: memref<!tpu.dma_semaphore, #tpu.memory_space<semaphore_mem>>, %arg23: memref<!tpu.dma_semaphore, #tpu.memory_space<semaphore_mem>>, %arg24: memref<!tpu.dma_semaphore, #tpu.memory_space<semaphore_mem>>, %arg25: memref<100096x16xf32, #tpu.memory_space<vmem_shared>>) attributes {dimension_semantics = [#tpu.dimension_semantics<core_parallel>, #tpu.dimension_semantics<subcore_parallel>], iteration_bounds = array<i64: 2, 16>, scalar_prefetch = 0 : i64, scratch_operands = 18 : i64, tpu.core_type = #tpu.core_type<sc_vector_subcore>, window_params = [{transform_indices = #map}, {transform_indices = #map}, {transform_indices = #map}, {transform_indices = #map1}, {transform_indices = #map1}, {transform_indices = #map1}]} {
    "tpu.region"() ({
      %run_scoped3A = tpu.sem_alloc : memref<!tpu.dma_semaphore, #tpu.memory_space<semaphore_mem>>
      tpu.enqueue_dma source(%arg6 : memref<80x16xf32, #tpu.memory_space<hbm>>) target(%arg12 : memref<80x16xf32, #tpu.memory_space<vmem>>) target_semaphore(%run_scoped3A : memref<!tpu.dma_semaphore, #tpu.memory_space<semaphore_mem>>)
      tpu.wait_dma2 semaphore(%run_scoped3A : memref<!tpu.dma_semaphore, #tpu.memory_space<semaphore_mem>>) src(%arg6 : memref<80x16xf32, #tpu.memory_space<hbm>>) dst(%arg12 : memref<80x16xf32, #tpu.memory_space<vmem>>)
      tpu.yield
    }) : () -> ()
    %scan3A = arith.constant 0 : i32
    %scan3A_0 = arith.constant 0 : i32
    %scan3A_1 = arith.constant 78 : i32
    %scan3A_2 = arith.addi %scan3A_0, %scan3A_1 : i32
    %scan3A_3 = arith.constant 1 : i32
    scf.for %scan3A_738 = %scan3A_0 to %scan3A_2 step %scan3A_3  : i32 {
      %mul3A_739 = arith.constant 6256 : i32
      %mul3A_740 = arith.muli %arg1, %mul3A_739 : i32
      %mul3A_741 = arith.constant 80 : i32
      %mul3A_742 = arith.muli %scan3A_738, %mul3A_741 : i32
      %add3A_743 = arith.addi %mul3A_740, %mul3A_742 : i32
      "tpu.region"() ({
        %run_scoped3A = tpu.sem_alloc : memref<!tpu.dma_semaphore, #tpu.memory_space<semaphore_mem>>
        %dma_start3A_744 = arith.constant 0 : i32
        %dma_start3A_745 = tpu.memref_slice %arg25[%add3A_743, %dma_start3A_744] : memref<100096x16xf32, #tpu.memory_space<vmem_shared>> -> memref<80x16xf32, #tpu.memory_space<vmem_shared>>
        %dma_start3A_746 = arith.constant 0 : i32
        %dma_start3A_747 = tpu.memref_slice %arg25[%add3A_743, %dma_start3A_746] : memref<100096x16xf32, #tpu.memory_space<vmem_shared>> -> memref<80x16xf32, #tpu.memory_space<vmem_shared>>
        tpu.enqueue_dma source(%arg12 : memref<80x16xf32, #tpu.memory_space<vmem>>) target(%dma_start3A_747 : memref<80x16xf32, #tpu.memory_space<vmem_shared>>) target_semaphore(%run_scoped3A : memref<!tpu.dma_semaphore, #tpu.memory_space<semaphore_mem>>)
        %dma_wait3A_748 = arith.constant 0 : i32
        %dma_wait3A_749 = tpu.memref_slice %arg25[%add3A_743, %dma_wait3A_748] : memref<100096x16xf32, #tpu.memory_space<vmem_shared>> -> memref<80x16xf32, #tpu.memory_space<vmem_shared>>
        %dma_wait3A_750 = arith.constant 0 : i32
        %dma_wait3A_751 = tpu.memref_slice %arg25[%add3A_743, %dma_wait3A_750] : memref<100096x16xf32, #tpu.memory_space<vmem_shared>> -> memref<80x16xf32, #tpu.memory_space<vmem_shared>>
        tpu.wait_dma2 semaphore(%run_scoped3A : memref<!tpu.dma_semaphore, #tpu.memory_space<semaphore_mem>>) src(%arg12 : memref<80x16xf32, #tpu.memory_space<vmem>>) dst(%dma_wait3A_751 : memref<80x16xf32, #tpu.memory_space<vmem_shared>>)
        tpu.yield
      }) : () -> ()
    }
    %scan3A_4 = arith.constant 78 : i32
    %mul3A = arith.constant 6256 : i32
    %mul3A_5 = arith.muli %arg1, %mul3A : i32
    %add3A = arith.constant 6240 : i32
    %add3A_6 = arith.addi %mul3A_5, %add3A : i32
    "tpu.region"() ({
      %run_scoped3A = tpu.sem_alloc : memref<!tpu.dma_semaphore, #tpu.memory_space<semaphore_mem>>
      %dma_start3A_738 = arith.constant 0 : i32
      %dma_start3A_739 = arith.constant 0 : i32
      %dma_start3A_740 = tpu.memref_slice %arg12[%dma_start3A_738, %dma_start3A_739] : memref<80x16xf32, #tpu.memory_space<vmem>> -> memref<16x16xf32, #tpu.memory_space<vmem>>
      %dma_start3A_741 = arith.constant 0 : i32
      %dma_start3A_742 = tpu.memref_slice %arg25[%add3A_6, %dma_start3A_741] : memref<100096x16xf32, #tpu.memory_space<vmem_shared>> -> memref<16x16xf32, #tpu.memory_space<vmem_shared>>
      %dma_start3A_743 = arith.constant 0 : i32
      %dma_start3A_744 = tpu.memref_slice %arg25[%add3A_6, %dma_start3A_743] : memref<100096x16xf32, #tpu.memory_space<vmem_shared>> -> memref<16x16xf32, #tpu.memory_space<vmem_shared>>
      %dma_start3A_745 = arith.constant 0 : i32
      %dma_start3A_746 = arith.constant 0 : i32
      %dma_start3A_747 = tpu.memref_slice %arg12[%dma_start3A_745, %dma_start3A_746] : memref<80x16xf32, #tpu.memory_space<vmem>> -> memref<16x16xf32, #tpu.memory_space<vmem>>
      tpu.enqueue_dma source(%dma_start3A_747 : memref<16x16xf32, #tpu.memory_space<vmem>>) target(%dma_start3A_744 : memref<16x16xf32, #tpu.memory_space<vmem_shared>>) target_semaphore(%run_scoped3A : memref<!tpu.dma_semaphore, #tpu.memory_space<semaphore_mem>>)
      %dma_wait3A_748 = arith.constant 0 : i32
      %dma_wait3A_749 = arith.constant 0 : i32
      %dma_wait3A_750 = tpu.memref_slice %arg12[%dma_wait3A_748, %dma_wait3A_749] : memref<80x16xf32, #tpu.memory_space<vmem>> -> memref<16x16xf32, #tpu.memory_space<vmem>>
      %dma_wait3A_751 = arith.constant 0 : i32
      %dma_wait3A_752 = tpu.memref_slice %arg25[%add3A_6, %dma_wait3A_751] : memref<100096x16xf32, #tpu.memory_space<vmem_shared>> -> memref<16x16xf32, #tpu.memory_space<vmem_shared>>
      %dma_wait3A_753 = arith.constant 0 : i32
      %dma_wait3A_754 = tpu.memref_slice %arg25[%add3A_6, %dma_wait3A_753] : memref<100096x16xf32, #tpu.memory_space<vmem_shared>> -> memref<16x16xf32, #tpu.memory_space<vmem_shared>>
      %dma_wait3A_755 = arith.constant 0 : i32
      %dma_wait3A_756 = arith.constant 0 : i32
      %dma_wait3A_757 = tpu.memref_slice %arg12[%dma_wait3A_755, %dma_wait3A_756] : memref<80x16xf32, #tpu.memory_space<vmem>> -> memref<16x16xf32, #tpu.memory_space<vmem>>
      tpu.wait_dma2 semaphore(%run_scoped3A : memref<!tpu.dma_semaphore, #tpu.memory_space<semaphore_mem>>) src(%dma_wait3A_757 : memref<16x16xf32, #tpu.memory_space<vmem>>) dst(%dma_wait3A_754 : memref<16x16xf32, #tpu.memory_space<vmem_shared>>)
      tpu.yield
    }) : () -> ()
    %barrier3A = arith.constant 0 : index
    tpu.barrier barrier_id(%barrier3A)
    %mul3A_7 = arith.constant 2500 : i32
    %mul3A_8 = arith.muli %arg1, %mul3A_7 : i32
    %mul3A_9 = arith.constant 80 : i32
    %mul3A_10 = arith.muli %mul3A_8, %mul3A_9 : i32
    %add3A_11 = arith.constant 0 : i32
    %add3A_12 = arith.addi %mul3A_10, %add3A_11 : i32
    %eq3A = arith.constant 0 : i32
    %eq3A_13 = arith.cmpi eq, %arg0, %eq3A : i32
    %convert_element_type3A = arith.extui %eq3A_13 : i1 to i32
    %cond3A = arith.constant 0 : i32
    %cond3A_14 = arith.cmpi ne, %convert_element_type3A, %cond3A : i32
    scf.if %cond3A_14 {
      %dma_start3A_738 = arith.constant 0 : i32
      %dma_start3A_739 = arith.constant 0 : i32
      %dma_start3A_740 = tpu.memref_slice %arg8[%dma_start3A_738, %dma_start3A_739] : memref<4x80xi32, #tpu.memory_space<vmem>> -> memref<1x80xi32, #tpu.memory_space<vmem>>
      %dma_start3A_741 = tpu.memref_squeeze %dma_start3A_740 : memref<1x80xi32, #tpu.memory_space<vmem>> -> memref<80xi32, #tpu.memory_space<vmem>>
      %dma_start3A_742 = tpu.memref_slice %arg2[%add3A_12] : memref<3200000xi32, #tpu.memory_space<hbm>> -> memref<80xi32, #tpu.memory_space<hbm>>
      %dma_start3A_743 = arith.constant 0 : i32
      %dma_start3A_744 = tpu.memref_slice %arg8[%dma_start3A_738, %dma_start3A_743] : memref<4x80xi32, #tpu.memory_space<vmem>> -> memref<1x80xi32, #tpu.memory_space<vmem>>
      %dma_start3A_745 = tpu.memref_squeeze %dma_start3A_744 : memref<1x80xi32, #tpu.memory_space<vmem>> -> memref<80xi32, #tpu.memory_space<vmem>>
      %dma_start3A_746 = tpu.memref_slice %arg2[%add3A_12] : memref<3200000xi32, #tpu.memory_space<hbm>> -> memref<80xi32, #tpu.memory_space<hbm>>
      tpu.enqueue_dma source(%dma_start3A_746 : memref<80xi32, #tpu.memory_space<hbm>>) target(%dma_start3A_745 : memref<80xi32, #tpu.memory_space<vmem>>) target_semaphore(%arg13 : memref<!tpu.dma_semaphore, #tpu.memory_space<semaphore_mem>>)
    } else {
    }
    %eq3A_15 = arith.constant 1 : i32
    %eq3A_16 = arith.cmpi eq, %arg0, %eq3A_15 : i32
    %convert_element_type3A_17 = arith.extui %eq3A_16 : i1 to i32
    %cond3A_18 = arith.constant 0 : i32
    %cond3A_19 = arith.cmpi ne, %convert_element_type3A_17, %cond3A_18 : i32
    scf.if %cond3A_19 {
      %dma_start3A_738 = arith.constant 0 : i32
      %dma_start3A_739 = arith.constant 0 : i32
      %dma_start3A_740 = tpu.memref_slice %arg8[%dma_start3A_738, %dma_start3A_739] : memref<4x80xi32, #tpu.memory_space<vmem>> -> memref<1x80xi32, #tpu.memory_space<vmem>>
      %dma_start3A_741 = tpu.memref_squeeze %dma_start3A_740 : memref<1x80xi32, #tpu.memory_space<vmem>> -> memref<80xi32, #tpu.memory_space<vmem>>
      %dma_start3A_742 = tpu.memref_slice %arg3[%add3A_12] : memref<3200000xi32, #tpu.memory_space<hbm>> -> memref<80xi32, #tpu.memory_space<hbm>>
      %dma_start3A_743 = arith.constant 0 : i32
      %dma_start3A_744 = tpu.memref_slice %arg8[%dma_start3A_738, %dma_start3A_743] : memref<4x80xi32, #tpu.memory_space<vmem>> -> memref<1x80xi32, #tpu.memory_space<vmem>>
      %dma_start3A_745 = tpu.memref_squeeze %dma_start3A_744 : memref<1x80xi32, #tpu.memory_space<vmem>> -> memref<80xi32, #tpu.memory_space<vmem>>
      %dma_start3A_746 = tpu.memref_slice %arg3[%add3A_12] : memref<3200000xi32, #tpu.memory_space<hbm>> -> memref<80xi32, #tpu.memory_space<hbm>>
      tpu.enqueue_dma source(%dma_start3A_746 : memref<80xi32, #tpu.memory_space<hbm>>) target(%dma_start3A_745 : memref<80xi32, #tpu.memory_space<vmem>>) target_semaphore(%arg13 : memref<!tpu.dma_semaphore, #tpu.memory_space<semaphore_mem>>)
    } else {
    }
    %dma_start3A = arith.constant 0 : i32
    %dma_start3A_20 = arith.constant 0 : i32
    %dma_start3A_21 = tpu.memref_slice %arg9[%dma_start3A, %dma_start3A_20] : memref<4x80xi32, #tpu.memory_space<vmem>> -> memref<1x80xi32, #tpu.memory_space<vmem>>
    %dma_start3A_22 = tpu.memref_squeeze %dma_start3A_21 : memref<1x80xi32, #tpu.memory_space<vmem>> -> memref<80xi32, #tpu.memory_space<vmem>>
    %dma_start3A_23 = tpu.memref_slice %arg4[%add3A_12] : memref<3200000xi32, #tpu.memory_space<hbm>> -> memref<80xi32, #tpu.memory_space<hbm>>
    %dma_start3A_24 = arith.constant 0 : i32
    %dma_start3A_25 = tpu.memref_slice %arg9[%dma_start3A, %dma_start3A_24] : memref<4x80xi32, #tpu.memory_space<vmem>> -> memref<1x80xi32, #tpu.memory_space<vmem>>
    %dma_start3A_26 = tpu.memref_squeeze %dma_start3A_25 : memref<1x80xi32, #tpu.memory_space<vmem>> -> memref<80xi32, #tpu.memory_space<vmem>>
    %dma_start3A_27 = tpu.memref_slice %arg4[%add3A_12] : memref<3200000xi32, #tpu.memory_space<hbm>> -> memref<80xi32, #tpu.memory_space<hbm>>
    tpu.enqueue_dma source(%dma_start3A_27 : memref<80xi32, #tpu.memory_space<hbm>>) target(%dma_start3A_26 : memref<80xi32, #tpu.memory_space<vmem>>) target_semaphore(%arg13 : memref<!tpu.dma_semaphore, #tpu.memory_space<semaphore_mem>>)
    %add3A_28 = arith.constant 80 : i32
    %add3A_29 = arith.addi %mul3A_10, %add3A_28 : i32
    %eq3A_30 = arith.constant 0 : i32
    %eq3A_31 = arith.cmpi eq, %arg0, %eq3A_30 : i32
    %convert_element_type3A_32 = arith.extui %eq3A_31 : i1 to i32
    %cond3A_33 = arith.constant 0 : i32
    %cond3A_34 = arith.cmpi ne, %convert_element_type3A_32, %cond3A_33 : i32
    scf.if %cond3A_34 {
      %dma_start3A_738 = arith.constant 1 : i32
      %dma_start3A_739 = arith.constant 0 : i32
      %dma_start3A_740 = tpu.memref_slice %arg8[%dma_start3A_738, %dma_start3A_739] : memref<4x80xi32, #tpu.memory_space<vmem>> -> memref<1x80xi32, #tpu.memory_space<vmem>>
      %dma_start3A_741 = tpu.memref_squeeze %dma_start3A_740 : memref<1x80xi32, #tpu.memory_space<vmem>> -> memref<80xi32, #tpu.memory_space<vmem>>
      %dma_start3A_742 = tpu.memref_slice %arg2[%add3A_29] : memref<3200000xi32, #tpu.memory_space<hbm>> -> memref<80xi32, #tpu.memory_space<hbm>>
      %dma_start3A_743 = arith.constant 0 : i32
      %dma_start3A_744 = tpu.memref_slice %arg8[%dma_start3A_738, %dma_start3A_743] : memref<4x80xi32, #tpu.memory_space<vmem>> -> memref<1x80xi32, #tpu.memory_space<vmem>>
      %dma_start3A_745 = tpu.memref_squeeze %dma_start3A_744 : memref<1x80xi32, #tpu.memory_space<vmem>> -> memref<80xi32, #tpu.memory_space<vmem>>
      %dma_start3A_746 = tpu.memref_slice %arg2[%add3A_29] : memref<3200000xi32, #tpu.memory_space<hbm>> -> memref<80xi32, #tpu.memory_space<hbm>>
      tpu.enqueue_dma source(%dma_start3A_746 : memref<80xi32, #tpu.memory_space<hbm>>) target(%dma_start3A_745 : memref<80xi32, #tpu.memory_space<vmem>>) target_semaphore(%arg14 : memref<!tpu.dma_semaphore, #tpu.memory_space<semaphore_mem>>)
    } else {
    }
    %eq3A_35 = arith.constant 1 : i32
    %eq3A_36 = arith.cmpi eq, %arg0, %eq3A_35 : i32
    %convert_element_type3A_37 = arith.extui %eq3A_36 : i1 to i32
    %cond3A_38 = arith.constant 0 : i32
    %cond3A_39 = arith.cmpi ne, %convert_element_type3A_37, %cond3A_38 : i32
    scf.if %cond3A_39 {
      %dma_start3A_738 = arith.constant 1 : i32
      %dma_start3A_739 = arith.constant 0 : i32
      %dma_start3A_740 = tpu.memref_slice %arg8[%dma_start3A_738, %dma_start3A_739] : memref<4x80xi32, #tpu.memory_space<vmem>> -> memref<1x80xi32, #tpu.memory_space<vmem>>
      %dma_start3A_741 = tpu.memref_squeeze %dma_start3A_740 : memref<1x80xi32, #tpu.memory_space<vmem>> -> memref<80xi32, #tpu.memory_space<vmem>>
      %dma_start3A_742 = tpu.memref_slice %arg3[%add3A_29] : memref<3200000xi32, #tpu.memory_space<hbm>> -> memref<80xi32, #tpu.memory_space<hbm>>
      %dma_start3A_743 = arith.constant 0 : i32
      %dma_start3A_744 = tpu.memref_slice %arg8[%dma_start3A_738, %dma_start3A_743] : memref<4x80xi32, #tpu.memory_space<vmem>> -> memref<1x80xi32, #tpu.memory_space<vmem>>
      %dma_start3A_745 = tpu.memref_squeeze %dma_start3A_744 : memref<1x80xi32, #tpu.memory_space<vmem>> -> memref<80xi32, #tpu.memory_space<vmem>>
      %dma_start3A_746 = tpu.memref_slice %arg3[%add3A_29] : memref<3200000xi32, #tpu.memory_space<hbm>> -> memref<80xi32, #tpu.memory_space<hbm>>
      tpu.enqueue_dma source(%dma_start3A_746 : memref<80xi32, #tpu.memory_space<hbm>>) target(%dma_start3A_745 : memref<80xi32, #tpu.memory_space<vmem>>) target_semaphore(%arg14 : memref<!tpu.dma_semaphore, #tpu.memory_space<semaphore_mem>>)
    } else {
    }
    %dma_start3A_40 = arith.constant 1 : i32
    %dma_start3A_41 = arith.constant 0 : i32
    %dma_start3A_42 = tpu.memref_slice %arg9[%dma_start3A_40, %dma_start3A_41] : memref<4x80xi32, #tpu.memory_space<vmem>> -> memref<1x80xi32, #tpu.memory_space<vmem>>
    %dma_start3A_43 = tpu.memref_squeeze %dma_start3A_42 : memref<1x80xi32, #tpu.memory_space<vmem>> -> memref<80xi32, #tpu.memory_space<vmem>>
    %dma_start3A_44 = tpu.memref_slice %arg4[%add3A_29] : memref<3200000xi32, #tpu.memory_space<hbm>> -> memref<80xi32, #tpu.memory_space<hbm>>
    %dma_start3A_45 = arith.constant 0 : i32
    %dma_start3A_46 = tpu.memref_slice %arg9[%dma_start3A_40, %dma_start3A_45] : memref<4x80xi32, #tpu.memory_space<vmem>> -> memref<1x80xi32, #tpu.memory_space<vmem>>
    %dma_start3A_47 = tpu.memref_squeeze %dma_start3A_46 : memref<1x80xi32, #tpu.memory_space<vmem>> -> memref<80xi32, #tpu.memory_space<vmem>>
    %dma_start3A_48 = tpu.memref_slice %arg4[%add3A_29] : memref<3200000xi32, #tpu.memory_space<hbm>> -> memref<80xi32, #tpu.memory_space<hbm>>
    tpu.enqueue_dma source(%dma_start3A_48 : memref<80xi32, #tpu.memory_space<hbm>>) target(%dma_start3A_47 : memref<80xi32, #tpu.memory_space<vmem>>) target_semaphore(%arg14 : memref<!tpu.dma_semaphore, #tpu.memory_space<semaphore_mem>>)
    %add3A_49 = arith.constant 160 : i32
    %add3A_50 = arith.addi %mul3A_10, %add3A_49 : i32
    %eq3A_51 = arith.constant 0 : i32
    %eq3A_52 = arith.cmpi eq, %arg0, %eq3A_51 : i32
    %convert_element_type3A_53 = arith.extui %eq3A_52 : i1 to i32
    %cond3A_54 = arith.constant 0 : i32
    %cond3A_55 = arith.cmpi ne, %convert_element_type3A_53, %cond3A_54 : i32
    scf.if %cond3A_55 {
      %dma_start3A_738 = arith.constant 2 : i32
      %dma_start3A_739 = arith.constant 0 : i32
      %dma_start3A_740 = tpu.memref_slice %arg8[%dma_start3A_738, %dma_start3A_739] : memref<4x80xi32, #tpu.memory_space<vmem>> -> memref<1x80xi32, #tpu.memory_space<vmem>>
      %dma_start3A_741 = tpu.memref_squeeze %dma_start3A_740 : memref<1x80xi32, #tpu.memory_space<vmem>> -> memref<80xi32, #tpu.memory_space<vmem>>
      %dma_start3A_742 = tpu.memref_slice %arg2[%add3A_50] : memref<3200000xi32, #tpu.memory_space<hbm>> -> memref<80xi32, #tpu.memory_space<hbm>>
      %dma_start3A_743 = arith.constant 0 : i32
      %dma_start3A_744 = tpu.memref_slice %arg8[%dma_start3A_738, %dma_start3A_743] : memref<4x80xi32, #tpu.memory_space<vmem>> -> memref<1x80xi32, #tpu.memory_space<vmem>>
      %dma_start3A_745 = tpu.memref_squeeze %dma_start3A_744 : memref<1x80xi32, #tpu.memory_space<vmem>> -> memref<80xi32, #tpu.memory_space<vmem>>
      %dma_start3A_746 = tpu.memref_slice %arg2[%add3A_50] : memref<3200000xi32, #tpu.memory_space<hbm>> -> memref<80xi32, #tpu.memory_space<hbm>>
      tpu.enqueue_dma source(%dma_start3A_746 : memref<80xi32, #tpu.memory_space<hbm>>) target(%dma_start3A_745 : memref<80xi32, #tpu.memory_space<vmem>>) target_semaphore(%arg15 : memref<!tpu.dma_semaphore, #tpu.memory_space<semaphore_mem>>)
    } else {
    }
    %eq3A_56 = arith.constant 1 : i32
    %eq3A_57 = arith.cmpi eq, %arg0, %eq3A_56 : i32
    %convert_element_type3A_58 = arith.extui %eq3A_57 : i1 to i32
    %cond3A_59 = arith.constant 0 : i32
    %cond3A_60 = arith.cmpi ne, %convert_element_type3A_58, %cond3A_59 : i32
    scf.if %cond3A_60 {
      %dma_start3A_738 = arith.constant 2 : i32
      %dma_start3A_739 = arith.constant 0 : i32
      %dma_start3A_740 = tpu.memref_slice %arg8[%dma_start3A_738, %dma_start3A_739] : memref<4x80xi32, #tpu.memory_space<vmem>> -> memref<1x80xi32, #tpu.memory_space<vmem>>
      %dma_start3A_741 = tpu.memref_squeeze %dma_start3A_740 : memref<1x80xi32, #tpu.memory_space<vmem>> -> memref<80xi32, #tpu.memory_space<vmem>>
      %dma_start3A_742 = tpu.memref_slice %arg3[%add3A_50] : memref<3200000xi32, #tpu.memory_space<hbm>> -> memref<80xi32, #tpu.memory_space<hbm>>
      %dma_start3A_743 = arith.constant 0 : i32
      %dma_start3A_744 = tpu.memref_slice %arg8[%dma_start3A_738, %dma_start3A_743] : memref<4x80xi32, #tpu.memory_space<vmem>> -> memref<1x80xi32, #tpu.memory_space<vmem>>
      %dma_start3A_745 = tpu.memref_squeeze %dma_start3A_744 : memref<1x80xi32, #tpu.memory_space<vmem>> -> memref<80xi32, #tpu.memory_space<vmem>>
      %dma_start3A_746 = tpu.memref_slice %arg3[%add3A_50] : memref<3200000xi32, #tpu.memory_space<hbm>> -> memref<80xi32, #tpu.memory_space<hbm>>
      tpu.enqueue_dma source(%dma_start3A_746 : memref<80xi32, #tpu.memory_space<hbm>>) target(%dma_start3A_745 : memref<80xi32, #tpu.memory_space<vmem>>) target_semaphore(%arg15 : memref<!tpu.dma_semaphore, #tpu.memory_space<semaphore_mem>>)
    } else {
    }
    %dma_start3A_61 = arith.constant 2 : i32
    %dma_start3A_62 = arith.constant 0 : i32
    %dma_start3A_63 = tpu.memref_slice %arg9[%dma_start3A_61, %dma_start3A_62] : memref<4x80xi32, #tpu.memory_space<vmem>> -> memref<1x80xi32, #tpu.memory_space<vmem>>
    %dma_start3A_64 = tpu.memref_squeeze %dma_start3A_63 : memref<1x80xi32, #tpu.memory_space<vmem>> -> memref<80xi32, #tpu.memory_space<vmem>>
    %dma_start3A_65 = tpu.memref_slice %arg4[%add3A_50] : memref<3200000xi32, #tpu.memory_space<hbm>> -> memref<80xi32, #tpu.memory_space<hbm>>
    %dma_start3A_66 = arith.constant 0 : i32
    %dma_start3A_67 = tpu.memref_slice %arg9[%dma_start3A_61, %dma_start3A_66] : memref<4x80xi32, #tpu.memory_space<vmem>> -> memref<1x80xi32, #tpu.memory_space<vmem>>
    %dma_start3A_68 = tpu.memref_squeeze %dma_start3A_67 : memref<1x80xi32, #tpu.memory_space<vmem>> -> memref<80xi32, #tpu.memory_space<vmem>>
    %dma_start3A_69 = tpu.memref_slice %arg4[%add3A_50] : memref<3200000xi32, #tpu.memory_space<hbm>> -> memref<80xi32, #tpu.memory_space<hbm>>
    tpu.enqueue_dma source(%dma_start3A_69 : memref<80xi32, #tpu.memory_space<hbm>>) target(%dma_start3A_68 : memref<80xi32, #tpu.memory_space<vmem>>) target_semaphore(%arg15 : memref<!tpu.dma_semaphore, #tpu.memory_space<semaphore_mem>>)
    %add3A_70 = arith.constant 240 : i32
    %add3A_71 = arith.addi %mul3A_10, %add3A_70 : i32
    %eq3A_72 = arith.constant 0 : i32
    %eq3A_73 = arith.cmpi eq, %arg0, %eq3A_72 : i32
    %convert_element_type3A_74 = arith.extui %eq3A_73 : i1 to i32
    %cond3A_75 = arith.constant 0 : i32
    %cond3A_76 = arith.cmpi ne, %convert_element_type3A_74, %cond3A_75 : i32
    scf.if %cond3A_76 {
      %dma_start3A_738 = arith.constant 3 : i32
      %dma_start3A_739 = arith.constant 0 : i32
      %dma_start3A_740 = tpu.memref_slice %arg8[%dma_start3A_738, %dma_start3A_739] : memref<4x80xi32, #tpu.memory_space<vmem>> -> memref<1x80xi32, #tpu.memory_space<vmem>>
      %dma_start3A_741 = tpu.memref_squeeze %dma_start3A_740 : memref<1x80xi32, #tpu.memory_space<vmem>> -> memref<80xi32, #tpu.memory_space<vmem>>
      %dma_start3A_742 = tpu.memref_slice %arg2[%add3A_71] : memref<3200000xi32, #tpu.memory_space<hbm>> -> memref<80xi32, #tpu.memory_space<hbm>>
      %dma_start3A_743 = arith.constant 0 : i32
      %dma_start3A_744 = tpu.memref_slice %arg8[%dma_start3A_738, %dma_start3A_743] : memref<4x80xi32, #tpu.memory_space<vmem>> -> memref<1x80xi32, #tpu.memory_space<vmem>>
      %dma_start3A_745 = tpu.memref_squeeze %dma_start3A_744 : memref<1x80xi32, #tpu.memory_space<vmem>> -> memref<80xi32, #tpu.memory_space<vmem>>
      %dma_start3A_746 = tpu.memref_slice %arg2[%add3A_71] : memref<3200000xi32, #tpu.memory_space<hbm>> -> memref<80xi32, #tpu.memory_space<hbm>>
      tpu.enqueue_dma source(%dma_start3A_746 : memref<80xi32, #tpu.memory_space<hbm>>) target(%dma_start3A_745 : memref<80xi32, #tpu.memory_space<vmem>>) target_semaphore(%arg16 : memref<!tpu.dma_semaphore, #tpu.memory_space<semaphore_mem>>)
    } else {
    }
    %eq3A_77 = arith.constant 1 : i32
    %eq3A_78 = arith.cmpi eq, %arg0, %eq3A_77 : i32
    %convert_element_type3A_79 = arith.extui %eq3A_78 : i1 to i32
    %cond3A_80 = arith.constant 0 : i32
    %cond3A_81 = arith.cmpi ne, %convert_element_type3A_79, %cond3A_80 : i32
    scf.if %cond3A_81 {
      %dma_start3A_738 = arith.constant 3 : i32
      %dma_start3A_739 = arith.constant 0 : i32
      %dma_start3A_740 = tpu.memref_slice %arg8[%dma_start3A_738, %dma_start3A_739] : memref<4x80xi32, #tpu.memory_space<vmem>> -> memref<1x80xi32, #tpu.memory_space<vmem>>
      %dma_start3A_741 = tpu.memref_squeeze %dma_start3A_740 : memref<1x80xi32, #tpu.memory_space<vmem>> -> memref<80xi32, #tpu.memory_space<vmem>>
      %dma_start3A_742 = tpu.memref_slice %arg3[%add3A_71] : memref<3200000xi32, #tpu.memory_space<hbm>> -> memref<80xi32, #tpu.memory_space<hbm>>
      %dma_start3A_743 = arith.constant 0 : i32
      %dma_start3A_744 = tpu.memref_slice %arg8[%dma_start3A_738, %dma_start3A_743] : memref<4x80xi32, #tpu.memory_space<vmem>> -> memref<1x80xi32, #tpu.memory_space<vmem>>
      %dma_start3A_745 = tpu.memref_squeeze %dma_start3A_744 : memref<1x80xi32, #tpu.memory_space<vmem>> -> memref<80xi32, #tpu.memory_space<vmem>>
      %dma_start3A_746 = tpu.memref_slice %arg3[%add3A_71] : memref<3200000xi32, #tpu.memory_space<hbm>> -> memref<80xi32, #tpu.memory_space<hbm>>
      tpu.enqueue_dma source(%dma_start3A_746 : memref<80xi32, #tpu.memory_space<hbm>>) target(%dma_start3A_745 : memref<80xi32, #tpu.memory_space<vmem>>) target_semaphore(%arg16 : memref<!tpu.dma_semaphore, #tpu.memory_space<semaphore_mem>>)
    } else {
    }
    %dma_start3A_82 = arith.constant 3 : i32
    %dma_start3A_83 = arith.constant 0 : i32
    %dma_start3A_84 = tpu.memref_slice %arg9[%dma_start3A_82, %dma_start3A_83] : memref<4x80xi32, #tpu.memory_space<vmem>> -> memref<1x80xi32, #tpu.memory_space<vmem>>
    %dma_start3A_85 = tpu.memref_squeeze %dma_start3A_84 : memref<1x80xi32, #tpu.memory_space<vmem>> -> memref<80xi32, #tpu.memory_space<vmem>>
    %dma_start3A_86 = tpu.memref_slice %arg4[%add3A_71] : memref<3200000xi32, #tpu.memory_space<hbm>> -> memref<80xi32, #tpu.memory_space<hbm>>
    %dma_start3A_87 = arith.constant 0 : i32
    %dma_start3A_88 = tpu.memref_slice %arg9[%dma_start3A_82, %dma_start3A_87] : memref<4x80xi32, #tpu.memory_space<vmem>> -> memref<1x80xi32, #tpu.memory_space<vmem>>
    %dma_start3A_89 = tpu.memref_squeeze %dma_start3A_88 : memref<1x80xi32, #tpu.memory_space<vmem>> -> memref<80xi32, #tpu.memory_space<vmem>>
    %dma_start3A_90 = tpu.memref_slice %arg4[%add3A_71] : memref<3200000xi32, #tpu.memory_space<hbm>> -> memref<80xi32, #tpu.memory_space<hbm>>
    tpu.enqueue_dma source(%dma_start3A_90 : memref<80xi32, #tpu.memory_space<hbm>>) target(%dma_start3A_89 : memref<80xi32, #tpu.memory_space<vmem>>) target_semaphore(%arg16 : memref<!tpu.dma_semaphore, #tpu.memory_space<semaphore_mem>>)
    %dma_wait3A = arith.constant 0 : i32
    %dma_wait3A_91 = arith.constant 0 : i32
    %dma_wait3A_92 = tpu.memref_slice %arg8[%dma_wait3A, %dma_wait3A_91] : memref<4x80xi32, #tpu.memory_space<vmem>> -> memref<1x80xi32, #tpu.memory_space<vmem>>
    %dma_wait3A_93 = tpu.memref_squeeze %dma_wait3A_92 : memref<1x80xi32, #tpu.memory_space<vmem>> -> memref<80xi32, #tpu.memory_space<vmem>>
    %dma_wait3A_94 = arith.constant 0 : i32
    %dma_wait3A_95 = tpu.memref_slice %arg2[%dma_wait3A_94] : memref<3200000xi32, #tpu.memory_space<hbm>> -> memref<80xi32, #tpu.memory_space<hbm>>
    %dma_wait3A_96 = arith.constant 0 : i32
    %dma_wait3A_97 = tpu.memref_slice %arg8[%dma_wait3A, %dma_wait3A_96] : memref<4x80xi32, #tpu.memory_space<vmem>> -> memref<1x80xi32, #tpu.memory_space<vmem>>
    %dma_wait3A_98 = tpu.memref_squeeze %dma_wait3A_97 : memref<1x80xi32, #tpu.memory_space<vmem>> -> memref<80xi32, #tpu.memory_space<vmem>>
    %dma_wait3A_99 = arith.constant 0 : i32
    %dma_wait3A_100 = tpu.memref_slice %arg2[%dma_wait3A_99] : memref<3200000xi32, #tpu.memory_space<hbm>> -> memref<80xi32, #tpu.memory_space<hbm>>
    tpu.wait_dma2 semaphore(%arg13 : memref<!tpu.dma_semaphore, #tpu.memory_space<semaphore_mem>>) src(%dma_wait3A_100 : memref<80xi32, #tpu.memory_space<hbm>>) dst(%dma_wait3A_98 : memref<80xi32, #tpu.memory_space<vmem>>)
    %dma_wait3A_101 = arith.constant 0 : i32
    %dma_wait3A_102 = arith.constant 0 : i32
    %dma_wait3A_103 = tpu.memref_slice %arg9[%dma_wait3A_101, %dma_wait3A_102] : memref<4x80xi32, #tpu.memory_space<vmem>> -> memref<1x80xi32, #tpu.memory_space<vmem>>
    %dma_wait3A_104 = tpu.memref_squeeze %dma_wait3A_103 : memref<1x80xi32, #tpu.memory_space<vmem>> -> memref<80xi32, #tpu.memory_space<vmem>>
    %dma_wait3A_105 = arith.constant 0 : i32
    %dma_wait3A_106 = tpu.memref_slice %arg4[%dma_wait3A_105] : memref<3200000xi32, #tpu.memory_space<hbm>> -> memref<80xi32, #tpu.memory_space<hbm>>
    %dma_wait3A_107 = arith.constant 0 : i32
    %dma_wait3A_108 = tpu.memref_slice %arg9[%dma_wait3A_101, %dma_wait3A_107] : memref<4x80xi32, #tpu.memory_space<vmem>> -> memref<1x80xi32, #tpu.memory_space<vmem>>
    %dma_wait3A_109 = tpu.memref_squeeze %dma_wait3A_108 : memref<1x80xi32, #tpu.memory_space<vmem>> -> memref<80xi32, #tpu.memory_space<vmem>>
    %dma_wait3A_110 = arith.constant 0 : i32
    %dma_wait3A_111 = tpu.memref_slice %arg4[%dma_wait3A_110] : memref<3200000xi32, #tpu.memory_space<hbm>> -> memref<80xi32, #tpu.memory_space<hbm>>
    tpu.wait_dma2 semaphore(%arg13 : memref<!tpu.dma_semaphore, #tpu.memory_space<semaphore_mem>>) src(%dma_wait3A_111 : memref<80xi32, #tpu.memory_space<hbm>>) dst(%dma_wait3A_109 : memref<80xi32, #tpu.memory_space<vmem>>)
    %dma_start3A_112 = arith.constant 0 : i32
    %dma_start3A_113 = arith.constant 0 : i32
    %dma_start3A_114 = arith.constant 0 : i32
    %dma_start3A_115 = arith.constant 0 : i32
    %dma_start3A_116 = tpu.memref_slice %arg11[%dma_start3A_113, %dma_start3A_114, %dma_start3A_115] : memref<4x80x16xf32, #tpu.memory_space<vmem>> -> memref<1x80x16xf32, #tpu.memory_space<vmem>>
    %dma_start3A_117 = tpu.memref_squeeze %dma_start3A_116 : memref<1x80x16xf32, #tpu.memory_space<vmem>> -> memref<80x16xf32, #tpu.memory_space<vmem>>
    %dma_start3A_118 = arith.constant 0 : i32
    %dma_start3A_119 = tpu.memref_slice %arg8[%dma_start3A_112, %dma_start3A_118] : memref<4x80xi32, #tpu.memory_space<vmem>> -> memref<1x80xi32, #tpu.memory_space<vmem>>
    %dma_start3A_120 = tpu.memref_squeeze %dma_start3A_119 : memref<1x80xi32, #tpu.memory_space<vmem>> -> memref<80xi32, #tpu.memory_space<vmem>>
    %dma_start3A_121 = arith.constant 0 : i32
    %dma_start3A_122 = arith.constant 0 : i32
    %dma_start3A_123 = tpu.memref_slice %arg5[%dma_start3A_121, %dma_start3A_122] : memref<200000x16xf32, #tpu.memory_space<hbm>> -> memref<200000x16xf32, #tpu.memory_space<hbm>>
    tpu.enqueue_indirect_dma source(%dma_start3A_123 : memref<200000x16xf32, #tpu.memory_space<hbm>>) target(%dma_start3A_117 : memref<80x16xf32, #tpu.memory_space<vmem>>) offsets(%dma_start3A_120 : memref<80xi32, #tpu.memory_space<vmem>>) semaphore(%arg17 : memref<!tpu.dma_semaphore, #tpu.memory_space<semaphore_mem>>)
    %dma_wait3A_124 = arith.constant 0 : i32
    %dma_wait3A_125 = arith.constant 0 : i32
    %dma_wait3A_126 = arith.constant 0 : i32
    %dma_wait3A_127 = arith.constant 0 : i32
    %dma_wait3A_128 = tpu.memref_slice %arg11[%dma_wait3A_125, %dma_wait3A_126, %dma_wait3A_127] : memref<4x80x16xf32, #tpu.memory_space<vmem>> -> memref<1x80x16xf32, #tpu.memory_space<vmem>>
    %dma_wait3A_129 = tpu.memref_squeeze %dma_wait3A_128 : memref<1x80x16xf32, #tpu.memory_space<vmem>> -> memref<80x16xf32, #tpu.memory_space<vmem>>
    %dma_wait3A_130 = arith.constant 0 : i32
    %dma_wait3A_131 = tpu.memref_slice %arg8[%dma_wait3A_124, %dma_wait3A_130] : memref<4x80xi32, #tpu.memory_space<vmem>> -> memref<1x80xi32, #tpu.memory_space<vmem>>
    %dma_wait3A_132 = tpu.memref_squeeze %dma_wait3A_131 : memref<1x80xi32, #tpu.memory_space<vmem>> -> memref<80xi32, #tpu.memory_space<vmem>>
    %dma_wait3A_133 = arith.constant 0 : i32
    %dma_wait3A_134 = arith.constant 0 : i32
    %dma_wait3A_135 = tpu.memref_slice %arg5[%dma_wait3A_133, %dma_wait3A_134] : memref<200000x16xf32, #tpu.memory_space<hbm>> -> memref<200000x16xf32, #tpu.memory_space<hbm>>
    tpu.wait_indirect_dma semaphore(%arg17 : memref<!tpu.dma_semaphore, #tpu.memory_space<semaphore_mem>>) src(%dma_wait3A_135 : memref<200000x16xf32, #tpu.memory_space<hbm>>) dst(%dma_wait3A_129 : memref<80x16xf32, #tpu.memory_space<vmem>>)
    %get3A = arith.constant 0 : i32
    %get3A_136 = arith.index_cast %get3A : i32 to index
    %get3A_137 = arith.constant 0 : index
    %get3A_138 = tpu.vector_load %arg9[%get3A_136, %get3A_137] {strides = array<i32>} : memref<4x80xi32, #tpu.memory_space<vmem>>, vector<1x16xi32>,
    %get3A_139 = vector.shape_cast %get3A_138 : vector<1x16xi32> to vector<16xi32>
    %swap3A = arith.constant 0 : i32
    %swap3A_140 = arith.index_cast %swap3A : i32 to index
    %swap3A_141 = arith.constant 0 : index
    %swap3A_142 = tpu.vector_load %arg10[%swap3A_140, %swap3A_141] {strides = array<i32>} : memref<4x80xi32, #tpu.memory_space<vmem>>, vector<1x16xi32>,
    %swap3A_143 = vector.shape_cast %swap3A_142 : vector<1x16xi32> to vector<16xi32>
    %swap3A_144 = vector.shape_cast %get3A_139 : vector<16xi32> to vector<1x16xi32>
    tpu.vector_store %arg10[%swap3A_140, %swap3A_141], %swap3A_144 {strides = array<i32>} : memref<4x80xi32, #tpu.memory_space<vmem>>, vector<1x16xi32>,
    %get3A_145 = arith.constant 0 : i32
    %get3A_146 = arith.index_cast %get3A_145 : i32 to index
    %get3A_147 = arith.constant 16 : index
    %get3A_148 = tpu.vector_load %arg9[%get3A_146, %get3A_147] {strides = array<i32>} : memref<4x80xi32, #tpu.memory_space<vmem>>, vector<1x16xi32>,
    %get3A_149 = vector.shape_cast %get3A_148 : vector<1x16xi32> to vector<16xi32>
    %swap3A_150 = arith.constant 0 : i32
    %swap3A_151 = arith.index_cast %swap3A_150 : i32 to index
    %swap3A_152 = arith.constant 16 : index
    %swap3A_153 = tpu.vector_load %arg10[%swap3A_151, %swap3A_152] {strides = array<i32>} : memref<4x80xi32, #tpu.memory_space<vmem>>, vector<1x16xi32>,
    %swap3A_154 = vector.shape_cast %swap3A_153 : vector<1x16xi32> to vector<16xi32>
    %swap3A_155 = vector.shape_cast %get3A_149 : vector<16xi32> to vector<1x16xi32>
    tpu.vector_store %arg10[%swap3A_151, %swap3A_152], %swap3A_155 {strides = array<i32>} : memref<4x80xi32, #tpu.memory_space<vmem>>, vector<1x16xi32>,
    %get3A_156 = arith.constant 0 : i32
    %get3A_157 = arith.index_cast %get3A_156 : i32 to index
    %get3A_158 = arith.constant 32 : index
    %get3A_159 = tpu.vector_load %arg9[%get3A_157, %get3A_158] {strides = array<i32>} : memref<4x80xi32, #tpu.memory_space<vmem>>, vector<1x16xi32>,
    %get3A_160 = vector.shape_cast %get3A_159 : vector<1x16xi32> to vector<16xi32>
    %swap3A_161 = arith.constant 0 : i32
    %swap3A_162 = arith.index_cast %swap3A_161 : i32 to index
    %swap3A_163 = arith.constant 32 : index
    %swap3A_164 = tpu.vector_load %arg10[%swap3A_162, %swap3A_163] {strides = array<i32>} : memref<4x80xi32, #tpu.memory_space<vmem>>, vector<1x16xi32>,
    %swap3A_165 = vector.shape_cast %swap3A_164 : vector<1x16xi32> to vector<16xi32>
    %swap3A_166 = vector.shape_cast %get3A_160 : vector<16xi32> to vector<1x16xi32>
    tpu.vector_store %arg10[%swap3A_162, %swap3A_163], %swap3A_166 {strides = array<i32>} : memref<4x80xi32, #tpu.memory_space<vmem>>, vector<1x16xi32>,
    %get3A_167 = arith.constant 0 : i32
    %get3A_168 = arith.index_cast %get3A_167 : i32 to index
    %get3A_169 = arith.constant 48 : index
    %get3A_170 = tpu.vector_load %arg9[%get3A_168, %get3A_169] {strides = array<i32>} : memref<4x80xi32, #tpu.memory_space<vmem>>, vector<1x16xi32>,
    %get3A_171 = vector.shape_cast %get3A_170 : vector<1x16xi32> to vector<16xi32>
    %swap3A_172 = arith.constant 0 : i32
    %swap3A_173 = arith.index_cast %swap3A_172 : i32 to index
    %swap3A_174 = arith.constant 48 : index
    %swap3A_175 = tpu.vector_load %arg10[%swap3A_173, %swap3A_174] {strides = array<i32>} : memref<4x80xi32, #tpu.memory_space<vmem>>, vector<1x16xi32>,
    %swap3A_176 = vector.shape_cast %swap3A_175 : vector<1x16xi32> to vector<16xi32>
    %swap3A_177 = vector.shape_cast %get3A_171 : vector<16xi32> to vector<1x16xi32>
    tpu.vector_store %arg10[%swap3A_173, %swap3A_174], %swap3A_177 {strides = array<i32>} : memref<4x80xi32, #tpu.memory_space<vmem>>, vector<1x16xi32>,
    %get3A_178 = arith.constant 0 : i32
    %get3A_179 = arith.index_cast %get3A_178 : i32 to index
    %get3A_180 = arith.constant 64 : index
    %get3A_181 = tpu.vector_load %arg9[%get3A_179, %get3A_180] {strides = array<i32>} : memref<4x80xi32, #tpu.memory_space<vmem>>, vector<1x16xi32>,
    %get3A_182 = vector.shape_cast %get3A_181 : vector<1x16xi32> to vector<16xi32>
    %swap3A_183 = arith.constant 0 : i32
    %swap3A_184 = arith.index_cast %swap3A_183 : i32 to index
    %swap3A_185 = arith.constant 64 : index
    %swap3A_186 = tpu.vector_load %arg10[%swap3A_184, %swap3A_185] {strides = array<i32>} : memref<4x80xi32, #tpu.memory_space<vmem>>, vector<1x16xi32>,
    %swap3A_187 = vector.shape_cast %swap3A_186 : vector<1x16xi32> to vector<16xi32>
    %swap3A_188 = vector.shape_cast %get3A_182 : vector<16xi32> to vector<1x16xi32>
    tpu.vector_store %arg10[%swap3A_184, %swap3A_185], %swap3A_188 {strides = array<i32>} : memref<4x80xi32, #tpu.memory_space<vmem>>, vector<1x16xi32>,
    %add3A_189 = arith.constant 320 : i32
    %add3A_190 = arith.addi %mul3A_10, %add3A_189 : i32
    %eq3A_191 = arith.constant 0 : i32
    %eq3A_192 = arith.cmpi eq, %arg0, %eq3A_191 : i32
    %convert_element_type3A_193 = arith.extui %eq3A_192 : i1 to i32
    %cond3A_194 = arith.constant 0 : i32
    %cond3A_195 = arith.cmpi ne, %convert_element_type3A_193, %cond3A_194 : i32
    scf.if %cond3A_195 {
      %dma_start3A_738 = arith.constant 0 : i32
      %dma_start3A_739 = arith.constant 0 : i32
      %dma_start3A_740 = tpu.memref_slice %arg8[%dma_start3A_738, %dma_start3A_739] : memref<4x80xi32, #tpu.memory_space<vmem>> -> memref<1x80xi32, #tpu.memory_space<vmem>>
      %dma_start3A_741 = tpu.memref_squeeze %dma_start3A_740 : memref<1x80xi32, #tpu.memory_space<vmem>> -> memref<80xi32, #tpu.memory_space<vmem>>
      %dma_start3A_742 = tpu.memref_slice %arg2[%add3A_190] : memref<3200000xi32, #tpu.memory_space<hbm>> -> memref<80xi32, #tpu.memory_space<hbm>>
      %dma_start3A_743 = arith.constant 0 : i32
      %dma_start3A_744 = tpu.memref_slice %arg8[%dma_start3A_738, %dma_start3A_743] : memref<4x80xi32, #tpu.memory_space<vmem>> -> memref<1x80xi32, #tpu.memory_space<vmem>>
      %dma_start3A_745 = tpu.memref_squeeze %dma_start3A_744 : memref<1x80xi32, #tpu.memory_space<vmem>> -> memref<80xi32, #tpu.memory_space<vmem>>
      %dma_start3A_746 = tpu.memref_slice %arg2[%add3A_190] : memref<3200000xi32, #tpu.memory_space<hbm>> -> memref<80xi32, #tpu.memory_space<hbm>>
      tpu.enqueue_dma source(%dma_start3A_746 : memref<80xi32, #tpu.memory_space<hbm>>) target(%dma_start3A_745 : memref<80xi32, #tpu.memory_space<vmem>>) target_semaphore(%arg13 : memref<!tpu.dma_semaphore, #tpu.memory_space<semaphore_mem>>)
    } else {
    }
    %eq3A_196 = arith.constant 1 : i32
    %eq3A_197 = arith.cmpi eq, %arg0, %eq3A_196 : i32
    %convert_element_type3A_198 = arith.extui %eq3A_197 : i1 to i32
    %cond3A_199 = arith.constant 0 : i32
    %cond3A_200 = arith.cmpi ne, %convert_element_type3A_198, %cond3A_199 : i32
    scf.if %cond3A_200 {
      %dma_start3A_738 = arith.constant 0 : i32
      %dma_start3A_739 = arith.constant 0 : i32
      %dma_start3A_740 = tpu.memref_slice %arg8[%dma_start3A_738, %dma_start3A_739] : memref<4x80xi32, #tpu.memory_space<vmem>> -> memref<1x80xi32, #tpu.memory_space<vmem>>
      %dma_start3A_741 = tpu.memref_squeeze %dma_start3A_740 : memref<1x80xi32, #tpu.memory_space<vmem>> -> memref<80xi32, #tpu.memory_space<vmem>>
      %dma_start3A_742 = tpu.memref_slice %arg3[%add3A_190] : memref<3200000xi32, #tpu.memory_space<hbm>> -> memref<80xi32, #tpu.memory_space<hbm>>
      %dma_start3A_743 = arith.constant 0 : i32
      %dma_start3A_744 = tpu.memref_slice %arg8[%dma_start3A_738, %dma_start3A_743] : memref<4x80xi32, #tpu.memory_space<vmem>> -> memref<1x80xi32, #tpu.memory_space<vmem>>
      %dma_start3A_745 = tpu.memref_squeeze %dma_start3A_744 : memref<1x80xi32, #tpu.memory_space<vmem>> -> memref<80xi32, #tpu.memory_space<vmem>>
      %dma_start3A_746 = tpu.memref_slice %arg3[%add3A_190] : memref<3200000xi32, #tpu.memory_space<hbm>> -> memref<80xi32, #tpu.memory_space<hbm>>
      tpu.enqueue_dma source(%dma_start3A_746 : memref<80xi32, #tpu.memory_space<hbm>>) target(%dma_start3A_745 : memref<80xi32, #tpu.memory_space<vmem>>) target_semaphore(%arg13 : memref<!tpu.dma_semaphore, #tpu.memory_space<semaphore_mem>>)
    } else {
    }
    %dma_start3A_201 = arith.constant 0 : i32
    %dma_start3A_202 = arith.constant 0 : i32
    %dma_start3A_203 = tpu.memref_slice %arg9[%dma_start3A_201, %dma_start3A_202] : memref<4x80xi32, #tpu.memory_space<vmem>> -> memref<1x80xi32, #tpu.memory_space<vmem>>
    %dma_start3A_204 = tpu.memref_squeeze %dma_start3A_203 : memref<1x80xi32, #tpu.memory_space<vmem>> -> memref<80xi32, #tpu.memory_space<vmem>>
    %dma_start3A_205 = tpu.memref_slice %arg4[%add3A_190] : memref<3200000xi32, #tpu.memory_space<hbm>> -> memref<80xi32, #tpu.memory_space<hbm>>
    %dma_start3A_206 = arith.constant 0 : i32
    %dma_start3A_207 = tpu.memref_slice %arg9[%dma_start3A_201, %dma_start3A_206] : memref<4x80xi32, #tpu.memory_space<vmem>> -> memref<1x80xi32, #tpu.memory_space<vmem>>
    %dma_start3A_208 = tpu.memref_squeeze %dma_start3A_207 : memref<1x80xi32, #tpu.memory_space<vmem>> -> memref<80xi32, #tpu.memory_space<vmem>>
    %dma_start3A_209 = tpu.memref_slice %arg4[%add3A_190] : memref<3200000xi32, #tpu.memory_space<hbm>> -> memref<80xi32, #tpu.memory_space<hbm>>
    tpu.enqueue_dma source(%dma_start3A_209 : memref<80xi32, #tpu.memory_space<hbm>>) target(%dma_start3A_208 : memref<80xi32, #tpu.memory_space<vmem>>) target_semaphore(%arg13 : memref<!tpu.dma_semaphore, #tpu.memory_space<semaphore_mem>>)
    %dma_start3A_210 = arith.constant 0 : i32
    %dma_start3A_211 = arith.constant 0 : i32
    %dma_start3A_212 = arith.constant 0 : i32
    %dma_start3A_213 = arith.constant 0 : i32
    %dma_start3A_214 = tpu.memref_slice %arg11[%dma_start3A_210, %dma_start3A_212, %dma_start3A_213] : memref<4x80x16xf32, #tpu.memory_space<vmem>> -> memref<1x80x16xf32, #tpu.memory_space<vmem>>
    %dma_start3A_215 = tpu.memref_squeeze %dma_start3A_214 : memref<1x80x16xf32, #tpu.memory_space<vmem>> -> memref<80x16xf32, #tpu.memory_space<vmem>>
    %dma_start3A_216 = arith.constant 0 : i32
    %dma_start3A_217 = tpu.memref_slice %arg10[%dma_start3A_211, %dma_start3A_216] : memref<4x80xi32, #tpu.memory_space<vmem>> -> memref<1x80xi32, #tpu.memory_space<vmem>>
    %dma_start3A_218 = tpu.memref_squeeze %dma_start3A_217 : memref<1x80xi32, #tpu.memory_space<vmem>> -> memref<80xi32, #tpu.memory_space<vmem>>
    %dma_start3A_219 = arith.constant 0 : i32
    %dma_start3A_220 = arith.constant 0 : i32
    %dma_start3A_221 = tpu.memref_slice %arg25[%dma_start3A_219, %dma_start3A_220] : memref<100096x16xf32, #tpu.memory_space<vmem_shared>> -> memref<100096x16xf32, #tpu.memory_space<vmem_shared>>
    tpu.enqueue_indirect_dma source(%dma_start3A_215 : memref<80x16xf32, #tpu.memory_space<vmem>>) target(%dma_start3A_221 : memref<100096x16xf32, #tpu.memory_space<vmem_shared>>) offsets(%dma_start3A_218 : memref<80xi32, #tpu.memory_space<vmem>>) semaphore(%arg21 : memref<!tpu.dma_semaphore, #tpu.memory_space<semaphore_mem>>) {add = true}
    %dma_wait3A_222 = arith.constant 1 : i32
    %dma_wait3A_223 = arith.constant 0 : i32
    %dma_wait3A_224 = tpu.memref_slice %arg8[%dma_wait3A_222, %dma_wait3A_223] : memref<4x80xi32, #tpu.memory_space<vmem>> -> memref<1x80xi32, #tpu.memory_space<vmem>>
    %dma_wait3A_225 = tpu.memref_squeeze %dma_wait3A_224 : memref<1x80xi32, #tpu.memory_space<vmem>> -> memref<80xi32, #tpu.memory_space<vmem>>
    %dma_wait3A_226 = arith.constant 0 : i32
    %dma_wait3A_227 = tpu.memref_slice %arg2[%dma_wait3A_226] : memref<3200000xi32, #tpu.memory_space<hbm>> -> memref<80xi32, #tpu.memory_space<hbm>>
    %dma_wait3A_228 = arith.constant 0 : i32
    %dma_wait3A_229 = tpu.memref_slice %arg8[%dma_wait3A_222, %dma_wait3A_228] : memref<4x80xi32, #tpu.memory_space<vmem>> -> memref<1x80xi32, #tpu.memory_space<vmem>>
    %dma_wait3A_230 = tpu.memref_squeeze %dma_wait3A_229 : memref<1x80xi32, #tpu.memory_space<vmem>> -> memref<80xi32, #tpu.memory_space<vmem>>
    %dma_wait3A_231 = arith.constant 0 : i32
    %dma_wait3A_232 = tpu.memref_slice %arg2[%dma_wait3A_231] : memref<3200000xi32, #tpu.memory_space<hbm>> -> memref<80xi32, #tpu.memory_space<hbm>>
    tpu.wait_dma2 semaphore(%arg14 : memref<!tpu.dma_semaphore, #tpu.memory_space<semaphore_mem>>) src(%dma_wait3A_232 : memref<80xi32, #tpu.memory_space<hbm>>) dst(%dma_wait3A_230 : memref<80xi32, #tpu.memory_space<vmem>>)
    %dma_wait3A_233 = arith.constant 1 : i32
    %dma_wait3A_234 = arith.constant 0 : i32
    %dma_wait3A_235 = tpu.memref_slice %arg9[%dma_wait3A_233, %dma_wait3A_234] : memref<4x80xi32, #tpu.memory_space<vmem>> -> memref<1x80xi32, #tpu.memory_space<vmem>>
    %dma_wait3A_236 = tpu.memref_squeeze %dma_wait3A_235 : memref<1x80xi32, #tpu.memory_space<vmem>> -> memref<80xi32, #tpu.memory_space<vmem>>
    %dma_wait3A_237 = arith.constant 0 : i32
    %dma_wait3A_238 = tpu.memref_slice %arg4[%dma_wait3A_237] : memref<3200000xi32, #tpu.memory_space<hbm>> -> memref<80xi32, #tpu.memory_space<hbm>>
    %dma_wait3A_239 = arith.constant 0 : i32
    %dma_wait3A_240 = tpu.memref_slice %arg9[%dma_wait3A_233, %dma_wait3A_239] : memref<4x80xi32, #tpu.memory_space<vmem>> -> memref<1x80xi32, #tpu.memory_space<vmem>>
    %dma_wait3A_241 = tpu.memref_squeeze %dma_wait3A_240 : memref<1x80xi32, #tpu.memory_space<vmem>> -> memref<80xi32, #tpu.memory_space<vmem>>
    %dma_wait3A_242 = arith.constant 0 : i32
    %dma_wait3A_243 = tpu.memref_slice %arg4[%dma_wait3A_242] : memref<3200000xi32, #tpu.memory_space<hbm>> -> memref<80xi32, #tpu.memory_space<hbm>>
    tpu.wait_dma2 semaphore(%arg14 : memref<!tpu.dma_semaphore, #tpu.memory_space<semaphore_mem>>) src(%dma_wait3A_243 : memref<80xi32, #tpu.memory_space<hbm>>) dst(%dma_wait3A_241 : memref<80xi32, #tpu.memory_space<vmem>>)
    %dma_start3A_244 = arith.constant 1 : i32
    %dma_start3A_245 = arith.constant 1 : i32
    %dma_start3A_246 = arith.constant 0 : i32
    %dma_start3A_247 = arith.constant 0 : i32
    %dma_start3A_248 = tpu.memref_slice %arg11[%dma_start3A_245, %dma_start3A_246, %dma_start3A_247] : memref<4x80x16xf32, #tpu.memory_space<vmem>> -> memref<1x80x16xf32, #tpu.memory_space<vmem>>
    %dma_start3A_249 = tpu.memref_squeeze %dma_start3A_248 : memref<1x80x16xf32, #tpu.memory_space<vmem>> -> memref<80x16xf32, #tpu.memory_space<vmem>>
    %dma_start3A_250 = arith.constant 0 : i32
    %dma_start3A_251 = tpu.memref_slice %arg8[%dma_start3A_244, %dma_start3A_250] : memref<4x80xi32, #tpu.memory_space<vmem>> -> memref<1x80xi32, #tpu.memory_space<vmem>>
    %dma_start3A_252 = tpu.memref_squeeze %dma_start3A_251 : memref<1x80xi32, #tpu.memory_space<vmem>> -> memref<80xi32, #tpu.memory_space<vmem>>
    %dma_start3A_253 = arith.constant 0 : i32
    %dma_start3A_254 = arith.constant 0 : i32
    %dma_start3A_255 = tpu.memref_slice %arg5[%dma_start3A_253, %dma_start3A_254] : memref<200000x16xf32, #tpu.memory_space<hbm>> -> memref<200000x16xf32, #tpu.memory_space<hbm>>
    tpu.enqueue_indirect_dma source(%dma_start3A_255 : memref<200000x16xf32, #tpu.memory_space<hbm>>) target(%dma_start3A_249 : memref<80x16xf32, #tpu.memory_space<vmem>>) offsets(%dma_start3A_252 : memref<80xi32, #tpu.memory_space<vmem>>) semaphore(%arg18 : memref<!tpu.dma_semaphore, #tpu.memory_space<semaphore_mem>>)
    %dma_wait3A_256 = arith.constant 1 : i32
    %dma_wait3A_257 = arith.constant 1 : i32
    %dma_wait3A_258 = arith.constant 0 : i32
    %dma_wait3A_259 = arith.constant 0 : i32
    %dma_wait3A_260 = tpu.memref_slice %arg11[%dma_wait3A_257, %dma_wait3A_258, %dma_wait3A_259] : memref<4x80x16xf32, #tpu.memory_space<vmem>> -> memref<1x80x16xf32, #tpu.memory_space<vmem>>
    %dma_wait3A_261 = tpu.memref_squeeze %dma_wait3A_260 : memref<1x80x16xf32, #tpu.memory_space<vmem>> -> memref<80x16xf32, #tpu.memory_space<vmem>>
    %dma_wait3A_262 = arith.constant 0 : i32
    %dma_wait3A_263 = tpu.memref_slice %arg8[%dma_wait3A_256, %dma_wait3A_262] : memref<4x80xi32, #tpu.memory_space<vmem>> -> memref<1x80xi32, #tpu.memory_space<vmem>>
    %dma_wait3A_264 = tpu.memref_squeeze %dma_wait3A_263 : memref<1x80xi32, #tpu.memory_space<vmem>> -> memref<80xi32, #tpu.memory_space<vmem>>
    %dma_wait3A_265 = arith.constant 0 : i32
    %dma_wait3A_266 = arith.constant 0 : i32
    %dma_wait3A_267 = tpu.memref_slice %arg5[%dma_wait3A_265, %dma_wait3A_266] : memref<200000x16xf32, #tpu.memory_space<hbm>> -> memref<200000x16xf32, #tpu.memory_space<hbm>>
    tpu.wait_indirect_dma semaphore(%arg18 : memref<!tpu.dma_semaphore, #tpu.memory_space<semaphore_mem>>) src(%dma_wait3A_267 : memref<200000x16xf32, #tpu.memory_space<hbm>>) dst(%dma_wait3A_261 : memref<80x16xf32, #tpu.memory_space<vmem>>)
    %get3A_268 = arith.constant 1 : i32
    %get3A_269 = arith.index_cast %get3A_268 : i32 to index
    %get3A_270 = arith.constant 0 : index
    %get3A_271 = tpu.vector_load %arg9[%get3A_269, %get3A_270] {strides = array<i32>} : memref<4x80xi32, #tpu.memory_space<vmem>>, vector<1x16xi32>,
    %get3A_272 = vector.shape_cast %get3A_271 : vector<1x16xi32> to vector<16xi32>
    %swap3A_273 = arith.constant 1 : i32
    %swap3A_274 = arith.index_cast %swap3A_273 : i32 to index
    %swap3A_275 = arith.constant 0 : index
    %swap3A_276 = tpu.vector_load %arg10[%swap3A_274, %swap3A_275] {strides = array<i32>} : memref<4x80xi32, #tpu.memory_space<vmem>>, vector<1x16xi32>,
    %swap3A_277 = vector.shape_cast %swap3A_276 : vector<1x16xi32> to vector<16xi32>
    %swap3A_278 = vector.shape_cast %get3A_272 : vector<16xi32> to vector<1x16xi32>
    tpu.vector_store %arg10[%swap3A_274, %swap3A_275], %swap3A_278 {strides = array<i32>} : memref<4x80xi32, #tpu.memory_space<vmem>>, vector<1x16xi32>,
    %get3A_279 = arith.constant 1 : i32
    %get3A_280 = arith.index_cast %get3A_279 : i32 to index
    %get3A_281 = arith.constant 16 : index
    %get3A_282 = tpu.vector_load %arg9[%get3A_280, %get3A_281] {strides = array<i32>} : memref<4x80xi32, #tpu.memory_space<vmem>>, vector<1x16xi32>,
    %get3A_283 = vector.shape_cast %get3A_282 : vector<1x16xi32> to vector<16xi32>
    %swap3A_284 = arith.constant 1 : i32
    %swap3A_285 = arith.index_cast %swap3A_284 : i32 to index
    %swap3A_286 = arith.constant 16 : index
    %swap3A_287 = tpu.vector_load %arg10[%swap3A_285, %swap3A_286] {strides = array<i32>} : memref<4x80xi32, #tpu.memory_space<vmem>>, vector<1x16xi32>,
    %swap3A_288 = vector.shape_cast %swap3A_287 : vector<1x16xi32> to vector<16xi32>
    %swap3A_289 = vector.shape_cast %get3A_283 : vector<16xi32> to vector<1x16xi32>
    tpu.vector_store %arg10[%swap3A_285, %swap3A_286], %swap3A_289 {strides = array<i32>} : memref<4x80xi32, #tpu.memory_space<vmem>>, vector<1x16xi32>,
    %get3A_290 = arith.constant 1 : i32
    %get3A_291 = arith.index_cast %get3A_290 : i32 to index
    %get3A_292 = arith.constant 32 : index
    %get3A_293 = tpu.vector_load %arg9[%get3A_291, %get3A_292] {strides = array<i32>} : memref<4x80xi32, #tpu.memory_space<vmem>>, vector<1x16xi32>,
    %get3A_294 = vector.shape_cast %get3A_293 : vector<1x16xi32> to vector<16xi32>
    %swap3A_295 = arith.constant 1 : i32
    %swap3A_296 = arith.index_cast %swap3A_295 : i32 to index
    %swap3A_297 = arith.constant 32 : index
    %swap3A_298 = tpu.vector_load %arg10[%swap3A_296, %swap3A_297] {strides = array<i32>} : memref<4x80xi32, #tpu.memory_space<vmem>>, vector<1x16xi32>,
    %swap3A_299 = vector.shape_cast %swap3A_298 : vector<1x16xi32> to vector<16xi32>
    %swap3A_300 = vector.shape_cast %get3A_294 : vector<16xi32> to vector<1x16xi32>
    tpu.vector_store %arg10[%swap3A_296, %swap3A_297], %swap3A_300 {strides = array<i32>} : memref<4x80xi32, #tpu.memory_space<vmem>>, vector<1x16xi32>,
    %get3A_301 = arith.constant 1 : i32
    %get3A_302 = arith.index_cast %get3A_301 : i32 to index
    %get3A_303 = arith.constant 48 : index
    %get3A_304 = tpu.vector_load %arg9[%get3A_302, %get3A_303] {strides = array<i32>} : memref<4x80xi32, #tpu.memory_space<vmem>>, vector<1x16xi32>,
    %get3A_305 = vector.shape_cast %get3A_304 : vector<1x16xi32> to vector<16xi32>
    %swap3A_306 = arith.constant 1 : i32
    %swap3A_307 = arith.index_cast %swap3A_306 : i32 to index
    %swap3A_308 = arith.constant 48 : index
    %swap3A_309 = tpu.vector_load %arg10[%swap3A_307, %swap3A_308] {strides = array<i32>} : memref<4x80xi32, #tpu.memory_space<vmem>>, vector<1x16xi32>,
    %swap3A_310 = vector.shape_cast %swap3A_309 : vector<1x16xi32> to vector<16xi32>
    %swap3A_311 = vector.shape_cast %get3A_305 : vector<16xi32> to vector<1x16xi32>
    tpu.vector_store %arg10[%swap3A_307, %swap3A_308], %swap3A_311 {strides = array<i32>} : memref<4x80xi32, #tpu.memory_space<vmem>>, vector<1x16xi32>,
    %get3A_312 = arith.constant 1 : i32
    %get3A_313 = arith.index_cast %get3A_312 : i32 to index
    %get3A_314 = arith.constant 64 : index
    %get3A_315 = tpu.vector_load %arg9[%get3A_313, %get3A_314] {strides = array<i32>} : memref<4x80xi32, #tpu.memory_space<vmem>>, vector<1x16xi32>,
    %get3A_316 = vector.shape_cast %get3A_315 : vector<1x16xi32> to vector<16xi32>
    %swap3A_317 = arith.constant 1 : i32
    %swap3A_318 = arith.index_cast %swap3A_317 : i32 to index
    %swap3A_319 = arith.constant 64 : index
    %swap3A_320 = tpu.vector_load %arg10[%swap3A_318, %swap3A_319] {strides = array<i32>} : memref<4x80xi32, #tpu.memory_space<vmem>>, vector<1x16xi32>,
    %swap3A_321 = vector.shape_cast %swap3A_320 : vector<1x16xi32> to vector<16xi32>
    %swap3A_322 = vector.shape_cast %get3A_316 : vector<16xi32> to vector<1x16xi32>
    tpu.vector_store %arg10[%swap3A_318, %swap3A_319], %swap3A_322 {strides = array<i32>} : memref<4x80xi32, #tpu.memory_space<vmem>>, vector<1x16xi32>,
    %add3A_323 = arith.constant 400 : i32
    %add3A_324 = arith.addi %mul3A_10, %add3A_323 : i32
    %eq3A_325 = arith.constant 0 : i32
    %eq3A_326 = arith.cmpi eq, %arg0, %eq3A_325 : i32
    %convert_element_type3A_327 = arith.extui %eq3A_326 : i1 to i32
    %cond3A_328 = arith.constant 0 : i32
    %cond3A_329 = arith.cmpi ne, %convert_element_type3A_327, %cond3A_328 : i32
    scf.if %cond3A_329 {
      %dma_start3A_738 = arith.constant 1 : i32
      %dma_start3A_739 = arith.constant 0 : i32
      %dma_start3A_740 = tpu.memref_slice %arg8[%dma_start3A_738, %dma_start3A_739] : memref<4x80xi32, #tpu.memory_space<vmem>> -> memref<1x80xi32, #tpu.memory_space<vmem>>
      %dma_start3A_741 = tpu.memref_squeeze %dma_start3A_740 : memref<1x80xi32, #tpu.memory_space<vmem>> -> memref<80xi32, #tpu.memory_space<vmem>>
      %dma_start3A_742 = tpu.memref_slice %arg2[%add3A_324] : memref<3200000xi32, #tpu.memory_space<hbm>> -> memref<80xi32, #tpu.memory_space<hbm>>
      %dma_start3A_743 = arith.constant 0 : i32
      %dma_start3A_744 = tpu.memref_slice %arg8[%dma_start3A_738, %dma_start3A_743] : memref<4x80xi32, #tpu.memory_space<vmem>> -> memref<1x80xi32, #tpu.memory_space<vmem>>
      %dma_start3A_745 = tpu.memref_squeeze %dma_start3A_744 : memref<1x80xi32, #tpu.memory_space<vmem>> -> memref<80xi32, #tpu.memory_space<vmem>>
      %dma_start3A_746 = tpu.memref_slice %arg2[%add3A_324] : memref<3200000xi32, #tpu.memory_space<hbm>> -> memref<80xi32, #tpu.memory_space<hbm>>
      tpu.enqueue_dma source(%dma_start3A_746 : memref<80xi32, #tpu.memory_space<hbm>>) target(%dma_start3A_745 : memref<80xi32, #tpu.memory_space<vmem>>) target_semaphore(%arg14 : memref<!tpu.dma_semaphore, #tpu.memory_space<semaphore_mem>>)
    } else {
    }
    %eq3A_330 = arith.constant 1 : i32
    %eq3A_331 = arith.cmpi eq, %arg0, %eq3A_330 : i32
    %convert_element_type3A_332 = arith.extui %eq3A_331 : i1 to i32
    %cond3A_333 = arith.constant 0 : i32
    %cond3A_334 = arith.cmpi ne, %convert_element_type3A_332, %cond3A_333 : i32
    scf.if %cond3A_334 {
      %dma_start3A_738 = arith.constant 1 : i32
      %dma_start3A_739 = arith.constant 0 : i32
      %dma_start3A_740 = tpu.memref_slice %arg8[%dma_start3A_738, %dma_start3A_739] : memref<4x80xi32, #tpu.memory_space<vmem>> -> memref<1x80xi32, #tpu.memory_space<vmem>>
      %dma_start3A_741 = tpu.memref_squeeze %dma_start3A_740 : memref<1x80xi32, #tpu.memory_space<vmem>> -> memref<80xi32, #tpu.memory_space<vmem>>
      %dma_start3A_742 = tpu.memref_slice %arg3[%add3A_324] : memref<3200000xi32, #tpu.memory_space<hbm>> -> memref<80xi32, #tpu.memory_space<hbm>>
      %dma_start3A_743 = arith.constant 0 : i32
      %dma_start3A_744 = tpu.memref_slice %arg8[%dma_start3A_738, %dma_start3A_743] : memref<4x80xi32, #tpu.memory_space<vmem>> -> memref<1x80xi32, #tpu.memory_space<vmem>>
      %dma_start3A_745 = tpu.memref_squeeze %dma_start3A_744 : memref<1x80xi32, #tpu.memory_space<vmem>> -> memref<80xi32, #tpu.memory_space<vmem>>
      %dma_start3A_746 = tpu.memref_slice %arg3[%add3A_324] : memref<3200000xi32, #tpu.memory_space<hbm>> -> memref<80xi32, #tpu.memory_space<hbm>>
      tpu.enqueue_dma source(%dma_start3A_746 : memref<80xi32, #tpu.memory_space<hbm>>) target(%dma_start3A_745 : memref<80xi32, #tpu.memory_space<vmem>>) target_semaphore(%arg14 : memref<!tpu.dma_semaphore, #tpu.memory_space<semaphore_mem>>)
    } else {
    }
    %dma_start3A_335 = arith.constant 1 : i32
    %dma_start3A_336 = arith.constant 0 : i32
    %dma_start3A_337 = tpu.memref_slice %arg9[%dma_start3A_335, %dma_start3A_336] : memref<4x80xi32, #tpu.memory_space<vmem>> -> memref<1x80xi32, #tpu.memory_space<vmem>>
    %dma_start3A_338 = tpu.memref_squeeze %dma_start3A_337 : memref<1x80xi32, #tpu.memory_space<vmem>> -> memref<80xi32, #tpu.memory_space<vmem>>
    %dma_start3A_339 = tpu.memref_slice %arg4[%add3A_324] : memref<3200000xi32, #tpu.memory_space<hbm>> -> memref<80xi32, #tpu.memory_space<hbm>>
    %dma_start3A_340 = arith.constant 0 : i32
    %dma_start3A_341 = tpu.memref_slice %arg9[%dma_start3A_335, %dma_start3A_340] : memref<4x80xi32, #tpu.memory_space<vmem>> -> memref<1x80xi32, #tpu.memory_space<vmem>>
    %dma_start3A_342 = tpu.memref_squeeze %dma_start3A_341 : memref<1x80xi32, #tpu.memory_space<vmem>> -> memref<80xi32, #tpu.memory_space<vmem>>
    %dma_start3A_343 = tpu.memref_slice %arg4[%add3A_324] : memref<3200000xi32, #tpu.memory_space<hbm>> -> memref<80xi32, #tpu.memory_space<hbm>>
    tpu.enqueue_dma source(%dma_start3A_343 : memref<80xi32, #tpu.memory_space<hbm>>) target(%dma_start3A_342 : memref<80xi32, #tpu.memory_space<vmem>>) target_semaphore(%arg14 : memref<!tpu.dma_semaphore, #tpu.memory_space<semaphore_mem>>)
    %dma_start3A_344 = arith.constant 1 : i32
    %dma_start3A_345 = arith.constant 1 : i32
    %dma_start3A_346 = arith.constant 0 : i32
    %dma_start3A_347 = arith.constant 0 : i32
    %dma_start3A_348 = tpu.memref_slice %arg11[%dma_start3A_344, %dma_start3A_346, %dma_start3A_347] : memref<4x80x16xf32, #tpu.memory_space<vmem>> -> memref<1x80x16xf32, #tpu.memory_space<vmem>>
    %dma_start3A_349 = tpu.memref_squeeze %dma_start3A_348 : memref<1x80x16xf32, #tpu.memory_space<vmem>> -> memref<80x16xf32, #tpu.memory_space<vmem>>
    %dma_start3A_350 = arith.constant 0 : i32
    %dma_start3A_351 = tpu.memref_slice %arg10[%dma_start3A_345, %dma_start3A_350] : memref<4x80xi32, #tpu.memory_space<vmem>> -> memref<1x80xi32, #tpu.memory_space<vmem>>
    %dma_start3A_352 = tpu.memref_squeeze %dma_start3A_351 : memref<1x80xi32, #tpu.memory_space<vmem>> -> memref<80xi32, #tpu.memory_space<vmem>>
    %dma_start3A_353 = arith.constant 0 : i32
    %dma_start3A_354 = arith.constant 0 : i32
    %dma_start3A_355 = tpu.memref_slice %arg25[%dma_start3A_353, %dma_start3A_354] : memref<100096x16xf32, #tpu.memory_space<vmem_shared>> -> memref<100096x16xf32, #tpu.memory_space<vmem_shared>>
    tpu.enqueue_indirect_dma source(%dma_start3A_349 : memref<80x16xf32, #tpu.memory_space<vmem>>) target(%dma_start3A_355 : memref<100096x16xf32, #tpu.memory_space<vmem_shared>>) offsets(%dma_start3A_352 : memref<80xi32, #tpu.memory_space<vmem>>) semaphore(%arg22 : memref<!tpu.dma_semaphore, #tpu.memory_space<semaphore_mem>>) {add = true}
    %dma_wait3A_356 = arith.constant 2 : i32
    %dma_wait3A_357 = arith.constant 0 : i32
    %dma_wait3A_358 = tpu.memref_slice %arg8[%dma_wait3A_356, %dma_wait3A_357] : memref<4x80xi32, #tpu.memory_space<vmem>> -> memref<1x80xi32, #tpu.memory_space<vmem>>
    %dma_wait3A_359 = tpu.memref_squeeze %dma_wait3A_358 : memref<1x80xi32, #tpu.memory_space<vmem>> -> memref<80xi32, #tpu.memory_space<vmem>>
    %dma_wait3A_360 = arith.constant 0 : i32
    %dma_wait3A_361 = tpu.memref_slice %arg2[%dma_wait3A_360] : memref<3200000xi32, #tpu.memory_space<hbm>> -> memref<80xi32, #tpu.memory_space<hbm>>
    %dma_wait3A_362 = arith.constant 0 : i32
    %dma_wait3A_363 = tpu.memref_slice %arg8[%dma_wait3A_356, %dma_wait3A_362] : memref<4x80xi32, #tpu.memory_space<vmem>> -> memref<1x80xi32, #tpu.memory_space<vmem>>
    %dma_wait3A_364 = tpu.memref_squeeze %dma_wait3A_363 : memref<1x80xi32, #tpu.memory_space<vmem>> -> memref<80xi32, #tpu.memory_space<vmem>>
    %dma_wait3A_365 = arith.constant 0 : i32
    %dma_wait3A_366 = tpu.memref_slice %arg2[%dma_wait3A_365] : memref<3200000xi32, #tpu.memory_space<hbm>> -> memref<80xi32, #tpu.memory_space<hbm>>
    tpu.wait_dma2 semaphore(%arg15 : memref<!tpu.dma_semaphore, #tpu.memory_space<semaphore_mem>>) src(%dma_wait3A_366 : memref<80xi32, #tpu.memory_space<hbm>>) dst(%dma_wait3A_364 : memref<80xi32, #tpu.memory_space<vmem>>)
    %dma_wait3A_367 = arith.constant 2 : i32
    %dma_wait3A_368 = arith.constant 0 : i32
    %dma_wait3A_369 = tpu.memref_slice %arg9[%dma_wait3A_367, %dma_wait3A_368] : memref<4x80xi32, #tpu.memory_space<vmem>> -> memref<1x80xi32, #tpu.memory_space<vmem>>
    %dma_wait3A_370 = tpu.memref_squeeze %dma_wait3A_369 : memref<1x80xi32, #tpu.memory_space<vmem>> -> memref<80xi32, #tpu.memory_space<vmem>>
    %dma_wait3A_371 = arith.constant 0 : i32
    %dma_wait3A_372 = tpu.memref_slice %arg4[%dma_wait3A_371] : memref<3200000xi32, #tpu.memory_space<hbm>> -> memref<80xi32, #tpu.memory_space<hbm>>
    %dma_wait3A_373 = arith.constant 0 : i32
    %dma_wait3A_374 = tpu.memref_slice %arg9[%dma_wait3A_367, %dma_wait3A_373] : memref<4x80xi32, #tpu.memory_space<vmem>> -> memref<1x80xi32, #tpu.memory_space<vmem>>
    %dma_wait3A_375 = tpu.memref_squeeze %dma_wait3A_374 : memref<1x80xi32, #tpu.memory_space<vmem>> -> memref<80xi32, #tpu.memory_space<vmem>>
    %dma_wait3A_376 = arith.constant 0 : i32
    %dma_wait3A_377 = tpu.memref_slice %arg4[%dma_wait3A_376] : memref<3200000xi32, #tpu.memory_space<hbm>> -> memref<80xi32, #tpu.memory_space<hbm>>
    tpu.wait_dma2 semaphore(%arg15 : memref<!tpu.dma_semaphore, #tpu.memory_space<semaphore_mem>>) src(%dma_wait3A_377 : memref<80xi32, #tpu.memory_space<hbm>>) dst(%dma_wait3A_375 : memref<80xi32, #tpu.memory_space<vmem>>)
    %dma_start3A_378 = arith.constant 2 : i32
    %dma_start3A_379 = arith.constant 2 : i32
    %dma_start3A_380 = arith.constant 0 : i32
    %dma_start3A_381 = arith.constant 0 : i32
    %dma_start3A_382 = tpu.memref_slice %arg11[%dma_start3A_379, %dma_start3A_380, %dma_start3A_381] : memref<4x80x16xf32, #tpu.memory_space<vmem>> -> memref<1x80x16xf32, #tpu.memory_space<vmem>>
    %dma_start3A_383 = tpu.memref_squeeze %dma_start3A_382 : memref<1x80x16xf32, #tpu.memory_space<vmem>> -> memref<80x16xf32, #tpu.memory_space<vmem>>
    %dma_start3A_384 = arith.constant 0 : i32
    %dma_start3A_385 = tpu.memref_slice %arg8[%dma_start3A_378, %dma_start3A_384] : memref<4x80xi32, #tpu.memory_space<vmem>> -> memref<1x80xi32, #tpu.memory_space<vmem>>
    %dma_start3A_386 = tpu.memref_squeeze %dma_start3A_385 : memref<1x80xi32, #tpu.memory_space<vmem>> -> memref<80xi32, #tpu.memory_space<vmem>>
    %dma_start3A_387 = arith.constant 0 : i32
    %dma_start3A_388 = arith.constant 0 : i32
    %dma_start3A_389 = tpu.memref_slice %arg5[%dma_start3A_387, %dma_start3A_388] : memref<200000x16xf32, #tpu.memory_space<hbm>> -> memref<200000x16xf32, #tpu.memory_space<hbm>>
    tpu.enqueue_indirect_dma source(%dma_start3A_389 : memref<200000x16xf32, #tpu.memory_space<hbm>>) target(%dma_start3A_383 : memref<80x16xf32, #tpu.memory_space<vmem>>) offsets(%dma_start3A_386 : memref<80xi32, #tpu.memory_space<vmem>>) semaphore(%arg19 : memref<!tpu.dma_semaphore, #tpu.memory_space<semaphore_mem>>)
    %dma_wait3A_390 = arith.constant 2 : i32
    %dma_wait3A_391 = arith.constant 2 : i32
    %dma_wait3A_392 = arith.constant 0 : i32
    %dma_wait3A_393 = arith.constant 0 : i32
    %dma_wait3A_394 = tpu.memref_slice %arg11[%dma_wait3A_391, %dma_wait3A_392, %dma_wait3A_393] : memref<4x80x16xf32, #tpu.memory_space<vmem>> -> memref<1x80x16xf32, #tpu.memory_space<vmem>>
    %dma_wait3A_395 = tpu.memref_squeeze %dma_wait3A_394 : memref<1x80x16xf32, #tpu.memory_space<vmem>> -> memref<80x16xf32, #tpu.memory_space<vmem>>
    %dma_wait3A_396 = arith.constant 0 : i32
    %dma_wait3A_397 = tpu.memref_slice %arg8[%dma_wait3A_390, %dma_wait3A_396] : memref<4x80xi32, #tpu.memory_space<vmem>> -> memref<1x80xi32, #tpu.memory_space<vmem>>
    %dma_wait3A_398 = tpu.memref_squeeze %dma_wait3A_397 : memref<1x80xi32, #tpu.memory_space<vmem>> -> memref<80xi32, #tpu.memory_space<vmem>>
    %dma_wait3A_399 = arith.constant 0 : i32
    %dma_wait3A_400 = arith.constant 0 : i32
    %dma_wait3A_401 = tpu.memref_slice %arg5[%dma_wait3A_399, %dma_wait3A_400] : memref<200000x16xf32, #tpu.memory_space<hbm>> -> memref<200000x16xf32, #tpu.memory_space<hbm>>
    tpu.wait_indirect_dma semaphore(%arg19 : memref<!tpu.dma_semaphore, #tpu.memory_space<semaphore_mem>>) src(%dma_wait3A_401 : memref<200000x16xf32, #tpu.memory_space<hbm>>) dst(%dma_wait3A_395 : memref<80x16xf32, #tpu.memory_space<vmem>>)
    %get3A_402 = arith.constant 2 : i32
    %get3A_403 = arith.index_cast %get3A_402 : i32 to index
    %get3A_404 = arith.constant 0 : index
    %get3A_405 = tpu.vector_load %arg9[%get3A_403, %get3A_404] {strides = array<i32>} : memref<4x80xi32, #tpu.memory_space<vmem>>, vector<1x16xi32>,
    %get3A_406 = vector.shape_cast %get3A_405 : vector<1x16xi32> to vector<16xi32>
    %swap3A_407 = arith.constant 2 : i32
    %swap3A_408 = arith.index_cast %swap3A_407 : i32 to index
    %swap3A_409 = arith.constant 0 : index
    %swap3A_410 = tpu.vector_load %arg10[%swap3A_408, %swap3A_409] {strides = array<i32>} : memref<4x80xi32, #tpu.memory_space<vmem>>, vector<1x16xi32>,
    %swap3A_411 = vector.shape_cast %swap3A_410 : vector<1x16xi32> to vector<16xi32>
    %swap3A_412 = vector.shape_cast %get3A_406 : vector<16xi32> to vector<1x16xi32>
    tpu.vector_store %arg10[%swap3A_408, %swap3A_409], %swap3A_412 {strides = array<i32>} : memref<4x80xi32, #tpu.memory_space<vmem>>, vector<1x16xi32>,
    %get3A_413 = arith.constant 2 : i32
    %get3A_414 = arith.index_cast %get3A_413 : i32 to index
    %get3A_415 = arith.constant 16 : index
    %get3A_416 = tpu.vector_load %arg9[%get3A_414, %get3A_415] {strides = array<i32>} : memref<4x80xi32, #tpu.memory_space<vmem>>, vector<1x16xi32>,
    %get3A_417 = vector.shape_cast %get3A_416 : vector<1x16xi32> to vector<16xi32>
    %swap3A_418 = arith.constant 2 : i32
    %swap3A_419 = arith.index_cast %swap3A_418 : i32 to index
    %swap3A_420 = arith.constant 16 : index
    %swap3A_421 = tpu.vector_load %arg10[%swap3A_419, %swap3A_420] {strides = array<i32>} : memref<4x80xi32, #tpu.memory_space<vmem>>, vector<1x16xi32>,
    %swap3A_422 = vector.shape_cast %swap3A_421 : vector<1x16xi32> to vector<16xi32>
    %swap3A_423 = vector.shape_cast %get3A_417 : vector<16xi32> to vector<1x16xi32>
    tpu.vector_store %arg10[%swap3A_419, %swap3A_420], %swap3A_423 {strides = array<i32>} : memref<4x80xi32, #tpu.memory_space<vmem>>, vector<1x16xi32>,
    %get3A_424 = arith.constant 2 : i32
    %get3A_425 = arith.index_cast %get3A_424 : i32 to index
    %get3A_426 = arith.constant 32 : index
    %get3A_427 = tpu.vector_load %arg9[%get3A_425, %get3A_426] {strides = array<i32>} : memref<4x80xi32, #tpu.memory_space<vmem>>, vector<1x16xi32>,
    %get3A_428 = vector.shape_cast %get3A_427 : vector<1x16xi32> to vector<16xi32>
    %swap3A_429 = arith.constant 2 : i32
    %swap3A_430 = arith.index_cast %swap3A_429 : i32 to index
    %swap3A_431 = arith.constant 32 : index
    %swap3A_432 = tpu.vector_load %arg10[%swap3A_430, %swap3A_431] {strides = array<i32>} : memref<4x80xi32, #tpu.memory_space<vmem>>, vector<1x16xi32>,
    %swap3A_433 = vector.shape_cast %swap3A_432 : vector<1x16xi32> to vector<16xi32>
    %swap3A_434 = vector.shape_cast %get3A_428 : vector<16xi32> to vector<1x16xi32>
    tpu.vector_store %arg10[%swap3A_430, %swap3A_431], %swap3A_434 {strides = array<i32>} : memref<4x80xi32, #tpu.memory_space<vmem>>, vector<1x16xi32>,
    %get3A_435 = arith.constant 2 : i32
    %get3A_436 = arith.index_cast %get3A_435 : i32 to index
    %get3A_437 = arith.constant 48 : index
    %get3A_438 = tpu.vector_load %arg9[%get3A_436, %get3A_437] {strides = array<i32>} : memref<4x80xi32, #tpu.memory_space<vmem>>, vector<1x16xi32>,
    %get3A_439 = vector.shape_cast %get3A_438 : vector<1x16xi32> to vector<16xi32>
    %swap3A_440 = arith.constant 2 : i32
    %swap3A_441 = arith.index_cast %swap3A_440 : i32 to index
    %swap3A_442 = arith.constant 48 : index
    %swap3A_443 = tpu.vector_load %arg10[%swap3A_441, %swap3A_442] {strides = array<i32>} : memref<4x80xi32, #tpu.memory_space<vmem>>, vector<1x16xi32>,
    %swap3A_444 = vector.shape_cast %swap3A_443 : vector<1x16xi32> to vector<16xi32>
    %swap3A_445 = vector.shape_cast %get3A_439 : vector<16xi32> to vector<1x16xi32>
    tpu.vector_store %arg10[%swap3A_441, %swap3A_442], %swap3A_445 {strides = array<i32>} : memref<4x80xi32, #tpu.memory_space<vmem>>, vector<1x16xi32>,
    %get3A_446 = arith.constant 2 : i32
    %get3A_447 = arith.index_cast %get3A_446 : i32 to index
    %get3A_448 = arith.constant 64 : index
    %get3A_449 = tpu.vector_load %arg9[%get3A_447, %get3A_448] {strides = array<i32>} : memref<4x80xi32, #tpu.memory_space<vmem>>, vector<1x16xi32>,
    %get3A_450 = vector.shape_cast %get3A_449 : vector<1x16xi32> to vector<16xi32>
    %swap3A_451 = arith.constant 2 : i32
    %swap3A_452 = arith.index_cast %swap3A_451 : i32 to index
    %swap3A_453 = arith.constant 64 : index
    %swap3A_454 = tpu.vector_load %arg10[%swap3A_452, %swap3A_453] {strides = array<i32>} : memref<4x80xi32, #tpu.memory_space<vmem>>, vector<1x16xi32>,
    %swap3A_455 = vector.shape_cast %swap3A_454 : vector<1x16xi32> to vector<16xi32>
    %swap3A_456 = vector.shape_cast %get3A_450 : vector<16xi32> to vector<1x16xi32>
    tpu.vector_store %arg10[%swap3A_452, %swap3A_453], %swap3A_456 {strides = array<i32>} : memref<4x80xi32, #tpu.memory_space<vmem>>, vector<1x16xi32>,
    %add3A_457 = arith.constant 480 : i32
    %add3A_458 = arith.addi %mul3A_10, %add3A_457 : i32
    %eq3A_459 = arith.constant 0 : i32
    %eq3A_460 = arith.cmpi eq, %arg0, %eq3A_459 : i32
    %convert_element_type3A_461 = arith.extui %eq3A_460 : i1 to i32
    %cond3A_462 = arith.constant 0 : i32
    %cond3A_463 = arith.cmpi ne, %convert_element_type3A_461, %cond3A_462 : i32
    scf.if %cond3A_463 {
      %dma_start3A_738 = arith.constant 2 : i32
      %dma_start3A_739 = arith.constant 0 : i32
      %dma_start3A_740 = tpu.memref_slice %arg8[%dma_start3A_738, %dma_start3A_739] : memref<4x80xi32, #tpu.memory_space<vmem>> -> memref<1x80xi32, #tpu.memory_space<vmem>>
      %dma_start3A_741 = tpu.memref_squeeze %dma_start3A_740 : memref<1x80xi32, #tpu.memory_space<vmem>> -> memref<80xi32, #tpu.memory_space<vmem>>
      %dma_start3A_742 = tpu.memref_slice %arg2[%add3A_458] : memref<3200000xi32, #tpu.memory_space<hbm>> -> memref<80xi32, #tpu.memory_space<hbm>>
      %dma_start3A_743 = arith.constant 0 : i32
      %dma_start3A_744 = tpu.memref_slice %arg8[%dma_start3A_738, %dma_start3A_743] : memref<4x80xi32, #tpu.memory_space<vmem>> -> memref<1x80xi32, #tpu.memory_space<vmem>>
      %dma_start3A_745 = tpu.memref_squeeze %dma_start3A_744 : memref<1x80xi32, #tpu.memory_space<vmem>> -> memref<80xi32, #tpu.memory_space<vmem>>
      %dma_start3A_746 = tpu.memref_slice %arg2[%add3A_458] : memref<3200000xi32, #tpu.memory_space<hbm>> -> memref<80xi32, #tpu.memory_space<hbm>>
      tpu.enqueue_dma source(%dma_start3A_746 : memref<80xi32, #tpu.memory_space<hbm>>) target(%dma_start3A_745 : memref<80xi32, #tpu.memory_space<vmem>>) target_semaphore(%arg15 : memref<!tpu.dma_semaphore, #tpu.memory_space<semaphore_mem>>)
    } else {
    }
    %eq3A_464 = arith.constant 1 : i32
    %eq3A_465 = arith.cmpi eq, %arg0, %eq3A_464 : i32
    %convert_element_type3A_466 = arith.extui %eq3A_465 : i1 to i32
    %cond3A_467 = arith.constant 0 : i32
    %cond3A_468 = arith.cmpi ne, %convert_element_type3A_466, %cond3A_467 : i32
    scf.if %cond3A_468 {
      %dma_start3A_738 = arith.constant 2 : i32
      %dma_start3A_739 = arith.constant 0 : i32
      %dma_start3A_740 = tpu.memref_slice %arg8[%dma_start3A_738, %dma_start3A_739] : memref<4x80xi32, #tpu.memory_space<vmem>> -> memref<1x80xi32, #tpu.memory_space<vmem>>
      %dma_start3A_741 = tpu.memref_squeeze %dma_start3A_740 : memref<1x80xi32, #tpu.memory_space<vmem>> -> memref<80xi32, #tpu.memory_space<vmem>>
      %dma_start3A_742 = tpu.memref_slice %arg3[%add3A_458] : memref<3200000xi32, #tpu.memory_space<hbm>> -> memref<80xi32, #tpu.memory_space<hbm>>
      %dma_start3A_743 = arith.constant 0 : i32
      %dma_start3A_744 = tpu.memref_slice %arg8[%dma_start3A_738, %dma_start3A_743] : memref<4x80xi32, #tpu.memory_space<vmem>> -> memref<1x80xi32, #tpu.memory_space<vmem>>
      %dma_start3A_745 = tpu.memref_squeeze %dma_start3A_744 : memref<1x80xi32, #tpu.memory_space<vmem>> -> memref<80xi32, #tpu.memory_space<vmem>>
      %dma_start3A_746 = tpu.memref_slice %arg3[%add3A_458] : memref<3200000xi32, #tpu.memory_space<hbm>> -> memref<80xi32, #tpu.memory_space<hbm>>
      tpu.enqueue_dma source(%dma_start3A_746 : memref<80xi32, #tpu.memory_space<hbm>>) target(%dma_start3A_745 : memref<80xi32, #tpu.memory_space<vmem>>) target_semaphore(%arg15 : memref<!tpu.dma_semaphore, #tpu.memory_space<semaphore_mem>>)
    } else {
    }
    %dma_start3A_469 = arith.constant 2 : i32
    %dma_start3A_470 = arith.constant 0 : i32
    %dma_start3A_471 = tpu.memref_slice %arg9[%dma_start3A_469, %dma_start3A_470] : memref<4x80xi32, #tpu.memory_space<vmem>> -> memref<1x80xi32, #tpu.memory_space<vmem>>
    %dma_start3A_472 = tpu.memref_squeeze %dma_start3A_471 : memref<1x80xi32, #tpu.memory_space<vmem>> -> memref<80xi32, #tpu.memory_space<vmem>>
    %dma_start3A_473 = tpu.memref_slice %arg4[%add3A_458] : memref<3200000xi32, #tpu.memory_space<hbm>> -> memref<80xi32, #tpu.memory_space<hbm>>
    %dma_start3A_474 = arith.constant 0 : i32
    %dma_start3A_475 = tpu.memref_slice %arg9[%dma_start3A_469, %dma_start3A_474] : memref<4x80xi32, #tpu.memory_space<vmem>> -> memref<1x80xi32, #tpu.memory_space<vmem>>
    %dma_start3A_476 = tpu.memref_squeeze %dma_start3A_475 : memref<1x80xi32, #tpu.memory_space<vmem>> -> memref<80xi32, #tpu.memory_space<vmem>>
    %dma_start3A_477 = tpu.memref_slice %arg4[%add3A_458] : memref<3200000xi32, #tpu.memory_space<hbm>> -> memref<80xi32, #tpu.memory_space<hbm>>
    tpu.enqueue_dma source(%dma_start3A_477 : memref<80xi32, #tpu.memory_space<hbm>>) target(%dma_start3A_476 : memref<80xi32, #tpu.memory_space<vmem>>) target_semaphore(%arg15 : memref<!tpu.dma_semaphore, #tpu.memory_space<semaphore_mem>>)
    %dma_start3A_478 = arith.constant 2 : i32
    %dma_start3A_479 = arith.constant 2 : i32
    %dma_start3A_480 = arith.constant 0 : i32
    %dma_start3A_481 = arith.constant 0 : i32
    %dma_start3A_482 = tpu.memref_slice %arg11[%dma_start3A_478, %dma_start3A_480, %dma_start3A_481] : memref<4x80x16xf32, #tpu.memory_space<vmem>> -> memref<1x80x16xf32, #tpu.memory_space<vmem>>
    %dma_start3A_483 = tpu.memref_squeeze %dma_start3A_482 : memref<1x80x16xf32, #tpu.memory_space<vmem>> -> memref<80x16xf32, #tpu.memory_space<vmem>>
    %dma_start3A_484 = arith.constant 0 : i32
    %dma_start3A_485 = tpu.memref_slice %arg10[%dma_start3A_479, %dma_start3A_484] : memref<4x80xi32, #tpu.memory_space<vmem>> -> memref<1x80xi32, #tpu.memory_space<vmem>>
    %dma_start3A_486 = tpu.memref_squeeze %dma_start3A_485 : memref<1x80xi32, #tpu.memory_space<vmem>> -> memref<80xi32, #tpu.memory_space<vmem>>
    %dma_start3A_487 = arith.constant 0 : i32
    %dma_start3A_488 = arith.constant 0 : i32
    %dma_start3A_489 = tpu.memref_slice %arg25[%dma_start3A_487, %dma_start3A_488] : memref<100096x16xf32, #tpu.memory_space<vmem_shared>> -> memref<100096x16xf32, #tpu.memory_space<vmem_shared>>
    tpu.enqueue_indirect_dma source(%dma_start3A_483 : memref<80x16xf32, #tpu.memory_space<vmem>>) target(%dma_start3A_489 : memref<100096x16xf32, #tpu.memory_space<vmem_shared>>) offsets(%dma_start3A_486 : memref<80xi32, #tpu.memory_space<vmem>>) semaphore(%arg23 : memref<!tpu.dma_semaphore, #tpu.memory_space<semaphore_mem>>) {add = true}
    %dma_wait3A_490 = arith.constant 3 : i32
    %dma_wait3A_491 = arith.constant 0 : i32
    %dma_wait3A_492 = tpu.memref_slice %arg8[%dma_wait3A_490, %dma_wait3A_491] : memref<4x80xi32, #tpu.memory_space<vmem>> -> memref<1x80xi32, #tpu.memory_space<vmem>>
    %dma_wait3A_493 = tpu.memref_squeeze %dma_wait3A_492 : memref<1x80xi32, #tpu.memory_space<vmem>> -> memref<80xi32, #tpu.memory_space<vmem>>
    %dma_wait3A_494 = arith.constant 0 : i32
    %dma_wait3A_495 = tpu.memref_slice %arg2[%dma_wait3A_494] : memref<3200000xi32, #tpu.memory_space<hbm>> -> memref<80xi32, #tpu.memory_space<hbm>>
    %dma_wait3A_496 = arith.constant 0 : i32
    %dma_wait3A_497 = tpu.memref_slice %arg8[%dma_wait3A_490, %dma_wait3A_496] : memref<4x80xi32, #tpu.memory_space<vmem>> -> memref<1x80xi32, #tpu.memory_space<vmem>>
    %dma_wait3A_498 = tpu.memref_squeeze %dma_wait3A_497 : memref<1x80xi32, #tpu.memory_space<vmem>> -> memref<80xi32, #tpu.memory_space<vmem>>
    %dma_wait3A_499 = arith.constant 0 : i32
    %dma_wait3A_500 = tpu.memref_slice %arg2[%dma_wait3A_499] : memref<3200000xi32, #tpu.memory_space<hbm>> -> memref<80xi32, #tpu.memory_space<hbm>>
    tpu.wait_dma2 semaphore(%arg16 : memref<!tpu.dma_semaphore, #tpu.memory_space<semaphore_mem>>) src(%dma_wait3A_500 : memref<80xi32, #tpu.memory_space<hbm>>) dst(%dma_wait3A_498 : memref<80xi32, #tpu.memory_space<vmem>>)
    %dma_wait3A_501 = arith.constant 3 : i32
    %dma_wait3A_502 = arith.constant 0 : i32
    %dma_wait3A_503 = tpu.memref_slice %arg9[%dma_wait3A_501, %dma_wait3A_502] : memref<4x80xi32, #tpu.memory_space<vmem>> -> memref<1x80xi32, #tpu.memory_space<vmem>>
    %dma_wait3A_504 = tpu.memref_squeeze %dma_wait3A_503 : memref<1x80xi32, #tpu.memory_space<vmem>> -> memref<80xi32, #tpu.memory_space<vmem>>
    %dma_wait3A_505 = arith.constant 0 : i32
    %dma_wait3A_506 = tpu.memref_slice %arg4[%dma_wait3A_505] : memref<3200000xi32, #tpu.memory_space<hbm>> -> memref<80xi32, #tpu.memory_space<hbm>>
    %dma_wait3A_507 = arith.constant 0 : i32
    %dma_wait3A_508 = tpu.memref_slice %arg9[%dma_wait3A_501, %dma_wait3A_507] : memref<4x80xi32, #tpu.memory_space<vmem>> -> memref<1x80xi32, #tpu.memory_space<vmem>>
    %dma_wait3A_509 = tpu.memref_squeeze %dma_wait3A_508 : memref<1x80xi32, #tpu.memory_space<vmem>> -> memref<80xi32, #tpu.memory_space<vmem>>
    %dma_wait3A_510 = arith.constant 0 : i32
    %dma_wait3A_511 = tpu.memref_slice %arg4[%dma_wait3A_510] : memref<3200000xi32, #tpu.memory_space<hbm>> -> memref<80xi32, #tpu.memory_space<hbm>>
    tpu.wait_dma2 semaphore(%arg16 : memref<!tpu.dma_semaphore, #tpu.memory_space<semaphore_mem>>) src(%dma_wait3A_511 : memref<80xi32, #tpu.memory_space<hbm>>) dst(%dma_wait3A_509 : memref<80xi32, #tpu.memory_space<vmem>>)
    %dma_start3A_512 = arith.constant 3 : i32
    %dma_start3A_513 = arith.constant 3 : i32
    %dma_start3A_514 = arith.constant 0 : i32
    %dma_start3A_515 = arith.constant 0 : i32
    %dma_start3A_516 = tpu.memref_slice %arg11[%dma_start3A_513, %dma_start3A_514, %dma_start3A_515] : memref<4x80x16xf32, #tpu.memory_space<vmem>> -> memref<1x80x16xf32, #tpu.memory_space<vmem>>
    %dma_start3A_517 = tpu.memref_squeeze %dma_start3A_516 : memref<1x80x16xf32, #tpu.memory_space<vmem>> -> memref<80x16xf32, #tpu.memory_space<vmem>>
    %dma_start3A_518 = arith.constant 0 : i32
    %dma_start3A_519 = tpu.memref_slice %arg8[%dma_start3A_512, %dma_start3A_518] : memref<4x80xi32, #tpu.memory_space<vmem>> -> memref<1x80xi32, #tpu.memory_space<vmem>>
    %dma_start3A_520 = tpu.memref_squeeze %dma_start3A_519 : memref<1x80xi32, #tpu.memory_space<vmem>> -> memref<80xi32, #tpu.memory_space<vmem>>
    %dma_start3A_521 = arith.constant 0 : i32
    %dma_start3A_522 = arith.constant 0 : i32
    %dma_start3A_523 = tpu.memref_slice %arg5[%dma_start3A_521, %dma_start3A_522] : memref<200000x16xf32, #tpu.memory_space<hbm>> -> memref<200000x16xf32, #tpu.memory_space<hbm>>
    tpu.enqueue_indirect_dma source(%dma_start3A_523 : memref<200000x16xf32, #tpu.memory_space<hbm>>) target(%dma_start3A_517 : memref<80x16xf32, #tpu.memory_space<vmem>>) offsets(%dma_start3A_520 : memref<80xi32, #tpu.memory_space<vmem>>) semaphore(%arg20 : memref<!tpu.dma_semaphore, #tpu.memory_space<semaphore_mem>>)
    %dma_wait3A_524 = arith.constant 3 : i32
    %dma_wait3A_525 = arith.constant 3 : i32
    %dma_wait3A_526 = arith.constant 0 : i32
    %dma_wait3A_527 = arith.constant 0 : i32
    %dma_wait3A_528 = tpu.memref_slice %arg11[%dma_wait3A_525, %dma_wait3A_526, %dma_wait3A_527] : memref<4x80x16xf32, #tpu.memory_space<vmem>> -> memref<1x80x16xf32, #tpu.memory_space<vmem>>
    %dma_wait3A_529 = tpu.memref_squeeze %dma_wait3A_528 : memref<1x80x16xf32, #tpu.memory_space<vmem>> -> memref<80x16xf32, #tpu.memory_space<vmem>>
    %dma_wait3A_530 = arith.constant 0 : i32
    %dma_wait3A_531 = tpu.memref_slice %arg8[%dma_wait3A_524, %dma_wait3A_530] : memref<4x80xi32, #tpu.memory_space<vmem>> -> memref<1x80xi32, #tpu.memory_space<vmem>>
    %dma_wait3A_532 = tpu.memref_squeeze %dma_wait3A_531 : memref<1x80xi32, #tpu.memory_space<vmem>> -> memref<80xi32, #tpu.memory_space<vmem>>
    %dma_wait3A_533 = arith.constant 0 : i32
    %dma_wait3A_534 = arith.constant 0 : i32
    %dma_wait3A_535 = tpu.memref_slice %arg5[%dma_wait3A_533, %dma_wait3A_534] : memref<200000x16xf32, #tpu.memory_space<hbm>> -> memref<200000x16xf32, #tpu.memory_space<hbm>>
    tpu.wait_indirect_dma semaphore(%arg20 : memref<!tpu.dma_semaphore, #tpu.memory_space<semaphore_mem>>) src(%dma_wait3A_535 : memref<200000x16xf32, #tpu.memory_space<hbm>>) dst(%dma_wait3A_529 : memref<80x16xf32, #tpu.memory_space<vmem>>)
    %get3A_536 = arith.constant 3 : i32
    %get3A_537 = arith.index_cast %get3A_536 : i32 to index
    %get3A_538 = arith.constant 0 : index
    %get3A_539 = tpu.vector_load %arg9[%get3A_537, %get3A_538] {strides = array<i32>} : memref<4x80xi32, #tpu.memory_space<vmem>>, vector<1x16xi32>,
    %get3A_540 = vector.shape_cast %get3A_539 : vector<1x16xi32> to vector<16xi32>
    %swap3A_541 = arith.constant 3 : i32
    %swap3A_542 = arith.index_cast %swap3A_541 : i32 to index
    %swap3A_543 = arith.constant 0 : index
    %swap3A_544 = tpu.vector_load %arg10[%swap3A_542, %swap3A_543] {strides = array<i32>} : memref<4x80xi32, #tpu.memory_space<vmem>>, vector<1x16xi32>,
    %swap3A_545 = vector.shape_cast %swap3A_544 : vector<1x16xi32> to vector<16xi32>
    %swap3A_546 = vector.shape_cast %get3A_540 : vector<16xi32> to vector<1x16xi32>
    tpu.vector_store %arg10[%swap3A_542, %swap3A_543], %swap3A_546 {strides = array<i32>} : memref<4x80xi32, #tpu.memory_space<vmem>>, vector<1x16xi32>,
    %get3A_547 = arith.constant 3 : i32
    %get3A_548 = arith.index_cast %get3A_547 : i32 to index
    %get3A_549 = arith.constant 16 : index
    %get3A_550 = tpu.vector_load %arg9[%get3A_548, %get3A_549] {strides = array<i32>} : memref<4x80xi32, #tpu.memory_space<vmem>>, vector<1x16xi32>,
    %get3A_551 = vector.shape_cast %get3A_550 : vector<1x16xi32> to vector<16xi32>
    %swap3A_552 = arith.constant 3 : i32
    %swap3A_553 = arith.index_cast %swap3A_552 : i32 to index
    %swap3A_554 = arith.constant 16 : index
    %swap3A_555 = tpu.vector_load %arg10[%swap3A_553, %swap3A_554] {strides = array<i32>} : memref<4x80xi32, #tpu.memory_space<vmem>>, vector<1x16xi32>,
    %swap3A_556 = vector.shape_cast %swap3A_555 : vector<1x16xi32> to vector<16xi32>
    %swap3A_557 = vector.shape_cast %get3A_551 : vector<16xi32> to vector<1x16xi32>
    tpu.vector_store %arg10[%swap3A_553, %swap3A_554], %swap3A_557 {strides = array<i32>} : memref<4x80xi32, #tpu.memory_space<vmem>>, vector<1x16xi32>,
    %get3A_558 = arith.constant 3 : i32
    %get3A_559 = arith.index_cast %get3A_558 : i32 to index
    %get3A_560 = arith.constant 32 : index
    %get3A_561 = tpu.vector_load %arg9[%get3A_559, %get3A_560] {strides = array<i32>} : memref<4x80xi32, #tpu.memory_space<vmem>>, vector<1x16xi32>,
    %get3A_562 = vector.shape_cast %get3A_561 : vector<1x16xi32> to vector<16xi32>
    %swap3A_563 = arith.constant 3 : i32
    %swap3A_564 = arith.index_cast %swap3A_563 : i32 to index
    %swap3A_565 = arith.constant 32 : index
    %swap3A_566 = tpu.vector_load %arg10[%swap3A_564, %swap3A_565] {strides = array<i32>} : memref<4x80xi32, #tpu.memory_space<vmem>>, vector<1x16xi32>,
    %swap3A_567 = vector.shape_cast %swap3A_566 : vector<1x16xi32> to vector<16xi32>
    %swap3A_568 = vector.shape_cast %get3A_562 : vector<16xi32> to vector<1x16xi32>
    tpu.vector_store %arg10[%swap3A_564, %swap3A_565], %swap3A_568 {strides = array<i32>} : memref<4x80xi32, #tpu.memory_space<vmem>>, vector<1x16xi32>,
    %get3A_569 = arith.constant 3 : i32
    %get3A_570 = arith.index_cast %get3A_569 : i32 to index
    %get3A_571 = arith.constant 48 : index
    %get3A_572 = tpu.vector_load %arg9[%get3A_570, %get3A_571] {strides = array<i32>} : memref<4x80xi32, #tpu.memory_space<vmem>>, vector<1x16xi32>,
    %get3A_573 = vector.shape_cast %get3A_572 : vector<1x16xi32> to vector<16xi32>
    %swap3A_574 = arith.constant 3 : i32
    %swap3A_575 = arith.index_cast %swap3A_574 : i32 to index
    %swap3A_576 = arith.constant 48 : index
    %swap3A_577 = tpu.vector_load %arg10[%swap3A_575, %swap3A_576] {strides = array<i32>} : memref<4x80xi32, #tpu.memory_space<vmem>>, vector<1x16xi32>,
    %swap3A_578 = vector.shape_cast %swap3A_577 : vector<1x16xi32> to vector<16xi32>
    %swap3A_579 = vector.shape_cast %get3A_573 : vector<16xi32> to vector<1x16xi32>
    tpu.vector_store %arg10[%swap3A_575, %swap3A_576], %swap3A_579 {strides = array<i32>} : memref<4x80xi32, #tpu.memory_space<vmem>>, vector<1x16xi32>,
    %get3A_580 = arith.constant 3 : i32
    %get3A_581 = arith.index_cast %get3A_580 : i32 to index
    %get3A_582 = arith.constant 64 : index
    %get3A_583 = tpu.vector_load %arg9[%get3A_581, %get3A_582] {strides = array<i32>} : memref<4x80xi32, #tpu.memory_space<vmem>>, vector<1x16xi32>,
    %get3A_584 = vector.shape_cast %get3A_583 : vector<1x16xi32> to vector<16xi32>
    %swap3A_585 = arith.constant 3 : i32
    %swap3A_586 = arith.index_cast %swap3A_585 : i32 to index
    %swap3A_587 = arith.constant 64 : index
    %swap3A_588 = tpu.vector_load %arg10[%swap3A_586, %swap3A_587] {strides = array<i32>} : memref<4x80xi32, #tpu.memory_space<vmem>>, vector<1x16xi32>,
    %swap3A_589 = vector.shape_cast %swap3A_588 : vector<1x16xi32> to vector<16xi32>
    %swap3A_590 = vector.shape_cast %get3A_584 : vector<16xi32> to vector<1x16xi32>
    tpu.vector_store %arg10[%swap3A_586, %swap3A_587], %swap3A_590 {strides = array<i32>} : memref<4x80xi32, #tpu.memory_space<vmem>>, vector<1x16xi32>,
    %add3A_591 = arith.constant 560 : i32
    %add3A_592 = arith.addi %mul3A_10, %add3A_591 : i32
    %eq3A_593 = arith.constant 0 : i32
    %eq3A_594 = arith.cmpi eq, %arg0, %eq3A_593 : i32
    %convert_element_type3A_595 = arith.extui %eq3A_594 : i1 to i32
    %cond3A_596 = arith.constant 0 : i32
    %cond3A_597 = arith.cmpi ne, %convert_element_type3A_595, %cond3A_596 : i32
    scf.if %cond3A_597 {
      %dma_start3A_738 = arith.constant 3 : i32
      %dma_start3A_739 = arith.constant 0 : i32
      %dma_start3A_740 = tpu.memref_slice %arg8[%dma_start3A_738, %dma_start3A_739] : memref<4x80xi32, #tpu.memory_space<vmem>> -> memref<1x80xi32, #tpu.memory_space<vmem>>
      %dma_start3A_741 = tpu.memref_squeeze %dma_start3A_740 : memref<1x80xi32, #tpu.memory_space<vmem>> -> memref<80xi32, #tpu.memory_space<vmem>>
      %dma_start3A_742 = tpu.memref_slice %arg2[%add3A_592] : memref<3200000xi32, #tpu.memory_space<hbm>> -> memref<80xi32, #tpu.memory_space<hbm>>
      %dma_start3A_743 = arith.constant 0 : i32
      %dma_start3A_744 = tpu.memref_slice %arg8[%dma_start3A_738, %dma_start3A_743] : memref<4x80xi32, #tpu.memory_space<vmem>> -> memref<1x80xi32, #tpu.memory_space<vmem>>
      %dma_start3A_745 = tpu.memref_squeeze %dma_start3A_744 : memref<1x80xi32, #tpu.memory_space<vmem>> -> memref<80xi32, #tpu.memory_space<vmem>>
      %dma_start3A_746 = tpu.memref_slice %arg2[%add3A_592] : memref<3200000xi32, #tpu.memory_space<hbm>> -> memref<80xi32, #tpu.memory_space<hbm>>
      tpu.enqueue_dma source(%dma_start3A_746 : memref<80xi32, #tpu.memory_space<hbm>>) target(%dma_start3A_745 : memref<80xi32, #tpu.memory_space<vmem>>) target_semaphore(%arg16 : memref<!tpu.dma_semaphore, #tpu.memory_space<semaphore_mem>>)
    } else {
    }
    %eq3A_598 = arith.constant 1 : i32
    %eq3A_599 = arith.cmpi eq, %arg0, %eq3A_598 : i32
    %convert_element_type3A_600 = arith.extui %eq3A_599 : i1 to i32
    %cond3A_601 = arith.constant 0 : i32
    %cond3A_602 = arith.cmpi ne, %convert_element_type3A_600, %cond3A_601 : i32
    scf.if %cond3A_602 {
      %dma_start3A_738 = arith.constant 3 : i32
      %dma_start3A_739 = arith.constant 0 : i32
      %dma_start3A_740 = tpu.memref_slice %arg8[%dma_start3A_738, %dma_start3A_739] : memref<4x80xi32, #tpu.memory_space<vmem>> -> memref<1x80xi32, #tpu.memory_space<vmem>>
      %dma_start3A_741 = tpu.memref_squeeze %dma_start3A_740 : memref<1x80xi32, #tpu.memory_space<vmem>> -> memref<80xi32, #tpu.memory_space<vmem>>
      %dma_start3A_742 = tpu.memref_slice %arg3[%add3A_592] : memref<3200000xi32, #tpu.memory_space<hbm>> -> memref<80xi32, #tpu.memory_space<hbm>>
      %dma_start3A_743 = arith.constant 0 : i32
      %dma_start3A_744 = tpu.memref_slice %arg8[%dma_start3A_738, %dma_start3A_743] : memref<4x80xi32, #tpu.memory_space<vmem>> -> memref<1x80xi32, #tpu.memory_space<vmem>>
      %dma_start3A_745 = tpu.memref_squeeze %dma_start3A_744 : memref<1x80xi32, #tpu.memory_space<vmem>> -> memref<80xi32, #tpu.memory_space<vmem>>
      %dma_start3A_746 = tpu.memref_slice %arg3[%add3A_592] : memref<3200000xi32, #tpu.memory_space<hbm>> -> memref<80xi32, #tpu.memory_space<hbm>>
      tpu.enqueue_dma source(%dma_start3A_746 : memref<80xi32, #tpu.memory_space<hbm>>) target(%dma_start3A_745 : memref<80xi32, #tpu.memory_space<vmem>>) target_semaphore(%arg16 : memref<!tpu.dma_semaphore, #tpu.memory_space<semaphore_mem>>)
    } else {
    }
    %dma_start3A_603 = arith.constant 3 : i32
    %dma_start3A_604 = arith.constant 0 : i32
    %dma_start3A_605 = tpu.memref_slice %arg9[%dma_start3A_603, %dma_start3A_604] : memref<4x80xi32, #tpu.memory_space<vmem>> -> memref<1x80xi32, #tpu.memory_space<vmem>>
    %dma_start3A_606 = tpu.memref_squeeze %dma_start3A_605 : memref<1x80xi32, #tpu.memory_space<vmem>> -> memref<80xi32, #tpu.memory_space<vmem>>
    %dma_start3A_607 = tpu.memref_slice %arg4[%add3A_592] : memref<3200000xi32, #tpu.memory_space<hbm>> -> memref<80xi32, #tpu.memory_space<hbm>>
    %dma_start3A_608 = arith.constant 0 : i32
    %dma_start3A_609 = tpu.memref_slice %arg9[%dma_start3A_603, %dma_start3A_608] : memref<4x80xi32, #tpu.memory_space<vmem>> -> memref<1x80xi32, #tpu.memory_space<vmem>>
    %dma_start3A_610 = tpu.memref_squeeze %dma_start3A_609 : memref<1x80xi32, #tpu.memory_space<vmem>> -> memref<80xi32, #tpu.memory_space<vmem>>
    %dma_start3A_611 = tpu.memref_slice %arg4[%add3A_592] : memref<3200000xi32, #tpu.memory_space<hbm>> -> memref<80xi32, #tpu.memory_space<hbm>>
    tpu.enqueue_dma source(%dma_start3A_611 : memref<80xi32, #tpu.memory_space<hbm>>) target(%dma_start3A_610 : memref<80xi32, #tpu.memory_space<vmem>>) target_semaphore(%arg16 : memref<!tpu.dma_semaphore, #tpu.memory_space<semaphore_mem>>)
    %dma_start3A_612 = arith.constant 3 : i32
    %dma_start3A_613 = arith.constant 3 : i32
    %dma_start3A_614 = arith.constant 0 : i32
    %dma_start3A_615 = arith.constant 0 : i32
    %dma_start3A_616 = tpu.memref_slice %arg11[%dma_start3A_612, %dma_start3A_614, %dma_start3A_615] : memref<4x80x16xf32, #tpu.memory_space<vmem>> -> memref<1x80x16xf32, #tpu.memory_space<vmem>>
    %dma_start3A_617 = tpu.memref_squeeze %dma_start3A_616 : memref<1x80x16xf32, #tpu.memory_space<vmem>> -> memref<80x16xf32, #tpu.memory_space<vmem>>
    %dma_start3A_618 = arith.constant 0 : i32
    %dma_start3A_619 = tpu.memref_slice %arg10[%dma_start3A_613, %dma_start3A_618] : memref<4x80xi32, #tpu.memory_space<vmem>> -> memref<1x80xi32, #tpu.memory_space<vmem>>
    %dma_start3A_620 = tpu.memref_squeeze %dma_start3A_619 : memref<1x80xi32, #tpu.memory_space<vmem>> -> memref<80xi32, #tpu.memory_space<vmem>>
    %dma_start3A_621 = arith.constant 0 : i32
    %dma_start3A_622 = arith.constant 0 : i32
    %dma_start3A_623 = tpu.memref_slice %arg25[%dma_start3A_621, %dma_start3A_622] : memref<100096x16xf32, #tpu.memory_space<vmem_shared>> -> memref<100096x16xf32, #tpu.memory_space<vmem_shared>>
    tpu.enqueue_indirect_dma source(%dma_start3A_617 : memref<80x16xf32, #tpu.memory_space<vmem>>) target(%dma_start3A_623 : memref<100096x16xf32, #tpu.memory_space<vmem_shared>>) offsets(%dma_start3A_620 : memref<80xi32, #tpu.memory_space<vmem>>) semaphore(%arg24 : memref<!tpu.dma_semaphore, #tpu.memory_space<semaphore_mem>>) {add = true}
    %dma_wait3A_624 = arith.constant 0 : i32
    %dma_wait3A_625 = arith.constant 0 : i32
    %dma_wait3A_626 = tpu.memref_slice %arg8[%dma_wait3A_624, %dma_wait3A_625] : memref<4x80xi32, #tpu.memory_space<vmem>> -> memref<1x80xi32, #tpu.memory_space<vmem>>
    %dma_wait3A_627 = tpu.memref_squeeze %dma_wait3A_626 : memref<1x80xi32, #tpu.memory_space<vmem>> -> memref<80xi32, #tpu.memory_space<vmem>>
    %dma_wait3A_628 = arith.constant 0 : i32
    %dma_wait3A_629 = tpu.memref_slice %arg2[%dma_wait3A_628] : memref<3200000xi32, #tpu.memory_space<hbm>> -> memref<80xi32, #tpu.memory_space<hbm>>
    %dma_wait3A_630 = arith.constant 0 : i32
    %dma_wait3A_631 = tpu.memref_slice %arg8[%dma_wait3A_624, %dma_wait3A_630] : memref<4x80xi32, #tpu.memory_space<vmem>> -> memref<1x80xi32, #tpu.memory_space<vmem>>
    %dma_wait3A_632 = tpu.memref_squeeze %dma_wait3A_631 : memref<1x80xi32, #tpu.memory_space<vmem>> -> memref<80xi32, #tpu.memory_space<vmem>>
    %dma_wait3A_633 = arith.constant 0 : i32
    %dma_wait3A_634 = tpu.memref_slice %arg2[%dma_wait3A_633] : memref<3200000xi32, #tpu.memory_space<hbm>> -> memref<80xi32, #tpu.memory_space<hbm>>
    tpu.wait_dma2 semaphore(%arg13 : memref<!tpu.dma_semaphore, #tpu.memory_space<semaphore_mem>>) src(%dma_wait3A_634 : memref<80xi32, #tpu.memory_space<hbm>>) dst(%dma_wait3A_632 : memref<80xi32, #tpu.memory_space<vmem>>)
    %dma_wait3A_635 = arith.constant 0 : i32
    %dma_wait3A_636 = arith.constant 0 : i32
    %dma_wait3A_637 = tpu.memref_slice %arg9[%dma_wait3A_635, %dma_wait3A_636] : memref<4x80xi32, #tpu.memory_space<vmem>> -> memref<1x80xi32, #tpu.memory_space<vmem>>
    %dma_wait3A_638 = tpu.memref_squeeze %dma_wait3A_637 : memref<1x80xi32, #tpu.memory_space<vmem>> -> memref<80xi32, #tpu.memory_space<vmem>>
    %dma_wait3A_639 = arith.constant 0 : i32
    %dma_wait3A_640 = tpu.memref_slice %arg4[%dma_wait3A_639] : memref<3200000xi32, #tpu.memory_space<hbm>> -> memref<80xi32, #tpu.memory_space<hbm>>
    %dma_wait3A_641 = arith.constant 0 : i32
    %dma_wait3A_642 = tpu.memref_slice %arg9[%dma_wait3A_635, %dma_wait3A_641] : memref<4x80xi32, #tpu.memory_space<vmem>> -> memref<1x80xi32, #tpu.memory_space<vmem>>
    %dma_wait3A_643 = tpu.memref_squeeze %dma_wait3A_642 : memref<1x80xi32, #tpu.memory_space<vmem>> -> memref<80xi32, #tpu.memory_space<vmem>>
    %dma_wait3A_644 = arith.constant 0 : i32
    %dma_wait3A_645 = tpu.memref_slice %arg4[%dma_wait3A_644] : memref<3200000xi32, #tpu.memory_space<hbm>> -> memref<80xi32, #tpu.memory_space<hbm>>
    tpu.wait_dma2 semaphore(%arg13 : memref<!tpu.dma_semaphore, #tpu.memory_space<semaphore_mem>>) src(%dma_wait3A_645 : memref<80xi32, #tpu.memory_space<hbm>>) dst(%dma_wait3A_643 : memref<80xi32, #tpu.memory_space<vmem>>)
    %dma_wait3A_646 = arith.constant 0 : i32
    %dma_wait3A_647 = arith.constant 0 : i32
    %dma_wait3A_648 = arith.constant 0 : i32
    %dma_wait3A_649 = arith.constant 0 : i32
    %dma_wait3A_650 = tpu.memref_slice %arg11[%dma_wait3A_646, %dma_wait3A_648, %dma_wait3A_649] : memref<4x80x16xf32, #tpu.memory_space<vmem>> -> memref<1x80x16xf32, #tpu.memory_space<vmem>>
    %dma_wait3A_651 = tpu.memref_squeeze %dma_wait3A_650 : memref<1x80x16xf32, #tpu.memory_space<vmem>> -> memref<80x16xf32, #tpu.memory_space<vmem>>
    %dma_wait3A_652 = arith.constant 0 : i32
    %dma_wait3A_653 = tpu.memref_slice %arg10[%dma_wait3A_647, %dma_wait3A_652] : memref<4x80xi32, #tpu.memory_space<vmem>> -> memref<1x80xi32, #tpu.memory_space<vmem>>
    %dma_wait3A_654 = tpu.memref_squeeze %dma_wait3A_653 : memref<1x80xi32, #tpu.memory_space<vmem>> -> memref<80xi32, #tpu.memory_space<vmem>>
    %dma_wait3A_655 = arith.constant 0 : i32
    %dma_wait3A_656 = arith.constant 0 : i32
    %dma_wait3A_657 = tpu.memref_slice %arg25[%dma_wait3A_655, %dma_wait3A_656] : memref<100096x16xf32, #tpu.memory_space<vmem_shared>> -> memref<100096x16xf32, #tpu.memory_space<vmem_shared>>
    tpu.wait_indirect_dma semaphore(%arg21 : memref<!tpu.dma_semaphore, #tpu.memory_space<semaphore_mem>>) src(%dma_wait3A_651 : memref<80x16xf32, #tpu.memory_space<vmem>>) dst(%dma_wait3A_657 : memref<100096x16xf32, #tpu.memory_space<vmem_shared>>)
    %dma_start3A_658 = arith.constant 0 : i32
    %dma_start3A_659 = arith.constant 0 : i32
    %dma_start3A_660 = arith.constant 0 : i32
    %dma_start3A_661 = arith.constant 0 : i32
    %dma_start3A_662 = tpu.memref_slice %arg11[%dma_start3A_659, %dma_start3A_660, %dma_start3A_661] : memref<4x80x16xf32, #tpu.memory_space<vmem>> -> memref<1x80x16xf32, #tpu.memory_space<vmem>>
    %dma_start3A_663 = tpu.memref_squeeze %dma_start3A_662 : memref<1x80x16xf32, #tpu.memory_space<vmem>> -> memref<80x16xf32, #tpu.memory_space<vmem>>
    %dma_start3A_664 = arith.constant 0 : i32
    %dma_start3A_665 = tpu.memref_slice %arg8[%dma_start3A_658, %dma_start3A_664] : memref<4x80xi32, #tpu.memory_space<vmem>> -> memref<1x80xi32, #tpu.memory_space<vmem>>
    %dma_start3A_666 = tpu.memref_squeeze %dma_start3A_665 : memref<1x80xi32, #tpu.memory_space<vmem>> -> memref<80xi32, #tpu.memory_space<vmem>>
    %dma_start3A_667 = arith.constant 0 : i32
    %dma_start3A_668 = arith.constant 0 : i32
    %dma_start3A_669 = tpu.memref_slice %arg5[%dma_start3A_667, %dma_start3A_668] : memref<200000x16xf32, #tpu.memory_space<hbm>> -> memref<200000x16xf32, #tpu.memory_space<hbm>>
    tpu.enqueue_indirect_dma source(%dma_start3A_669 : memref<200000x16xf32, #tpu.memory_space<hbm>>) target(%dma_start3A_663 : memref<80x16xf32, #tpu.memory_space<vmem>>) offsets(%dma_start3A_666 : memref<80xi32, #tpu.memory_space<vmem>>) semaphore(%arg17 : memref<!tpu.dma_semaphore, #tpu.memory_space<semaphore_mem>>)
    %scan3A_670 = arith.constant 0 : i32
    %scan3A_671 = arith.constant 1 : i32
    %scan3A_672 = arith.constant 624 : i32
    %scan3A_673 = arith.addi %scan3A_671, %scan3A_672 : i32
    %scan3A_674 = arith.constant 1 : i32
    scf.for %scan3A_738 = %scan3A_671 to %scan3A_673 step %scan3A_674  : i32 {
      %mul3A_739 = arith.constant 4 : i32
      %mul3A_740 = arith.muli %mul3A_739, %scan3A_738 : i32
      %add3A_741 = arith.constant 0 : i32
      %add3A_742 = arith.addi %mul3A_740, %add3A_741 : i32
      %dma_wait3A_743 = arith.constant 0 : i32
      %dma_wait3A_744 = arith.constant 0 : i32
      %dma_wait3A_745 = arith.constant 0 : i32
      %dma_wait3A_746 = arith.constant 0 : i32
      %dma_wait3A_747 = tpu.memref_slice %arg11[%dma_wait3A_744, %dma_wait3A_745, %dma_wait3A_746] : memref<4x80x16xf32, #tpu.memory_space<vmem>> -> memref<1x80x16xf32, #tpu.memory_space<vmem>>
      %dma_wait3A_748 = tpu.memref_squeeze %dma_wait3A_747 : memref<1x80x16xf32, #tpu.memory_space<vmem>> -> memref<80x16xf32, #tpu.memory_space<vmem>>
      %dma_wait3A_749 = arith.constant 0 : i32
      %dma_wait3A_750 = tpu.memref_slice %arg8[%dma_wait3A_743, %dma_wait3A_749] : memref<4x80xi32, #tpu.memory_space<vmem>> -> memref<1x80xi32, #tpu.memory_space<vmem>>
      %dma_wait3A_751 = tpu.memref_squeeze %dma_wait3A_750 : memref<1x80xi32, #tpu.memory_space<vmem>> -> memref<80xi32, #tpu.memory_space<vmem>>
      %dma_wait3A_752 = arith.constant 0 : i32
      %dma_wait3A_753 = arith.constant 0 : i32
      %dma_wait3A_754 = tpu.memref_slice %arg5[%dma_wait3A_752, %dma_wait3A_753] : memref<200000x16xf32, #tpu.memory_space<hbm>> -> memref<200000x16xf32, #tpu.memory_space<hbm>>
      tpu.wait_indirect_dma semaphore(%arg17 : memref<!tpu.dma_semaphore, #tpu.memory_space<semaphore_mem>>) src(%dma_wait3A_754 : memref<200000x16xf32, #tpu.memory_space<hbm>>) dst(%dma_wait3A_748 : memref<80x16xf32, #tpu.memory_space<vmem>>)
      %get3A_755 = arith.constant 0 : i32
      %get3A_756 = arith.index_cast %get3A_755 : i32 to index
      %get3A_757 = arith.constant 0 : index
      %get3A_758 = tpu.vector_load %arg9[%get3A_756, %get3A_757] {strides = array<i32>} : memref<4x80xi32, #tpu.memory_space<vmem>>, vector<1x16xi32>,
      %get3A_759 = vector.shape_cast %get3A_758 : vector<1x16xi32> to vector<16xi32>
      %swap3A_760 = arith.constant 0 : i32
      %swap3A_761 = arith.index_cast %swap3A_760 : i32 to index
      %swap3A_762 = arith.constant 0 : index
      %swap3A_763 = tpu.vector_load %arg10[%swap3A_761, %swap3A_762] {strides = array<i32>} : memref<4x80xi32, #tpu.memory_space<vmem>>, vector<1x16xi32>,
      %swap3A_764 = vector.shape_cast %swap3A_763 : vector<1x16xi32> to vector<16xi32>
      %swap3A_765 = vector.shape_cast %get3A_759 : vector<16xi32> to vector<1x16xi32>
      tpu.vector_store %arg10[%swap3A_761, %swap3A_762], %swap3A_765 {strides = array<i32>} : memref<4x80xi32, #tpu.memory_space<vmem>>, vector<1x16xi32>,
      %get3A_766 = arith.constant 0 : i32
      %get3A_767 = arith.index_cast %get3A_766 : i32 to index
      %get3A_768 = arith.constant 16 : index
      %get3A_769 = tpu.vector_load %arg9[%get3A_767, %get3A_768] {strides = array<i32>} : memref<4x80xi32, #tpu.memory_space<vmem>>, vector<1x16xi32>,
      %get3A_770 = vector.shape_cast %get3A_769 : vector<1x16xi32> to vector<16xi32>
      %swap3A_771 = arith.constant 0 : i32
      %swap3A_772 = arith.index_cast %swap3A_771 : i32 to index
      %swap3A_773 = arith.constant 16 : index
      %swap3A_774 = tpu.vector_load %arg10[%swap3A_772, %swap3A_773] {strides = array<i32>} : memref<4x80xi32, #tpu.memory_space<vmem>>, vector<1x16xi32>,
      %swap3A_775 = vector.shape_cast %swap3A_774 : vector<1x16xi32> to vector<16xi32>
      %swap3A_776 = vector.shape_cast %get3A_770 : vector<16xi32> to vector<1x16xi32>
      tpu.vector_store %arg10[%swap3A_772, %swap3A_773], %swap3A_776 {strides = array<i32>} : memref<4x80xi32, #tpu.memory_space<vmem>>, vector<1x16xi32>,
      %get3A_777 = arith.constant 0 : i32
      %get3A_778 = arith.index_cast %get3A_777 : i32 to index
      %get3A_779 = arith.constant 32 : index
      %get3A_780 = tpu.vector_load %arg9[%get3A_778, %get3A_779] {strides = array<i32>} : memref<4x80xi32, #tpu.memory_space<vmem>>, vector<1x16xi32>,
      %get3A_781 = vector.shape_cast %get3A_780 : vector<1x16xi32> to vector<16xi32>
      %swap3A_782 = arith.constant 0 : i32
      %swap3A_783 = arith.index_cast %swap3A_782 : i32 to index
      %swap3A_784 = arith.constant 32 : index
      %swap3A_785 = tpu.vector_load %arg10[%swap3A_783, %swap3A_784] {strides = array<i32>} : memref<4x80xi32, #tpu.memory_space<vmem>>, vector<1x16xi32>,
      %swap3A_786 = vector.shape_cast %swap3A_785 : vector<1x16xi32> to vector<16xi32>
      %swap3A_787 = vector.shape_cast %get3A_781 : vector<16xi32> to vector<1x16xi32>
      tpu.vector_store %arg10[%swap3A_783, %swap3A_784], %swap3A_787 {strides = array<i32>} : memref<4x80xi32, #tpu.memory_space<vmem>>, vector<1x16xi32>,
      %get3A_788 = arith.constant 0 : i32
      %get3A_789 = arith.index_cast %get3A_788 : i32 to index
      %get3A_790 = arith.constant 48 : index
      %get3A_791 = tpu.vector_load %arg9[%get3A_789, %get3A_790] {strides = array<i32>} : memref<4x80xi32, #tpu.memory_space<vmem>>, vector<1x16xi32>,
      %get3A_792 = vector.shape_cast %get3A_791 : vector<1x16xi32> to vector<16xi32>
      %swap3A_793 = arith.constant 0 : i32
      %swap3A_794 = arith.index_cast %swap3A_793 : i32 to index
      %swap3A_795 = arith.constant 48 : index
      %swap3A_796 = tpu.vector_load %arg10[%swap3A_794, %swap3A_795] {strides = array<i32>} : memref<4x80xi32, #tpu.memory_space<vmem>>, vector<1x16xi32>,
      %swap3A_797 = vector.shape_cast %swap3A_796 : vector<1x16xi32> to vector<16xi32>
      %swap3A_798 = vector.shape_cast %get3A_792 : vector<16xi32> to vector<1x16xi32>
      tpu.vector_store %arg10[%swap3A_794, %swap3A_795], %swap3A_798 {strides = array<i32>} : memref<4x80xi32, #tpu.memory_space<vmem>>, vector<1x16xi32>,
      %get3A_799 = arith.constant 0 : i32
      %get3A_800 = arith.index_cast %get3A_799 : i32 to index
      %get3A_801 = arith.constant 64 : index
      %get3A_802 = tpu.vector_load %arg9[%get3A_800, %get3A_801] {strides = array<i32>} : memref<4x80xi32, #tpu.memory_space<vmem>>, vector<1x16xi32>,
      %get3A_803 = vector.shape_cast %get3A_802 : vector<1x16xi32> to vector<16xi32>
      %swap3A_804 = arith.constant 0 : i32
      %swap3A_805 = arith.index_cast %swap3A_804 : i32 to index
      %swap3A_806 = arith.constant 64 : index
      %swap3A_807 = tpu.vector_load %arg10[%swap3A_805, %swap3A_806] {strides = array<i32>} : memref<4x80xi32, #tpu.memory_space<vmem>>, vector<1x16xi32>,
      %swap3A_808 = vector.shape_cast %swap3A_807 : vector<1x16xi32> to vector<16xi32>
      %swap3A_809 = vector.shape_cast %get3A_803 : vector<16xi32> to vector<1x16xi32>
      tpu.vector_store %arg10[%swap3A_805, %swap3A_806], %swap3A_809 {strides = array<i32>} : memref<4x80xi32, #tpu.memory_space<vmem>>, vector<1x16xi32>,
      %add3A_810 = arith.constant 4 : i32
      %add3A_811 = arith.addi %add3A_742, %add3A_810 : i32
      %lt3A = arith.constant 2500 : i32
      %lt3A_812 = arith.cmpi slt, %add3A_811, %lt3A : i32
      %convert_element_type3A_813 = arith.extui %lt3A_812 : i1 to i32
      %cond3A_814 = arith.constant 0 : i32
      %cond3A_815 = arith.cmpi ne, %convert_element_type3A_813, %cond3A_814 : i32
      scf.if %cond3A_815 {
        %add3A_1126 = arith.constant 4 : i32
        %add3A_1127 = arith.addi %add3A_742, %add3A_1126 : i32
        %mul3A_1128 = arith.constant 80 : i32
        %mul3A_1129 = arith.muli %add3A_1127, %mul3A_1128 : i32
        %add3A_1130 = arith.addi %mul3A_10, %mul3A_1129 : i32
        %eq3A_1131 = arith.constant 0 : i32
        %eq3A_1132 = arith.cmpi eq, %arg0, %eq3A_1131 : i32
        %convert_element_type3A_1133 = arith.extui %eq3A_1132 : i1 to i32
        %cond3A_1134 = arith.constant 0 : i32
        %cond3A_1135 = arith.cmpi ne, %convert_element_type3A_1133, %cond3A_1134 : i32
        scf.if %cond3A_1135 {
          %dma_start3A_1150 = arith.constant 0 : i32
          %dma_start3A_1151 = arith.constant 0 : i32
          %dma_start3A_1152 = tpu.memref_slice %arg8[%dma_start3A_1150, %dma_start3A_1151] : memref<4x80xi32, #tpu.memory_space<vmem>> -> memref<1x80xi32, #tpu.memory_space<vmem>>
          %dma_start3A_1153 = tpu.memref_squeeze %dma_start3A_1152 : memref<1x80xi32, #tpu.memory_space<vmem>> -> memref<80xi32, #tpu.memory_space<vmem>>
          %dma_start3A_1154 = tpu.memref_slice %arg2[%add3A_1130] : memref<3200000xi32, #tpu.memory_space<hbm>> -> memref<80xi32, #tpu.memory_space<hbm>>
          %dma_start3A_1155 = arith.constant 0 : i32
          %dma_start3A_1156 = tpu.memref_slice %arg8[%dma_start3A_1150, %dma_start3A_1155] : memref<4x80xi32, #tpu.memory_space<vmem>> -> memref<1x80xi32, #tpu.memory_space<vmem>>
          %dma_start3A_1157 = tpu.memref_squeeze %dma_start3A_1156 : memref<1x80xi32, #tpu.memory_space<vmem>> -> memref<80xi32, #tpu.memory_space<vmem>>
          %dma_start3A_1158 = tpu.memref_slice %arg2[%add3A_1130] : memref<3200000xi32, #tpu.memory_space<hbm>> -> memref<80xi32, #tpu.memory_space<hbm>>
          tpu.enqueue_dma source(%dma_start3A_1158 : memref<80xi32, #tpu.memory_space<hbm>>) target(%dma_start3A_1157 : memref<80xi32, #tpu.memory_space<vmem>>) target_semaphore(%arg13 : memref<!tpu.dma_semaphore, #tpu.memory_space<semaphore_mem>>)
        } else {
        }
        %eq3A_1136 = arith.constant 1 : i32
        %eq3A_1137 = arith.cmpi eq, %arg0, %eq3A_1136 : i32
        %convert_element_type3A_1138 = arith.extui %eq3A_1137 : i1 to i32
        %cond3A_1139 = arith.constant 0 : i32
        %cond3A_1140 = arith.cmpi ne, %convert_element_type3A_1138, %cond3A_1139 : i32
        scf.if %cond3A_1140 {
          %dma_start3A_1150 = arith.constant 0 : i32
          %dma_start3A_1151 = arith.constant 0 : i32
          %dma_start3A_1152 = tpu.memref_slice %arg8[%dma_start3A_1150, %dma_start3A_1151] : memref<4x80xi32, #tpu.memory_space<vmem>> -> memref<1x80xi32, #tpu.memory_space<vmem>>
          %dma_start3A_1153 = tpu.memref_squeeze %dma_start3A_1152 : memref<1x80xi32, #tpu.memory_space<vmem>> -> memref<80xi32, #tpu.memory_space<vmem>>
          %dma_start3A_1154 = tpu.memref_slice %arg3[%add3A_1130] : memref<3200000xi32, #tpu.memory_space<hbm>> -> memref<80xi32, #tpu.memory_space<hbm>>
          %dma_start3A_1155 = arith.constant 0 : i32
          %dma_start3A_1156 = tpu.memref_slice %arg8[%dma_start3A_1150, %dma_start3A_1155] : memref<4x80xi32, #tpu.memory_space<vmem>> -> memref<1x80xi32, #tpu.memory_space<vmem>>
          %dma_start3A_1157 = tpu.memref_squeeze %dma_start3A_1156 : memref<1x80xi32, #tpu.memory_space<vmem>> -> memref<80xi32, #tpu.memory_space<vmem>>
          %dma_start3A_1158 = tpu.memref_slice %arg3[%add3A_1130] : memref<3200000xi32, #tpu.memory_space<hbm>> -> memref<80xi32, #tpu.memory_space<hbm>>
          tpu.enqueue_dma source(%dma_start3A_1158 : memref<80xi32, #tpu.memory_space<hbm>>) target(%dma_start3A_1157 : memref<80xi32, #tpu.memory_space<vmem>>) target_semaphore(%arg13 : memref<!tpu.dma_semaphore, #tpu.memory_space<semaphore_mem>>)
        } else {
        }
        %dma_start3A_1141 = arith.constant 0 : i32
        %dma_start3A_1142 = arith.constant 0 : i32
        %dma_start3A_1143 = tpu.memref_slice %arg9[%dma_start3A_1141, %dma_start3A_1142] : memref<4x80xi32, #tpu.memory_space<vmem>> -> memref<1x80xi32, #tpu.memory_space<vmem>>
        %dma_start3A_1144 = tpu.memref_squeeze %dma_start3A_1143 : memref<1x80xi32, #tpu.memory_space<vmem>> -> memref<80xi32, #tpu.memory_space<vmem>>
        %dma_start3A_1145 = tpu.memref_slice %arg4[%add3A_1130] : memref<3200000xi32, #tpu.memory_space<hbm>> -> memref<80xi32, #tpu.memory_space<hbm>>
        %dma_start3A_1146 = arith.constant 0 : i32
        %dma_start3A_1147 = tpu.memref_slice %arg9[%dma_start3A_1141, %dma_start3A_1146] : memref<4x80xi32, #tpu.memory_space<vmem>> -> memref<1x80xi32, #tpu.memory_space<vmem>>
        %dma_start3A_1148 = tpu.memref_squeeze %dma_start3A_1147 : memref<1x80xi32, #tpu.memory_space<vmem>> -> memref<80xi32, #tpu.memory_space<vmem>>
        %dma_start3A_1149 = tpu.memref_slice %arg4[%add3A_1130] : memref<3200000xi32, #tpu.memory_space<hbm>> -> memref<80xi32, #tpu.memory_space<hbm>>
        tpu.enqueue_dma source(%dma_start3A_1149 : memref<80xi32, #tpu.memory_space<hbm>>) target(%dma_start3A_1148 : memref<80xi32, #tpu.memory_space<vmem>>) target_semaphore(%arg13 : memref<!tpu.dma_semaphore, #tpu.memory_space<semaphore_mem>>)
      } else {
      }
      %dma_start3A_816 = arith.constant 0 : i32
      %dma_start3A_817 = arith.constant 0 : i32
      %dma_start3A_818 = arith.constant 0 : i32
      %dma_start3A_819 = arith.constant 0 : i32
      %dma_start3A_820 = tpu.memref_slice %arg11[%dma_start3A_816, %dma_start3A_818, %dma_start3A_819] : memref<4x80x16xf32, #tpu.memory_space<vmem>> -> memref<1x80x16xf32, #tpu.memory_space<vmem>>
      %dma_start3A_821 = tpu.memref_squeeze %dma_start3A_820 : memref<1x80x16xf32, #tpu.memory_space<vmem>> -> memref<80x16xf32, #tpu.memory_space<vmem>>
      %dma_start3A_822 = arith.constant 0 : i32
      %dma_start3A_823 = tpu.memref_slice %arg10[%dma_start3A_817, %dma_start3A_822] : memref<4x80xi32, #tpu.memory_space<vmem>> -> memref<1x80xi32, #tpu.memory_space<vmem>>
      %dma_start3A_824 = tpu.memref_squeeze %dma_start3A_823 : memref<1x80xi32, #tpu.memory_space<vmem>> -> memref<80xi32, #tpu.memory_space<vmem>>
      %dma_start3A_825 = arith.constant 0 : i32
      %dma_start3A_826 = arith.constant 0 : i32
      %dma_start3A_827 = tpu.memref_slice %arg25[%dma_start3A_825, %dma_start3A_826] : memref<100096x16xf32, #tpu.memory_space<vmem_shared>> -> memref<100096x16xf32, #tpu.memory_space<vmem_shared>>
      tpu.enqueue_indirect_dma source(%dma_start3A_821 : memref<80x16xf32, #tpu.memory_space<vmem>>) target(%dma_start3A_827 : memref<100096x16xf32, #tpu.memory_space<vmem_shared>>) offsets(%dma_start3A_824 : memref<80xi32, #tpu.memory_space<vmem>>) semaphore(%arg21 : memref<!tpu.dma_semaphore, #tpu.memory_space<semaphore_mem>>) {add = true}
      %add3A_828 = arith.constant 1 : i32
      %add3A_829 = arith.addi %add3A_742, %add3A_828 : i32
      %lt3A_830 = arith.constant 2500 : i32
      %lt3A_831 = arith.cmpi slt, %add3A_829, %lt3A_830 : i32
      %convert_element_type3A_832 = arith.extui %lt3A_831 : i1 to i32
      %cond3A_833 = arith.constant 0 : i32
      %cond3A_834 = arith.cmpi ne, %convert_element_type3A_832, %cond3A_833 : i32
      scf.if %cond3A_834 {
        %dma_wait3A_1126 = arith.constant 1 : i32
        %dma_wait3A_1127 = arith.constant 0 : i32
        %dma_wait3A_1128 = tpu.memref_slice %arg8[%dma_wait3A_1126, %dma_wait3A_1127] : memref<4x80xi32, #tpu.memory_space<vmem>> -> memref<1x80xi32, #tpu.memory_space<vmem>>
        %dma_wait3A_1129 = tpu.memref_squeeze %dma_wait3A_1128 : memref<1x80xi32, #tpu.memory_space<vmem>> -> memref<80xi32, #tpu.memory_space<vmem>>
        %dma_wait3A_1130 = arith.constant 0 : i32
        %dma_wait3A_1131 = tpu.memref_slice %arg2[%dma_wait3A_1130] : memref<3200000xi32, #tpu.memory_space<hbm>> -> memref<80xi32, #tpu.memory_space<hbm>>
        %dma_wait3A_1132 = arith.constant 0 : i32
        %dma_wait3A_1133 = tpu.memref_slice %arg8[%dma_wait3A_1126, %dma_wait3A_1132] : memref<4x80xi32, #tpu.memory_space<vmem>> -> memref<1x80xi32, #tpu.memory_space<vmem>>
        %dma_wait3A_1134 = tpu.memref_squeeze %dma_wait3A_1133 : memref<1x80xi32, #tpu.memory_space<vmem>> -> memref<80xi32, #tpu.memory_space<vmem>>
        %dma_wait3A_1135 = arith.constant 0 : i32
        %dma_wait3A_1136 = tpu.memref_slice %arg2[%dma_wait3A_1135] : memref<3200000xi32, #tpu.memory_space<hbm>> -> memref<80xi32, #tpu.memory_space<hbm>>
        tpu.wait_dma2 semaphore(%arg14 : memref<!tpu.dma_semaphore, #tpu.memory_space<semaphore_mem>>) src(%dma_wait3A_1136 : memref<80xi32, #tpu.memory_space<hbm>>) dst(%dma_wait3A_1134 : memref<80xi32, #tpu.memory_space<vmem>>)
        %dma_wait3A_1137 = arith.constant 1 : i32
        %dma_wait3A_1138 = arith.constant 0 : i32
        %dma_wait3A_1139 = tpu.memref_slice %arg9[%dma_wait3A_1137, %dma_wait3A_1138] : memref<4x80xi32, #tpu.memory_space<vmem>> -> memref<1x80xi32, #tpu.memory_space<vmem>>
        %dma_wait3A_1140 = tpu.memref_squeeze %dma_wait3A_1139 : memref<1x80xi32, #tpu.memory_space<vmem>> -> memref<80xi32, #tpu.memory_space<vmem>>
        %dma_wait3A_1141 = arith.constant 0 : i32
        %dma_wait3A_1142 = tpu.memref_slice %arg4[%dma_wait3A_1141] : memref<3200000xi32, #tpu.memory_space<hbm>> -> memref<80xi32, #tpu.memory_space<hbm>>
        %dma_wait3A_1143 = arith.constant 0 : i32
        %dma_wait3A_1144 = tpu.memref_slice %arg9[%dma_wait3A_1137, %dma_wait3A_1143] : memref<4x80xi32, #tpu.memory_space<vmem>> -> memref<1x80xi32, #tpu.memory_space<vmem>>
        %dma_wait3A_1145 = tpu.memref_squeeze %dma_wait3A_1144 : memref<1x80xi32, #tpu.memory_space<vmem>> -> memref<80xi32, #tpu.memory_space<vmem>>
        %dma_wait3A_1146 = arith.constant 0 : i32
        %dma_wait3A_1147 = tpu.memref_slice %arg4[%dma_wait3A_1146] : memref<3200000xi32, #tpu.memory_space<hbm>> -> memref<80xi32, #tpu.memory_space<hbm>>
        tpu.wait_dma2 semaphore(%arg14 : memref<!tpu.dma_semaphore, #tpu.memory_space<semaphore_mem>>) src(%dma_wait3A_1147 : memref<80xi32, #tpu.memory_space<hbm>>) dst(%dma_wait3A_1145 : memref<80xi32, #tpu.memory_space<vmem>>)
        %dma_wait3A_1148 = arith.constant 1 : i32
        %dma_wait3A_1149 = arith.constant 1 : i32
        %dma_wait3A_1150 = arith.constant 0 : i32
        %dma_wait3A_1151 = arith.constant 0 : i32
        %dma_wait3A_1152 = tpu.memref_slice %arg11[%dma_wait3A_1148, %dma_wait3A_1150, %dma_wait3A_1151] : memref<4x80x16xf32, #tpu.memory_space<vmem>> -> memref<1x80x16xf32, #tpu.memory_space<vmem>>
        %dma_wait3A_1153 = tpu.memref_squeeze %dma_wait3A_1152 : memref<1x80x16xf32, #tpu.memory_space<vmem>> -> memref<80x16xf32, #tpu.memory_space<vmem>>
        %dma_wait3A_1154 = arith.constant 0 : i32
        %dma_wait3A_1155 = tpu.memref_slice %arg10[%dma_wait3A_1149, %dma_wait3A_1154] : memref<4x80xi32, #tpu.memory_space<vmem>> -> memref<1x80xi32, #tpu.memory_space<vmem>>
        %dma_wait3A_1156 = tpu.memref_squeeze %dma_wait3A_1155 : memref<1x80xi32, #tpu.memory_space<vmem>> -> memref<80xi32, #tpu.memory_space<vmem>>
        %dma_wait3A_1157 = arith.constant 0 : i32
        %dma_wait3A_1158 = arith.constant 0 : i32
        %dma_wait3A_1159 = tpu.memref_slice %arg25[%dma_wait3A_1157, %dma_wait3A_1158] : memref<100096x16xf32, #tpu.memory_space<vmem_shared>> -> memref<100096x16xf32, #tpu.memory_space<vmem_shared>>
        tpu.wait_indirect_dma semaphore(%arg22 : memref<!tpu.dma_semaphore, #tpu.memory_space<semaphore_mem>>) src(%dma_wait3A_1153 : memref<80x16xf32, #tpu.memory_space<vmem>>) dst(%dma_wait3A_1159 : memref<100096x16xf32, #tpu.memory_space<vmem_shared>>)
        %dma_start3A_1160 = arith.constant 1 : i32
        %dma_start3A_1161 = arith.constant 1 : i32
        %dma_start3A_1162 = arith.constant 0 : i32
        %dma_start3A_1163 = arith.constant 0 : i32
        %dma_start3A_1164 = tpu.memref_slice %arg11[%dma_start3A_1161, %dma_start3A_1162, %dma_start3A_1163] : memref<4x80x16xf32, #tpu.memory_space<vmem>> -> memref<1x80x16xf32, #tpu.memory_space<vmem>>
        %dma_start3A_1165 = tpu.memref_squeeze %dma_start3A_1164 : memref<1x80x16xf32, #tpu.memory_space<vmem>> -> memref<80x16xf32, #tpu.memory_space<vmem>>
        %dma_start3A_1166 = arith.constant 0 : i32
        %dma_start3A_1167 = tpu.memref_slice %arg8[%dma_start3A_1160, %dma_start3A_1166] : memref<4x80xi32, #tpu.memory_space<vmem>> -> memref<1x80xi32, #tpu.memory_space<vmem>>
        %dma_start3A_1168 = tpu.memref_squeeze %dma_start3A_1167 : memref<1x80xi32, #tpu.memory_space<vmem>> -> memref<80xi32, #tpu.memory_space<vmem>>
        %dma_start3A_1169 = arith.constant 0 : i32
        %dma_start3A_1170 = arith.constant 0 : i32
        %dma_start3A_1171 = tpu.memref_slice %arg5[%dma_start3A_1169, %dma_start3A_1170] : memref<200000x16xf32, #tpu.memory_space<hbm>> -> memref<200000x16xf32, #tpu.memory_space<hbm>>
        tpu.enqueue_indirect_dma source(%dma_start3A_1171 : memref<200000x16xf32, #tpu.memory_space<hbm>>) target(%dma_start3A_1165 : memref<80x16xf32, #tpu.memory_space<vmem>>) offsets(%dma_start3A_1168 : memref<80xi32, #tpu.memory_space<vmem>>) semaphore(%arg18 : memref<!tpu.dma_semaphore, #tpu.memory_space<semaphore_mem>>)
      } else {
      }
      %mul3A_835 = arith.constant 4 : i32
      %mul3A_836 = arith.muli %mul3A_835, %scan3A_738 : i32
      %add3A_837 = arith.constant 1 : i32
      %add3A_838 = arith.addi %mul3A_836, %add3A_837 : i32
      %dma_wait3A_839 = arith.constant 1 : i32
      %dma_wait3A_840 = arith.constant 1 : i32
      %dma_wait3A_841 = arith.constant 0 : i32
      %dma_wait3A_842 = arith.constant 0 : i32
      %dma_wait3A_843 = tpu.memref_slice %arg11[%dma_wait3A_840, %dma_wait3A_841, %dma_wait3A_842] : memref<4x80x16xf32, #tpu.memory_space<vmem>> -> memref<1x80x16xf32, #tpu.memory_space<vmem>>
      %dma_wait3A_844 = tpu.memref_squeeze %dma_wait3A_843 : memref<1x80x16xf32, #tpu.memory_space<vmem>> -> memref<80x16xf32, #tpu.memory_space<vmem>>
      %dma_wait3A_845 = arith.constant 0 : i32
      %dma_wait3A_846 = tpu.memref_slice %arg8[%dma_wait3A_839, %dma_wait3A_845] : memref<4x80xi32, #tpu.memory_space<vmem>> -> memref<1x80xi32, #tpu.memory_space<vmem>>
      %dma_wait3A_847 = tpu.memref_squeeze %dma_wait3A_846 : memref<1x80xi32, #tpu.memory_space<vmem>> -> memref<80xi32, #tpu.memory_space<vmem>>
      %dma_wait3A_848 = arith.constant 0 : i32
      %dma_wait3A_849 = arith.constant 0 : i32
      %dma_wait3A_850 = tpu.memref_slice %arg5[%dma_wait3A_848, %dma_wait3A_849] : memref<200000x16xf32, #tpu.memory_space<hbm>> -> memref<200000x16xf32, #tpu.memory_space<hbm>>
      tpu.wait_indirect_dma semaphore(%arg18 : memref<!tpu.dma_semaphore, #tpu.memory_space<semaphore_mem>>) src(%dma_wait3A_850 : memref<200000x16xf32, #tpu.memory_space<hbm>>) dst(%dma_wait3A_844 : memref<80x16xf32, #tpu.memory_space<vmem>>)
      %get3A_851 = arith.constant 1 : i32
      %get3A_852 = arith.index_cast %get3A_851 : i32 to index
      %get3A_853 = arith.constant 0 : index
      %get3A_854 = tpu.vector_load %arg9[%get3A_852, %get3A_853] {strides = array<i32>} : memref<4x80xi32, #tpu.memory_space<vmem>>, vector<1x16xi32>,
      %get3A_855 = vector.shape_cast %get3A_854 : vector<1x16xi32> to vector<16xi32>
      %swap3A_856 = arith.constant 1 : i32
      %swap3A_857 = arith.index_cast %swap3A_856 : i32 to index
      %swap3A_858 = arith.constant 0 : index
      %swap3A_859 = tpu.vector_load %arg10[%swap3A_857, %swap3A_858] {strides = array<i32>} : memref<4x80xi32, #tpu.memory_space<vmem>>, vector<1x16xi32>,
      %swap3A_860 = vector.shape_cast %swap3A_859 : vector<1x16xi32> to vector<16xi32>
      %swap3A_861 = vector.shape_cast %get3A_855 : vector<16xi32> to vector<1x16xi32>
      tpu.vector_store %arg10[%swap3A_857, %swap3A_858], %swap3A_861 {strides = array<i32>} : memref<4x80xi32, #tpu.memory_space<vmem>>, vector<1x16xi32>,
      %get3A_862 = arith.constant 1 : i32
      %get3A_863 = arith.index_cast %get3A_862 : i32 to index
      %get3A_864 = arith.constant 16 : index
      %get3A_865 = tpu.vector_load %arg9[%get3A_863, %get3A_864] {strides = array<i32>} : memref<4x80xi32, #tpu.memory_space<vmem>>, vector<1x16xi32>,
      %get3A_866 = vector.shape_cast %get3A_865 : vector<1x16xi32> to vector<16xi32>
      %swap3A_867 = arith.constant 1 : i32
      %swap3A_868 = arith.index_cast %swap3A_867 : i32 to index
      %swap3A_869 = arith.constant 16 : index
      %swap3A_870 = tpu.vector_load %arg10[%swap3A_868, %swap3A_869] {strides = array<i32>} : memref<4x80xi32, #tpu.memory_space<vmem>>, vector<1x16xi32>,
      %swap3A_871 = vector.shape_cast %swap3A_870 : vector<1x16xi32> to vector<16xi32>
      %swap3A_872 = vector.shape_cast %get3A_866 : vector<16xi32> to vector<1x16xi32>
      tpu.vector_store %arg10[%swap3A_868, %swap3A_869], %swap3A_872 {strides = array<i32>} : memref<4x80xi32, #tpu.memory_space<vmem>>, vector<1x16xi32>,
      %get3A_873 = arith.constant 1 : i32
      %get3A_874 = arith.index_cast %get3A_873 : i32 to index
      %get3A_875 = arith.constant 32 : index
      %get3A_876 = tpu.vector_load %arg9[%get3A_874, %get3A_875] {strides = array<i32>} : memref<4x80xi32, #tpu.memory_space<vmem>>, vector<1x16xi32>,
      %get3A_877 = vector.shape_cast %get3A_876 : vector<1x16xi32> to vector<16xi32>
      %swap3A_878 = arith.constant 1 : i32
      %swap3A_879 = arith.index_cast %swap3A_878 : i32 to index
      %swap3A_880 = arith.constant 32 : index
      %swap3A_881 = tpu.vector_load %arg10[%swap3A_879, %swap3A_880] {strides = array<i32>} : memref<4x80xi32, #tpu.memory_space<vmem>>, vector<1x16xi32>,
      %swap3A_882 = vector.shape_cast %swap3A_881 : vector<1x16xi32> to vector<16xi32>
      %swap3A_883 = vector.shape_cast %get3A_877 : vector<16xi32> to vector<1x16xi32>
      tpu.vector_store %arg10[%swap3A_879, %swap3A_880], %swap3A_883 {strides = array<i32>} : memref<4x80xi32, #tpu.memory_space<vmem>>, vector<1x16xi32>,
      %get3A_884 = arith.constant 1 : i32
      %get3A_885 = arith.index_cast %get3A_884 : i32 to index
      %get3A_886 = arith.constant 48 : index
      %get3A_887 = tpu.vector_load %arg9[%get3A_885, %get3A_886] {strides = array<i32>} : memref<4x80xi32, #tpu.memory_space<vmem>>, vector<1x16xi32>,
      %get3A_888 = vector.shape_cast %get3A_887 : vector<1x16xi32> to vector<16xi32>
      %swap3A_889 = arith.constant 1 : i32
      %swap3A_890 = arith.index_cast %swap3A_889 : i32 to index
      %swap3A_891 = arith.constant 48 : index
      %swap3A_892 = tpu.vector_load %arg10[%swap3A_890, %swap3A_891] {strides = array<i32>} : memref<4x80xi32, #tpu.memory_space<vmem>>, vector<1x16xi32>,
      %swap3A_893 = vector.shape_cast %swap3A_892 : vector<1x16xi32> to vector<16xi32>
      %swap3A_894 = vector.shape_cast %get3A_888 : vector<16xi32> to vector<1x16xi32>
      tpu.vector_store %arg10[%swap3A_890, %swap3A_891], %swap3A_894 {strides = array<i32>} : memref<4x80xi32, #tpu.memory_space<vmem>>, vector<1x16xi32>,
      %get3A_895 = arith.constant 1 : i32
      %get3A_896 = arith.index_cast %get3A_895 : i32 to index
      %get3A_897 = arith.constant 64 : index
      %get3A_898 = tpu.vector_load %arg9[%get3A_896, %get3A_897] {strides = array<i32>} : memref<4x80xi32, #tpu.memory_space<vmem>>, vector<1x16xi32>,
      %get3A_899 = vector.shape_cast %get3A_898 : vector<1x16xi32> to vector<16xi32>
      %swap3A_900 = arith.constant 1 : i32
      %swap3A_901 = arith.index_cast %swap3A_900 : i32 to index
      %swap3A_902 = arith.constant 64 : index
      %swap3A_903 = tpu.vector_load %arg10[%swap3A_901, %swap3A_902] {strides = array<i32>} : memref<4x80xi32, #tpu.memory_space<vmem>>, vector<1x16xi32>,
      %swap3A_904 = vector.shape_cast %swap3A_903 : vector<1x16xi32> to vector<16xi32>
      %swap3A_905 = vector.shape_cast %get3A_899 : vector<16xi32> to vector<1x16xi32>
      tpu.vector_store %arg10[%swap3A_901, %swap3A_902], %swap3A_905 {strides = array<i32>} : memref<4x80xi32, #tpu.memory_space<vmem>>, vector<1x16xi32>,
      %add3A_906 = arith.constant 4 : i32
      %add3A_907 = arith.addi %add3A_838, %add3A_906 : i32
      %lt3A_908 = arith.constant 2500 : i32
      %lt3A_909 = arith.cmpi slt, %add3A_907, %lt3A_908 : i32
      %convert_element_type3A_910 = arith.extui %lt3A_909 : i1 to i32
      %cond3A_911 = arith.constant 0 : i32
      %cond3A_912 = arith.cmpi ne, %convert_element_type3A_910, %cond3A_911 : i32
      scf.if %cond3A_912 {
        %add3A_1126 = arith.constant 4 : i32
        %add3A_1127 = arith.addi %add3A_838, %add3A_1126 : i32
        %mul3A_1128 = arith.constant 80 : i32
        %mul3A_1129 = arith.muli %add3A_1127, %mul3A_1128 : i32
        %add3A_1130 = arith.addi %mul3A_10, %mul3A_1129 : i32
        %eq3A_1131 = arith.constant 0 : i32
        %eq3A_1132 = arith.cmpi eq, %arg0, %eq3A_1131 : i32
        %convert_element_type3A_1133 = arith.extui %eq3A_1132 : i1 to i32
        %cond3A_1134 = arith.constant 0 : i32
        %cond3A_1135 = arith.cmpi ne, %convert_element_type3A_1133, %cond3A_1134 : i32
        scf.if %cond3A_1135 {
          %dma_start3A_1150 = arith.constant 1 : i32
          %dma_start3A_1151 = arith.constant 0 : i32
          %dma_start3A_1152 = tpu.memref_slice %arg8[%dma_start3A_1150, %dma_start3A_1151] : memref<4x80xi32, #tpu.memory_space<vmem>> -> memref<1x80xi32, #tpu.memory_space<vmem>>
          %dma_start3A_1153 = tpu.memref_squeeze %dma_start3A_1152 : memref<1x80xi32, #tpu.memory_space<vmem>> -> memref<80xi32, #tpu.memory_space<vmem>>
          %dma_start3A_1154 = tpu.memref_slice %arg2[%add3A_1130] : memref<3200000xi32, #tpu.memory_space<hbm>> -> memref<80xi32, #tpu.memory_space<hbm>>
          %dma_start3A_1155 = arith.constant 0 : i32
          %dma_start3A_1156 = tpu.memref_slice %arg8[%dma_start3A_1150, %dma_start3A_1155] : memref<4x80xi32, #tpu.memory_space<vmem>> -> memref<1x80xi32, #tpu.memory_space<vmem>>
          %dma_start3A_1157 = tpu.memref_squeeze %dma_start3A_1156 : memref<1x80xi32, #tpu.memory_space<vmem>> -> memref<80xi32, #tpu.memory_space<vmem>>
          %dma_start3A_1158 = tpu.memref_slice %arg2[%add3A_1130] : memref<3200000xi32, #tpu.memory_space<hbm>> -> memref<80xi32, #tpu.memory_space<hbm>>
          tpu.enqueue_dma source(%dma_start3A_1158 : memref<80xi32, #tpu.memory_space<hbm>>) target(%dma_start3A_1157 : memref<80xi32, #tpu.memory_space<vmem>>) target_semaphore(%arg14 : memref<!tpu.dma_semaphore, #tpu.memory_space<semaphore_mem>>)
        } else {
        }
        %eq3A_1136 = arith.constant 1 : i32
        %eq3A_1137 = arith.cmpi eq, %arg0, %eq3A_1136 : i32
        %convert_element_type3A_1138 = arith.extui %eq3A_1137 : i1 to i32
        %cond3A_1139 = arith.constant 0 : i32
        %cond3A_1140 = arith.cmpi ne, %convert_element_type3A_1138, %cond3A_1139 : i32
        scf.if %cond3A_1140 {
          %dma_start3A_1150 = arith.constant 1 : i32
          %dma_start3A_1151 = arith.constant 0 : i32
          %dma_start3A_1152 = tpu.memref_slice %arg8[%dma_start3A_1150, %dma_start3A_1151] : memref<4x80xi32, #tpu.memory_space<vmem>> -> memref<1x80xi32, #tpu.memory_space<vmem>>
          %dma_start3A_1153 = tpu.memref_squeeze %dma_start3A_1152 : memref<1x80xi32, #tpu.memory_space<vmem>> -> memref<80xi32, #tpu.memory_space<vmem>>
          %dma_start3A_1154 = tpu.memref_slice %arg3[%add3A_1130] : memref<3200000xi32, #tpu.memory_space<hbm>> -> memref<80xi32, #tpu.memory_space<hbm>>
          %dma_start3A_1155 = arith.constant 0 : i32
          %dma_start3A_1156 = tpu.memref_slice %arg8[%dma_start3A_1150, %dma_start3A_1155] : memref<4x80xi32, #tpu.memory_space<vmem>> -> memref<1x80xi32, #tpu.memory_space<vmem>>
          %dma_start3A_1157 = tpu.memref_squeeze %dma_start3A_1156 : memref<1x80xi32, #tpu.memory_space<vmem>> -> memref<80xi32, #tpu.memory_space<vmem>>
          %dma_start3A_1158 = tpu.memref_slice %arg3[%add3A_1130] : memref<3200000xi32, #tpu.memory_space<hbm>> -> memref<80xi32, #tpu.memory_space<hbm>>
          tpu.enqueue_dma source(%dma_start3A_1158 : memref<80xi32, #tpu.memory_space<hbm>>) target(%dma_start3A_1157 : memref<80xi32, #tpu.memory_space<vmem>>) target_semaphore(%arg14 : memref<!tpu.dma_semaphore, #tpu.memory_space<semaphore_mem>>)
        } else {
        }
        %dma_start3A_1141 = arith.constant 1 : i32
        %dma_start3A_1142 = arith.constant 0 : i32
        %dma_start3A_1143 = tpu.memref_slice %arg9[%dma_start3A_1141, %dma_start3A_1142] : memref<4x80xi32, #tpu.memory_space<vmem>> -> memref<1x80xi32, #tpu.memory_space<vmem>>
        %dma_start3A_1144 = tpu.memref_squeeze %dma_start3A_1143 : memref<1x80xi32, #tpu.memory_space<vmem>> -> memref<80xi32, #tpu.memory_space<vmem>>
        %dma_start3A_1145 = tpu.memref_slice %arg4[%add3A_1130] : memref<3200000xi32, #tpu.memory_space<hbm>> -> memref<80xi32, #tpu.memory_space<hbm>>
        %dma_start3A_1146 = arith.constant 0 : i32
        %dma_start3A_1147 = tpu.memref_slice %arg9[%dma_start3A_1141, %dma_start3A_1146] : memref<4x80xi32, #tpu.memory_space<vmem>> -> memref<1x80xi32, #tpu.memory_space<vmem>>
        %dma_start3A_1148 = tpu.memref_squeeze %dma_start3A_1147 : memref<1x80xi32, #tpu.memory_space<vmem>> -> memref<80xi32, #tpu.memory_space<vmem>>
        %dma_start3A_1149 = tpu.memref_slice %arg4[%add3A_1130] : memref<3200000xi32, #tpu.memory_space<hbm>> -> memref<80xi32, #tpu.memory_space<hbm>>
        tpu.enqueue_dma source(%dma_start3A_1149 : memref<80xi32, #tpu.memory_space<hbm>>) target(%dma_start3A_1148 : memref<80xi32, #tpu.memory_space<vmem>>) target_semaphore(%arg14 : memref<!tpu.dma_semaphore, #tpu.memory_space<semaphore_mem>>)
      } else {
      }
      %dma_start3A_913 = arith.constant 1 : i32
      %dma_start3A_914 = arith.constant 1 : i32
      %dma_start3A_915 = arith.constant 0 : i32
      %dma_start3A_916 = arith.constant 0 : i32
      %dma_start3A_917 = tpu.memref_slice %arg11[%dma_start3A_913, %dma_start3A_915, %dma_start3A_916] : memref<4x80x16xf32, #tpu.memory_space<vmem>> -> memref<1x80x16xf32, #tpu.memory_space<vmem>>
      %dma_start3A_918 = tpu.memref_squeeze %dma_start3A_917 : memref<1x80x16xf32, #tpu.memory_space<vmem>> -> memref<80x16xf32, #tpu.memory_space<vmem>>
      %dma_start3A_919 = arith.constant 0 : i32
      %dma_start3A_920 = tpu.memref_slice %arg10[%dma_start3A_914, %dma_start3A_919] : memref<4x80xi32, #tpu.memory_space<vmem>> -> memref<1x80xi32, #tpu.memory_space<vmem>>
      %dma_start3A_921 = tpu.memref_squeeze %dma_start3A_920 : memref<1x80xi32, #tpu.memory_space<vmem>> -> memref<80xi32, #tpu.memory_space<vmem>>
      %dma_start3A_922 = arith.constant 0 : i32
      %dma_start3A_923 = arith.constant 0 : i32
      %dma_start3A_924 = tpu.memref_slice %arg25[%dma_start3A_922, %dma_start3A_923] : memref<100096x16xf32, #tpu.memory_space<vmem_shared>> -> memref<100096x16xf32, #tpu.memory_space<vmem_shared>>
      tpu.enqueue_indirect_dma source(%dma_start3A_918 : memref<80x16xf32, #tpu.memory_space<vmem>>) target(%dma_start3A_924 : memref<100096x16xf32, #tpu.memory_space<vmem_shared>>) offsets(%dma_start3A_921 : memref<80xi32, #tpu.memory_space<vmem>>) semaphore(%arg22 : memref<!tpu.dma_semaphore, #tpu.memory_space<semaphore_mem>>) {add = true}
      %add3A_925 = arith.constant 1 : i32
      %add3A_926 = arith.addi %add3A_838, %add3A_925 : i32
      %lt3A_927 = arith.constant 2500 : i32
      %lt3A_928 = arith.cmpi slt, %add3A_926, %lt3A_927 : i32
      %convert_element_type3A_929 = arith.extui %lt3A_928 : i1 to i32
      %cond3A_930 = arith.constant 0 : i32
      %cond3A_931 = arith.cmpi ne, %convert_element_type3A_929, %cond3A_930 : i32
      scf.if %cond3A_931 {
        %dma_wait3A_1126 = arith.constant 2 : i32
        %dma_wait3A_1127 = arith.constant 0 : i32
        %dma_wait3A_1128 = tpu.memref_slice %arg8[%dma_wait3A_1126, %dma_wait3A_1127] : memref<4x80xi32, #tpu.memory_space<vmem>> -> memref<1x80xi32, #tpu.memory_space<vmem>>
        %dma_wait3A_1129 = tpu.memref_squeeze %dma_wait3A_1128 : memref<1x80xi32, #tpu.memory_space<vmem>> -> memref<80xi32, #tpu.memory_space<vmem>>
        %dma_wait3A_1130 = arith.constant 0 : i32
        %dma_wait3A_1131 = tpu.memref_slice %arg2[%dma_wait3A_1130] : memref<3200000xi32, #tpu.memory_space<hbm>> -> memref<80xi32, #tpu.memory_space<hbm>>
        %dma_wait3A_1132 = arith.constant 0 : i32
        %dma_wait3A_1133 = tpu.memref_slice %arg8[%dma_wait3A_1126, %dma_wait3A_1132] : memref<4x80xi32, #tpu.memory_space<vmem>> -> memref<1x80xi32, #tpu.memory_space<vmem>>
        %dma_wait3A_1134 = tpu.memref_squeeze %dma_wait3A_1133 : memref<1x80xi32, #tpu.memory_space<vmem>> -> memref<80xi32, #tpu.memory_space<vmem>>
        %dma_wait3A_1135 = arith.constant 0 : i32
        %dma_wait3A_1136 = tpu.memref_slice %arg2[%dma_wait3A_1135] : memref<3200000xi32, #tpu.memory_space<hbm>> -> memref<80xi32, #tpu.memory_space<hbm>>
        tpu.wait_dma2 semaphore(%arg15 : memref<!tpu.dma_semaphore, #tpu.memory_space<semaphore_mem>>) src(%dma_wait3A_1136 : memref<80xi32, #tpu.memory_space<hbm>>) dst(%dma_wait3A_1134 : memref<80xi32, #tpu.memory_space<vmem>>)
        %dma_wait3A_1137 = arith.constant 2 : i32
        %dma_wait3A_1138 = arith.constant 0 : i32
        %dma_wait3A_1139 = tpu.memref_slice %arg9[%dma_wait3A_1137, %dma_wait3A_1138] : memref<4x80xi32, #tpu.memory_space<vmem>> -> memref<1x80xi32, #tpu.memory_space<vmem>>
        %dma_wait3A_1140 = tpu.memref_squeeze %dma_wait3A_1139 : memref<1x80xi32, #tpu.memory_space<vmem>> -> memref<80xi32, #tpu.memory_space<vmem>>
        %dma_wait3A_1141 = arith.constant 0 : i32
        %dma_wait3A_1142 = tpu.memref_slice %arg4[%dma_wait3A_1141] : memref<3200000xi32, #tpu.memory_space<hbm>> -> memref<80xi32, #tpu.memory_space<hbm>>
        %dma_wait3A_1143 = arith.constant 0 : i32
        %dma_wait3A_1144 = tpu.memref_slice %arg9[%dma_wait3A_1137, %dma_wait3A_1143] : memref<4x80xi32, #tpu.memory_space<vmem>> -> memref<1x80xi32, #tpu.memory_space<vmem>>
        %dma_wait3A_1145 = tpu.memref_squeeze %dma_wait3A_1144 : memref<1x80xi32, #tpu.memory_space<vmem>> -> memref<80xi32, #tpu.memory_space<vmem>>
        %dma_wait3A_1146 = arith.constant 0 : i32
        %dma_wait3A_1147 = tpu.memref_slice %arg4[%dma_wait3A_1146] : memref<3200000xi32, #tpu.memory_space<hbm>> -> memref<80xi32, #tpu.memory_space<hbm>>
        tpu.wait_dma2 semaphore(%arg15 : memref<!tpu.dma_semaphore, #tpu.memory_space<semaphore_mem>>) src(%dma_wait3A_1147 : memref<80xi32, #tpu.memory_space<hbm>>) dst(%dma_wait3A_1145 : memref<80xi32, #tpu.memory_space<vmem>>)
        %dma_wait3A_1148 = arith.constant 2 : i32
        %dma_wait3A_1149 = arith.constant 2 : i32
        %dma_wait3A_1150 = arith.constant 0 : i32
        %dma_wait3A_1151 = arith.constant 0 : i32
        %dma_wait3A_1152 = tpu.memref_slice %arg11[%dma_wait3A_1148, %dma_wait3A_1150, %dma_wait3A_1151] : memref<4x80x16xf32, #tpu.memory_space<vmem>> -> memref<1x80x16xf32, #tpu.memory_space<vmem>>
        %dma_wait3A_1153 = tpu.memref_squeeze %dma_wait3A_1152 : memref<1x80x16xf32, #tpu.memory_space<vmem>> -> memref<80x16xf32, #tpu.memory_space<vmem>>
        %dma_wait3A_1154 = arith.constant 0 : i32
        %dma_wait3A_1155 = tpu.memref_slice %arg10[%dma_wait3A_1149, %dma_wait3A_1154] : memref<4x80xi32, #tpu.memory_space<vmem>> -> memref<1x80xi32, #tpu.memory_space<vmem>>
        %dma_wait3A_1156 = tpu.memref_squeeze %dma_wait3A_1155 : memref<1x80xi32, #tpu.memory_space<vmem>> -> memref<80xi32, #tpu.memory_space<vmem>>
        %dma_wait3A_1157 = arith.constant 0 : i32
        %dma_wait3A_1158 = arith.constant 0 : i32
        %dma_wait3A_1159 = tpu.memref_slice %arg25[%dma_wait3A_1157, %dma_wait3A_1158] : memref<100096x16xf32, #tpu.memory_space<vmem_shared>> -> memref<100096x16xf32, #tpu.memory_space<vmem_shared>>
        tpu.wait_indirect_dma semaphore(%arg23 : memref<!tpu.dma_semaphore, #tpu.memory_space<semaphore_mem>>) src(%dma_wait3A_1153 : memref<80x16xf32, #tpu.memory_space<vmem>>) dst(%dma_wait3A_1159 : memref<100096x16xf32, #tpu.memory_space<vmem_shared>>)
        %dma_start3A_1160 = arith.constant 2 : i32
        %dma_start3A_1161 = arith.constant 2 : i32
        %dma_start3A_1162 = arith.constant 0 : i32
        %dma_start3A_1163 = arith.constant 0 : i32
        %dma_start3A_1164 = tpu.memref_slice %arg11[%dma_start3A_1161, %dma_start3A_1162, %dma_start3A_1163] : memref<4x80x16xf32, #tpu.memory_space<vmem>> -> memref<1x80x16xf32, #tpu.memory_space<vmem>>
        %dma_start3A_1165 = tpu.memref_squeeze %dma_start3A_1164 : memref<1x80x16xf32, #tpu.memory_space<vmem>> -> memref<80x16xf32, #tpu.memory_space<vmem>>
        %dma_start3A_1166 = arith.constant 0 : i32
        %dma_start3A_1167 = tpu.memref_slice %arg8[%dma_start3A_1160, %dma_start3A_1166] : memref<4x80xi32, #tpu.memory_space<vmem>> -> memref<1x80xi32, #tpu.memory_space<vmem>>
        %dma_start3A_1168 = tpu.memref_squeeze %dma_start3A_1167 : memref<1x80xi32, #tpu.memory_space<vmem>> -> memref<80xi32, #tpu.memory_space<vmem>>
        %dma_start3A_1169 = arith.constant 0 : i32
        %dma_start3A_1170 = arith.constant 0 : i32
        %dma_start3A_1171 = tpu.memref_slice %arg5[%dma_start3A_1169, %dma_start3A_1170] : memref<200000x16xf32, #tpu.memory_space<hbm>> -> memref<200000x16xf32, #tpu.memory_space<hbm>>
        tpu.enqueue_indirect_dma source(%dma_start3A_1171 : memref<200000x16xf32, #tpu.memory_space<hbm>>) target(%dma_start3A_1165 : memref<80x16xf32, #tpu.memory_space<vmem>>) offsets(%dma_start3A_1168 : memref<80xi32, #tpu.memory_space<vmem>>) semaphore(%arg19 : memref<!tpu.dma_semaphore, #tpu.memory_space<semaphore_mem>>)
      } else {
      }
      %mul3A_932 = arith.constant 4 : i32
      %mul3A_933 = arith.muli %mul3A_932, %scan3A_738 : i32
      %add3A_934 = arith.constant 2 : i32
      %add3A_935 = arith.addi %mul3A_933, %add3A_934 : i32
      %dma_wait3A_936 = arith.constant 2 : i32
      %dma_wait3A_937 = arith.constant 2 : i32
      %dma_wait3A_938 = arith.constant 0 : i32
      %dma_wait3A_939 = arith.constant 0 : i32
      %dma_wait3A_940 = tpu.memref_slice %arg11[%dma_wait3A_937, %dma_wait3A_938, %dma_wait3A_939] : memref<4x80x16xf32, #tpu.memory_space<vmem>> -> memref<1x80x16xf32, #tpu.memory_space<vmem>>
      %dma_wait3A_941 = tpu.memref_squeeze %dma_wait3A_940 : memref<1x80x16xf32, #tpu.memory_space<vmem>> -> memref<80x16xf32, #tpu.memory_space<vmem>>
      %dma_wait3A_942 = arith.constant 0 : i32
      %dma_wait3A_943 = tpu.memref_slice %arg8[%dma_wait3A_936, %dma_wait3A_942] : memref<4x80xi32, #tpu.memory_space<vmem>> -> memref<1x80xi32, #tpu.memory_space<vmem>>
      %dma_wait3A_944 = tpu.memref_squeeze %dma_wait3A_943 : memref<1x80xi32, #tpu.memory_space<vmem>> -> memref<80xi32, #tpu.memory_space<vmem>>
      %dma_wait3A_945 = arith.constant 0 : i32
      %dma_wait3A_946 = arith.constant 0 : i32
      %dma_wait3A_947 = tpu.memref_slice %arg5[%dma_wait3A_945, %dma_wait3A_946] : memref<200000x16xf32, #tpu.memory_space<hbm>> -> memref<200000x16xf32, #tpu.memory_space<hbm>>
      tpu.wait_indirect_dma semaphore(%arg19 : memref<!tpu.dma_semaphore, #tpu.memory_space<semaphore_mem>>) src(%dma_wait3A_947 : memref<200000x16xf32, #tpu.memory_space<hbm>>) dst(%dma_wait3A_941 : memref<80x16xf32, #tpu.memory_space<vmem>>)
      %get3A_948 = arith.constant 2 : i32
      %get3A_949 = arith.index_cast %get3A_948 : i32 to index
      %get3A_950 = arith.constant 0 : index
      %get3A_951 = tpu.vector_load %arg9[%get3A_949, %get3A_950] {strides = array<i32>} : memref<4x80xi32, #tpu.memory_space<vmem>>, vector<1x16xi32>,
      %get3A_952 = vector.shape_cast %get3A_951 : vector<1x16xi32> to vector<16xi32>
      %swap3A_953 = arith.constant 2 : i32
      %swap3A_954 = arith.index_cast %swap3A_953 : i32 to index
      %swap3A_955 = arith.constant 0 : index
      %swap3A_956 = tpu.vector_load %arg10[%swap3A_954, %swap3A_955] {strides = array<i32>} : memref<4x80xi32, #tpu.memory_space<vmem>>, vector<1x16xi32>,
      %swap3A_957 = vector.shape_cast %swap3A_956 : vector<1x16xi32> to vector<16xi32>
      %swap3A_958 = vector.shape_cast %get3A_952 : vector<16xi32> to vector<1x16xi32>
      tpu.vector_store %arg10[%swap3A_954, %swap3A_955], %swap3A_958 {strides = array<i32>} : memref<4x80xi32, #tpu.memory_space<vmem>>, vector<1x16xi32>,
      %get3A_959 = arith.constant 2 : i32
      %get3A_960 = arith.index_cast %get3A_959 : i32 to index
      %get3A_961 = arith.constant 16 : index
      %get3A_962 = tpu.vector_load %arg9[%get3A_960, %get3A_961] {strides = array<i32>} : memref<4x80xi32, #tpu.memory_space<vmem>>, vector<1x16xi32>,
      %get3A_963 = vector.shape_cast %get3A_962 : vector<1x16xi32> to vector<16xi32>
      %swap3A_964 = arith.constant 2 : i32
      %swap3A_965 = arith.index_cast %swap3A_964 : i32 to index
      %swap3A_966 = arith.constant 16 : index
      %swap3A_967 = tpu.vector_load %arg10[%swap3A_965, %swap3A_966] {strides = array<i32>} : memref<4x80xi32, #tpu.memory_space<vmem>>, vector<1x16xi32>,
      %swap3A_968 = vector.shape_cast %swap3A_967 : vector<1x16xi32> to vector<16xi32>
      %swap3A_969 = vector.shape_cast %get3A_963 : vector<16xi32> to vector<1x16xi32>
      tpu.vector_store %arg10[%swap3A_965, %swap3A_966], %swap3A_969 {strides = array<i32>} : memref<4x80xi32, #tpu.memory_space<vmem>>, vector<1x16xi32>,
      %get3A_970 = arith.constant 2 : i32
      %get3A_971 = arith.index_cast %get3A_970 : i32 to index
      %get3A_972 = arith.constant 32 : index
      %get3A_973 = tpu.vector_load %arg9[%get3A_971, %get3A_972] {strides = array<i32>} : memref<4x80xi32, #tpu.memory_space<vmem>>, vector<1x16xi32>,
      %get3A_974 = vector.shape_cast %get3A_973 : vector<1x16xi32> to vector<16xi32>
      %swap3A_975 = arith.constant 2 : i32
      %swap3A_976 = arith.index_cast %swap3A_975 : i32 to index
      %swap3A_977 = arith.constant 32 : index
      %swap3A_978 = tpu.vector_load %arg10[%swap3A_976, %swap3A_977] {strides = array<i32>} : memref<4x80xi32, #tpu.memory_space<vmem>>, vector<1x16xi32>,
      %swap3A_979 = vector.shape_cast %swap3A_978 : vector<1x16xi32> to vector<16xi32>
      %swap3A_980 = vector.shape_cast %get3A_974 : vector<16xi32> to vector<1x16xi32>
      tpu.vector_store %arg10[%swap3A_976, %swap3A_977], %swap3A_980 {strides = array<i32>} : memref<4x80xi32, #tpu.memory_space<vmem>>, vector<1x16xi32>,
      %get3A_981 = arith.constant 2 : i32
      %get3A_982 = arith.index_cast %get3A_981 : i32 to index
      %get3A_983 = arith.constant 48 : index
      %get3A_984 = tpu.vector_load %arg9[%get3A_982, %get3A_983] {strides = array<i32>} : memref<4x80xi32, #tpu.memory_space<vmem>>, vector<1x16xi32>,
      %get3A_985 = vector.shape_cast %get3A_984 : vector<1x16xi32> to vector<16xi32>
      %swap3A_986 = arith.constant 2 : i32
      %swap3A_987 = arith.index_cast %swap3A_986 : i32 to index
      %swap3A_988 = arith.constant 48 : index
      %swap3A_989 = tpu.vector_load %arg10[%swap3A_987, %swap3A_988] {strides = array<i32>} : memref<4x80xi32, #tpu.memory_space<vmem>>, vector<1x16xi32>,
      %swap3A_990 = vector.shape_cast %swap3A_989 : vector<1x16xi32> to vector<16xi32>
      %swap3A_991 = vector.shape_cast %get3A_985 : vector<16xi32> to vector<1x16xi32>
      tpu.vector_store %arg10[%swap3A_987, %swap3A_988], %swap3A_991 {strides = array<i32>} : memref<4x80xi32, #tpu.memory_space<vmem>>, vector<1x16xi32>,
      %get3A_992 = arith.constant 2 : i32
      %get3A_993 = arith.index_cast %get3A_992 : i32 to index
      %get3A_994 = arith.constant 64 : index
      %get3A_995 = tpu.vector_load %arg9[%get3A_993, %get3A_994] {strides = array<i32>} : memref<4x80xi32, #tpu.memory_space<vmem>>, vector<1x16xi32>,
      %get3A_996 = vector.shape_cast %get3A_995 : vector<1x16xi32> to vector<16xi32>
      %swap3A_997 = arith.constant 2 : i32
      %swap3A_998 = arith.index_cast %swap3A_997 : i32 to index
      %swap3A_999 = arith.constant 64 : index
      %swap3A_1000 = tpu.vector_load %arg10[%swap3A_998, %swap3A_999] {strides = array<i32>} : memref<4x80xi32, #tpu.memory_space<vmem>>, vector<1x16xi32>,
      %swap3A_1001 = vector.shape_cast %swap3A_1000 : vector<1x16xi32> to vector<16xi32>
      %swap3A_1002 = vector.shape_cast %get3A_996 : vector<16xi32> to vector<1x16xi32>
      tpu.vector_store %arg10[%swap3A_998, %swap3A_999], %swap3A_1002 {strides = array<i32>} : memref<4x80xi32, #tpu.memory_space<vmem>>, vector<1x16xi32>,
      %add3A_1003 = arith.constant 4 : i32
      %add3A_1004 = arith.addi %add3A_935, %add3A_1003 : i32
      %lt3A_1005 = arith.constant 2500 : i32
      %lt3A_1006 = arith.cmpi slt, %add3A_1004, %lt3A_1005 : i32
      %convert_element_type3A_1007 = arith.extui %lt3A_1006 : i1 to i32
      %cond3A_1008 = arith.constant 0 : i32
      %cond3A_1009 = arith.cmpi ne, %convert_element_type3A_1007, %cond3A_1008 : i32
      scf.if %cond3A_1009 {
        %add3A_1126 = arith.constant 4 : i32
        %add3A_1127 = arith.addi %add3A_935, %add3A_1126 : i32
        %mul3A_1128 = arith.constant 80 : i32
        %mul3A_1129 = arith.muli %add3A_1127, %mul3A_1128 : i32
        %add3A_1130 = arith.addi %mul3A_10, %mul3A_1129 : i32
        %eq3A_1131 = arith.constant 0 : i32
        %eq3A_1132 = arith.cmpi eq, %arg0, %eq3A_1131 : i32
        %convert_element_type3A_1133 = arith.extui %eq3A_1132 : i1 to i32
        %cond3A_1134 = arith.constant 0 : i32
        %cond3A_1135 = arith.cmpi ne, %convert_element_type3A_1133, %cond3A_1134 : i32
        scf.if %cond3A_1135 {
          %dma_start3A_1150 = arith.constant 2 : i32
          %dma_start3A_1151 = arith.constant 0 : i32
          %dma_start3A_1152 = tpu.memref_slice %arg8[%dma_start3A_1150, %dma_start3A_1151] : memref<4x80xi32, #tpu.memory_space<vmem>> -> memref<1x80xi32, #tpu.memory_space<vmem>>
          %dma_start3A_1153 = tpu.memref_squeeze %dma_start3A_1152 : memref<1x80xi32, #tpu.memory_space<vmem>> -> memref<80xi32, #tpu.memory_space<vmem>>
          %dma_start3A_1154 = tpu.memref_slice %arg2[%add3A_1130] : memref<3200000xi32, #tpu.memory_space<hbm>> -> memref<80xi32, #tpu.memory_space<hbm>>
          %dma_start3A_1155 = arith.constant 0 : i32
          %dma_start3A_1156 = tpu.memref_slice %arg8[%dma_start3A_1150, %dma_start3A_1155] : memref<4x80xi32, #tpu.memory_space<vmem>> -> memref<1x80xi32, #tpu.memory_space<vmem>>
          %dma_start3A_1157 = tpu.memref_squeeze %dma_start3A_1156 : memref<1x80xi32, #tpu.memory_space<vmem>> -> memref<80xi32, #tpu.memory_space<vmem>>
          %dma_start3A_1158 = tpu.memref_slice %arg2[%add3A_1130] : memref<3200000xi32, #tpu.memory_space<hbm>> -> memref<80xi32, #tpu.memory_space<hbm>>
          tpu.enqueue_dma source(%dma_start3A_1158 : memref<80xi32, #tpu.memory_space<hbm>>) target(%dma_start3A_1157 : memref<80xi32, #tpu.memory_space<vmem>>) target_semaphore(%arg15 : memref<!tpu.dma_semaphore, #tpu.memory_space<semaphore_mem>>)
        } else {
        }
        %eq3A_1136 = arith.constant 1 : i32
        %eq3A_1137 = arith.cmpi eq, %arg0, %eq3A_1136 : i32
        %convert_element_type3A_1138 = arith.extui %eq3A_1137 : i1 to i32
        %cond3A_1139 = arith.constant 0 : i32
        %cond3A_1140 = arith.cmpi ne, %convert_element_type3A_1138, %cond3A_1139 : i32
        scf.if %cond3A_1140 {
          %dma_start3A_1150 = arith.constant 2 : i32
          %dma_start3A_1151 = arith.constant 0 : i32
          %dma_start3A_1152 = tpu.memref_slice %arg8[%dma_start3A_1150, %dma_start3A_1151] : memref<4x80xi32, #tpu.memory_space<vmem>> -> memref<1x80xi32, #tpu.memory_space<vmem>>
          %dma_start3A_1153 = tpu.memref_squeeze %dma_start3A_1152 : memref<1x80xi32, #tpu.memory_space<vmem>> -> memref<80xi32, #tpu.memory_space<vmem>>
          %dma_start3A_1154 = tpu.memref_slice %arg3[%add3A_1130] : memref<3200000xi32, #tpu.memory_space<hbm>> -> memref<80xi32, #tpu.memory_space<hbm>>
          %dma_start3A_1155 = arith.constant 0 : i32
          %dma_start3A_1156 = tpu.memref_slice %arg8[%dma_start3A_1150, %dma_start3A_1155] : memref<4x80xi32, #tpu.memory_space<vmem>> -> memref<1x80xi32, #tpu.memory_space<vmem>>
          %dma_start3A_1157 = tpu.memref_squeeze %dma_start3A_1156 : memref<1x80xi32, #tpu.memory_space<vmem>> -> memref<80xi32, #tpu.memory_space<vmem>>
          %dma_start3A_1158 = tpu.memref_slice %arg3[%add3A_1130] : memref<3200000xi32, #tpu.memory_space<hbm>> -> memref<80xi32, #tpu.memory_space<hbm>>
          tpu.enqueue_dma source(%dma_start3A_1158 : memref<80xi32, #tpu.memory_space<hbm>>) target(%dma_start3A_1157 : memref<80xi32, #tpu.memory_space<vmem>>) target_semaphore(%arg15 : memref<!tpu.dma_semaphore, #tpu.memory_space<semaphore_mem>>)
        } else {
        }
        %dma_start3A_1141 = arith.constant 2 : i32
        %dma_start3A_1142 = arith.constant 0 : i32
        %dma_start3A_1143 = tpu.memref_slice %arg9[%dma_start3A_1141, %dma_start3A_1142] : memref<4x80xi32, #tpu.memory_space<vmem>> -> memref<1x80xi32, #tpu.memory_space<vmem>>
        %dma_start3A_1144 = tpu.memref_squeeze %dma_start3A_1143 : memref<1x80xi32, #tpu.memory_space<vmem>> -> memref<80xi32, #tpu.memory_space<vmem>>
        %dma_start3A_1145 = tpu.memref_slice %arg4[%add3A_1130] : memref<3200000xi32, #tpu.memory_space<hbm>> -> memref<80xi32, #tpu.memory_space<hbm>>
        %dma_start3A_1146 = arith.constant 0 : i32
        %dma_start3A_1147 = tpu.memref_slice %arg9[%dma_start3A_1141, %dma_start3A_1146] : memref<4x80xi32, #tpu.memory_space<vmem>> -> memref<1x80xi32, #tpu.memory_space<vmem>>
        %dma_start3A_1148 = tpu.memref_squeeze %dma_start3A_1147 : memref<1x80xi32, #tpu.memory_space<vmem>> -> memref<80xi32, #tpu.memory_space<vmem>>
        %dma_start3A_1149 = tpu.memref_slice %arg4[%add3A_1130] : memref<3200000xi32, #tpu.memory_space<hbm>> -> memref<80xi32, #tpu.memory_space<hbm>>
        tpu.enqueue_dma source(%dma_start3A_1149 : memref<80xi32, #tpu.memory_space<hbm>>) target(%dma_start3A_1148 : memref<80xi32, #tpu.memory_space<vmem>>) target_semaphore(%arg15 : memref<!tpu.dma_semaphore, #tpu.memory_space<semaphore_mem>>)
      } else {
      }
      %dma_start3A_1010 = arith.constant 2 : i32
      %dma_start3A_1011 = arith.constant 2 : i32
      %dma_start3A_1012 = arith.constant 0 : i32
      %dma_start3A_1013 = arith.constant 0 : i32
      %dma_start3A_1014 = tpu.memref_slice %arg11[%dma_start3A_1010, %dma_start3A_1012, %dma_start3A_1013] : memref<4x80x16xf32, #tpu.memory_space<vmem>> -> memref<1x80x16xf32, #tpu.memory_space<vmem>>
      %dma_start3A_1015 = tpu.memref_squeeze %dma_start3A_1014 : memref<1x80x16xf32, #tpu.memory_space<vmem>> -> memref<80x16xf32, #tpu.memory_space<vmem>>
      %dma_start3A_1016 = arith.constant 0 : i32
      %dma_start3A_1017 = tpu.memref_slice %arg10[%dma_start3A_1011, %dma_start3A_1016] : memref<4x80xi32, #tpu.memory_space<vmem>> -> memref<1x80xi32, #tpu.memory_space<vmem>>
      %dma_start3A_1018 = tpu.memref_squeeze %dma_start3A_1017 : memref<1x80xi32, #tpu.memory_space<vmem>> -> memref<80xi32, #tpu.memory_space<vmem>>
      %dma_start3A_1019 = arith.constant 0 : i32
      %dma_start3A_1020 = arith.constant 0 : i32
      %dma_start3A_1021 = tpu.memref_slice %arg25[%dma_start3A_1019, %dma_start3A_1020] : memref<100096x16xf32, #tpu.memory_space<vmem_shared>> -> memref<100096x16xf32, #tpu.memory_space<vmem_shared>>
      tpu.enqueue_indirect_dma source(%dma_start3A_1015 : memref<80x16xf32, #tpu.memory_space<vmem>>) target(%dma_start3A_1021 : memref<100096x16xf32, #tpu.memory_space<vmem_shared>>) offsets(%dma_start3A_1018 : memref<80xi32, #tpu.memory_space<vmem>>) semaphore(%arg23 : memref<!tpu.dma_semaphore, #tpu.memory_space<semaphore_mem>>) {add = true}
      %add3A_1022 = arith.constant 1 : i32
      %add3A_1023 = arith.addi %add3A_935, %add3A_1022 : i32
      %lt3A_1024 = arith.constant 2500 : i32
      %lt3A_1025 = arith.cmpi slt, %add3A_1023, %lt3A_1024 : i32
      %convert_element_type3A_1026 = arith.extui %lt3A_1025 : i1 to i32
      %cond3A_1027 = arith.constant 0 : i32
      %cond3A_1028 = arith.cmpi ne, %convert_element_type3A_1026, %cond3A_1027 : i32
      scf.if %cond3A_1028 {
        %dma_wait3A_1126 = arith.constant 3 : i32
        %dma_wait3A_1127 = arith.constant 0 : i32
        %dma_wait3A_1128 = tpu.memref_slice %arg8[%dma_wait3A_1126, %dma_wait3A_1127] : memref<4x80xi32, #tpu.memory_space<vmem>> -> memref<1x80xi32, #tpu.memory_space<vmem>>
        %dma_wait3A_1129 = tpu.memref_squeeze %dma_wait3A_1128 : memref<1x80xi32, #tpu.memory_space<vmem>> -> memref<80xi32, #tpu.memory_space<vmem>>
        %dma_wait3A_1130 = arith.constant 0 : i32
        %dma_wait3A_1131 = tpu.memref_slice %arg2[%dma_wait3A_1130] : memref<3200000xi32, #tpu.memory_space<hbm>> -> memref<80xi32, #tpu.memory_space<hbm>>
        %dma_wait3A_1132 = arith.constant 0 : i32
        %dma_wait3A_1133 = tpu.memref_slice %arg8[%dma_wait3A_1126, %dma_wait3A_1132] : memref<4x80xi32, #tpu.memory_space<vmem>> -> memref<1x80xi32, #tpu.memory_space<vmem>>
        %dma_wait3A_1134 = tpu.memref_squeeze %dma_wait3A_1133 : memref<1x80xi32, #tpu.memory_space<vmem>> -> memref<80xi32, #tpu.memory_space<vmem>>
        %dma_wait3A_1135 = arith.constant 0 : i32
        %dma_wait3A_1136 = tpu.memref_slice %arg2[%dma_wait3A_1135] : memref<3200000xi32, #tpu.memory_space<hbm>> -> memref<80xi32, #tpu.memory_space<hbm>>
        tpu.wait_dma2 semaphore(%arg16 : memref<!tpu.dma_semaphore, #tpu.memory_space<semaphore_mem>>) src(%dma_wait3A_1136 : memref<80xi32, #tpu.memory_space<hbm>>) dst(%dma_wait3A_1134 : memref<80xi32, #tpu.memory_space<vmem>>)
        %dma_wait3A_1137 = arith.constant 3 : i32
        %dma_wait3A_1138 = arith.constant 0 : i32
        %dma_wait3A_1139 = tpu.memref_slice %arg9[%dma_wait3A_1137, %dma_wait3A_1138] : memref<4x80xi32, #tpu.memory_space<vmem>> -> memref<1x80xi32, #tpu.memory_space<vmem>>
        %dma_wait3A_1140 = tpu.memref_squeeze %dma_wait3A_1139 : memref<1x80xi32, #tpu.memory_space<vmem>> -> memref<80xi32, #tpu.memory_space<vmem>>
        %dma_wait3A_1141 = arith.constant 0 : i32
        %dma_wait3A_1142 = tpu.memref_slice %arg4[%dma_wait3A_1141] : memref<3200000xi32, #tpu.memory_space<hbm>> -> memref<80xi32, #tpu.memory_space<hbm>>
        %dma_wait3A_1143 = arith.constant 0 : i32
        %dma_wait3A_1144 = tpu.memref_slice %arg9[%dma_wait3A_1137, %dma_wait3A_1143] : memref<4x80xi32, #tpu.memory_space<vmem>> -> memref<1x80xi32, #tpu.memory_space<vmem>>
        %dma_wait3A_1145 = tpu.memref_squeeze %dma_wait3A_1144 : memref<1x80xi32, #tpu.memory_space<vmem>> -> memref<80xi32, #tpu.memory_space<vmem>>
        %dma_wait3A_1146 = arith.constant 0 : i32
        %dma_wait3A_1147 = tpu.memref_slice %arg4[%dma_wait3A_1146] : memref<3200000xi32, #tpu.memory_space<hbm>> -> memref<80xi32, #tpu.memory_space<hbm>>
        tpu.wait_dma2 semaphore(%arg16 : memref<!tpu.dma_semaphore, #tpu.memory_space<semaphore_mem>>) src(%dma_wait3A_1147 : memref<80xi32, #tpu.memory_space<hbm>>) dst(%dma_wait3A_1145 : memref<80xi32, #tpu.memory_space<vmem>>)
        %dma_wait3A_1148 = arith.constant 3 : i32
        %dma_wait3A_1149 = arith.constant 3 : i32
        %dma_wait3A_1150 = arith.constant 0 : i32
        %dma_wait3A_1151 = arith.constant 0 : i32
        %dma_wait3A_1152 = tpu.memref_slice %arg11[%dma_wait3A_1148, %dma_wait3A_1150, %dma_wait3A_1151] : memref<4x80x16xf32, #tpu.memory_space<vmem>> -> memref<1x80x16xf32, #tpu.memory_space<vmem>>
        %dma_wait3A_1153 = tpu.memref_squeeze %dma_wait3A_1152 : memref<1x80x16xf32, #tpu.memory_space<vmem>> -> memref<80x16xf32, #tpu.memory_space<vmem>>
        %dma_wait3A_1154 = arith.constant 0 : i32
        %dma_wait3A_1155 = tpu.memref_slice %arg10[%dma_wait3A_1149, %dma_wait3A_1154] : memref<4x80xi32, #tpu.memory_space<vmem>> -> memref<1x80xi32, #tpu.memory_space<vmem>>
        %dma_wait3A_1156 = tpu.memref_squeeze %dma_wait3A_1155 : memref<1x80xi32, #tpu.memory_space<vmem>> -> memref<80xi32, #tpu.memory_space<vmem>>
        %dma_wait3A_1157 = arith.constant 0 : i32
        %dma_wait3A_1158 = arith.constant 0 : i32
        %dma_wait3A_1159 = tpu.memref_slice %arg25[%dma_wait3A_1157, %dma_wait3A_1158] : memref<100096x16xf32, #tpu.memory_space<vmem_shared>> -> memref<100096x16xf32, #tpu.memory_space<vmem_shared>>
        tpu.wait_indirect_dma semaphore(%arg24 : memref<!tpu.dma_semaphore, #tpu.memory_space<semaphore_mem>>) src(%dma_wait3A_1153 : memref<80x16xf32, #tpu.memory_space<vmem>>) dst(%dma_wait3A_1159 : memref<100096x16xf32, #tpu.memory_space<vmem_shared>>)
        %dma_start3A_1160 = arith.constant 3 : i32
        %dma_start3A_1161 = arith.constant 3 : i32
        %dma_start3A_1162 = arith.constant 0 : i32
        %dma_start3A_1163 = arith.constant 0 : i32
        %dma_start3A_1164 = tpu.memref_slice %arg11[%dma_start3A_1161, %dma_start3A_1162, %dma_start3A_1163] : memref<4x80x16xf32, #tpu.memory_space<vmem>> -> memref<1x80x16xf32, #tpu.memory_space<vmem>>
        %dma_start3A_1165 = tpu.memref_squeeze %dma_start3A_1164 : memref<1x80x16xf32, #tpu.memory_space<vmem>> -> memref<80x16xf32, #tpu.memory_space<vmem>>
        %dma_start3A_1166 = arith.constant 0 : i32
        %dma_start3A_1167 = tpu.memref_slice %arg8[%dma_start3A_1160, %dma_start3A_1166] : memref<4x80xi32, #tpu.memory_space<vmem>> -> memref<1x80xi32, #tpu.memory_space<vmem>>
        %dma_start3A_1168 = tpu.memref_squeeze %dma_start3A_1167 : memref<1x80xi32, #tpu.memory_space<vmem>> -> memref<80xi32, #tpu.memory_space<vmem>>
        %dma_start3A_1169 = arith.constant 0 : i32
        %dma_start3A_1170 = arith.constant 0 : i32
        %dma_start3A_1171 = tpu.memref_slice %arg5[%dma_start3A_1169, %dma_start3A_1170] : memref<200000x16xf32, #tpu.memory_space<hbm>> -> memref<200000x16xf32, #tpu.memory_space<hbm>>
        tpu.enqueue_indirect_dma source(%dma_start3A_1171 : memref<200000x16xf32, #tpu.memory_space<hbm>>) target(%dma_start3A_1165 : memref<80x16xf32, #tpu.memory_space<vmem>>) offsets(%dma_start3A_1168 : memref<80xi32, #tpu.memory_space<vmem>>) semaphore(%arg20 : memref<!tpu.dma_semaphore, #tpu.memory_space<semaphore_mem>>)
      } else {
      }
      %mul3A_1029 = arith.constant 4 : i32
      %mul3A_1030 = arith.muli %mul3A_1029, %scan3A_738 : i32
      %add3A_1031 = arith.constant 3 : i32
      %add3A_1032 = arith.addi %mul3A_1030, %add3A_1031 : i32
      %dma_wait3A_1033 = arith.constant 3 : i32
      %dma_wait3A_1034 = arith.constant 3 : i32
      %dma_wait3A_1035 = arith.constant 0 : i32
      %dma_wait3A_1036 = arith.constant 0 : i32
      %dma_wait3A_1037 = tpu.memref_slice %arg11[%dma_wait3A_1034, %dma_wait3A_1035, %dma_wait3A_1036] : memref<4x80x16xf32, #tpu.memory_space<vmem>> -> memref<1x80x16xf32, #tpu.memory_space<vmem>>
      %dma_wait3A_1038 = tpu.memref_squeeze %dma_wait3A_1037 : memref<1x80x16xf32, #tpu.memory_space<vmem>> -> memref<80x16xf32, #tpu.memory_space<vmem>>
      %dma_wait3A_1039 = arith.constant 0 : i32
      %dma_wait3A_1040 = tpu.memref_slice %arg8[%dma_wait3A_1033, %dma_wait3A_1039] : memref<4x80xi32, #tpu.memory_space<vmem>> -> memref<1x80xi32, #tpu.memory_space<vmem>>
      %dma_wait3A_1041 = tpu.memref_squeeze %dma_wait3A_1040 : memref<1x80xi32, #tpu.memory_space<vmem>> -> memref<80xi32, #tpu.memory_space<vmem>>
      %dma_wait3A_1042 = arith.constant 0 : i32
      %dma_wait3A_1043 = arith.constant 0 : i32
      %dma_wait3A_1044 = tpu.memref_slice %arg5[%dma_wait3A_1042, %dma_wait3A_1043] : memref<200000x16xf32, #tpu.memory_space<hbm>> -> memref<200000x16xf32, #tpu.memory_space<hbm>>
      tpu.wait_indirect_dma semaphore(%arg20 : memref<!tpu.dma_semaphore, #tpu.memory_space<semaphore_mem>>) src(%dma_wait3A_1044 : memref<200000x16xf32, #tpu.memory_space<hbm>>) dst(%dma_wait3A_1038 : memref<80x16xf32, #tpu.memory_space<vmem>>)
      %get3A_1045 = arith.constant 3 : i32
      %get3A_1046 = arith.index_cast %get3A_1045 : i32 to index
      %get3A_1047 = arith.constant 0 : index
      %get3A_1048 = tpu.vector_load %arg9[%get3A_1046, %get3A_1047] {strides = array<i32>} : memref<4x80xi32, #tpu.memory_space<vmem>>, vector<1x16xi32>,
      %get3A_1049 = vector.shape_cast %get3A_1048 : vector<1x16xi32> to vector<16xi32>
      %swap3A_1050 = arith.constant 3 : i32
      %swap3A_1051 = arith.index_cast %swap3A_1050 : i32 to index
      %swap3A_1052 = arith.constant 0 : index
      %swap3A_1053 = tpu.vector_load %arg10[%swap3A_1051, %swap3A_1052] {strides = array<i32>} : memref<4x80xi32, #tpu.memory_space<vmem>>, vector<1x16xi32>,
      %swap3A_1054 = vector.shape_cast %swap3A_1053 : vector<1x16xi32> to vector<16xi32>
      %swap3A_1055 = vector.shape_cast %get3A_1049 : vector<16xi32> to vector<1x16xi32>
      tpu.vector_store %arg10[%swap3A_1051, %swap3A_1052], %swap3A_1055 {strides = array<i32>} : memref<4x80xi32, #tpu.memory_space<vmem>>, vector<1x16xi32>,
      %get3A_1056 = arith.constant 3 : i32
      %get3A_1057 = arith.index_cast %get3A_1056 : i32 to index
      %get3A_1058 = arith.constant 16 : index
      %get3A_1059 = tpu.vector_load %arg9[%get3A_1057, %get3A_1058] {strides = array<i32>} : memref<4x80xi32, #tpu.memory_space<vmem>>, vector<1x16xi32>,
      %get3A_1060 = vector.shape_cast %get3A_1059 : vector<1x16xi32> to vector<16xi32>
      %swap3A_1061 = arith.constant 3 : i32
      %swap3A_1062 = arith.index_cast %swap3A_1061 : i32 to index
      %swap3A_1063 = arith.constant 16 : index
      %swap3A_1064 = tpu.vector_load %arg10[%swap3A_1062, %swap3A_1063] {strides = array<i32>} : memref<4x80xi32, #tpu.memory_space<vmem>>, vector<1x16xi32>,
      %swap3A_1065 = vector.shape_cast %swap3A_1064 : vector<1x16xi32> to vector<16xi32>
      %swap3A_1066 = vector.shape_cast %get3A_1060 : vector<16xi32> to vector<1x16xi32>
      tpu.vector_store %arg10[%swap3A_1062, %swap3A_1063], %swap3A_1066 {strides = array<i32>} : memref<4x80xi32, #tpu.memory_space<vmem>>, vector<1x16xi32>,
      %get3A_1067 = arith.constant 3 : i32
      %get3A_1068 = arith.index_cast %get3A_1067 : i32 to index
      %get3A_1069 = arith.constant 32 : index
      %get3A_1070 = tpu.vector_load %arg9[%get3A_1068, %get3A_1069] {strides = array<i32>} : memref<4x80xi32, #tpu.memory_space<vmem>>, vector<1x16xi32>,
      %get3A_1071 = vector.shape_cast %get3A_1070 : vector<1x16xi32> to vector<16xi32>
      %swap3A_1072 = arith.constant 3 : i32
      %swap3A_1073 = arith.index_cast %swap3A_1072 : i32 to index
      %swap3A_1074 = arith.constant 32 : index
      %swap3A_1075 = tpu.vector_load %arg10[%swap3A_1073, %swap3A_1074] {strides = array<i32>} : memref<4x80xi32, #tpu.memory_space<vmem>>, vector<1x16xi32>,
      %swap3A_1076 = vector.shape_cast %swap3A_1075 : vector<1x16xi32> to vector<16xi32>
      %swap3A_1077 = vector.shape_cast %get3A_1071 : vector<16xi32> to vector<1x16xi32>
      tpu.vector_store %arg10[%swap3A_1073, %swap3A_1074], %swap3A_1077 {strides = array<i32>} : memref<4x80xi32, #tpu.memory_space<vmem>>, vector<1x16xi32>,
      %get3A_1078 = arith.constant 3 : i32
      %get3A_1079 = arith.index_cast %get3A_1078 : i32 to index
      %get3A_1080 = arith.constant 48 : index
      %get3A_1081 = tpu.vector_load %arg9[%get3A_1079, %get3A_1080] {strides = array<i32>} : memref<4x80xi32, #tpu.memory_space<vmem>>, vector<1x16xi32>,
      %get3A_1082 = vector.shape_cast %get3A_1081 : vector<1x16xi32> to vector<16xi32>
      %swap3A_1083 = arith.constant 3 : i32
      %swap3A_1084 = arith.index_cast %swap3A_1083 : i32 to index
      %swap3A_1085 = arith.constant 48 : index
      %swap3A_1086 = tpu.vector_load %arg10[%swap3A_1084, %swap3A_1085] {strides = array<i32>} : memref<4x80xi32, #tpu.memory_space<vmem>>, vector<1x16xi32>,
      %swap3A_1087 = vector.shape_cast %swap3A_1086 : vector<1x16xi32> to vector<16xi32>
      %swap3A_1088 = vector.shape_cast %get3A_1082 : vector<16xi32> to vector<1x16xi32>
      tpu.vector_store %arg10[%swap3A_1084, %swap3A_1085], %swap3A_1088 {strides = array<i32>} : memref<4x80xi32, #tpu.memory_space<vmem>>, vector<1x16xi32>,
      %get3A_1089 = arith.constant 3 : i32
      %get3A_1090 = arith.index_cast %get3A_1089 : i32 to index
      %get3A_1091 = arith.constant 64 : index
      %get3A_1092 = tpu.vector_load %arg9[%get3A_1090, %get3A_1091] {strides = array<i32>} : memref<4x80xi32, #tpu.memory_space<vmem>>, vector<1x16xi32>,
      %get3A_1093 = vector.shape_cast %get3A_1092 : vector<1x16xi32> to vector<16xi32>
      %swap3A_1094 = arith.constant 3 : i32
      %swap3A_1095 = arith.index_cast %swap3A_1094 : i32 to index
      %swap3A_1096 = arith.constant 64 : index
      %swap3A_1097 = tpu.vector_load %arg10[%swap3A_1095, %swap3A_1096] {strides = array<i32>} : memref<4x80xi32, #tpu.memory_space<vmem>>, vector<1x16xi32>,
      %swap3A_1098 = vector.shape_cast %swap3A_1097 : vector<1x16xi32> to vector<16xi32>
      %swap3A_1099 = vector.shape_cast %get3A_1093 : vector<16xi32> to vector<1x16xi32>
      tpu.vector_store %arg10[%swap3A_1095, %swap3A_1096], %swap3A_1099 {strides = array<i32>} : memref<4x80xi32, #tpu.memory_space<vmem>>, vector<1x16xi32>,
      %add3A_1100 = arith.constant 4 : i32
      %add3A_1101 = arith.addi %add3A_1032, %add3A_1100 : i32
      %lt3A_1102 = arith.constant 2500 : i32
      %lt3A_1103 = arith.cmpi slt, %add3A_1101, %lt3A_1102 : i32
      %convert_element_type3A_1104 = arith.extui %lt3A_1103 : i1 to i32
      %cond3A_1105 = arith.constant 0 : i32
      %cond3A_1106 = arith.cmpi ne, %convert_element_type3A_1104, %cond3A_1105 : i32
      scf.if %cond3A_1106 {
        %add3A_1126 = arith.constant 4 : i32
        %add3A_1127 = arith.addi %add3A_1032, %add3A_1126 : i32
        %mul3A_1128 = arith.constant 80 : i32
        %mul3A_1129 = arith.muli %add3A_1127, %mul3A_1128 : i32
        %add3A_1130 = arith.addi %mul3A_10, %mul3A_1129 : i32
        %eq3A_1131 = arith.constant 0 : i32
        %eq3A_1132 = arith.cmpi eq, %arg0, %eq3A_1131 : i32
        %convert_element_type3A_1133 = arith.extui %eq3A_1132 : i1 to i32
        %cond3A_1134 = arith.constant 0 : i32
        %cond3A_1135 = arith.cmpi ne, %convert_element_type3A_1133, %cond3A_1134 : i32
        scf.if %cond3A_1135 {
          %dma_start3A_1150 = arith.constant 3 : i32
          %dma_start3A_1151 = arith.constant 0 : i32
          %dma_start3A_1152 = tpu.memref_slice %arg8[%dma_start3A_1150, %dma_start3A_1151] : memref<4x80xi32, #tpu.memory_space<vmem>> -> memref<1x80xi32, #tpu.memory_space<vmem>>
          %dma_start3A_1153 = tpu.memref_squeeze %dma_start3A_1152 : memref<1x80xi32, #tpu.memory_space<vmem>> -> memref<80xi32, #tpu.memory_space<vmem>>
          %dma_start3A_1154 = tpu.memref_slice %arg2[%add3A_1130] : memref<3200000xi32, #tpu.memory_space<hbm>> -> memref<80xi32, #tpu.memory_space<hbm>>
          %dma_start3A_1155 = arith.constant 0 : i32
          %dma_start3A_1156 = tpu.memref_slice %arg8[%dma_start3A_1150, %dma_start3A_1155] : memref<4x80xi32, #tpu.memory_space<vmem>> -> memref<1x80xi32, #tpu.memory_space<vmem>>
          %dma_start3A_1157 = tpu.memref_squeeze %dma_start3A_1156 : memref<1x80xi32, #tpu.memory_space<vmem>> -> memref<80xi32, #tpu.memory_space<vmem>>
          %dma_start3A_1158 = tpu.memref_slice %arg2[%add3A_1130] : memref<3200000xi32, #tpu.memory_space<hbm>> -> memref<80xi32, #tpu.memory_space<hbm>>
          tpu.enqueue_dma source(%dma_start3A_1158 : memref<80xi32, #tpu.memory_space<hbm>>) target(%dma_start3A_1157 : memref<80xi32, #tpu.memory_space<vmem>>) target_semaphore(%arg16 : memref<!tpu.dma_semaphore, #tpu.memory_space<semaphore_mem>>)
        } else {
        }
        %eq3A_1136 = arith.constant 1 : i32
        %eq3A_1137 = arith.cmpi eq, %arg0, %eq3A_1136 : i32
        %convert_element_type3A_1138 = arith.extui %eq3A_1137 : i1 to i32
        %cond3A_1139 = arith.constant 0 : i32
        %cond3A_1140 = arith.cmpi ne, %convert_element_type3A_1138, %cond3A_1139 : i32
        scf.if %cond3A_1140 {
          %dma_start3A_1150 = arith.constant 3 : i32
          %dma_start3A_1151 = arith.constant 0 : i32
          %dma_start3A_1152 = tpu.memref_slice %arg8[%dma_start3A_1150, %dma_start3A_1151] : memref<4x80xi32, #tpu.memory_space<vmem>> -> memref<1x80xi32, #tpu.memory_space<vmem>>
          %dma_start3A_1153 = tpu.memref_squeeze %dma_start3A_1152 : memref<1x80xi32, #tpu.memory_space<vmem>> -> memref<80xi32, #tpu.memory_space<vmem>>
          %dma_start3A_1154 = tpu.memref_slice %arg3[%add3A_1130] : memref<3200000xi32, #tpu.memory_space<hbm>> -> memref<80xi32, #tpu.memory_space<hbm>>
          %dma_start3A_1155 = arith.constant 0 : i32
          %dma_start3A_1156 = tpu.memref_slice %arg8[%dma_start3A_1150, %dma_start3A_1155] : memref<4x80xi32, #tpu.memory_space<vmem>> -> memref<1x80xi32, #tpu.memory_space<vmem>>
          %dma_start3A_1157 = tpu.memref_squeeze %dma_start3A_1156 : memref<1x80xi32, #tpu.memory_space<vmem>> -> memref<80xi32, #tpu.memory_space<vmem>>
          %dma_start3A_1158 = tpu.memref_slice %arg3[%add3A_1130] : memref<3200000xi32, #tpu.memory_space<hbm>> -> memref<80xi32, #tpu.memory_space<hbm>>
          tpu.enqueue_dma source(%dma_start3A_1158 : memref<80xi32, #tpu.memory_space<hbm>>) target(%dma_start3A_1157 : memref<80xi32, #tpu.memory_space<vmem>>) target_semaphore(%arg16 : memref<!tpu.dma_semaphore, #tpu.memory_space<semaphore_mem>>)
        } else {
        }
        %dma_start3A_1141 = arith.constant 3 : i32
        %dma_start3A_1142 = arith.constant 0 : i32
        %dma_start3A_1143 = tpu.memref_slice %arg9[%dma_start3A_1141, %dma_start3A_1142] : memref<4x80xi32, #tpu.memory_space<vmem>> -> memref<1x80xi32, #tpu.memory_space<vmem>>
        %dma_start3A_1144 = tpu.memref_squeeze %dma_start3A_1143 : memref<1x80xi32, #tpu.memory_space<vmem>> -> memref<80xi32, #tpu.memory_space<vmem>>
        %dma_start3A_1145 = tpu.memref_slice %arg4[%add3A_1130] : memref<3200000xi32, #tpu.memory_space<hbm>> -> memref<80xi32, #tpu.memory_space<hbm>>
        %dma_start3A_1146 = arith.constant 0 : i32
        %dma_start3A_1147 = tpu.memref_slice %arg9[%dma_start3A_1141, %dma_start3A_1146] : memref<4x80xi32, #tpu.memory_space<vmem>> -> memref<1x80xi32, #tpu.memory_space<vmem>>
        %dma_start3A_1148 = tpu.memref_squeeze %dma_start3A_1147 : memref<1x80xi32, #tpu.memory_space<vmem>> -> memref<80xi32, #tpu.memory_space<vmem>>
        %dma_start3A_1149 = tpu.memref_slice %arg4[%add3A_1130] : memref<3200000xi32, #tpu.memory_space<hbm>> -> memref<80xi32, #tpu.memory_space<hbm>>
        tpu.enqueue_dma source(%dma_start3A_1149 : memref<80xi32, #tpu.memory_space<hbm>>) target(%dma_start3A_1148 : memref<80xi32, #tpu.memory_space<vmem>>) target_semaphore(%arg16 : memref<!tpu.dma_semaphore, #tpu.memory_space<semaphore_mem>>)
      } else {
      }
      %dma_start3A_1107 = arith.constant 3 : i32
      %dma_start3A_1108 = arith.constant 3 : i32
      %dma_start3A_1109 = arith.constant 0 : i32
      %dma_start3A_1110 = arith.constant 0 : i32
      %dma_start3A_1111 = tpu.memref_slice %arg11[%dma_start3A_1107, %dma_start3A_1109, %dma_start3A_1110] : memref<4x80x16xf32, #tpu.memory_space<vmem>> -> memref<1x80x16xf32, #tpu.memory_space<vmem>>
      %dma_start3A_1112 = tpu.memref_squeeze %dma_start3A_1111 : memref<1x80x16xf32, #tpu.memory_space<vmem>> -> memref<80x16xf32, #tpu.memory_space<vmem>>
      %dma_start3A_1113 = arith.constant 0 : i32
      %dma_start3A_1114 = tpu.memref_slice %arg10[%dma_start3A_1108, %dma_start3A_1113] : memref<4x80xi32, #tpu.memory_space<vmem>> -> memref<1x80xi32, #tpu.memory_space<vmem>>
      %dma_start3A_1115 = tpu.memref_squeeze %dma_start3A_1114 : memref<1x80xi32, #tpu.memory_space<vmem>> -> memref<80xi32, #tpu.memory_space<vmem>>
      %dma_start3A_1116 = arith.constant 0 : i32
      %dma_start3A_1117 = arith.constant 0 : i32
      %dma_start3A_1118 = tpu.memref_slice %arg25[%dma_start3A_1116, %dma_start3A_1117] : memref<100096x16xf32, #tpu.memory_space<vmem_shared>> -> memref<100096x16xf32, #tpu.memory_space<vmem_shared>>
      tpu.enqueue_indirect_dma source(%dma_start3A_1112 : memref<80x16xf32, #tpu.memory_space<vmem>>) target(%dma_start3A_1118 : memref<100096x16xf32, #tpu.memory_space<vmem_shared>>) offsets(%dma_start3A_1115 : memref<80xi32, #tpu.memory_space<vmem>>) semaphore(%arg24 : memref<!tpu.dma_semaphore, #tpu.memory_space<semaphore_mem>>) {add = true}
      %add3A_1119 = arith.constant 1 : i32
      %add3A_1120 = arith.addi %add3A_1032, %add3A_1119 : i32
      %lt3A_1121 = arith.constant 2500 : i32
      %lt3A_1122 = arith.cmpi slt, %add3A_1120, %lt3A_1121 : i32
      %convert_element_type3A_1123 = arith.extui %lt3A_1122 : i1 to i32
      %cond3A_1124 = arith.constant 0 : i32
      %cond3A_1125 = arith.cmpi ne, %convert_element_type3A_1123, %cond3A_1124 : i32
      scf.if %cond3A_1125 {
        %dma_wait3A_1126 = arith.constant 0 : i32
        %dma_wait3A_1127 = arith.constant 0 : i32
        %dma_wait3A_1128 = tpu.memref_slice %arg8[%dma_wait3A_1126, %dma_wait3A_1127] : memref<4x80xi32, #tpu.memory_space<vmem>> -> memref<1x80xi32, #tpu.memory_space<vmem>>
        %dma_wait3A_1129 = tpu.memref_squeeze %dma_wait3A_1128 : memref<1x80xi32, #tpu.memory_space<vmem>> -> memref<80xi32, #tpu.memory_space<vmem>>
        %dma_wait3A_1130 = arith.constant 0 : i32
        %dma_wait3A_1131 = tpu.memref_slice %arg2[%dma_wait3A_1130] : memref<3200000xi32, #tpu.memory_space<hbm>> -> memref<80xi32, #tpu.memory_space<hbm>>
        %dma_wait3A_1132 = arith.constant 0 : i32
        %dma_wait3A_1133 = tpu.memref_slice %arg8[%dma_wait3A_1126, %dma_wait3A_1132] : memref<4x80xi32, #tpu.memory_space<vmem>> -> memref<1x80xi32, #tpu.memory_space<vmem>>
        %dma_wait3A_1134 = tpu.memref_squeeze %dma_wait3A_1133 : memref<1x80xi32, #tpu.memory_space<vmem>> -> memref<80xi32, #tpu.memory_space<vmem>>
        %dma_wait3A_1135 = arith.constant 0 : i32
        %dma_wait3A_1136 = tpu.memref_slice %arg2[%dma_wait3A_1135] : memref<3200000xi32, #tpu.memory_space<hbm>> -> memref<80xi32, #tpu.memory_space<hbm>>
        tpu.wait_dma2 semaphore(%arg13 : memref<!tpu.dma_semaphore, #tpu.memory_space<semaphore_mem>>) src(%dma_wait3A_1136 : memref<80xi32, #tpu.memory_space<hbm>>) dst(%dma_wait3A_1134 : memref<80xi32, #tpu.memory_space<vmem>>)
        %dma_wait3A_1137 = arith.constant 0 : i32
        %dma_wait3A_1138 = arith.constant 0 : i32
        %dma_wait3A_1139 = tpu.memref_slice %arg9[%dma_wait3A_1137, %dma_wait3A_1138] : memref<4x80xi32, #tpu.memory_space<vmem>> -> memref<1x80xi32, #tpu.memory_space<vmem>>
        %dma_wait3A_1140 = tpu.memref_squeeze %dma_wait3A_1139 : memref<1x80xi32, #tpu.memory_space<vmem>> -> memref<80xi32, #tpu.memory_space<vmem>>
        %dma_wait3A_1141 = arith.constant 0 : i32
        %dma_wait3A_1142 = tpu.memref_slice %arg4[%dma_wait3A_1141] : memref<3200000xi32, #tpu.memory_space<hbm>> -> memref<80xi32, #tpu.memory_space<hbm>>
        %dma_wait3A_1143 = arith.constant 0 : i32
        %dma_wait3A_1144 = tpu.memref_slice %arg9[%dma_wait3A_1137, %dma_wait3A_1143] : memref<4x80xi32, #tpu.memory_space<vmem>> -> memref<1x80xi32, #tpu.memory_space<vmem>>
        %dma_wait3A_1145 = tpu.memref_squeeze %dma_wait3A_1144 : memref<1x80xi32, #tpu.memory_space<vmem>> -> memref<80xi32, #tpu.memory_space<vmem>>
        %dma_wait3A_1146 = arith.constant 0 : i32
        %dma_wait3A_1147 = tpu.memref_slice %arg4[%dma_wait3A_1146] : memref<3200000xi32, #tpu.memory_space<hbm>> -> memref<80xi32, #tpu.memory_space<hbm>>
        tpu.wait_dma2 semaphore(%arg13 : memref<!tpu.dma_semaphore, #tpu.memory_space<semaphore_mem>>) src(%dma_wait3A_1147 : memref<80xi32, #tpu.memory_space<hbm>>) dst(%dma_wait3A_1145 : memref<80xi32, #tpu.memory_space<vmem>>)
        %dma_wait3A_1148 = arith.constant 0 : i32
        %dma_wait3A_1149 = arith.constant 0 : i32
        %dma_wait3A_1150 = arith.constant 0 : i32
        %dma_wait3A_1151 = arith.constant 0 : i32
        %dma_wait3A_1152 = tpu.memref_slice %arg11[%dma_wait3A_1148, %dma_wait3A_1150, %dma_wait3A_1151] : memref<4x80x16xf32, #tpu.memory_space<vmem>> -> memref<1x80x16xf32, #tpu.memory_space<vmem>>
        %dma_wait3A_1153 = tpu.memref_squeeze %dma_wait3A_1152 : memref<1x80x16xf32, #tpu.memory_space<vmem>> -> memref<80x16xf32, #tpu.memory_space<vmem>>
        %dma_wait3A_1154 = arith.constant 0 : i32
        %dma_wait3A_1155 = tpu.memref_slice %arg10[%dma_wait3A_1149, %dma_wait3A_1154] : memref<4x80xi32, #tpu.memory_space<vmem>> -> memref<1x80xi32, #tpu.memory_space<vmem>>
        %dma_wait3A_1156 = tpu.memref_squeeze %dma_wait3A_1155 : memref<1x80xi32, #tpu.memory_space<vmem>> -> memref<80xi32, #tpu.memory_space<vmem>>
        %dma_wait3A_1157 = arith.constant 0 : i32
        %dma_wait3A_1158 = arith.constant 0 : i32
        %dma_wait3A_1159 = tpu.memref_slice %arg25[%dma_wait3A_1157, %dma_wait3A_1158] : memref<100096x16xf32, #tpu.memory_space<vmem_shared>> -> memref<100096x16xf32, #tpu.memory_space<vmem_shared>>
        tpu.wait_indirect_dma semaphore(%arg21 : memref<!tpu.dma_semaphore, #tpu.memory_space<semaphore_mem>>) src(%dma_wait3A_1153 : memref<80x16xf32, #tpu.memory_space<vmem>>) dst(%dma_wait3A_1159 : memref<100096x16xf32, #tpu.memory_space<vmem_shared>>)
        %dma_start3A_1160 = arith.constant 0 : i32
        %dma_start3A_1161 = arith.constant 0 : i32
        %dma_start3A_1162 = arith.constant 0 : i32
        %dma_start3A_1163 = arith.constant 0 : i32
        %dma_start3A_1164 = tpu.memref_slice %arg11[%dma_start3A_1161, %dma_start3A_1162, %dma_start3A_1163] : memref<4x80x16xf32, #tpu.memory_space<vmem>> -> memref<1x80x16xf32, #tpu.memory_space<vmem>>
        %dma_start3A_1165 = tpu.memref_squeeze %dma_start3A_1164 : memref<1x80x16xf32, #tpu.memory_space<vmem>> -> memref<80x16xf32, #tpu.memory_space<vmem>>
        %dma_start3A_1166 = arith.constant 0 : i32
        %dma_start3A_1167 = tpu.memref_slice %arg8[%dma_start3A_1160, %dma_start3A_1166] : memref<4x80xi32, #tpu.memory_space<vmem>> -> memref<1x80xi32, #tpu.memory_space<vmem>>
        %dma_start3A_1168 = tpu.memref_squeeze %dma_start3A_1167 : memref<1x80xi32, #tpu.memory_space<vmem>> -> memref<80xi32, #tpu.memory_space<vmem>>
        %dma_start3A_1169 = arith.constant 0 : i32
        %dma_start3A_1170 = arith.constant 0 : i32
        %dma_start3A_1171 = tpu.memref_slice %arg5[%dma_start3A_1169, %dma_start3A_1170] : memref<200000x16xf32, #tpu.memory_space<hbm>> -> memref<200000x16xf32, #tpu.memory_space<hbm>>
        tpu.enqueue_indirect_dma source(%dma_start3A_1171 : memref<200000x16xf32, #tpu.memory_space<hbm>>) target(%dma_start3A_1165 : memref<80x16xf32, #tpu.memory_space<vmem>>) offsets(%dma_start3A_1168 : memref<80xi32, #tpu.memory_space<vmem>>) semaphore(%arg17 : memref<!tpu.dma_semaphore, #tpu.memory_space<semaphore_mem>>)
      } else {
      }
    }
    %scan3A_675 = arith.constant 624 : i32
    %dma_wait3A_676 = arith.constant 0 : i32
    %dma_wait3A_677 = arith.constant 0 : i32
    %dma_wait3A_678 = arith.constant 0 : i32
    %dma_wait3A_679 = arith.constant 0 : i32
    %dma_wait3A_680 = tpu.memref_slice %arg11[%dma_wait3A_676, %dma_wait3A_678, %dma_wait3A_679] : memref<4x80x16xf32, #tpu.memory_space<vmem>> -> memref<1x80x16xf32, #tpu.memory_space<vmem>>
    %dma_wait3A_681 = tpu.memref_squeeze %dma_wait3A_680 : memref<1x80x16xf32, #tpu.memory_space<vmem>> -> memref<80x16xf32, #tpu.memory_space<vmem>>
    %dma_wait3A_682 = arith.constant 0 : i32
    %dma_wait3A_683 = tpu.memref_slice %arg10[%dma_wait3A_677, %dma_wait3A_682] : memref<4x80xi32, #tpu.memory_space<vmem>> -> memref<1x80xi32, #tpu.memory_space<vmem>>
    %dma_wait3A_684 = tpu.memref_squeeze %dma_wait3A_683 : memref<1x80xi32, #tpu.memory_space<vmem>> -> memref<80xi32, #tpu.memory_space<vmem>>
    %dma_wait3A_685 = arith.constant 0 : i32
    %dma_wait3A_686 = arith.constant 0 : i32
    %dma_wait3A_687 = tpu.memref_slice %arg25[%dma_wait3A_685, %dma_wait3A_686] : memref<100096x16xf32, #tpu.memory_space<vmem_shared>> -> memref<100096x16xf32, #tpu.memory_space<vmem_shared>>
    tpu.wait_indirect_dma semaphore(%arg21 : memref<!tpu.dma_semaphore, #tpu.memory_space<semaphore_mem>>) src(%dma_wait3A_681 : memref<80x16xf32, #tpu.memory_space<vmem>>) dst(%dma_wait3A_687 : memref<100096x16xf32, #tpu.memory_space<vmem_shared>>)
    %dma_wait3A_688 = arith.constant 1 : i32
    %dma_wait3A_689 = arith.constant 1 : i32
    %dma_wait3A_690 = arith.constant 0 : i32
    %dma_wait3A_691 = arith.constant 0 : i32
    %dma_wait3A_692 = tpu.memref_slice %arg11[%dma_wait3A_688, %dma_wait3A_690, %dma_wait3A_691] : memref<4x80x16xf32, #tpu.memory_space<vmem>> -> memref<1x80x16xf32, #tpu.memory_space<vmem>>
    %dma_wait3A_693 = tpu.memref_squeeze %dma_wait3A_692 : memref<1x80x16xf32, #tpu.memory_space<vmem>> -> memref<80x16xf32, #tpu.memory_space<vmem>>
    %dma_wait3A_694 = arith.constant 0 : i32
    %dma_wait3A_695 = tpu.memref_slice %arg10[%dma_wait3A_689, %dma_wait3A_694] : memref<4x80xi32, #tpu.memory_space<vmem>> -> memref<1x80xi32, #tpu.memory_space<vmem>>
    %dma_wait3A_696 = tpu.memref_squeeze %dma_wait3A_695 : memref<1x80xi32, #tpu.memory_space<vmem>> -> memref<80xi32, #tpu.memory_space<vmem>>
    %dma_wait3A_697 = arith.constant 0 : i32
    %dma_wait3A_698 = arith.constant 0 : i32
    %dma_wait3A_699 = tpu.memref_slice %arg25[%dma_wait3A_697, %dma_wait3A_698] : memref<100096x16xf32, #tpu.memory_space<vmem_shared>> -> memref<100096x16xf32, #tpu.memory_space<vmem_shared>>
    tpu.wait_indirect_dma semaphore(%arg22 : memref<!tpu.dma_semaphore, #tpu.memory_space<semaphore_mem>>) src(%dma_wait3A_693 : memref<80x16xf32, #tpu.memory_space<vmem>>) dst(%dma_wait3A_699 : memref<100096x16xf32, #tpu.memory_space<vmem_shared>>)
    %dma_wait3A_700 = arith.constant 2 : i32
    %dma_wait3A_701 = arith.constant 2 : i32
    %dma_wait3A_702 = arith.constant 0 : i32
    %dma_wait3A_703 = arith.constant 0 : i32
    %dma_wait3A_704 = tpu.memref_slice %arg11[%dma_wait3A_700, %dma_wait3A_702, %dma_wait3A_703] : memref<4x80x16xf32, #tpu.memory_space<vmem>> -> memref<1x80x16xf32, #tpu.memory_space<vmem>>
    %dma_wait3A_705 = tpu.memref_squeeze %dma_wait3A_704 : memref<1x80x16xf32, #tpu.memory_space<vmem>> -> memref<80x16xf32, #tpu.memory_space<vmem>>
    %dma_wait3A_706 = arith.constant 0 : i32
    %dma_wait3A_707 = tpu.memref_slice %arg10[%dma_wait3A_701, %dma_wait3A_706] : memref<4x80xi32, #tpu.memory_space<vmem>> -> memref<1x80xi32, #tpu.memory_space<vmem>>
    %dma_wait3A_708 = tpu.memref_squeeze %dma_wait3A_707 : memref<1x80xi32, #tpu.memory_space<vmem>> -> memref<80xi32, #tpu.memory_space<vmem>>
    %dma_wait3A_709 = arith.constant 0 : i32
    %dma_wait3A_710 = arith.constant 0 : i32
    %dma_wait3A_711 = tpu.memref_slice %arg25[%dma_wait3A_709, %dma_wait3A_710] : memref<100096x16xf32, #tpu.memory_space<vmem_shared>> -> memref<100096x16xf32, #tpu.memory_space<vmem_shared>>
    tpu.wait_indirect_dma semaphore(%arg23 : memref<!tpu.dma_semaphore, #tpu.memory_space<semaphore_mem>>) src(%dma_wait3A_705 : memref<80x16xf32, #tpu.memory_space<vmem>>) dst(%dma_wait3A_711 : memref<100096x16xf32, #tpu.memory_space<vmem_shared>>)
    %dma_wait3A_712 = arith.constant 3 : i32
    %dma_wait3A_713 = arith.constant 3 : i32
    %dma_wait3A_714 = arith.constant 0 : i32
    %dma_wait3A_715 = arith.constant 0 : i32
    %dma_wait3A_716 = tpu.memref_slice %arg11[%dma_wait3A_712, %dma_wait3A_714, %dma_wait3A_715] : memref<4x80x16xf32, #tpu.memory_space<vmem>> -> memref<1x80x16xf32, #tpu.memory_space<vmem>>
    %dma_wait3A_717 = tpu.memref_squeeze %dma_wait3A_716 : memref<1x80x16xf32, #tpu.memory_space<vmem>> -> memref<80x16xf32, #tpu.memory_space<vmem>>
    %dma_wait3A_718 = arith.constant 0 : i32
    %dma_wait3A_719 = tpu.memref_slice %arg10[%dma_wait3A_713, %dma_wait3A_718] : memref<4x80xi32, #tpu.memory_space<vmem>> -> memref<1x80xi32, #tpu.memory_space<vmem>>
    %dma_wait3A_720 = tpu.memref_squeeze %dma_wait3A_719 : memref<1x80xi32, #tpu.memory_space<vmem>> -> memref<80xi32, #tpu.memory_space<vmem>>
    %dma_wait3A_721 = arith.constant 0 : i32
    %dma_wait3A_722 = arith.constant 0 : i32
    %dma_wait3A_723 = tpu.memref_slice %arg25[%dma_wait3A_721, %dma_wait3A_722] : memref<100096x16xf32, #tpu.memory_space<vmem_shared>> -> memref<100096x16xf32, #tpu.memory_space<vmem_shared>>
    tpu.wait_indirect_dma semaphore(%arg24 : memref<!tpu.dma_semaphore, #tpu.memory_space<semaphore_mem>>) src(%dma_wait3A_717 : memref<80x16xf32, #tpu.memory_space<vmem>>) dst(%dma_wait3A_723 : memref<100096x16xf32, #tpu.memory_space<vmem_shared>>)
    %barrier3A_724 = arith.constant 0 : index
    tpu.barrier barrier_id(%barrier3A_724)
    %scan3A_725 = arith.constant 0 : i32
    %scan3A_726 = arith.constant 0 : i32
    %scan3A_727 = arith.constant 78 : i32
    %scan3A_728 = arith.addi %scan3A_726, %scan3A_727 : i32
    %scan3A_729 = arith.constant 1 : i32
    scf.for %scan3A_738 = %scan3A_726 to %scan3A_728 step %scan3A_729  : i32 {
      %mul3A_739 = arith.constant 6256 : i32
      %mul3A_740 = arith.muli %arg1, %mul3A_739 : i32
      %mul3A_741 = arith.constant 80 : i32
      %mul3A_742 = arith.muli %scan3A_738, %mul3A_741 : i32
      %add3A_743 = arith.addi %mul3A_740, %mul3A_742 : i32
      "tpu.region"() ({
        %run_scoped3A = tpu.sem_alloc : memref<!tpu.dma_semaphore, #tpu.memory_space<semaphore_mem>>
        %dma_start3A_747 = arith.constant 0 : i32
        %dma_start3A_748 = tpu.memref_slice %arg25[%add3A_743, %dma_start3A_747] : memref<100096x16xf32, #tpu.memory_space<vmem_shared>> -> memref<80x16xf32, #tpu.memory_space<vmem_shared>>
        %dma_start3A_749 = arith.constant 0 : i32
        %dma_start3A_750 = tpu.memref_slice %arg25[%add3A_743, %dma_start3A_749] : memref<100096x16xf32, #tpu.memory_space<vmem_shared>> -> memref<80x16xf32, #tpu.memory_space<vmem_shared>>
        tpu.enqueue_dma source(%dma_start3A_750 : memref<80x16xf32, #tpu.memory_space<vmem_shared>>) target(%arg12 : memref<80x16xf32, #tpu.memory_space<vmem>>) target_semaphore(%run_scoped3A : memref<!tpu.dma_semaphore, #tpu.memory_space<semaphore_mem>>)
        %dma_wait3A_751 = arith.constant 0 : i32
        %dma_wait3A_752 = tpu.memref_slice %arg25[%add3A_743, %dma_wait3A_751] : memref<100096x16xf32, #tpu.memory_space<vmem_shared>> -> memref<80x16xf32, #tpu.memory_space<vmem_shared>>
        %dma_wait3A_753 = arith.constant 0 : i32
        %dma_wait3A_754 = tpu.memref_slice %arg25[%add3A_743, %dma_wait3A_753] : memref<100096x16xf32, #tpu.memory_space<vmem_shared>> -> memref<80x16xf32, #tpu.memory_space<vmem_shared>>
        tpu.wait_dma2 semaphore(%run_scoped3A : memref<!tpu.dma_semaphore, #tpu.memory_space<semaphore_mem>>) src(%dma_wait3A_754 : memref<80x16xf32, #tpu.memory_space<vmem_shared>>) dst(%arg12 : memref<80x16xf32, #tpu.memory_space<vmem>>)
        tpu.yield
      }) : () -> ()
      %mul3A_744 = arith.constant 100096 : i32
      %mul3A_745 = arith.muli %arg0, %mul3A_744 : i32
      %add3A_746 = arith.addi %mul3A_745, %add3A_743 : i32
      "tpu.region"() ({
        %run_scoped3A = tpu.sem_alloc : memref<!tpu.dma_semaphore, #tpu.memory_space<semaphore_mem>>
        %dma_start3A_747 = arith.constant 0 : i32
        %dma_start3A_748 = tpu.memref_slice %arg7[%add3A_746, %dma_start3A_747] : memref<200192x16xf32, #tpu.memory_space<hbm>> -> memref<80x16xf32, #tpu.memory_space<hbm>>
        %dma_start3A_749 = arith.constant 0 : i32
        %dma_start3A_750 = tpu.memref_slice %arg7[%add3A_746, %dma_start3A_749] : memref<200192x16xf32, #tpu.memory_space<hbm>> -> memref<80x16xf32, #tpu.memory_space<hbm>>
        tpu.enqueue_dma source(%arg12 : memref<80x16xf32, #tpu.memory_space<vmem>>) target(%dma_start3A_750 : memref<80x16xf32, #tpu.memory_space<hbm>>) target_semaphore(%run_scoped3A : memref<!tpu.dma_semaphore, #tpu.memory_space<semaphore_mem>>)
        %dma_wait3A_751 = arith.constant 0 : i32
        %dma_wait3A_752 = tpu.memref_slice %arg7[%add3A_746, %dma_wait3A_751] : memref<200192x16xf32, #tpu.memory_space<hbm>> -> memref<80x16xf32, #tpu.memory_space<hbm>>
        %dma_wait3A_753 = arith.constant 0 : i32
        %dma_wait3A_754 = tpu.memref_slice %arg7[%add3A_746, %dma_wait3A_753] : memref<200192x16xf32, #tpu.memory_space<hbm>> -> memref<80x16xf32, #tpu.memory_space<hbm>>
        tpu.wait_dma2 semaphore(%run_scoped3A : memref<!tpu.dma_semaphore, #tpu.memory_space<semaphore_mem>>) src(%arg12 : memref<80x16xf32, #tpu.memory_space<vmem>>) dst(%dma_wait3A_754 : memref<80x16xf32, #tpu.memory_space<hbm>>)
        tpu.yield
      }) : () -> ()
    }
    %scan3A_730 = arith.constant 78 : i32
    %mul3A_731 = arith.constant 6256 : i32
    %mul3A_732 = arith.muli %arg1, %mul3A_731 : i32
    %add3A_733 = arith.constant 6240 : i32
    %add3A_734 = arith.addi %mul3A_732, %add3A_733 : i32
    "tpu.region"() ({
      %run_scoped3A = tpu.sem_alloc : memref<!tpu.dma_semaphore, #tpu.memory_space<semaphore_mem>>
      %dma_start3A_738 = arith.constant 0 : i32
      %dma_start3A_739 = arith.constant 0 : i32
      %dma_start3A_740 = tpu.memref_slice %arg12[%dma_start3A_738, %dma_start3A_739] : memref<80x16xf32, #tpu.memory_space<vmem>> -> memref<16x16xf32, #tpu.memory_space<vmem>>
      %dma_start3A_741 = arith.constant 0 : i32
      %dma_start3A_742 = tpu.memref_slice %arg25[%add3A_734, %dma_start3A_741] : memref<100096x16xf32, #tpu.memory_space<vmem_shared>> -> memref<16x16xf32, #tpu.memory_space<vmem_shared>>
      %dma_start3A_743 = arith.constant 0 : i32
      %dma_start3A_744 = arith.constant 0 : i32
      %dma_start3A_745 = tpu.memref_slice %arg12[%dma_start3A_743, %dma_start3A_744] : memref<80x16xf32, #tpu.memory_space<vmem>> -> memref<16x16xf32, #tpu.memory_space<vmem>>
      %dma_start3A_746 = arith.constant 0 : i32
      %dma_start3A_747 = tpu.memref_slice %arg25[%add3A_734, %dma_start3A_746] : memref<100096x16xf32, #tpu.memory_space<vmem_shared>> -> memref<16x16xf32, #tpu.memory_space<vmem_shared>>
      tpu.enqueue_dma source(%dma_start3A_747 : memref<16x16xf32, #tpu.memory_space<vmem_shared>>) target(%dma_start3A_745 : memref<16x16xf32, #tpu.memory_space<vmem>>) target_semaphore(%run_scoped3A : memref<!tpu.dma_semaphore, #tpu.memory_space<semaphore_mem>>)
      %dma_wait3A_748 = arith.constant 0 : i32
      %dma_wait3A_749 = arith.constant 0 : i32
      %dma_wait3A_750 = tpu.memref_slice %arg12[%dma_wait3A_748, %dma_wait3A_749] : memref<80x16xf32, #tpu.memory_space<vmem>> -> memref<16x16xf32, #tpu.memory_space<vmem>>
      %dma_wait3A_751 = arith.constant 0 : i32
      %dma_wait3A_752 = tpu.memref_slice %arg25[%add3A_734, %dma_wait3A_751] : memref<100096x16xf32, #tpu.memory_space<vmem_shared>> -> memref<16x16xf32, #tpu.memory_space<vmem_shared>>
      %dma_wait3A_753 = arith.constant 0 : i32
      %dma_wait3A_754 = arith.constant 0 : i32
      %dma_wait3A_755 = tpu.memref_slice %arg12[%dma_wait3A_753, %dma_wait3A_754] : memref<80x16xf32, #tpu.memory_space<vmem>> -> memref<16x16xf32, #tpu.memory_space<vmem>>
      %dma_wait3A_756 = arith.constant 0 : i32
      %dma_wait3A_757 = tpu.memref_slice %arg25[%add3A_734, %dma_wait3A_756] : memref<100096x16xf32, #tpu.memory_space<vmem_shared>> -> memref<16x16xf32, #tpu.memory_space<vmem_shared>>
      tpu.wait_dma2 semaphore(%run_scoped3A : memref<!tpu.dma_semaphore, #tpu.memory_space<semaphore_mem>>) src(%dma_wait3A_757 : memref<16x16xf32, #tpu.memory_space<vmem_shared>>) dst(%dma_wait3A_755 : memref<16x16xf32, #tpu.memory_space<vmem>>)
      tpu.yield
    }) : () -> ()
    %mul3A_735 = arith.constant 100096 : i32
    %mul3A_736 = arith.muli %arg0, %mul3A_735 : i32
    %add3A_737 = arith.addi %mul3A_736, %add3A_734 : i32
    "tpu.region"() ({
      %run_scoped3A = tpu.sem_alloc : memref<!tpu.dma_semaphore, #tpu.memory_space<semaphore_mem>>
      %dma_start3A_738 = arith.constant 0 : i32
      %dma_start3A_739 = arith.constant 0 : i32
      %dma_start3A_740 = tpu.memref_slice %arg12[%dma_start3A_738, %dma_start3A_739] : memref<80x16xf32, #tpu.memory_space<vmem>> -> memref<16x16xf32, #tpu.memory_space<vmem>>
      %dma_start3A_741 = arith.constant 0 : i32
      %dma_start3A_742 = tpu.memref_slice %arg7[%add3A_737, %dma_start3A_741] : memref<200192x16xf32, #tpu.memory_space<hbm>> -> memref<16x16xf32, #tpu.memory_space<hbm>>
      %dma_start3A_743 = arith.constant 0 : i32
      %dma_start3A_744 = tpu.memref_slice %arg7[%add3A_737, %dma_start3A_743] : memref<200192x16xf32, #tpu.memory_space<hbm>> -> memref<16x16xf32, #tpu.memory_space<hbm>>
      %dma_start3A_745 = arith.constant 0 : i32
      %dma_start3A_746 = arith.constant 0 : i32
      %dma_start3A_747 = tpu.memref_slice %arg12[%dma_start3A_745, %dma_start3A_746] : memref<80x16xf32, #tpu.memory_space<vmem>> -> memref<16x16xf32, #tpu.memory_space<vmem>>
      tpu.enqueue_dma source(%dma_start3A_747 : memref<16x16xf32, #tpu.memory_space<vmem>>) target(%dma_start3A_744 : memref<16x16xf32, #tpu.memory_space<hbm>>) target_semaphore(%run_scoped3A : memref<!tpu.dma_semaphore, #tpu.memory_space<semaphore_mem>>)
      %dma_wait3A_748 = arith.constant 0 : i32
      %dma_wait3A_749 = arith.constant 0 : i32
      %dma_wait3A_750 = tpu.memref_slice %arg12[%dma_wait3A_748, %dma_wait3A_749] : memref<80x16xf32, #tpu.memory_space<vmem>> -> memref<16x16xf32, #tpu.memory_space<vmem>>
      %dma_wait3A_751 = arith.constant 0 : i32
      %dma_wait3A_752 = tpu.memref_slice %arg7[%add3A_737, %dma_wait3A_751] : memref<200192x16xf32, #tpu.memory_space<hbm>> -> memref<16x16xf32, #tpu.memory_space<hbm>>
      %dma_wait3A_753 = arith.constant 0 : i32
      %dma_wait3A_754 = tpu.memref_slice %arg7[%add3A_737, %dma_wait3A_753] : memref<200192x16xf32, #tpu.memory_space<hbm>> -> memref<16x16xf32, #tpu.memory_space<hbm>>
      %dma_wait3A_755 = arith.constant 0 : i32
      %dma_wait3A_756 = arith.constant 0 : i32
      %dma_wait3A_757 = tpu.memref_slice %arg12[%dma_wait3A_755, %dma_wait3A_756] : memref<80x16xf32, #tpu.memory_space<vmem>> -> memref<16x16xf32, #tpu.memory_space<vmem>>
      tpu.wait_dma2 semaphore(%run_scoped3A : memref<!tpu.dma_semaphore, #tpu.memory_space<semaphore_mem>>) src(%dma_wait3A_757 : memref<16x16xf32, #tpu.memory_space<vmem>>) dst(%dma_wait3A_754 : memref<16x16xf32, #tpu.memory_space<hbm>>)
      tpu.yield
    }) : () -> ()
    return
  }
}

#map = affine_map<(d0, d1) -> (0)>
#map1 = affine_map<(d0, d1) -> (0, 0)>
module attributes {stable_mosaic.version = 14 : i64} {
  func.func @_l1_body(%arg0: i32, %arg1: i32, %arg2: memref<3200000xi32, #tpu.memory_space<hbm>>, %arg3: memref<3200000xi32, #tpu.memory_space<hbm>>, %arg4: memref<100000x16xf32, #tpu.memory_space<hbm>>, %arg5: memref<80x16xf32, #tpu.memory_space<hbm>>, %arg6: memref<200192x16xf32, #tpu.memory_space<hbm>>, %arg7: memref<2x80xi32, #tpu.memory_space<vmem>>, %arg8: memref<2x80xi32, #tpu.memory_space<vmem>>, %arg9: memref<2x80xi32, #tpu.memory_space<vmem>>, %arg10: memref<2x80x16xf32, #tpu.memory_space<vmem>>, %arg11: memref<80x16xf32, #tpu.memory_space<vmem>>, %arg12: memref<!tpu.dma_semaphore, #tpu.memory_space<semaphore_mem>>, %arg13: memref<!tpu.dma_semaphore, #tpu.memory_space<semaphore_mem>>, %arg14: memref<!tpu.dma_semaphore, #tpu.memory_space<semaphore_mem>>, %arg15: memref<!tpu.dma_semaphore, #tpu.memory_space<semaphore_mem>>, %arg16: memref<100096x16xf32, #tpu.memory_space<vmem_shared>>) attributes {dimension_semantics = [#tpu.dimension_semantics<core_parallel>, #tpu.dimension_semantics<subcore_parallel>], iteration_bounds = array<i64: 2, 16>, scalar_prefetch = 0 : i64, scratch_operands = 10 : i64, tpu.core_type = #tpu.core_type<sc_vector_subcore>, window_params = [{transform_indices = #map}, {transform_indices = #map}, {transform_indices = #map1}, {transform_indices = #map1}, {transform_indices = #map1}]} {
    "tpu.region"() ({
      %run_scoped3A_315 = tpu.sem_alloc : memref<!tpu.dma_semaphore, #tpu.memory_space<semaphore_mem>>
      tpu.enqueue_dma source(%arg5 : memref<80x16xf32, #tpu.memory_space<hbm>>) target(%arg11 : memref<80x16xf32, #tpu.memory_space<vmem>>) target_semaphore(%run_scoped3A_315 : memref<!tpu.dma_semaphore, #tpu.memory_space<semaphore_mem>>)
      tpu.wait_dma2 semaphore(%run_scoped3A_315 : memref<!tpu.dma_semaphore, #tpu.memory_space<semaphore_mem>>) src(%arg5 : memref<80x16xf32, #tpu.memory_space<hbm>>) dst(%arg11 : memref<80x16xf32, #tpu.memory_space<vmem>>)
      tpu.yield
    }) : () -> ()
    %scan3A = arith.constant 0 : i32
    %scan3A_0 = arith.constant 0 : i32
    %scan3A_1 = arith.constant 78 : i32
    %scan3A_2 = arith.addi %scan3A_0, %scan3A_1 : i32
    %scan3A_3 = arith.constant 1 : i32
    scf.for %scan3A_315 = %scan3A_0 to %scan3A_2 step %scan3A_3  : i32 {
      %mul3A_316 = arith.constant 6256 : i32
      %mul3A_317 = arith.muli %arg1, %mul3A_316 : i32
      %mul3A_318 = arith.constant 80 : i32
      %mul3A_319 = arith.muli %scan3A_315, %mul3A_318 : i32
      %add3A_320 = arith.addi %mul3A_317, %mul3A_319 : i32
      "tpu.region"() ({
        %run_scoped3A_321 = tpu.sem_alloc : memref<!tpu.dma_semaphore, #tpu.memory_space<semaphore_mem>>
        %dma_start3A_322 = arith.constant 0 : i32
        %dma_start3A_323 = tpu.memref_slice %arg16[%add3A_320, %dma_start3A_322] : memref<100096x16xf32, #tpu.memory_space<vmem_shared>> -> memref<80x16xf32, #tpu.memory_space<vmem_shared>>
        %dma_start3A_324 = arith.constant 0 : i32
        %dma_start3A_325 = tpu.memref_slice %arg16[%add3A_320, %dma_start3A_324] : memref<100096x16xf32, #tpu.memory_space<vmem_shared>> -> memref<80x16xf32, #tpu.memory_space<vmem_shared>>
        tpu.enqueue_dma source(%arg11 : memref<80x16xf32, #tpu.memory_space<vmem>>) target(%dma_start3A_325 : memref<80x16xf32, #tpu.memory_space<vmem_shared>>) target_semaphore(%run_scoped3A_321 : memref<!tpu.dma_semaphore, #tpu.memory_space<semaphore_mem>>)
        %dma_wait3A_326 = arith.constant 0 : i32
        %dma_wait3A_327 = tpu.memref_slice %arg16[%add3A_320, %dma_wait3A_326] : memref<100096x16xf32, #tpu.memory_space<vmem_shared>> -> memref<80x16xf32, #tpu.memory_space<vmem_shared>>
        %dma_wait3A_328 = arith.constant 0 : i32
        %dma_wait3A_329 = tpu.memref_slice %arg16[%add3A_320, %dma_wait3A_328] : memref<100096x16xf32, #tpu.memory_space<vmem_shared>> -> memref<80x16xf32, #tpu.memory_space<vmem_shared>>
        tpu.wait_dma2 semaphore(%run_scoped3A_321 : memref<!tpu.dma_semaphore, #tpu.memory_space<semaphore_mem>>) src(%arg11 : memref<80x16xf32, #tpu.memory_space<vmem>>) dst(%dma_wait3A_329 : memref<80x16xf32, #tpu.memory_space<vmem_shared>>)
        tpu.yield
      }) : () -> ()
    }
    %scan3A_4 = arith.constant 78 : i32
    %mul3A = arith.constant 6256 : i32
    %mul3A_5 = arith.muli %arg1, %mul3A : i32
    %add3A = arith.constant 6240 : i32
    %add3A_6 = arith.addi %mul3A_5, %add3A : i32
    "tpu.region"() ({
      %run_scoped3A_315 = tpu.sem_alloc : memref<!tpu.dma_semaphore, #tpu.memory_space<semaphore_mem>>
      %dma_start3A_316 = arith.constant 0 : i32
      %dma_start3A_317 = arith.constant 0 : i32
      %dma_start3A_318 = tpu.memref_slice %arg11[%dma_start3A_316, %dma_start3A_317] : memref<80x16xf32, #tpu.memory_space<vmem>> -> memref<16x16xf32, #tpu.memory_space<vmem>>
      %dma_start3A_319 = arith.constant 0 : i32
      %dma_start3A_320 = tpu.memref_slice %arg16[%add3A_6, %dma_start3A_319] : memref<100096x16xf32, #tpu.memory_space<vmem_shared>> -> memref<16x16xf32, #tpu.memory_space<vmem_shared>>
      %dma_start3A_321 = arith.constant 0 : i32
      %dma_start3A_322 = tpu.memref_slice %arg16[%add3A_6, %dma_start3A_321] : memref<100096x16xf32, #tpu.memory_space<vmem_shared>> -> memref<16x16xf32, #tpu.memory_space<vmem_shared>>
      %dma_start3A_323 = arith.constant 0 : i32
      %dma_start3A_324 = arith.constant 0 : i32
      %dma_start3A_325 = tpu.memref_slice %arg11[%dma_start3A_323, %dma_start3A_324] : memref<80x16xf32, #tpu.memory_space<vmem>> -> memref<16x16xf32, #tpu.memory_space<vmem>>
      tpu.enqueue_dma source(%dma_start3A_325 : memref<16x16xf32, #tpu.memory_space<vmem>>) target(%dma_start3A_322 : memref<16x16xf32, #tpu.memory_space<vmem_shared>>) target_semaphore(%run_scoped3A_315 : memref<!tpu.dma_semaphore, #tpu.memory_space<semaphore_mem>>)
      %dma_wait3A_326 = arith.constant 0 : i32
      %dma_wait3A_327 = arith.constant 0 : i32
      %dma_wait3A_328 = tpu.memref_slice %arg11[%dma_wait3A_326, %dma_wait3A_327] : memref<80x16xf32, #tpu.memory_space<vmem>> -> memref<16x16xf32, #tpu.memory_space<vmem>>
      %dma_wait3A_329 = arith.constant 0 : i32
      %dma_wait3A_330 = tpu.memref_slice %arg16[%add3A_6, %dma_wait3A_329] : memref<100096x16xf32, #tpu.memory_space<vmem_shared>> -> memref<16x16xf32, #tpu.memory_space<vmem_shared>>
      %dma_wait3A_331 = arith.constant 0 : i32
      %dma_wait3A_332 = tpu.memref_slice %arg16[%add3A_6, %dma_wait3A_331] : memref<100096x16xf32, #tpu.memory_space<vmem_shared>> -> memref<16x16xf32, #tpu.memory_space<vmem_shared>>
      %dma_wait3A_333 = arith.constant 0 : i32
      %dma_wait3A_334 = arith.constant 0 : i32
      %dma_wait3A_335 = tpu.memref_slice %arg11[%dma_wait3A_333, %dma_wait3A_334] : memref<80x16xf32, #tpu.memory_space<vmem>> -> memref<16x16xf32, #tpu.memory_space<vmem>>
      tpu.wait_dma2 semaphore(%run_scoped3A_315 : memref<!tpu.dma_semaphore, #tpu.memory_space<semaphore_mem>>) src(%dma_wait3A_335 : memref<16x16xf32, #tpu.memory_space<vmem>>) dst(%dma_wait3A_332 : memref<16x16xf32, #tpu.memory_space<vmem_shared>>)
      tpu.yield
    }) : () -> ()
    %barrier3A = arith.constant 0 : index
    tpu.barrier barrier_id(%barrier3A)
    %mul3A_7 = arith.constant 16 : i32
    %mul3A_8 = arith.muli %arg0, %mul3A_7 : i32
    %add3A_9 = arith.addi %mul3A_8, %arg1 : i32
    %mul3A_10 = arith.constant 1250 : i32
    %mul3A_11 = arith.muli %add3A_9, %mul3A_10 : i32
    %mul3A_12 = arith.constant 80 : i32
    %mul3A_13 = arith.muli %mul3A_11, %mul3A_12 : i32
    %add3A_14 = arith.constant 0 : i32
    %add3A_15 = arith.addi %mul3A_13, %add3A_14 : i32
    %dma_start3A = arith.constant 0 : i32
    %dma_start3A_16 = arith.constant 0 : i32
    %dma_start3A_17 = tpu.memref_slice %arg7[%dma_start3A, %dma_start3A_16] : memref<2x80xi32, #tpu.memory_space<vmem>> -> memref<1x80xi32, #tpu.memory_space<vmem>>
    %dma_start3A_18 = tpu.memref_squeeze %dma_start3A_17 : memref<1x80xi32, #tpu.memory_space<vmem>> -> memref<80xi32, #tpu.memory_space<vmem>>
    %dma_start3A_19 = tpu.memref_slice %arg2[%add3A_15] : memref<3200000xi32, #tpu.memory_space<hbm>> -> memref<80xi32, #tpu.memory_space<hbm>>
    %dma_start3A_20 = arith.constant 0 : i32
    %dma_start3A_21 = tpu.memref_slice %arg7[%dma_start3A, %dma_start3A_20] : memref<2x80xi32, #tpu.memory_space<vmem>> -> memref<1x80xi32, #tpu.memory_space<vmem>>
    %dma_start3A_22 = tpu.memref_squeeze %dma_start3A_21 : memref<1x80xi32, #tpu.memory_space<vmem>> -> memref<80xi32, #tpu.memory_space<vmem>>
    %dma_start3A_23 = tpu.memref_slice %arg2[%add3A_15] : memref<3200000xi32, #tpu.memory_space<hbm>> -> memref<80xi32, #tpu.memory_space<hbm>>
    tpu.enqueue_dma source(%dma_start3A_23 : memref<80xi32, #tpu.memory_space<hbm>>) target(%dma_start3A_22 : memref<80xi32, #tpu.memory_space<vmem>>) target_semaphore(%arg12 : memref<!tpu.dma_semaphore, #tpu.memory_space<semaphore_mem>>)
    %dma_start3A_24 = arith.constant 0 : i32
    %dma_start3A_25 = arith.constant 0 : i32
    %dma_start3A_26 = tpu.memref_slice %arg8[%dma_start3A_24, %dma_start3A_25] : memref<2x80xi32, #tpu.memory_space<vmem>> -> memref<1x80xi32, #tpu.memory_space<vmem>>
    %dma_start3A_27 = tpu.memref_squeeze %dma_start3A_26 : memref<1x80xi32, #tpu.memory_space<vmem>> -> memref<80xi32, #tpu.memory_space<vmem>>
    %dma_start3A_28 = tpu.memref_slice %arg3[%add3A_15] : memref<3200000xi32, #tpu.memory_space<hbm>> -> memref<80xi32, #tpu.memory_space<hbm>>
    %dma_start3A_29 = arith.constant 0 : i32
    %dma_start3A_30 = tpu.memref_slice %arg8[%dma_start3A_24, %dma_start3A_29] : memref<2x80xi32, #tpu.memory_space<vmem>> -> memref<1x80xi32, #tpu.memory_space<vmem>>
    %dma_start3A_31 = tpu.memref_squeeze %dma_start3A_30 : memref<1x80xi32, #tpu.memory_space<vmem>> -> memref<80xi32, #tpu.memory_space<vmem>>
    %dma_start3A_32 = tpu.memref_slice %arg3[%add3A_15] : memref<3200000xi32, #tpu.memory_space<hbm>> -> memref<80xi32, #tpu.memory_space<hbm>>
    tpu.enqueue_dma source(%dma_start3A_32 : memref<80xi32, #tpu.memory_space<hbm>>) target(%dma_start3A_31 : memref<80xi32, #tpu.memory_space<vmem>>) target_semaphore(%arg12 : memref<!tpu.dma_semaphore, #tpu.memory_space<semaphore_mem>>)
    %add3A_33 = arith.constant 80 : i32
    %add3A_34 = arith.addi %mul3A_13, %add3A_33 : i32
    %dma_start3A_35 = arith.constant 1 : i32
    %dma_start3A_36 = arith.constant 0 : i32
    %dma_start3A_37 = tpu.memref_slice %arg7[%dma_start3A_35, %dma_start3A_36] : memref<2x80xi32, #tpu.memory_space<vmem>> -> memref<1x80xi32, #tpu.memory_space<vmem>>
    %dma_start3A_38 = tpu.memref_squeeze %dma_start3A_37 : memref<1x80xi32, #tpu.memory_space<vmem>> -> memref<80xi32, #tpu.memory_space<vmem>>
    %dma_start3A_39 = tpu.memref_slice %arg2[%add3A_34] : memref<3200000xi32, #tpu.memory_space<hbm>> -> memref<80xi32, #tpu.memory_space<hbm>>
    %dma_start3A_40 = arith.constant 0 : i32
    %dma_start3A_41 = tpu.memref_slice %arg7[%dma_start3A_35, %dma_start3A_40] : memref<2x80xi32, #tpu.memory_space<vmem>> -> memref<1x80xi32, #tpu.memory_space<vmem>>
    %dma_start3A_42 = tpu.memref_squeeze %dma_start3A_41 : memref<1x80xi32, #tpu.memory_space<vmem>> -> memref<80xi32, #tpu.memory_space<vmem>>
    %dma_start3A_43 = tpu.memref_slice %arg2[%add3A_34] : memref<3200000xi32, #tpu.memory_space<hbm>> -> memref<80xi32, #tpu.memory_space<hbm>>
    tpu.enqueue_dma source(%dma_start3A_43 : memref<80xi32, #tpu.memory_space<hbm>>) target(%dma_start3A_42 : memref<80xi32, #tpu.memory_space<vmem>>) target_semaphore(%arg13 : memref<!tpu.dma_semaphore, #tpu.memory_space<semaphore_mem>>)
    %dma_start3A_44 = arith.constant 1 : i32
    %dma_start3A_45 = arith.constant 0 : i32
    %dma_start3A_46 = tpu.memref_slice %arg8[%dma_start3A_44, %dma_start3A_45] : memref<2x80xi32, #tpu.memory_space<vmem>> -> memref<1x80xi32, #tpu.memory_space<vmem>>
    %dma_start3A_47 = tpu.memref_squeeze %dma_start3A_46 : memref<1x80xi32, #tpu.memory_space<vmem>> -> memref<80xi32, #tpu.memory_space<vmem>>
    %dma_start3A_48 = tpu.memref_slice %arg3[%add3A_34] : memref<3200000xi32, #tpu.memory_space<hbm>> -> memref<80xi32, #tpu.memory_space<hbm>>
    %dma_start3A_49 = arith.constant 0 : i32
    %dma_start3A_50 = tpu.memref_slice %arg8[%dma_start3A_44, %dma_start3A_49] : memref<2x80xi32, #tpu.memory_space<vmem>> -> memref<1x80xi32, #tpu.memory_space<vmem>>
    %dma_start3A_51 = tpu.memref_squeeze %dma_start3A_50 : memref<1x80xi32, #tpu.memory_space<vmem>> -> memref<80xi32, #tpu.memory_space<vmem>>
    %dma_start3A_52 = tpu.memref_slice %arg3[%add3A_34] : memref<3200000xi32, #tpu.memory_space<hbm>> -> memref<80xi32, #tpu.memory_space<hbm>>
    tpu.enqueue_dma source(%dma_start3A_52 : memref<80xi32, #tpu.memory_space<hbm>>) target(%dma_start3A_51 : memref<80xi32, #tpu.memory_space<vmem>>) target_semaphore(%arg13 : memref<!tpu.dma_semaphore, #tpu.memory_space<semaphore_mem>>)
    %dma_wait3A = arith.constant 0 : i32
    %dma_wait3A_53 = arith.constant 0 : i32
    %dma_wait3A_54 = tpu.memref_slice %arg7[%dma_wait3A, %dma_wait3A_53] : memref<2x80xi32, #tpu.memory_space<vmem>> -> memref<1x80xi32, #tpu.memory_space<vmem>>
    %dma_wait3A_55 = tpu.memref_squeeze %dma_wait3A_54 : memref<1x80xi32, #tpu.memory_space<vmem>> -> memref<80xi32, #tpu.memory_space<vmem>>
    %dma_wait3A_56 = arith.constant 0 : i32
    %dma_wait3A_57 = tpu.memref_slice %arg2[%dma_wait3A_56] : memref<3200000xi32, #tpu.memory_space<hbm>> -> memref<80xi32, #tpu.memory_space<hbm>>
    %dma_wait3A_58 = arith.constant 0 : i32
    %dma_wait3A_59 = tpu.memref_slice %arg7[%dma_wait3A, %dma_wait3A_58] : memref<2x80xi32, #tpu.memory_space<vmem>> -> memref<1x80xi32, #tpu.memory_space<vmem>>
    %dma_wait3A_60 = tpu.memref_squeeze %dma_wait3A_59 : memref<1x80xi32, #tpu.memory_space<vmem>> -> memref<80xi32, #tpu.memory_space<vmem>>
    %dma_wait3A_61 = arith.constant 0 : i32
    %dma_wait3A_62 = tpu.memref_slice %arg2[%dma_wait3A_61] : memref<3200000xi32, #tpu.memory_space<hbm>> -> memref<80xi32, #tpu.memory_space<hbm>>
    tpu.wait_dma2 semaphore(%arg12 : memref<!tpu.dma_semaphore, #tpu.memory_space<semaphore_mem>>) src(%dma_wait3A_62 : memref<80xi32, #tpu.memory_space<hbm>>) dst(%dma_wait3A_60 : memref<80xi32, #tpu.memory_space<vmem>>)
    %dma_wait3A_63 = arith.constant 0 : i32
    %dma_wait3A_64 = arith.constant 0 : i32
    %dma_wait3A_65 = tpu.memref_slice %arg8[%dma_wait3A_63, %dma_wait3A_64] : memref<2x80xi32, #tpu.memory_space<vmem>> -> memref<1x80xi32, #tpu.memory_space<vmem>>
    %dma_wait3A_66 = tpu.memref_squeeze %dma_wait3A_65 : memref<1x80xi32, #tpu.memory_space<vmem>> -> memref<80xi32, #tpu.memory_space<vmem>>
    %dma_wait3A_67 = arith.constant 0 : i32
    %dma_wait3A_68 = tpu.memref_slice %arg3[%dma_wait3A_67] : memref<3200000xi32, #tpu.memory_space<hbm>> -> memref<80xi32, #tpu.memory_space<hbm>>
    %dma_wait3A_69 = arith.constant 0 : i32
    %dma_wait3A_70 = tpu.memref_slice %arg8[%dma_wait3A_63, %dma_wait3A_69] : memref<2x80xi32, #tpu.memory_space<vmem>> -> memref<1x80xi32, #tpu.memory_space<vmem>>
    %dma_wait3A_71 = tpu.memref_squeeze %dma_wait3A_70 : memref<1x80xi32, #tpu.memory_space<vmem>> -> memref<80xi32, #tpu.memory_space<vmem>>
    %dma_wait3A_72 = arith.constant 0 : i32
    %dma_wait3A_73 = tpu.memref_slice %arg3[%dma_wait3A_72] : memref<3200000xi32, #tpu.memory_space<hbm>> -> memref<80xi32, #tpu.memory_space<hbm>>
    tpu.wait_dma2 semaphore(%arg12 : memref<!tpu.dma_semaphore, #tpu.memory_space<semaphore_mem>>) src(%dma_wait3A_73 : memref<80xi32, #tpu.memory_space<hbm>>) dst(%dma_wait3A_71 : memref<80xi32, #tpu.memory_space<vmem>>)
    %run_scoped3A = arith.constant 0 : i32
    %run_scoped3A_74 = arith.constant 0 : i32
    "tpu.region"() ({
      %run_scoped3A_315 = tpu.sem_alloc : memref<!tpu.dma_semaphore, #tpu.memory_space<semaphore_mem>>
      %dma_start3A_316 = arith.constant 0 : i32
      %dma_start3A_317 = arith.constant 0 : i32
      %dma_start3A_318 = tpu.memref_slice %arg10[%run_scoped3A_74, %dma_start3A_316, %dma_start3A_317] : memref<2x80x16xf32, #tpu.memory_space<vmem>> -> memref<1x80x16xf32, #tpu.memory_space<vmem>>
      %dma_start3A_319 = tpu.memref_squeeze %dma_start3A_318 : memref<1x80x16xf32, #tpu.memory_space<vmem>> -> memref<80x16xf32, #tpu.memory_space<vmem>>
      %dma_start3A_320 = arith.constant 0 : i32
      %dma_start3A_321 = tpu.memref_slice %arg7[%run_scoped3A, %dma_start3A_320] : memref<2x80xi32, #tpu.memory_space<vmem>> -> memref<1x80xi32, #tpu.memory_space<vmem>>
      %dma_start3A_322 = tpu.memref_squeeze %dma_start3A_321 : memref<1x80xi32, #tpu.memory_space<vmem>> -> memref<80xi32, #tpu.memory_space<vmem>>
      %dma_start3A_323 = arith.constant 0 : i32
      %dma_start3A_324 = arith.constant 0 : i32
      %dma_start3A_325 = tpu.memref_slice %arg4[%dma_start3A_323, %dma_start3A_324] : memref<100000x16xf32, #tpu.memory_space<hbm>> -> memref<100000x16xf32, #tpu.memory_space<hbm>>
      tpu.enqueue_indirect_dma source(%dma_start3A_325 : memref<100000x16xf32, #tpu.memory_space<hbm>>) target(%dma_start3A_319 : memref<80x16xf32, #tpu.memory_space<vmem>>) offsets(%dma_start3A_322 : memref<80xi32, #tpu.memory_space<vmem>>) semaphore(%run_scoped3A_315 : memref<!tpu.dma_semaphore, #tpu.memory_space<semaphore_mem>>)
      %dma_wait3A_326 = arith.constant 0 : i32
      %dma_wait3A_327 = arith.constant 0 : i32
      %dma_wait3A_328 = tpu.memref_slice %arg10[%run_scoped3A_74, %dma_wait3A_326, %dma_wait3A_327] : memref<2x80x16xf32, #tpu.memory_space<vmem>> -> memref<1x80x16xf32, #tpu.memory_space<vmem>>
      %dma_wait3A_329 = tpu.memref_squeeze %dma_wait3A_328 : memref<1x80x16xf32, #tpu.memory_space<vmem>> -> memref<80x16xf32, #tpu.memory_space<vmem>>
      %dma_wait3A_330 = arith.constant 0 : i32
      %dma_wait3A_331 = tpu.memref_slice %arg7[%run_scoped3A, %dma_wait3A_330] : memref<2x80xi32, #tpu.memory_space<vmem>> -> memref<1x80xi32, #tpu.memory_space<vmem>>
      %dma_wait3A_332 = tpu.memref_squeeze %dma_wait3A_331 : memref<1x80xi32, #tpu.memory_space<vmem>> -> memref<80xi32, #tpu.memory_space<vmem>>
      %dma_wait3A_333 = arith.constant 0 : i32
      %dma_wait3A_334 = arith.constant 0 : i32
      %dma_wait3A_335 = tpu.memref_slice %arg4[%dma_wait3A_333, %dma_wait3A_334] : memref<100000x16xf32, #tpu.memory_space<hbm>> -> memref<100000x16xf32, #tpu.memory_space<hbm>>
      tpu.wait_indirect_dma semaphore(%run_scoped3A_315 : memref<!tpu.dma_semaphore, #tpu.memory_space<semaphore_mem>>) src(%dma_wait3A_335 : memref<100000x16xf32, #tpu.memory_space<hbm>>) dst(%dma_wait3A_329 : memref<80x16xf32, #tpu.memory_space<vmem>>)
      tpu.yield
    }) : () -> ()
    %get3A = arith.constant 0 : i32
    %get3A_75 = arith.index_cast %get3A : i32 to index
    %get3A_76 = arith.constant 0 : index
    %get3A_77 = tpu.vector_load %arg8[%get3A_75, %get3A_76] {strides = array<i32>} : memref<2x80xi32, #tpu.memory_space<vmem>>, vector<1x16xi32>,
    %get3A_78 = vector.shape_cast %get3A_77 : vector<1x16xi32> to vector<16xi32>
    %swap3A = arith.constant 0 : i32
    %swap3A_79 = arith.index_cast %swap3A : i32 to index
    %swap3A_80 = arith.constant 0 : index
    %swap3A_81 = tpu.vector_load %arg9[%swap3A_79, %swap3A_80] {strides = array<i32>} : memref<2x80xi32, #tpu.memory_space<vmem>>, vector<1x16xi32>,
    %swap3A_82 = vector.shape_cast %swap3A_81 : vector<1x16xi32> to vector<16xi32>
    %swap3A_83 = vector.shape_cast %get3A_78 : vector<16xi32> to vector<1x16xi32>
    tpu.vector_store %arg9[%swap3A_79, %swap3A_80], %swap3A_83 {strides = array<i32>} : memref<2x80xi32, #tpu.memory_space<vmem>>, vector<1x16xi32>,
    %get3A_84 = arith.constant 0 : i32
    %get3A_85 = arith.index_cast %get3A_84 : i32 to index
    %get3A_86 = arith.constant 16 : index
    %get3A_87 = tpu.vector_load %arg8[%get3A_85, %get3A_86] {strides = array<i32>} : memref<2x80xi32, #tpu.memory_space<vmem>>, vector<1x16xi32>,
    %get3A_88 = vector.shape_cast %get3A_87 : vector<1x16xi32> to vector<16xi32>
    %swap3A_89 = arith.constant 0 : i32
    %swap3A_90 = arith.index_cast %swap3A_89 : i32 to index
    %swap3A_91 = arith.constant 16 : index
    %swap3A_92 = tpu.vector_load %arg9[%swap3A_90, %swap3A_91] {strides = array<i32>} : memref<2x80xi32, #tpu.memory_space<vmem>>, vector<1x16xi32>,
    %swap3A_93 = vector.shape_cast %swap3A_92 : vector<1x16xi32> to vector<16xi32>
    %swap3A_94 = vector.shape_cast %get3A_88 : vector<16xi32> to vector<1x16xi32>
    tpu.vector_store %arg9[%swap3A_90, %swap3A_91], %swap3A_94 {strides = array<i32>} : memref<2x80xi32, #tpu.memory_space<vmem>>, vector<1x16xi32>,
    %get3A_95 = arith.constant 0 : i32
    %get3A_96 = arith.index_cast %get3A_95 : i32 to index
    %get3A_97 = arith.constant 32 : index
    %get3A_98 = tpu.vector_load %arg8[%get3A_96, %get3A_97] {strides = array<i32>} : memref<2x80xi32, #tpu.memory_space<vmem>>, vector<1x16xi32>,
    %get3A_99 = vector.shape_cast %get3A_98 : vector<1x16xi32> to vector<16xi32>
    %swap3A_100 = arith.constant 0 : i32
    %swap3A_101 = arith.index_cast %swap3A_100 : i32 to index
    %swap3A_102 = arith.constant 32 : index
    %swap3A_103 = tpu.vector_load %arg9[%swap3A_101, %swap3A_102] {strides = array<i32>} : memref<2x80xi32, #tpu.memory_space<vmem>>, vector<1x16xi32>,
    %swap3A_104 = vector.shape_cast %swap3A_103 : vector<1x16xi32> to vector<16xi32>
    %swap3A_105 = vector.shape_cast %get3A_99 : vector<16xi32> to vector<1x16xi32>
    tpu.vector_store %arg9[%swap3A_101, %swap3A_102], %swap3A_105 {strides = array<i32>} : memref<2x80xi32, #tpu.memory_space<vmem>>, vector<1x16xi32>,
    %get3A_106 = arith.constant 0 : i32
    %get3A_107 = arith.index_cast %get3A_106 : i32 to index
    %get3A_108 = arith.constant 48 : index
    %get3A_109 = tpu.vector_load %arg8[%get3A_107, %get3A_108] {strides = array<i32>} : memref<2x80xi32, #tpu.memory_space<vmem>>, vector<1x16xi32>,
    %get3A_110 = vector.shape_cast %get3A_109 : vector<1x16xi32> to vector<16xi32>
    %swap3A_111 = arith.constant 0 : i32
    %swap3A_112 = arith.index_cast %swap3A_111 : i32 to index
    %swap3A_113 = arith.constant 48 : index
    %swap3A_114 = tpu.vector_load %arg9[%swap3A_112, %swap3A_113] {strides = array<i32>} : memref<2x80xi32, #tpu.memory_space<vmem>>, vector<1x16xi32>,
    %swap3A_115 = vector.shape_cast %swap3A_114 : vector<1x16xi32> to vector<16xi32>
    %swap3A_116 = vector.shape_cast %get3A_110 : vector<16xi32> to vector<1x16xi32>
    tpu.vector_store %arg9[%swap3A_112, %swap3A_113], %swap3A_116 {strides = array<i32>} : memref<2x80xi32, #tpu.memory_space<vmem>>, vector<1x16xi32>,
    %get3A_117 = arith.constant 0 : i32
    %get3A_118 = arith.index_cast %get3A_117 : i32 to index
    %get3A_119 = arith.constant 64 : index
    %get3A_120 = tpu.vector_load %arg8[%get3A_118, %get3A_119] {strides = array<i32>} : memref<2x80xi32, #tpu.memory_space<vmem>>, vector<1x16xi32>,
    %get3A_121 = vector.shape_cast %get3A_120 : vector<1x16xi32> to vector<16xi32>
    %swap3A_122 = arith.constant 0 : i32
    %swap3A_123 = arith.index_cast %swap3A_122 : i32 to index
    %swap3A_124 = arith.constant 64 : index
    %swap3A_125 = tpu.vector_load %arg9[%swap3A_123, %swap3A_124] {strides = array<i32>} : memref<2x80xi32, #tpu.memory_space<vmem>>, vector<1x16xi32>,
    %swap3A_126 = vector.shape_cast %swap3A_125 : vector<1x16xi32> to vector<16xi32>
    %swap3A_127 = vector.shape_cast %get3A_121 : vector<16xi32> to vector<1x16xi32>
    tpu.vector_store %arg9[%swap3A_123, %swap3A_124], %swap3A_127 {strides = array<i32>} : memref<2x80xi32, #tpu.memory_space<vmem>>, vector<1x16xi32>,
    %add3A_128 = arith.constant 160 : i32
    %add3A_129 = arith.addi %mul3A_13, %add3A_128 : i32
    %dma_start3A_130 = arith.constant 0 : i32
    %dma_start3A_131 = arith.constant 0 : i32
    %dma_start3A_132 = tpu.memref_slice %arg7[%dma_start3A_130, %dma_start3A_131] : memref<2x80xi32, #tpu.memory_space<vmem>> -> memref<1x80xi32, #tpu.memory_space<vmem>>
    %dma_start3A_133 = tpu.memref_squeeze %dma_start3A_132 : memref<1x80xi32, #tpu.memory_space<vmem>> -> memref<80xi32, #tpu.memory_space<vmem>>
    %dma_start3A_134 = tpu.memref_slice %arg2[%add3A_129] : memref<3200000xi32, #tpu.memory_space<hbm>> -> memref<80xi32, #tpu.memory_space<hbm>>
    %dma_start3A_135 = arith.constant 0 : i32
    %dma_start3A_136 = tpu.memref_slice %arg7[%dma_start3A_130, %dma_start3A_135] : memref<2x80xi32, #tpu.memory_space<vmem>> -> memref<1x80xi32, #tpu.memory_space<vmem>>
    %dma_start3A_137 = tpu.memref_squeeze %dma_start3A_136 : memref<1x80xi32, #tpu.memory_space<vmem>> -> memref<80xi32, #tpu.memory_space<vmem>>
    %dma_start3A_138 = tpu.memref_slice %arg2[%add3A_129] : memref<3200000xi32, #tpu.memory_space<hbm>> -> memref<80xi32, #tpu.memory_space<hbm>>
    tpu.enqueue_dma source(%dma_start3A_138 : memref<80xi32, #tpu.memory_space<hbm>>) target(%dma_start3A_137 : memref<80xi32, #tpu.memory_space<vmem>>) target_semaphore(%arg12 : memref<!tpu.dma_semaphore, #tpu.memory_space<semaphore_mem>>)
    %dma_start3A_139 = arith.constant 0 : i32
    %dma_start3A_140 = arith.constant 0 : i32
    %dma_start3A_141 = tpu.memref_slice %arg8[%dma_start3A_139, %dma_start3A_140] : memref<2x80xi32, #tpu.memory_space<vmem>> -> memref<1x80xi32, #tpu.memory_space<vmem>>
    %dma_start3A_142 = tpu.memref_squeeze %dma_start3A_141 : memref<1x80xi32, #tpu.memory_space<vmem>> -> memref<80xi32, #tpu.memory_space<vmem>>
    %dma_start3A_143 = tpu.memref_slice %arg3[%add3A_129] : memref<3200000xi32, #tpu.memory_space<hbm>> -> memref<80xi32, #tpu.memory_space<hbm>>
    %dma_start3A_144 = arith.constant 0 : i32
    %dma_start3A_145 = tpu.memref_slice %arg8[%dma_start3A_139, %dma_start3A_144] : memref<2x80xi32, #tpu.memory_space<vmem>> -> memref<1x80xi32, #tpu.memory_space<vmem>>
    %dma_start3A_146 = tpu.memref_squeeze %dma_start3A_145 : memref<1x80xi32, #tpu.memory_space<vmem>> -> memref<80xi32, #tpu.memory_space<vmem>>
    %dma_start3A_147 = tpu.memref_slice %arg3[%add3A_129] : memref<3200000xi32, #tpu.memory_space<hbm>> -> memref<80xi32, #tpu.memory_space<hbm>>
    tpu.enqueue_dma source(%dma_start3A_147 : memref<80xi32, #tpu.memory_space<hbm>>) target(%dma_start3A_146 : memref<80xi32, #tpu.memory_space<vmem>>) target_semaphore(%arg12 : memref<!tpu.dma_semaphore, #tpu.memory_space<semaphore_mem>>)
    %dma_start3A_148 = arith.constant 0 : i32
    %dma_start3A_149 = arith.constant 0 : i32
    %dma_start3A_150 = arith.constant 0 : i32
    %dma_start3A_151 = arith.constant 0 : i32
    %dma_start3A_152 = tpu.memref_slice %arg10[%dma_start3A_148, %dma_start3A_150, %dma_start3A_151] : memref<2x80x16xf32, #tpu.memory_space<vmem>> -> memref<1x80x16xf32, #tpu.memory_space<vmem>>
    %dma_start3A_153 = tpu.memref_squeeze %dma_start3A_152 : memref<1x80x16xf32, #tpu.memory_space<vmem>> -> memref<80x16xf32, #tpu.memory_space<vmem>>
    %dma_start3A_154 = arith.constant 0 : i32
    %dma_start3A_155 = tpu.memref_slice %arg9[%dma_start3A_149, %dma_start3A_154] : memref<2x80xi32, #tpu.memory_space<vmem>> -> memref<1x80xi32, #tpu.memory_space<vmem>>
    %dma_start3A_156 = tpu.memref_squeeze %dma_start3A_155 : memref<1x80xi32, #tpu.memory_space<vmem>> -> memref<80xi32, #tpu.memory_space<vmem>>
    %dma_start3A_157 = arith.constant 0 : i32
    %dma_start3A_158 = arith.constant 0 : i32
    %dma_start3A_159 = tpu.memref_slice %arg16[%dma_start3A_157, %dma_start3A_158] : memref<100096x16xf32, #tpu.memory_space<vmem_shared>> -> memref<100096x16xf32, #tpu.memory_space<vmem_shared>>
    tpu.enqueue_indirect_dma source(%dma_start3A_153 : memref<80x16xf32, #tpu.memory_space<vmem>>) target(%dma_start3A_159 : memref<100096x16xf32, #tpu.memory_space<vmem_shared>>) offsets(%dma_start3A_156 : memref<80xi32, #tpu.memory_space<vmem>>) semaphore(%arg14 : memref<!tpu.dma_semaphore, #tpu.memory_space<semaphore_mem>>) {add = true}
    %dma_wait3A_160 = arith.constant 1 : i32
    %dma_wait3A_161 = arith.constant 0 : i32
    %dma_wait3A_162 = tpu.memref_slice %arg7[%dma_wait3A_160, %dma_wait3A_161] : memref<2x80xi32, #tpu.memory_space<vmem>> -> memref<1x80xi32, #tpu.memory_space<vmem>>
    %dma_wait3A_163 = tpu.memref_squeeze %dma_wait3A_162 : memref<1x80xi32, #tpu.memory_space<vmem>> -> memref<80xi32, #tpu.memory_space<vmem>>
    %dma_wait3A_164 = arith.constant 0 : i32
    %dma_wait3A_165 = tpu.memref_slice %arg2[%dma_wait3A_164] : memref<3200000xi32, #tpu.memory_space<hbm>> -> memref<80xi32, #tpu.memory_space<hbm>>
    %dma_wait3A_166 = arith.constant 0 : i32
    %dma_wait3A_167 = tpu.memref_slice %arg7[%dma_wait3A_160, %dma_wait3A_166] : memref<2x80xi32, #tpu.memory_space<vmem>> -> memref<1x80xi32, #tpu.memory_space<vmem>>
    %dma_wait3A_168 = tpu.memref_squeeze %dma_wait3A_167 : memref<1x80xi32, #tpu.memory_space<vmem>> -> memref<80xi32, #tpu.memory_space<vmem>>
    %dma_wait3A_169 = arith.constant 0 : i32
    %dma_wait3A_170 = tpu.memref_slice %arg2[%dma_wait3A_169] : memref<3200000xi32, #tpu.memory_space<hbm>> -> memref<80xi32, #tpu.memory_space<hbm>>
    tpu.wait_dma2 semaphore(%arg13 : memref<!tpu.dma_semaphore, #tpu.memory_space<semaphore_mem>>) src(%dma_wait3A_170 : memref<80xi32, #tpu.memory_space<hbm>>) dst(%dma_wait3A_168 : memref<80xi32, #tpu.memory_space<vmem>>)
    %dma_wait3A_171 = arith.constant 1 : i32
    %dma_wait3A_172 = arith.constant 0 : i32
    %dma_wait3A_173 = tpu.memref_slice %arg8[%dma_wait3A_171, %dma_wait3A_172] : memref<2x80xi32, #tpu.memory_space<vmem>> -> memref<1x80xi32, #tpu.memory_space<vmem>>
    %dma_wait3A_174 = tpu.memref_squeeze %dma_wait3A_173 : memref<1x80xi32, #tpu.memory_space<vmem>> -> memref<80xi32, #tpu.memory_space<vmem>>
    %dma_wait3A_175 = arith.constant 0 : i32
    %dma_wait3A_176 = tpu.memref_slice %arg3[%dma_wait3A_175] : memref<3200000xi32, #tpu.memory_space<hbm>> -> memref<80xi32, #tpu.memory_space<hbm>>
    %dma_wait3A_177 = arith.constant 0 : i32
    %dma_wait3A_178 = tpu.memref_slice %arg8[%dma_wait3A_171, %dma_wait3A_177] : memref<2x80xi32, #tpu.memory_space<vmem>> -> memref<1x80xi32, #tpu.memory_space<vmem>>
    %dma_wait3A_179 = tpu.memref_squeeze %dma_wait3A_178 : memref<1x80xi32, #tpu.memory_space<vmem>> -> memref<80xi32, #tpu.memory_space<vmem>>
    %dma_wait3A_180 = arith.constant 0 : i32
    %dma_wait3A_181 = tpu.memref_slice %arg3[%dma_wait3A_180] : memref<3200000xi32, #tpu.memory_space<hbm>> -> memref<80xi32, #tpu.memory_space<hbm>>
    tpu.wait_dma2 semaphore(%arg13 : memref<!tpu.dma_semaphore, #tpu.memory_space<semaphore_mem>>) src(%dma_wait3A_181 : memref<80xi32, #tpu.memory_space<hbm>>) dst(%dma_wait3A_179 : memref<80xi32, #tpu.memory_space<vmem>>)
    %run_scoped3A_182 = arith.constant 1 : i32
    %run_scoped3A_183 = arith.constant 1 : i32
    "tpu.region"() ({
      %run_scoped3A_315 = tpu.sem_alloc : memref<!tpu.dma_semaphore, #tpu.memory_space<semaphore_mem>>
      %dma_start3A_316 = arith.constant 0 : i32
      %dma_start3A_317 = arith.constant 0 : i32
      %dma_start3A_318 = tpu.memref_slice %arg10[%run_scoped3A_183, %dma_start3A_316, %dma_start3A_317] : memref<2x80x16xf32, #tpu.memory_space<vmem>> -> memref<1x80x16xf32, #tpu.memory_space<vmem>>
      %dma_start3A_319 = tpu.memref_squeeze %dma_start3A_318 : memref<1x80x16xf32, #tpu.memory_space<vmem>> -> memref<80x16xf32, #tpu.memory_space<vmem>>
      %dma_start3A_320 = arith.constant 0 : i32
      %dma_start3A_321 = tpu.memref_slice %arg7[%run_scoped3A_182, %dma_start3A_320] : memref<2x80xi32, #tpu.memory_space<vmem>> -> memref<1x80xi32, #tpu.memory_space<vmem>>
      %dma_start3A_322 = tpu.memref_squeeze %dma_start3A_321 : memref<1x80xi32, #tpu.memory_space<vmem>> -> memref<80xi32, #tpu.memory_space<vmem>>
      %dma_start3A_323 = arith.constant 0 : i32
      %dma_start3A_324 = arith.constant 0 : i32
      %dma_start3A_325 = tpu.memref_slice %arg4[%dma_start3A_323, %dma_start3A_324] : memref<100000x16xf32, #tpu.memory_space<hbm>> -> memref<100000x16xf32, #tpu.memory_space<hbm>>
      tpu.enqueue_indirect_dma source(%dma_start3A_325 : memref<100000x16xf32, #tpu.memory_space<hbm>>) target(%dma_start3A_319 : memref<80x16xf32, #tpu.memory_space<vmem>>) offsets(%dma_start3A_322 : memref<80xi32, #tpu.memory_space<vmem>>) semaphore(%run_scoped3A_315 : memref<!tpu.dma_semaphore, #tpu.memory_space<semaphore_mem>>)
      %dma_wait3A_326 = arith.constant 0 : i32
      %dma_wait3A_327 = arith.constant 0 : i32
      %dma_wait3A_328 = tpu.memref_slice %arg10[%run_scoped3A_183, %dma_wait3A_326, %dma_wait3A_327] : memref<2x80x16xf32, #tpu.memory_space<vmem>> -> memref<1x80x16xf32, #tpu.memory_space<vmem>>
      %dma_wait3A_329 = tpu.memref_squeeze %dma_wait3A_328 : memref<1x80x16xf32, #tpu.memory_space<vmem>> -> memref<80x16xf32, #tpu.memory_space<vmem>>
      %dma_wait3A_330 = arith.constant 0 : i32
      %dma_wait3A_331 = tpu.memref_slice %arg7[%run_scoped3A_182, %dma_wait3A_330] : memref<2x80xi32, #tpu.memory_space<vmem>> -> memref<1x80xi32, #tpu.memory_space<vmem>>
      %dma_wait3A_332 = tpu.memref_squeeze %dma_wait3A_331 : memref<1x80xi32, #tpu.memory_space<vmem>> -> memref<80xi32, #tpu.memory_space<vmem>>
      %dma_wait3A_333 = arith.constant 0 : i32
      %dma_wait3A_334 = arith.constant 0 : i32
      %dma_wait3A_335 = tpu.memref_slice %arg4[%dma_wait3A_333, %dma_wait3A_334] : memref<100000x16xf32, #tpu.memory_space<hbm>> -> memref<100000x16xf32, #tpu.memory_space<hbm>>
      tpu.wait_indirect_dma semaphore(%run_scoped3A_315 : memref<!tpu.dma_semaphore, #tpu.memory_space<semaphore_mem>>) src(%dma_wait3A_335 : memref<100000x16xf32, #tpu.memory_space<hbm>>) dst(%dma_wait3A_329 : memref<80x16xf32, #tpu.memory_space<vmem>>)
      tpu.yield
    }) : () -> ()
    %get3A_184 = arith.constant 1 : i32
    %get3A_185 = arith.index_cast %get3A_184 : i32 to index
    %get3A_186 = arith.constant 0 : index
    %get3A_187 = tpu.vector_load %arg8[%get3A_185, %get3A_186] {strides = array<i32>} : memref<2x80xi32, #tpu.memory_space<vmem>>, vector<1x16xi32>,
    %get3A_188 = vector.shape_cast %get3A_187 : vector<1x16xi32> to vector<16xi32>
    %swap3A_189 = arith.constant 1 : i32
    %swap3A_190 = arith.index_cast %swap3A_189 : i32 to index
    %swap3A_191 = arith.constant 0 : index
    %swap3A_192 = tpu.vector_load %arg9[%swap3A_190, %swap3A_191] {strides = array<i32>} : memref<2x80xi32, #tpu.memory_space<vmem>>, vector<1x16xi32>,
    %swap3A_193 = vector.shape_cast %swap3A_192 : vector<1x16xi32> to vector<16xi32>
    %swap3A_194 = vector.shape_cast %get3A_188 : vector<16xi32> to vector<1x16xi32>
    tpu.vector_store %arg9[%swap3A_190, %swap3A_191], %swap3A_194 {strides = array<i32>} : memref<2x80xi32, #tpu.memory_space<vmem>>, vector<1x16xi32>,
    %get3A_195 = arith.constant 1 : i32
    %get3A_196 = arith.index_cast %get3A_195 : i32 to index
    %get3A_197 = arith.constant 16 : index
    %get3A_198 = tpu.vector_load %arg8[%get3A_196, %get3A_197] {strides = array<i32>} : memref<2x80xi32, #tpu.memory_space<vmem>>, vector<1x16xi32>,
    %get3A_199 = vector.shape_cast %get3A_198 : vector<1x16xi32> to vector<16xi32>
    %swap3A_200 = arith.constant 1 : i32
    %swap3A_201 = arith.index_cast %swap3A_200 : i32 to index
    %swap3A_202 = arith.constant 16 : index
    %swap3A_203 = tpu.vector_load %arg9[%swap3A_201, %swap3A_202] {strides = array<i32>} : memref<2x80xi32, #tpu.memory_space<vmem>>, vector<1x16xi32>,
    %swap3A_204 = vector.shape_cast %swap3A_203 : vector<1x16xi32> to vector<16xi32>
    %swap3A_205 = vector.shape_cast %get3A_199 : vector<16xi32> to vector<1x16xi32>
    tpu.vector_store %arg9[%swap3A_201, %swap3A_202], %swap3A_205 {strides = array<i32>} : memref<2x80xi32, #tpu.memory_space<vmem>>, vector<1x16xi32>,
    %get3A_206 = arith.constant 1 : i32
    %get3A_207 = arith.index_cast %get3A_206 : i32 to index
    %get3A_208 = arith.constant 32 : index
    %get3A_209 = tpu.vector_load %arg8[%get3A_207, %get3A_208] {strides = array<i32>} : memref<2x80xi32, #tpu.memory_space<vmem>>, vector<1x16xi32>,
    %get3A_210 = vector.shape_cast %get3A_209 : vector<1x16xi32> to vector<16xi32>
    %swap3A_211 = arith.constant 1 : i32
    %swap3A_212 = arith.index_cast %swap3A_211 : i32 to index
    %swap3A_213 = arith.constant 32 : index
    %swap3A_214 = tpu.vector_load %arg9[%swap3A_212, %swap3A_213] {strides = array<i32>} : memref<2x80xi32, #tpu.memory_space<vmem>>, vector<1x16xi32>,
    %swap3A_215 = vector.shape_cast %swap3A_214 : vector<1x16xi32> to vector<16xi32>
    %swap3A_216 = vector.shape_cast %get3A_210 : vector<16xi32> to vector<1x16xi32>
    tpu.vector_store %arg9[%swap3A_212, %swap3A_213], %swap3A_216 {strides = array<i32>} : memref<2x80xi32, #tpu.memory_space<vmem>>, vector<1x16xi32>,
    %get3A_217 = arith.constant 1 : i32
    %get3A_218 = arith.index_cast %get3A_217 : i32 to index
    %get3A_219 = arith.constant 48 : index
    %get3A_220 = tpu.vector_load %arg8[%get3A_218, %get3A_219] {strides = array<i32>} : memref<2x80xi32, #tpu.memory_space<vmem>>, vector<1x16xi32>,
    %get3A_221 = vector.shape_cast %get3A_220 : vector<1x16xi32> to vector<16xi32>
    %swap3A_222 = arith.constant 1 : i32
    %swap3A_223 = arith.index_cast %swap3A_222 : i32 to index
    %swap3A_224 = arith.constant 48 : index
    %swap3A_225 = tpu.vector_load %arg9[%swap3A_223, %swap3A_224] {strides = array<i32>} : memref<2x80xi32, #tpu.memory_space<vmem>>, vector<1x16xi32>,
    %swap3A_226 = vector.shape_cast %swap3A_225 : vector<1x16xi32> to vector<16xi32>
    %swap3A_227 = vector.shape_cast %get3A_221 : vector<16xi32> to vector<1x16xi32>
    tpu.vector_store %arg9[%swap3A_223, %swap3A_224], %swap3A_227 {strides = array<i32>} : memref<2x80xi32, #tpu.memory_space<vmem>>, vector<1x16xi32>,
    %get3A_228 = arith.constant 1 : i32
    %get3A_229 = arith.index_cast %get3A_228 : i32 to index
    %get3A_230 = arith.constant 64 : index
    %get3A_231 = tpu.vector_load %arg8[%get3A_229, %get3A_230] {strides = array<i32>} : memref<2x80xi32, #tpu.memory_space<vmem>>, vector<1x16xi32>,
    %get3A_232 = vector.shape_cast %get3A_231 : vector<1x16xi32> to vector<16xi32>
    %swap3A_233 = arith.constant 1 : i32
    %swap3A_234 = arith.index_cast %swap3A_233 : i32 to index
    %swap3A_235 = arith.constant 64 : index
    %swap3A_236 = tpu.vector_load %arg9[%swap3A_234, %swap3A_235] {strides = array<i32>} : memref<2x80xi32, #tpu.memory_space<vmem>>, vector<1x16xi32>,
    %swap3A_237 = vector.shape_cast %swap3A_236 : vector<1x16xi32> to vector<16xi32>
    %swap3A_238 = vector.shape_cast %get3A_232 : vector<16xi32> to vector<1x16xi32>
    tpu.vector_store %arg9[%swap3A_234, %swap3A_235], %swap3A_238 {strides = array<i32>} : memref<2x80xi32, #tpu.memory_space<vmem>>, vector<1x16xi32>,
    %add3A_239 = arith.constant 240 : i32
    %add3A_240 = arith.addi %mul3A_13, %add3A_239 : i32
    %dma_start3A_241 = arith.constant 1 : i32
    %dma_start3A_242 = arith.constant 0 : i32
    %dma_start3A_243 = tpu.memref_slice %arg7[%dma_start3A_241, %dma_start3A_242] : memref<2x80xi32, #tpu.memory_space<vmem>> -> memref<1x80xi32, #tpu.memory_space<vmem>>
    %dma_start3A_244 = tpu.memref_squeeze %dma_start3A_243 : memref<1x80xi32, #tpu.memory_space<vmem>> -> memref<80xi32, #tpu.memory_space<vmem>>
    %dma_start3A_245 = tpu.memref_slice %arg2[%add3A_240] : memref<3200000xi32, #tpu.memory_space<hbm>> -> memref<80xi32, #tpu.memory_space<hbm>>
    %dma_start3A_246 = arith.constant 0 : i32
    %dma_start3A_247 = tpu.memref_slice %arg7[%dma_start3A_241, %dma_start3A_246] : memref<2x80xi32, #tpu.memory_space<vmem>> -> memref<1x80xi32, #tpu.memory_space<vmem>>
    %dma_start3A_248 = tpu.memref_squeeze %dma_start3A_247 : memref<1x80xi32, #tpu.memory_space<vmem>> -> memref<80xi32, #tpu.memory_space<vmem>>
    %dma_start3A_249 = tpu.memref_slice %arg2[%add3A_240] : memref<3200000xi32, #tpu.memory_space<hbm>> -> memref<80xi32, #tpu.memory_space<hbm>>
    tpu.enqueue_dma source(%dma_start3A_249 : memref<80xi32, #tpu.memory_space<hbm>>) target(%dma_start3A_248 : memref<80xi32, #tpu.memory_space<vmem>>) target_semaphore(%arg13 : memref<!tpu.dma_semaphore, #tpu.memory_space<semaphore_mem>>)
    %dma_start3A_250 = arith.constant 1 : i32
    %dma_start3A_251 = arith.constant 0 : i32
    %dma_start3A_252 = tpu.memref_slice %arg8[%dma_start3A_250, %dma_start3A_251] : memref<2x80xi32, #tpu.memory_space<vmem>> -> memref<1x80xi32, #tpu.memory_space<vmem>>
    %dma_start3A_253 = tpu.memref_squeeze %dma_start3A_252 : memref<1x80xi32, #tpu.memory_space<vmem>> -> memref<80xi32, #tpu.memory_space<vmem>>
    %dma_start3A_254 = tpu.memref_slice %arg3[%add3A_240] : memref<3200000xi32, #tpu.memory_space<hbm>> -> memref<80xi32, #tpu.memory_space<hbm>>
    %dma_start3A_255 = arith.constant 0 : i32
    %dma_start3A_256 = tpu.memref_slice %arg8[%dma_start3A_250, %dma_start3A_255] : memref<2x80xi32, #tpu.memory_space<vmem>> -> memref<1x80xi32, #tpu.memory_space<vmem>>
    %dma_start3A_257 = tpu.memref_squeeze %dma_start3A_256 : memref<1x80xi32, #tpu.memory_space<vmem>> -> memref<80xi32, #tpu.memory_space<vmem>>
    %dma_start3A_258 = tpu.memref_slice %arg3[%add3A_240] : memref<3200000xi32, #tpu.memory_space<hbm>> -> memref<80xi32, #tpu.memory_space<hbm>>
    tpu.enqueue_dma source(%dma_start3A_258 : memref<80xi32, #tpu.memory_space<hbm>>) target(%dma_start3A_257 : memref<80xi32, #tpu.memory_space<vmem>>) target_semaphore(%arg13 : memref<!tpu.dma_semaphore, #tpu.memory_space<semaphore_mem>>)
    %dma_start3A_259 = arith.constant 1 : i32
    %dma_start3A_260 = arith.constant 1 : i32
    %dma_start3A_261 = arith.constant 0 : i32
    %dma_start3A_262 = arith.constant 0 : i32
    %dma_start3A_263 = tpu.memref_slice %arg10[%dma_start3A_259, %dma_start3A_261, %dma_start3A_262] : memref<2x80x16xf32, #tpu.memory_space<vmem>> -> memref<1x80x16xf32, #tpu.memory_space<vmem>>
    %dma_start3A_264 = tpu.memref_squeeze %dma_start3A_263 : memref<1x80x16xf32, #tpu.memory_space<vmem>> -> memref<80x16xf32, #tpu.memory_space<vmem>>
    %dma_start3A_265 = arith.constant 0 : i32
    %dma_start3A_266 = tpu.memref_slice %arg9[%dma_start3A_260, %dma_start3A_265] : memref<2x80xi32, #tpu.memory_space<vmem>> -> memref<1x80xi32, #tpu.memory_space<vmem>>
    %dma_start3A_267 = tpu.memref_squeeze %dma_start3A_266 : memref<1x80xi32, #tpu.memory_space<vmem>> -> memref<80xi32, #tpu.memory_space<vmem>>
    %dma_start3A_268 = arith.constant 0 : i32
    %dma_start3A_269 = arith.constant 0 : i32
    %dma_start3A_270 = tpu.memref_slice %arg16[%dma_start3A_268, %dma_start3A_269] : memref<100096x16xf32, #tpu.memory_space<vmem_shared>> -> memref<100096x16xf32, #tpu.memory_space<vmem_shared>>
    tpu.enqueue_indirect_dma source(%dma_start3A_264 : memref<80x16xf32, #tpu.memory_space<vmem>>) target(%dma_start3A_270 : memref<100096x16xf32, #tpu.memory_space<vmem_shared>>) offsets(%dma_start3A_267 : memref<80xi32, #tpu.memory_space<vmem>>) semaphore(%arg15 : memref<!tpu.dma_semaphore, #tpu.memory_space<semaphore_mem>>) {add = true}
    %scan3A_271 = arith.constant 0 : i32
    %scan3A_272 = arith.constant 1 : i32
    %scan3A_273 = arith.constant 624 : i32
    %scan3A_274 = arith.addi %scan3A_272, %scan3A_273 : i32
    %scan3A_275 = arith.constant 1 : i32
    scf.for %scan3A_315 = %scan3A_272 to %scan3A_274 step %scan3A_275  : i32 {
      %mul3A_316 = arith.constant 2 : i32
      %mul3A_317 = arith.muli %mul3A_316, %scan3A_315 : i32
      %add3A_318 = arith.constant 0 : i32
      %add3A_319 = arith.addi %mul3A_317, %add3A_318 : i32
      %dma_wait3A_320 = arith.constant 0 : i32
      %dma_wait3A_321 = arith.constant 0 : i32
      %dma_wait3A_322 = tpu.memref_slice %arg7[%dma_wait3A_320, %dma_wait3A_321] : memref<2x80xi32, #tpu.memory_space<vmem>> -> memref<1x80xi32, #tpu.memory_space<vmem>>
      %dma_wait3A_323 = tpu.memref_squeeze %dma_wait3A_322 : memref<1x80xi32, #tpu.memory_space<vmem>> -> memref<80xi32, #tpu.memory_space<vmem>>
      %dma_wait3A_324 = arith.constant 0 : i32
      %dma_wait3A_325 = tpu.memref_slice %arg2[%dma_wait3A_324] : memref<3200000xi32, #tpu.memory_space<hbm>> -> memref<80xi32, #tpu.memory_space<hbm>>
      %dma_wait3A_326 = arith.constant 0 : i32
      %dma_wait3A_327 = tpu.memref_slice %arg7[%dma_wait3A_320, %dma_wait3A_326] : memref<2x80xi32, #tpu.memory_space<vmem>> -> memref<1x80xi32, #tpu.memory_space<vmem>>
      %dma_wait3A_328 = tpu.memref_squeeze %dma_wait3A_327 : memref<1x80xi32, #tpu.memory_space<vmem>> -> memref<80xi32, #tpu.memory_space<vmem>>
      %dma_wait3A_329 = arith.constant 0 : i32
      %dma_wait3A_330 = tpu.memref_slice %arg2[%dma_wait3A_329] : memref<3200000xi32, #tpu.memory_space<hbm>> -> memref<80xi32, #tpu.memory_space<hbm>>
      tpu.wait_dma2 semaphore(%arg12 : memref<!tpu.dma_semaphore, #tpu.memory_space<semaphore_mem>>) src(%dma_wait3A_330 : memref<80xi32, #tpu.memory_space<hbm>>) dst(%dma_wait3A_328 : memref<80xi32, #tpu.memory_space<vmem>>)
      %dma_wait3A_331 = arith.constant 0 : i32
      %dma_wait3A_332 = arith.constant 0 : i32
      %dma_wait3A_333 = tpu.memref_slice %arg8[%dma_wait3A_331, %dma_wait3A_332] : memref<2x80xi32, #tpu.memory_space<vmem>> -> memref<1x80xi32, #tpu.memory_space<vmem>>
      %dma_wait3A_334 = tpu.memref_squeeze %dma_wait3A_333 : memref<1x80xi32, #tpu.memory_space<vmem>> -> memref<80xi32, #tpu.memory_space<vmem>>
      %dma_wait3A_335 = arith.constant 0 : i32
      %dma_wait3A_336 = tpu.memref_slice %arg3[%dma_wait3A_335] : memref<3200000xi32, #tpu.memory_space<hbm>> -> memref<80xi32, #tpu.memory_space<hbm>>
      %dma_wait3A_337 = arith.constant 0 : i32
      %dma_wait3A_338 = tpu.memref_slice %arg8[%dma_wait3A_331, %dma_wait3A_337] : memref<2x80xi32, #tpu.memory_space<vmem>> -> memref<1x80xi32, #tpu.memory_space<vmem>>
      %dma_wait3A_339 = tpu.memref_squeeze %dma_wait3A_338 : memref<1x80xi32, #tpu.memory_space<vmem>> -> memref<80xi32, #tpu.memory_space<vmem>>
      %dma_wait3A_340 = arith.constant 0 : i32
      %dma_wait3A_341 = tpu.memref_slice %arg3[%dma_wait3A_340] : memref<3200000xi32, #tpu.memory_space<hbm>> -> memref<80xi32, #tpu.memory_space<hbm>>
      tpu.wait_dma2 semaphore(%arg12 : memref<!tpu.dma_semaphore, #tpu.memory_space<semaphore_mem>>) src(%dma_wait3A_341 : memref<80xi32, #tpu.memory_space<hbm>>) dst(%dma_wait3A_339 : memref<80xi32, #tpu.memory_space<vmem>>)
      %dma_wait3A_342 = arith.constant 0 : i32
      %dma_wait3A_343 = arith.constant 0 : i32
      %dma_wait3A_344 = arith.constant 0 : i32
      %dma_wait3A_345 = arith.constant 0 : i32
      %dma_wait3A_346 = tpu.memref_slice %arg10[%dma_wait3A_342, %dma_wait3A_344, %dma_wait3A_345] : memref<2x80x16xf32, #tpu.memory_space<vmem>> -> memref<1x80x16xf32, #tpu.memory_space<vmem>>
      %dma_wait3A_347 = tpu.memref_squeeze %dma_wait3A_346 : memref<1x80x16xf32, #tpu.memory_space<vmem>> -> memref<80x16xf32, #tpu.memory_space<vmem>>
      %dma_wait3A_348 = arith.constant 0 : i32
      %dma_wait3A_349 = tpu.memref_slice %arg9[%dma_wait3A_343, %dma_wait3A_348] : memref<2x80xi32, #tpu.memory_space<vmem>> -> memref<1x80xi32, #tpu.memory_space<vmem>>
      %dma_wait3A_350 = tpu.memref_squeeze %dma_wait3A_349 : memref<1x80xi32, #tpu.memory_space<vmem>> -> memref<80xi32, #tpu.memory_space<vmem>>
      %dma_wait3A_351 = arith.constant 0 : i32
      %dma_wait3A_352 = arith.constant 0 : i32
      %dma_wait3A_353 = tpu.memref_slice %arg16[%dma_wait3A_351, %dma_wait3A_352] : memref<100096x16xf32, #tpu.memory_space<vmem_shared>> -> memref<100096x16xf32, #tpu.memory_space<vmem_shared>>
      tpu.wait_indirect_dma semaphore(%arg14 : memref<!tpu.dma_semaphore, #tpu.memory_space<semaphore_mem>>) src(%dma_wait3A_347 : memref<80x16xf32, #tpu.memory_space<vmem>>) dst(%dma_wait3A_353 : memref<100096x16xf32, #tpu.memory_space<vmem_shared>>)
      %run_scoped3A_354 = arith.constant 0 : i32
      %run_scoped3A_355 = arith.constant 0 : i32
      "tpu.region"() ({
        %run_scoped3A_541 = tpu.sem_alloc : memref<!tpu.dma_semaphore, #tpu.memory_space<semaphore_mem>>
        %dma_start3A_542 = arith.constant 0 : i32
        %dma_start3A_543 = arith.constant 0 : i32
        %dma_start3A_544 = tpu.memref_slice %arg10[%run_scoped3A_355, %dma_start3A_542, %dma_start3A_543] : memref<2x80x16xf32, #tpu.memory_space<vmem>> -> memref<1x80x16xf32, #tpu.memory_space<vmem>>
        %dma_start3A_545 = tpu.memref_squeeze %dma_start3A_544 : memref<1x80x16xf32, #tpu.memory_space<vmem>> -> memref<80x16xf32, #tpu.memory_space<vmem>>
        %dma_start3A_546 = arith.constant 0 : i32
        %dma_start3A_547 = tpu.memref_slice %arg7[%run_scoped3A_354, %dma_start3A_546] : memref<2x80xi32, #tpu.memory_space<vmem>> -> memref<1x80xi32, #tpu.memory_space<vmem>>
        %dma_start3A_548 = tpu.memref_squeeze %dma_start3A_547 : memref<1x80xi32, #tpu.memory_space<vmem>> -> memref<80xi32, #tpu.memory_space<vmem>>
        %dma_start3A_549 = arith.constant 0 : i32
        %dma_start3A_550 = arith.constant 0 : i32
        %dma_start3A_551 = tpu.memref_slice %arg4[%dma_start3A_549, %dma_start3A_550] : memref<100000x16xf32, #tpu.memory_space<hbm>> -> memref<100000x16xf32, #tpu.memory_space<hbm>>
        tpu.enqueue_indirect_dma source(%dma_start3A_551 : memref<100000x16xf32, #tpu.memory_space<hbm>>) target(%dma_start3A_545 : memref<80x16xf32, #tpu.memory_space<vmem>>) offsets(%dma_start3A_548 : memref<80xi32, #tpu.memory_space<vmem>>) semaphore(%run_scoped3A_541 : memref<!tpu.dma_semaphore, #tpu.memory_space<semaphore_mem>>)
        %dma_wait3A_552 = arith.constant 0 : i32
        %dma_wait3A_553 = arith.constant 0 : i32
        %dma_wait3A_554 = tpu.memref_slice %arg10[%run_scoped3A_355, %dma_wait3A_552, %dma_wait3A_553] : memref<2x80x16xf32, #tpu.memory_space<vmem>> -> memref<1x80x16xf32, #tpu.memory_space<vmem>>
        %dma_wait3A_555 = tpu.memref_squeeze %dma_wait3A_554 : memref<1x80x16xf32, #tpu.memory_space<vmem>> -> memref<80x16xf32, #tpu.memory_space<vmem>>
        %dma_wait3A_556 = arith.constant 0 : i32
        %dma_wait3A_557 = tpu.memref_slice %arg7[%run_scoped3A_354, %dma_wait3A_556] : memref<2x80xi32, #tpu.memory_space<vmem>> -> memref<1x80xi32, #tpu.memory_space<vmem>>
        %dma_wait3A_558 = tpu.memref_squeeze %dma_wait3A_557 : memref<1x80xi32, #tpu.memory_space<vmem>> -> memref<80xi32, #tpu.memory_space<vmem>>
        %dma_wait3A_559 = arith.constant 0 : i32
        %dma_wait3A_560 = arith.constant 0 : i32
        %dma_wait3A_561 = tpu.memref_slice %arg4[%dma_wait3A_559, %dma_wait3A_560] : memref<100000x16xf32, #tpu.memory_space<hbm>> -> memref<100000x16xf32, #tpu.memory_space<hbm>>
        tpu.wait_indirect_dma semaphore(%run_scoped3A_541 : memref<!tpu.dma_semaphore, #tpu.memory_space<semaphore_mem>>) src(%dma_wait3A_561 : memref<100000x16xf32, #tpu.memory_space<hbm>>) dst(%dma_wait3A_555 : memref<80x16xf32, #tpu.memory_space<vmem>>)
        tpu.yield
      }) : () -> ()
      %get3A_356 = arith.constant 0 : i32
      %get3A_357 = arith.index_cast %get3A_356 : i32 to index
      %get3A_358 = arith.constant 0 : index
      %get3A_359 = tpu.vector_load %arg8[%get3A_357, %get3A_358] {strides = array<i32>} : memref<2x80xi32, #tpu.memory_space<vmem>>, vector<1x16xi32>,
      %get3A_360 = vector.shape_cast %get3A_359 : vector<1x16xi32> to vector<16xi32>
      %swap3A_361 = arith.constant 0 : i32
      %swap3A_362 = arith.index_cast %swap3A_361 : i32 to index
      %swap3A_363 = arith.constant 0 : index
      %swap3A_364 = tpu.vector_load %arg9[%swap3A_362, %swap3A_363] {strides = array<i32>} : memref<2x80xi32, #tpu.memory_space<vmem>>, vector<1x16xi32>,
      %swap3A_365 = vector.shape_cast %swap3A_364 : vector<1x16xi32> to vector<16xi32>
      %swap3A_366 = vector.shape_cast %get3A_360 : vector<16xi32> to vector<1x16xi32>
      tpu.vector_store %arg9[%swap3A_362, %swap3A_363], %swap3A_366 {strides = array<i32>} : memref<2x80xi32, #tpu.memory_space<vmem>>, vector<1x16xi32>,
      %get3A_367 = arith.constant 0 : i32
      %get3A_368 = arith.index_cast %get3A_367 : i32 to index
      %get3A_369 = arith.constant 16 : index
      %get3A_370 = tpu.vector_load %arg8[%get3A_368, %get3A_369] {strides = array<i32>} : memref<2x80xi32, #tpu.memory_space<vmem>>, vector<1x16xi32>,
      %get3A_371 = vector.shape_cast %get3A_370 : vector<1x16xi32> to vector<16xi32>
      %swap3A_372 = arith.constant 0 : i32
      %swap3A_373 = arith.index_cast %swap3A_372 : i32 to index
      %swap3A_374 = arith.constant 16 : index
      %swap3A_375 = tpu.vector_load %arg9[%swap3A_373, %swap3A_374] {strides = array<i32>} : memref<2x80xi32, #tpu.memory_space<vmem>>, vector<1x16xi32>,
      %swap3A_376 = vector.shape_cast %swap3A_375 : vector<1x16xi32> to vector<16xi32>
      %swap3A_377 = vector.shape_cast %get3A_371 : vector<16xi32> to vector<1x16xi32>
      tpu.vector_store %arg9[%swap3A_373, %swap3A_374], %swap3A_377 {strides = array<i32>} : memref<2x80xi32, #tpu.memory_space<vmem>>, vector<1x16xi32>,
      %get3A_378 = arith.constant 0 : i32
      %get3A_379 = arith.index_cast %get3A_378 : i32 to index
      %get3A_380 = arith.constant 32 : index
      %get3A_381 = tpu.vector_load %arg8[%get3A_379, %get3A_380] {strides = array<i32>} : memref<2x80xi32, #tpu.memory_space<vmem>>, vector<1x16xi32>,
      %get3A_382 = vector.shape_cast %get3A_381 : vector<1x16xi32> to vector<16xi32>
      %swap3A_383 = arith.constant 0 : i32
      %swap3A_384 = arith.index_cast %swap3A_383 : i32 to index
      %swap3A_385 = arith.constant 32 : index
      %swap3A_386 = tpu.vector_load %arg9[%swap3A_384, %swap3A_385] {strides = array<i32>} : memref<2x80xi32, #tpu.memory_space<vmem>>, vector<1x16xi32>,
      %swap3A_387 = vector.shape_cast %swap3A_386 : vector<1x16xi32> to vector<16xi32>
      %swap3A_388 = vector.shape_cast %get3A_382 : vector<16xi32> to vector<1x16xi32>
      tpu.vector_store %arg9[%swap3A_384, %swap3A_385], %swap3A_388 {strides = array<i32>} : memref<2x80xi32, #tpu.memory_space<vmem>>, vector<1x16xi32>,
      %get3A_389 = arith.constant 0 : i32
      %get3A_390 = arith.index_cast %get3A_389 : i32 to index
      %get3A_391 = arith.constant 48 : index
      %get3A_392 = tpu.vector_load %arg8[%get3A_390, %get3A_391] {strides = array<i32>} : memref<2x80xi32, #tpu.memory_space<vmem>>, vector<1x16xi32>,
      %get3A_393 = vector.shape_cast %get3A_392 : vector<1x16xi32> to vector<16xi32>
      %swap3A_394 = arith.constant 0 : i32
      %swap3A_395 = arith.index_cast %swap3A_394 : i32 to index
      %swap3A_396 = arith.constant 48 : index
      %swap3A_397 = tpu.vector_load %arg9[%swap3A_395, %swap3A_396] {strides = array<i32>} : memref<2x80xi32, #tpu.memory_space<vmem>>, vector<1x16xi32>,
      %swap3A_398 = vector.shape_cast %swap3A_397 : vector<1x16xi32> to vector<16xi32>
      %swap3A_399 = vector.shape_cast %get3A_393 : vector<16xi32> to vector<1x16xi32>
      tpu.vector_store %arg9[%swap3A_395, %swap3A_396], %swap3A_399 {strides = array<i32>} : memref<2x80xi32, #tpu.memory_space<vmem>>, vector<1x16xi32>,
      %get3A_400 = arith.constant 0 : i32
      %get3A_401 = arith.index_cast %get3A_400 : i32 to index
      %get3A_402 = arith.constant 64 : index
      %get3A_403 = tpu.vector_load %arg8[%get3A_401, %get3A_402] {strides = array<i32>} : memref<2x80xi32, #tpu.memory_space<vmem>>, vector<1x16xi32>,
      %get3A_404 = vector.shape_cast %get3A_403 : vector<1x16xi32> to vector<16xi32>
      %swap3A_405 = arith.constant 0 : i32
      %swap3A_406 = arith.index_cast %swap3A_405 : i32 to index
      %swap3A_407 = arith.constant 64 : index
      %swap3A_408 = tpu.vector_load %arg9[%swap3A_406, %swap3A_407] {strides = array<i32>} : memref<2x80xi32, #tpu.memory_space<vmem>>, vector<1x16xi32>,
      %swap3A_409 = vector.shape_cast %swap3A_408 : vector<1x16xi32> to vector<16xi32>
      %swap3A_410 = vector.shape_cast %get3A_404 : vector<16xi32> to vector<1x16xi32>
      tpu.vector_store %arg9[%swap3A_406, %swap3A_407], %swap3A_410 {strides = array<i32>} : memref<2x80xi32, #tpu.memory_space<vmem>>, vector<1x16xi32>,
      %add3A_411 = arith.constant 2 : i32
      %add3A_412 = arith.addi %add3A_319, %add3A_411 : i32
      %lt3A = arith.constant 1250 : i32
      %lt3A_413 = arith.cmpi slt, %add3A_412, %lt3A : i32
      %convert_element_type3A = arith.extui %lt3A_413 : i1 to i32
      %cond3A = arith.constant 0 : i32
      %cond3A_414 = arith.cmpi ne, %convert_element_type3A, %cond3A : i32
      scf.if %cond3A_414 {
        %add3A_541 = arith.constant 2 : i32
        %add3A_542 = arith.addi %add3A_319, %add3A_541 : i32
        %mul3A_543 = arith.constant 80 : i32
        %mul3A_544 = arith.muli %add3A_542, %mul3A_543 : i32
        %add3A_545 = arith.addi %mul3A_13, %mul3A_544 : i32
        %dma_start3A_546 = arith.constant 0 : i32
        %dma_start3A_547 = arith.constant 0 : i32
        %dma_start3A_548 = tpu.memref_slice %arg7[%dma_start3A_546, %dma_start3A_547] : memref<2x80xi32, #tpu.memory_space<vmem>> -> memref<1x80xi32, #tpu.memory_space<vmem>>
        %dma_start3A_549 = tpu.memref_squeeze %dma_start3A_548 : memref<1x80xi32, #tpu.memory_space<vmem>> -> memref<80xi32, #tpu.memory_space<vmem>>
        %dma_start3A_550 = tpu.memref_slice %arg2[%add3A_545] : memref<3200000xi32, #tpu.memory_space<hbm>> -> memref<80xi32, #tpu.memory_space<hbm>>
        %dma_start3A_551 = arith.constant 0 : i32
        %dma_start3A_552 = tpu.memref_slice %arg7[%dma_start3A_546, %dma_start3A_551] : memref<2x80xi32, #tpu.memory_space<vmem>> -> memref<1x80xi32, #tpu.memory_space<vmem>>
        %dma_start3A_553 = tpu.memref_squeeze %dma_start3A_552 : memref<1x80xi32, #tpu.memory_space<vmem>> -> memref<80xi32, #tpu.memory_space<vmem>>
        %dma_start3A_554 = tpu.memref_slice %arg2[%add3A_545] : memref<3200000xi32, #tpu.memory_space<hbm>> -> memref<80xi32, #tpu.memory_space<hbm>>
        tpu.enqueue_dma source(%dma_start3A_554 : memref<80xi32, #tpu.memory_space<hbm>>) target(%dma_start3A_553 : memref<80xi32, #tpu.memory_space<vmem>>) target_semaphore(%arg12 : memref<!tpu.dma_semaphore, #tpu.memory_space<semaphore_mem>>)
        %dma_start3A_555 = arith.constant 0 : i32
        %dma_start3A_556 = arith.constant 0 : i32
        %dma_start3A_557 = tpu.memref_slice %arg8[%dma_start3A_555, %dma_start3A_556] : memref<2x80xi32, #tpu.memory_space<vmem>> -> memref<1x80xi32, #tpu.memory_space<vmem>>
        %dma_start3A_558 = tpu.memref_squeeze %dma_start3A_557 : memref<1x80xi32, #tpu.memory_space<vmem>> -> memref<80xi32, #tpu.memory_space<vmem>>
        %dma_start3A_559 = tpu.memref_slice %arg3[%add3A_545] : memref<3200000xi32, #tpu.memory_space<hbm>> -> memref<80xi32, #tpu.memory_space<hbm>>
        %dma_start3A_560 = arith.constant 0 : i32
        %dma_start3A_561 = tpu.memref_slice %arg8[%dma_start3A_555, %dma_start3A_560] : memref<2x80xi32, #tpu.memory_space<vmem>> -> memref<1x80xi32, #tpu.memory_space<vmem>>
        %dma_start3A_562 = tpu.memref_squeeze %dma_start3A_561 : memref<1x80xi32, #tpu.memory_space<vmem>> -> memref<80xi32, #tpu.memory_space<vmem>>
        %dma_start3A_563 = tpu.memref_slice %arg3[%add3A_545] : memref<3200000xi32, #tpu.memory_space<hbm>> -> memref<80xi32, #tpu.memory_space<hbm>>
        tpu.enqueue_dma source(%dma_start3A_563 : memref<80xi32, #tpu.memory_space<hbm>>) target(%dma_start3A_562 : memref<80xi32, #tpu.memory_space<vmem>>) target_semaphore(%arg12 : memref<!tpu.dma_semaphore, #tpu.memory_space<semaphore_mem>>)
      } else {
      }
      %dma_start3A_415 = arith.constant 0 : i32
      %dma_start3A_416 = arith.constant 0 : i32
      %dma_start3A_417 = arith.constant 0 : i32
      %dma_start3A_418 = arith.constant 0 : i32
      %dma_start3A_419 = tpu.memref_slice %arg10[%dma_start3A_415, %dma_start3A_417, %dma_start3A_418] : memref<2x80x16xf32, #tpu.memory_space<vmem>> -> memref<1x80x16xf32, #tpu.memory_space<vmem>>
      %dma_start3A_420 = tpu.memref_squeeze %dma_start3A_419 : memref<1x80x16xf32, #tpu.memory_space<vmem>> -> memref<80x16xf32, #tpu.memory_space<vmem>>
      %dma_start3A_421 = arith.constant 0 : i32
      %dma_start3A_422 = tpu.memref_slice %arg9[%dma_start3A_416, %dma_start3A_421] : memref<2x80xi32, #tpu.memory_space<vmem>> -> memref<1x80xi32, #tpu.memory_space<vmem>>
      %dma_start3A_423 = tpu.memref_squeeze %dma_start3A_422 : memref<1x80xi32, #tpu.memory_space<vmem>> -> memref<80xi32, #tpu.memory_space<vmem>>
      %dma_start3A_424 = arith.constant 0 : i32
      %dma_start3A_425 = arith.constant 0 : i32
      %dma_start3A_426 = tpu.memref_slice %arg16[%dma_start3A_424, %dma_start3A_425] : memref<100096x16xf32, #tpu.memory_space<vmem_shared>> -> memref<100096x16xf32, #tpu.memory_space<vmem_shared>>
      tpu.enqueue_indirect_dma source(%dma_start3A_420 : memref<80x16xf32, #tpu.memory_space<vmem>>) target(%dma_start3A_426 : memref<100096x16xf32, #tpu.memory_space<vmem_shared>>) offsets(%dma_start3A_423 : memref<80xi32, #tpu.memory_space<vmem>>) semaphore(%arg14 : memref<!tpu.dma_semaphore, #tpu.memory_space<semaphore_mem>>) {add = true}
      %mul3A_427 = arith.constant 2 : i32
      %mul3A_428 = arith.muli %mul3A_427, %scan3A_315 : i32
      %add3A_429 = arith.constant 1 : i32
      %add3A_430 = arith.addi %mul3A_428, %add3A_429 : i32
      %dma_wait3A_431 = arith.constant 1 : i32
      %dma_wait3A_432 = arith.constant 0 : i32
      %dma_wait3A_433 = tpu.memref_slice %arg7[%dma_wait3A_431, %dma_wait3A_432] : memref<2x80xi32, #tpu.memory_space<vmem>> -> memref<1x80xi32, #tpu.memory_space<vmem>>
      %dma_wait3A_434 = tpu.memref_squeeze %dma_wait3A_433 : memref<1x80xi32, #tpu.memory_space<vmem>> -> memref<80xi32, #tpu.memory_space<vmem>>
      %dma_wait3A_435 = arith.constant 0 : i32
      %dma_wait3A_436 = tpu.memref_slice %arg2[%dma_wait3A_435] : memref<3200000xi32, #tpu.memory_space<hbm>> -> memref<80xi32, #tpu.memory_space<hbm>>
      %dma_wait3A_437 = arith.constant 0 : i32
      %dma_wait3A_438 = tpu.memref_slice %arg7[%dma_wait3A_431, %dma_wait3A_437] : memref<2x80xi32, #tpu.memory_space<vmem>> -> memref<1x80xi32, #tpu.memory_space<vmem>>
      %dma_wait3A_439 = tpu.memref_squeeze %dma_wait3A_438 : memref<1x80xi32, #tpu.memory_space<vmem>> -> memref<80xi32, #tpu.memory_space<vmem>>
      %dma_wait3A_440 = arith.constant 0 : i32
      %dma_wait3A_441 = tpu.memref_slice %arg2[%dma_wait3A_440] : memref<3200000xi32, #tpu.memory_space<hbm>> -> memref<80xi32, #tpu.memory_space<hbm>>
      tpu.wait_dma2 semaphore(%arg13 : memref<!tpu.dma_semaphore, #tpu.memory_space<semaphore_mem>>) src(%dma_wait3A_441 : memref<80xi32, #tpu.memory_space<hbm>>) dst(%dma_wait3A_439 : memref<80xi32, #tpu.memory_space<vmem>>)
      %dma_wait3A_442 = arith.constant 1 : i32
      %dma_wait3A_443 = arith.constant 0 : i32
      %dma_wait3A_444 = tpu.memref_slice %arg8[%dma_wait3A_442, %dma_wait3A_443] : memref<2x80xi32, #tpu.memory_space<vmem>> -> memref<1x80xi32, #tpu.memory_space<vmem>>
      %dma_wait3A_445 = tpu.memref_squeeze %dma_wait3A_444 : memref<1x80xi32, #tpu.memory_space<vmem>> -> memref<80xi32, #tpu.memory_space<vmem>>
      %dma_wait3A_446 = arith.constant 0 : i32
      %dma_wait3A_447 = tpu.memref_slice %arg3[%dma_wait3A_446] : memref<3200000xi32, #tpu.memory_space<hbm>> -> memref<80xi32, #tpu.memory_space<hbm>>
      %dma_wait3A_448 = arith.constant 0 : i32
      %dma_wait3A_449 = tpu.memref_slice %arg8[%dma_wait3A_442, %dma_wait3A_448] : memref<2x80xi32, #tpu.memory_space<vmem>> -> memref<1x80xi32, #tpu.memory_space<vmem>>
      %dma_wait3A_450 = tpu.memref_squeeze %dma_wait3A_449 : memref<1x80xi32, #tpu.memory_space<vmem>> -> memref<80xi32, #tpu.memory_space<vmem>>
      %dma_wait3A_451 = arith.constant 0 : i32
      %dma_wait3A_452 = tpu.memref_slice %arg3[%dma_wait3A_451] : memref<3200000xi32, #tpu.memory_space<hbm>> -> memref<80xi32, #tpu.memory_space<hbm>>
      tpu.wait_dma2 semaphore(%arg13 : memref<!tpu.dma_semaphore, #tpu.memory_space<semaphore_mem>>) src(%dma_wait3A_452 : memref<80xi32, #tpu.memory_space<hbm>>) dst(%dma_wait3A_450 : memref<80xi32, #tpu.memory_space<vmem>>)
      %dma_wait3A_453 = arith.constant 1 : i32
      %dma_wait3A_454 = arith.constant 1 : i32
      %dma_wait3A_455 = arith.constant 0 : i32
      %dma_wait3A_456 = arith.constant 0 : i32
      %dma_wait3A_457 = tpu.memref_slice %arg10[%dma_wait3A_453, %dma_wait3A_455, %dma_wait3A_456] : memref<2x80x16xf32, #tpu.memory_space<vmem>> -> memref<1x80x16xf32, #tpu.memory_space<vmem>>
      %dma_wait3A_458 = tpu.memref_squeeze %dma_wait3A_457 : memref<1x80x16xf32, #tpu.memory_space<vmem>> -> memref<80x16xf32, #tpu.memory_space<vmem>>
      %dma_wait3A_459 = arith.constant 0 : i32
      %dma_wait3A_460 = tpu.memref_slice %arg9[%dma_wait3A_454, %dma_wait3A_459] : memref<2x80xi32, #tpu.memory_space<vmem>> -> memref<1x80xi32, #tpu.memory_space<vmem>>
      %dma_wait3A_461 = tpu.memref_squeeze %dma_wait3A_460 : memref<1x80xi32, #tpu.memory_space<vmem>> -> memref<80xi32, #tpu.memory_space<vmem>>
      %dma_wait3A_462 = arith.constant 0 : i32
      %dma_wait3A_463 = arith.constant 0 : i32
      %dma_wait3A_464 = tpu.memref_slice %arg16[%dma_wait3A_462, %dma_wait3A_463] : memref<100096x16xf32, #tpu.memory_space<vmem_shared>> -> memref<100096x16xf32, #tpu.memory_space<vmem_shared>>
      tpu.wait_indirect_dma semaphore(%arg15 : memref<!tpu.dma_semaphore, #tpu.memory_space<semaphore_mem>>) src(%dma_wait3A_458 : memref<80x16xf32, #tpu.memory_space<vmem>>) dst(%dma_wait3A_464 : memref<100096x16xf32, #tpu.memory_space<vmem_shared>>)
      %run_scoped3A_465 = arith.constant 1 : i32
      %run_scoped3A_466 = arith.constant 1 : i32
      "tpu.region"() ({
        %run_scoped3A_541 = tpu.sem_alloc : memref<!tpu.dma_semaphore, #tpu.memory_space<semaphore_mem>>
        %dma_start3A_542 = arith.constant 0 : i32
        %dma_start3A_543 = arith.constant 0 : i32
        %dma_start3A_544 = tpu.memref_slice %arg10[%run_scoped3A_466, %dma_start3A_542, %dma_start3A_543] : memref<2x80x16xf32, #tpu.memory_space<vmem>> -> memref<1x80x16xf32, #tpu.memory_space<vmem>>
        %dma_start3A_545 = tpu.memref_squeeze %dma_start3A_544 : memref<1x80x16xf32, #tpu.memory_space<vmem>> -> memref<80x16xf32, #tpu.memory_space<vmem>>
        %dma_start3A_546 = arith.constant 0 : i32
        %dma_start3A_547 = tpu.memref_slice %arg7[%run_scoped3A_465, %dma_start3A_546] : memref<2x80xi32, #tpu.memory_space<vmem>> -> memref<1x80xi32, #tpu.memory_space<vmem>>
        %dma_start3A_548 = tpu.memref_squeeze %dma_start3A_547 : memref<1x80xi32, #tpu.memory_space<vmem>> -> memref<80xi32, #tpu.memory_space<vmem>>
        %dma_start3A_549 = arith.constant 0 : i32
        %dma_start3A_550 = arith.constant 0 : i32
        %dma_start3A_551 = tpu.memref_slice %arg4[%dma_start3A_549, %dma_start3A_550] : memref<100000x16xf32, #tpu.memory_space<hbm>> -> memref<100000x16xf32, #tpu.memory_space<hbm>>
        tpu.enqueue_indirect_dma source(%dma_start3A_551 : memref<100000x16xf32, #tpu.memory_space<hbm>>) target(%dma_start3A_545 : memref<80x16xf32, #tpu.memory_space<vmem>>) offsets(%dma_start3A_548 : memref<80xi32, #tpu.memory_space<vmem>>) semaphore(%run_scoped3A_541 : memref<!tpu.dma_semaphore, #tpu.memory_space<semaphore_mem>>)
        %dma_wait3A_552 = arith.constant 0 : i32
        %dma_wait3A_553 = arith.constant 0 : i32
        %dma_wait3A_554 = tpu.memref_slice %arg10[%run_scoped3A_466, %dma_wait3A_552, %dma_wait3A_553] : memref<2x80x16xf32, #tpu.memory_space<vmem>> -> memref<1x80x16xf32, #tpu.memory_space<vmem>>
        %dma_wait3A_555 = tpu.memref_squeeze %dma_wait3A_554 : memref<1x80x16xf32, #tpu.memory_space<vmem>> -> memref<80x16xf32, #tpu.memory_space<vmem>>
        %dma_wait3A_556 = arith.constant 0 : i32
        %dma_wait3A_557 = tpu.memref_slice %arg7[%run_scoped3A_465, %dma_wait3A_556] : memref<2x80xi32, #tpu.memory_space<vmem>> -> memref<1x80xi32, #tpu.memory_space<vmem>>
        %dma_wait3A_558 = tpu.memref_squeeze %dma_wait3A_557 : memref<1x80xi32, #tpu.memory_space<vmem>> -> memref<80xi32, #tpu.memory_space<vmem>>
        %dma_wait3A_559 = arith.constant 0 : i32
        %dma_wait3A_560 = arith.constant 0 : i32
        %dma_wait3A_561 = tpu.memref_slice %arg4[%dma_wait3A_559, %dma_wait3A_560] : memref<100000x16xf32, #tpu.memory_space<hbm>> -> memref<100000x16xf32, #tpu.memory_space<hbm>>
        tpu.wait_indirect_dma semaphore(%run_scoped3A_541 : memref<!tpu.dma_semaphore, #tpu.memory_space<semaphore_mem>>) src(%dma_wait3A_561 : memref<100000x16xf32, #tpu.memory_space<hbm>>) dst(%dma_wait3A_555 : memref<80x16xf32, #tpu.memory_space<vmem>>)
        tpu.yield
      }) : () -> ()
      %get3A_467 = arith.constant 1 : i32
      %get3A_468 = arith.index_cast %get3A_467 : i32 to index
      %get3A_469 = arith.constant 0 : index
      %get3A_470 = tpu.vector_load %arg8[%get3A_468, %get3A_469] {strides = array<i32>} : memref<2x80xi32, #tpu.memory_space<vmem>>, vector<1x16xi32>,
      %get3A_471 = vector.shape_cast %get3A_470 : vector<1x16xi32> to vector<16xi32>
      %swap3A_472 = arith.constant 1 : i32
      %swap3A_473 = arith.index_cast %swap3A_472 : i32 to index
      %swap3A_474 = arith.constant 0 : index
      %swap3A_475 = tpu.vector_load %arg9[%swap3A_473, %swap3A_474] {strides = array<i32>} : memref<2x80xi32, #tpu.memory_space<vmem>>, vector<1x16xi32>,
      %swap3A_476 = vector.shape_cast %swap3A_475 : vector<1x16xi32> to vector<16xi32>
      %swap3A_477 = vector.shape_cast %get3A_471 : vector<16xi32> to vector<1x16xi32>
      tpu.vector_store %arg9[%swap3A_473, %swap3A_474], %swap3A_477 {strides = array<i32>} : memref<2x80xi32, #tpu.memory_space<vmem>>, vector<1x16xi32>,
      %get3A_478 = arith.constant 1 : i32
      %get3A_479 = arith.index_cast %get3A_478 : i32 to index
      %get3A_480 = arith.constant 16 : index
      %get3A_481 = tpu.vector_load %arg8[%get3A_479, %get3A_480] {strides = array<i32>} : memref<2x80xi32, #tpu.memory_space<vmem>>, vector<1x16xi32>,
      %get3A_482 = vector.shape_cast %get3A_481 : vector<1x16xi32> to vector<16xi32>
      %swap3A_483 = arith.constant 1 : i32
      %swap3A_484 = arith.index_cast %swap3A_483 : i32 to index
      %swap3A_485 = arith.constant 16 : index
      %swap3A_486 = tpu.vector_load %arg9[%swap3A_484, %swap3A_485] {strides = array<i32>} : memref<2x80xi32, #tpu.memory_space<vmem>>, vector<1x16xi32>,
      %swap3A_487 = vector.shape_cast %swap3A_486 : vector<1x16xi32> to vector<16xi32>
      %swap3A_488 = vector.shape_cast %get3A_482 : vector<16xi32> to vector<1x16xi32>
      tpu.vector_store %arg9[%swap3A_484, %swap3A_485], %swap3A_488 {strides = array<i32>} : memref<2x80xi32, #tpu.memory_space<vmem>>, vector<1x16xi32>,
      %get3A_489 = arith.constant 1 : i32
      %get3A_490 = arith.index_cast %get3A_489 : i32 to index
      %get3A_491 = arith.constant 32 : index
      %get3A_492 = tpu.vector_load %arg8[%get3A_490, %get3A_491] {strides = array<i32>} : memref<2x80xi32, #tpu.memory_space<vmem>>, vector<1x16xi32>,
      %get3A_493 = vector.shape_cast %get3A_492 : vector<1x16xi32> to vector<16xi32>
      %swap3A_494 = arith.constant 1 : i32
      %swap3A_495 = arith.index_cast %swap3A_494 : i32 to index
      %swap3A_496 = arith.constant 32 : index
      %swap3A_497 = tpu.vector_load %arg9[%swap3A_495, %swap3A_496] {strides = array<i32>} : memref<2x80xi32, #tpu.memory_space<vmem>>, vector<1x16xi32>,
      %swap3A_498 = vector.shape_cast %swap3A_497 : vector<1x16xi32> to vector<16xi32>
      %swap3A_499 = vector.shape_cast %get3A_493 : vector<16xi32> to vector<1x16xi32>
      tpu.vector_store %arg9[%swap3A_495, %swap3A_496], %swap3A_499 {strides = array<i32>} : memref<2x80xi32, #tpu.memory_space<vmem>>, vector<1x16xi32>,
      %get3A_500 = arith.constant 1 : i32
      %get3A_501 = arith.index_cast %get3A_500 : i32 to index
      %get3A_502 = arith.constant 48 : index
      %get3A_503 = tpu.vector_load %arg8[%get3A_501, %get3A_502] {strides = array<i32>} : memref<2x80xi32, #tpu.memory_space<vmem>>, vector<1x16xi32>,
      %get3A_504 = vector.shape_cast %get3A_503 : vector<1x16xi32> to vector<16xi32>
      %swap3A_505 = arith.constant 1 : i32
      %swap3A_506 = arith.index_cast %swap3A_505 : i32 to index
      %swap3A_507 = arith.constant 48 : index
      %swap3A_508 = tpu.vector_load %arg9[%swap3A_506, %swap3A_507] {strides = array<i32>} : memref<2x80xi32, #tpu.memory_space<vmem>>, vector<1x16xi32>,
      %swap3A_509 = vector.shape_cast %swap3A_508 : vector<1x16xi32> to vector<16xi32>
      %swap3A_510 = vector.shape_cast %get3A_504 : vector<16xi32> to vector<1x16xi32>
      tpu.vector_store %arg9[%swap3A_506, %swap3A_507], %swap3A_510 {strides = array<i32>} : memref<2x80xi32, #tpu.memory_space<vmem>>, vector<1x16xi32>,
      %get3A_511 = arith.constant 1 : i32
      %get3A_512 = arith.index_cast %get3A_511 : i32 to index
      %get3A_513 = arith.constant 64 : index
      %get3A_514 = tpu.vector_load %arg8[%get3A_512, %get3A_513] {strides = array<i32>} : memref<2x80xi32, #tpu.memory_space<vmem>>, vector<1x16xi32>,
      %get3A_515 = vector.shape_cast %get3A_514 : vector<1x16xi32> to vector<16xi32>
      %swap3A_516 = arith.constant 1 : i32
      %swap3A_517 = arith.index_cast %swap3A_516 : i32 to index
      %swap3A_518 = arith.constant 64 : index
      %swap3A_519 = tpu.vector_load %arg9[%swap3A_517, %swap3A_518] {strides = array<i32>} : memref<2x80xi32, #tpu.memory_space<vmem>>, vector<1x16xi32>,
      %swap3A_520 = vector.shape_cast %swap3A_519 : vector<1x16xi32> to vector<16xi32>
      %swap3A_521 = vector.shape_cast %get3A_515 : vector<16xi32> to vector<1x16xi32>
      tpu.vector_store %arg9[%swap3A_517, %swap3A_518], %swap3A_521 {strides = array<i32>} : memref<2x80xi32, #tpu.memory_space<vmem>>, vector<1x16xi32>,
      %add3A_522 = arith.constant 2 : i32
      %add3A_523 = arith.addi %add3A_430, %add3A_522 : i32
      %lt3A_524 = arith.constant 1250 : i32
      %lt3A_525 = arith.cmpi slt, %add3A_523, %lt3A_524 : i32
      %convert_element_type3A_526 = arith.extui %lt3A_525 : i1 to i32
      %cond3A_527 = arith.constant 0 : i32
      %cond3A_528 = arith.cmpi ne, %convert_element_type3A_526, %cond3A_527 : i32
      scf.if %cond3A_528 {
        %add3A_541 = arith.constant 2 : i32
        %add3A_542 = arith.addi %add3A_430, %add3A_541 : i32
        %mul3A_543 = arith.constant 80 : i32
        %mul3A_544 = arith.muli %add3A_542, %mul3A_543 : i32
        %add3A_545 = arith.addi %mul3A_13, %mul3A_544 : i32
        %dma_start3A_546 = arith.constant 1 : i32
        %dma_start3A_547 = arith.constant 0 : i32
        %dma_start3A_548 = tpu.memref_slice %arg7[%dma_start3A_546, %dma_start3A_547] : memref<2x80xi32, #tpu.memory_space<vmem>> -> memref<1x80xi32, #tpu.memory_space<vmem>>
        %dma_start3A_549 = tpu.memref_squeeze %dma_start3A_548 : memref<1x80xi32, #tpu.memory_space<vmem>> -> memref<80xi32, #tpu.memory_space<vmem>>
        %dma_start3A_550 = tpu.memref_slice %arg2[%add3A_545] : memref<3200000xi32, #tpu.memory_space<hbm>> -> memref<80xi32, #tpu.memory_space<hbm>>
        %dma_start3A_551 = arith.constant 0 : i32
        %dma_start3A_552 = tpu.memref_slice %arg7[%dma_start3A_546, %dma_start3A_551] : memref<2x80xi32, #tpu.memory_space<vmem>> -> memref<1x80xi32, #tpu.memory_space<vmem>>
        %dma_start3A_553 = tpu.memref_squeeze %dma_start3A_552 : memref<1x80xi32, #tpu.memory_space<vmem>> -> memref<80xi32, #tpu.memory_space<vmem>>
        %dma_start3A_554 = tpu.memref_slice %arg2[%add3A_545] : memref<3200000xi32, #tpu.memory_space<hbm>> -> memref<80xi32, #tpu.memory_space<hbm>>
        tpu.enqueue_dma source(%dma_start3A_554 : memref<80xi32, #tpu.memory_space<hbm>>) target(%dma_start3A_553 : memref<80xi32, #tpu.memory_space<vmem>>) target_semaphore(%arg13 : memref<!tpu.dma_semaphore, #tpu.memory_space<semaphore_mem>>)
        %dma_start3A_555 = arith.constant 1 : i32
        %dma_start3A_556 = arith.constant 0 : i32
        %dma_start3A_557 = tpu.memref_slice %arg8[%dma_start3A_555, %dma_start3A_556] : memref<2x80xi32, #tpu.memory_space<vmem>> -> memref<1x80xi32, #tpu.memory_space<vmem>>
        %dma_start3A_558 = tpu.memref_squeeze %dma_start3A_557 : memref<1x80xi32, #tpu.memory_space<vmem>> -> memref<80xi32, #tpu.memory_space<vmem>>
        %dma_start3A_559 = tpu.memref_slice %arg3[%add3A_545] : memref<3200000xi32, #tpu.memory_space<hbm>> -> memref<80xi32, #tpu.memory_space<hbm>>
        %dma_start3A_560 = arith.constant 0 : i32
        %dma_start3A_561 = tpu.memref_slice %arg8[%dma_start3A_555, %dma_start3A_560] : memref<2x80xi32, #tpu.memory_space<vmem>> -> memref<1x80xi32, #tpu.memory_space<vmem>>
        %dma_start3A_562 = tpu.memref_squeeze %dma_start3A_561 : memref<1x80xi32, #tpu.memory_space<vmem>> -> memref<80xi32, #tpu.memory_space<vmem>>
        %dma_start3A_563 = tpu.memref_slice %arg3[%add3A_545] : memref<3200000xi32, #tpu.memory_space<hbm>> -> memref<80xi32, #tpu.memory_space<hbm>>
        tpu.enqueue_dma source(%dma_start3A_563 : memref<80xi32, #tpu.memory_space<hbm>>) target(%dma_start3A_562 : memref<80xi32, #tpu.memory_space<vmem>>) target_semaphore(%arg13 : memref<!tpu.dma_semaphore, #tpu.memory_space<semaphore_mem>>)
      } else {
      }
      %dma_start3A_529 = arith.constant 1 : i32
      %dma_start3A_530 = arith.constant 1 : i32
      %dma_start3A_531 = arith.constant 0 : i32
      %dma_start3A_532 = arith.constant 0 : i32
      %dma_start3A_533 = tpu.memref_slice %arg10[%dma_start3A_529, %dma_start3A_531, %dma_start3A_532] : memref<2x80x16xf32, #tpu.memory_space<vmem>> -> memref<1x80x16xf32, #tpu.memory_space<vmem>>
      %dma_start3A_534 = tpu.memref_squeeze %dma_start3A_533 : memref<1x80x16xf32, #tpu.memory_space<vmem>> -> memref<80x16xf32, #tpu.memory_space<vmem>>
      %dma_start3A_535 = arith.constant 0 : i32
      %dma_start3A_536 = tpu.memref_slice %arg9[%dma_start3A_530, %dma_start3A_535] : memref<2x80xi32, #tpu.memory_space<vmem>> -> memref<1x80xi32, #tpu.memory_space<vmem>>
      %dma_start3A_537 = tpu.memref_squeeze %dma_start3A_536 : memref<1x80xi32, #tpu.memory_space<vmem>> -> memref<80xi32, #tpu.memory_space<vmem>>
      %dma_start3A_538 = arith.constant 0 : i32
      %dma_start3A_539 = arith.constant 0 : i32
      %dma_start3A_540 = tpu.memref_slice %arg16[%dma_start3A_538, %dma_start3A_539] : memref<100096x16xf32, #tpu.memory_space<vmem_shared>> -> memref<100096x16xf32, #tpu.memory_space<vmem_shared>>
      tpu.enqueue_indirect_dma source(%dma_start3A_534 : memref<80x16xf32, #tpu.memory_space<vmem>>) target(%dma_start3A_540 : memref<100096x16xf32, #tpu.memory_space<vmem_shared>>) offsets(%dma_start3A_537 : memref<80xi32, #tpu.memory_space<vmem>>) semaphore(%arg15 : memref<!tpu.dma_semaphore, #tpu.memory_space<semaphore_mem>>) {add = true}
    }
    %scan3A_276 = arith.constant 624 : i32
    %dma_wait3A_277 = arith.constant 0 : i32
    %dma_wait3A_278 = arith.constant 0 : i32
    %dma_wait3A_279 = arith.constant 0 : i32
    %dma_wait3A_280 = arith.constant 0 : i32
    %dma_wait3A_281 = tpu.memref_slice %arg10[%dma_wait3A_277, %dma_wait3A_279, %dma_wait3A_280] : memref<2x80x16xf32, #tpu.memory_space<vmem>> -> memref<1x80x16xf32, #tpu.memory_space<vmem>>
    %dma_wait3A_282 = tpu.memref_squeeze %dma_wait3A_281 : memref<1x80x16xf32, #tpu.memory_space<vmem>> -> memref<80x16xf32, #tpu.memory_space<vmem>>
    %dma_wait3A_283 = arith.constant 0 : i32
    %dma_wait3A_284 = tpu.memref_slice %arg9[%dma_wait3A_278, %dma_wait3A_283] : memref<2x80xi32, #tpu.memory_space<vmem>> -> memref<1x80xi32, #tpu.memory_space<vmem>>
    %dma_wait3A_285 = tpu.memref_squeeze %dma_wait3A_284 : memref<1x80xi32, #tpu.memory_space<vmem>> -> memref<80xi32, #tpu.memory_space<vmem>>
    %dma_wait3A_286 = arith.constant 0 : i32
    %dma_wait3A_287 = arith.constant 0 : i32
    %dma_wait3A_288 = tpu.memref_slice %arg16[%dma_wait3A_286, %dma_wait3A_287] : memref<100096x16xf32, #tpu.memory_space<vmem_shared>> -> memref<100096x16xf32, #tpu.memory_space<vmem_shared>>
    tpu.wait_indirect_dma semaphore(%arg14 : memref<!tpu.dma_semaphore, #tpu.memory_space<semaphore_mem>>) src(%dma_wait3A_282 : memref<80x16xf32, #tpu.memory_space<vmem>>) dst(%dma_wait3A_288 : memref<100096x16xf32, #tpu.memory_space<vmem_shared>>)
    %dma_wait3A_289 = arith.constant 1 : i32
    %dma_wait3A_290 = arith.constant 1 : i32
    %dma_wait3A_291 = arith.constant 0 : i32
    %dma_wait3A_292 = arith.constant 0 : i32
    %dma_wait3A_293 = tpu.memref_slice %arg10[%dma_wait3A_289, %dma_wait3A_291, %dma_wait3A_292] : memref<2x80x16xf32, #tpu.memory_space<vmem>> -> memref<1x80x16xf32, #tpu.memory_space<vmem>>
    %dma_wait3A_294 = tpu.memref_squeeze %dma_wait3A_293 : memref<1x80x16xf32, #tpu.memory_space<vmem>> -> memref<80x16xf32, #tpu.memory_space<vmem>>
    %dma_wait3A_295 = arith.constant 0 : i32
    %dma_wait3A_296 = tpu.memref_slice %arg9[%dma_wait3A_290, %dma_wait3A_295] : memref<2x80xi32, #tpu.memory_space<vmem>> -> memref<1x80xi32, #tpu.memory_space<vmem>>
    %dma_wait3A_297 = tpu.memref_squeeze %dma_wait3A_296 : memref<1x80xi32, #tpu.memory_space<vmem>> -> memref<80xi32, #tpu.memory_space<vmem>>
    %dma_wait3A_298 = arith.constant 0 : i32
    %dma_wait3A_299 = arith.constant 0 : i32
    %dma_wait3A_300 = tpu.memref_slice %arg16[%dma_wait3A_298, %dma_wait3A_299] : memref<100096x16xf32, #tpu.memory_space<vmem_shared>> -> memref<100096x16xf32, #tpu.memory_space<vmem_shared>>
    tpu.wait_indirect_dma semaphore(%arg15 : memref<!tpu.dma_semaphore, #tpu.memory_space<semaphore_mem>>) src(%dma_wait3A_294 : memref<80x16xf32, #tpu.memory_space<vmem>>) dst(%dma_wait3A_300 : memref<100096x16xf32, #tpu.memory_space<vmem_shared>>)
    %barrier3A_301 = arith.constant 0 : index
    tpu.barrier barrier_id(%barrier3A_301)
    %scan3A_302 = arith.constant 0 : i32
    %scan3A_303 = arith.constant 0 : i32
    %scan3A_304 = arith.constant 78 : i32
    %scan3A_305 = arith.addi %scan3A_303, %scan3A_304 : i32
    %scan3A_306 = arith.constant 1 : i32
    scf.for %scan3A_315 = %scan3A_303 to %scan3A_305 step %scan3A_306  : i32 {
      %mul3A_316 = arith.constant 6256 : i32
      %mul3A_317 = arith.muli %arg1, %mul3A_316 : i32
      %mul3A_318 = arith.constant 80 : i32
      %mul3A_319 = arith.muli %scan3A_315, %mul3A_318 : i32
      %add3A_320 = arith.addi %mul3A_317, %mul3A_319 : i32
      "tpu.region"() ({
        %run_scoped3A_324 = tpu.sem_alloc : memref<!tpu.dma_semaphore, #tpu.memory_space<semaphore_mem>>
        %dma_start3A_325 = arith.constant 0 : i32
        %dma_start3A_326 = tpu.memref_slice %arg16[%add3A_320, %dma_start3A_325] : memref<100096x16xf32, #tpu.memory_space<vmem_shared>> -> memref<80x16xf32, #tpu.memory_space<vmem_shared>>
        %dma_start3A_327 = arith.constant 0 : i32
        %dma_start3A_328 = tpu.memref_slice %arg16[%add3A_320, %dma_start3A_327] : memref<100096x16xf32, #tpu.memory_space<vmem_shared>> -> memref<80x16xf32, #tpu.memory_space<vmem_shared>>
        tpu.enqueue_dma source(%dma_start3A_328 : memref<80x16xf32, #tpu.memory_space<vmem_shared>>) target(%arg11 : memref<80x16xf32, #tpu.memory_space<vmem>>) target_semaphore(%run_scoped3A_324 : memref<!tpu.dma_semaphore, #tpu.memory_space<semaphore_mem>>)
        %dma_wait3A_329 = arith.constant 0 : i32
        %dma_wait3A_330 = tpu.memref_slice %arg16[%add3A_320, %dma_wait3A_329] : memref<100096x16xf32, #tpu.memory_space<vmem_shared>> -> memref<80x16xf32, #tpu.memory_space<vmem_shared>>
        %dma_wait3A_331 = arith.constant 0 : i32
        %dma_wait3A_332 = tpu.memref_slice %arg16[%add3A_320, %dma_wait3A_331] : memref<100096x16xf32, #tpu.memory_space<vmem_shared>> -> memref<80x16xf32, #tpu.memory_space<vmem_shared>>
        tpu.wait_dma2 semaphore(%run_scoped3A_324 : memref<!tpu.dma_semaphore, #tpu.memory_space<semaphore_mem>>) src(%dma_wait3A_332 : memref<80x16xf32, #tpu.memory_space<vmem_shared>>) dst(%arg11 : memref<80x16xf32, #tpu.memory_space<vmem>>)
        tpu.yield
      }) : () -> ()
      %mul3A_321 = arith.constant 100096 : i32
      %mul3A_322 = arith.muli %arg0, %mul3A_321 : i32
      %add3A_323 = arith.addi %mul3A_322, %add3A_320 : i32
      "tpu.region"() ({
        %run_scoped3A_324 = tpu.sem_alloc : memref<!tpu.dma_semaphore, #tpu.memory_space<semaphore_mem>>
        %dma_start3A_325 = arith.constant 0 : i32
        %dma_start3A_326 = tpu.memref_slice %arg6[%add3A_323, %dma_start3A_325] : memref<200192x16xf32, #tpu.memory_space<hbm>> -> memref<80x16xf32, #tpu.memory_space<hbm>>
        %dma_start3A_327 = arith.constant 0 : i32
        %dma_start3A_328 = tpu.memref_slice %arg6[%add3A_323, %dma_start3A_327] : memref<200192x16xf32, #tpu.memory_space<hbm>> -> memref<80x16xf32, #tpu.memory_space<hbm>>
        tpu.enqueue_dma source(%arg11 : memref<80x16xf32, #tpu.memory_space<vmem>>) target(%dma_start3A_328 : memref<80x16xf32, #tpu.memory_space<hbm>>) target_semaphore(%run_scoped3A_324 : memref<!tpu.dma_semaphore, #tpu.memory_space<semaphore_mem>>)
        %dma_wait3A_329 = arith.constant 0 : i32
        %dma_wait3A_330 = tpu.memref_slice %arg6[%add3A_323, %dma_wait3A_329] : memref<200192x16xf32, #tpu.memory_space<hbm>> -> memref<80x16xf32, #tpu.memory_space<hbm>>
        %dma_wait3A_331 = arith.constant 0 : i32
        %dma_wait3A_332 = tpu.memref_slice %arg6[%add3A_323, %dma_wait3A_331] : memref<200192x16xf32, #tpu.memory_space<hbm>> -> memref<80x16xf32, #tpu.memory_space<hbm>>
        tpu.wait_dma2 semaphore(%run_scoped3A_324 : memref<!tpu.dma_semaphore, #tpu.memory_space<semaphore_mem>>) src(%arg11 : memref<80x16xf32, #tpu.memory_space<vmem>>) dst(%dma_wait3A_332 : memref<80x16xf32, #tpu.memory_space<hbm>>)
        tpu.yield
      }) : () -> ()
    }
    %scan3A_307 = arith.constant 78 : i32
    %mul3A_308 = arith.constant 6256 : i32
    %mul3A_309 = arith.muli %arg1, %mul3A_308 : i32
    %add3A_310 = arith.constant 6240 : i32
    %add3A_311 = arith.addi %mul3A_309, %add3A_310 : i32
    "tpu.region"() ({
      %run_scoped3A_315 = tpu.sem_alloc : memref<!tpu.dma_semaphore, #tpu.memory_space<semaphore_mem>>
      %dma_start3A_316 = arith.constant 0 : i32
      %dma_start3A_317 = arith.constant 0 : i32
      %dma_start3A_318 = tpu.memref_slice %arg11[%dma_start3A_316, %dma_start3A_317] : memref<80x16xf32, #tpu.memory_space<vmem>> -> memref<16x16xf32, #tpu.memory_space<vmem>>
      %dma_start3A_319 = arith.constant 0 : i32
      %dma_start3A_320 = tpu.memref_slice %arg16[%add3A_311, %dma_start3A_319] : memref<100096x16xf32, #tpu.memory_space<vmem_shared>> -> memref<16x16xf32, #tpu.memory_space<vmem_shared>>
      %dma_start3A_321 = arith.constant 0 : i32
      %dma_start3A_322 = arith.constant 0 : i32
      %dma_start3A_323 = tpu.memref_slice %arg11[%dma_start3A_321, %dma_start3A_322] : memref<80x16xf32, #tpu.memory_space<vmem>> -> memref<16x16xf32, #tpu.memory_space<vmem>>
      %dma_start3A_324 = arith.constant 0 : i32
      %dma_start3A_325 = tpu.memref_slice %arg16[%add3A_311, %dma_start3A_324] : memref<100096x16xf32, #tpu.memory_space<vmem_shared>> -> memref<16x16xf32, #tpu.memory_space<vmem_shared>>
      tpu.enqueue_dma source(%dma_start3A_325 : memref<16x16xf32, #tpu.memory_space<vmem_shared>>) target(%dma_start3A_323 : memref<16x16xf32, #tpu.memory_space<vmem>>) target_semaphore(%run_scoped3A_315 : memref<!tpu.dma_semaphore, #tpu.memory_space<semaphore_mem>>)
      %dma_wait3A_326 = arith.constant 0 : i32
      %dma_wait3A_327 = arith.constant 0 : i32
      %dma_wait3A_328 = tpu.memref_slice %arg11[%dma_wait3A_326, %dma_wait3A_327] : memref<80x16xf32, #tpu.memory_space<vmem>> -> memref<16x16xf32, #tpu.memory_space<vmem>>
      %dma_wait3A_329 = arith.constant 0 : i32
      %dma_wait3A_330 = tpu.memref_slice %arg16[%add3A_311, %dma_wait3A_329] : memref<100096x16xf32, #tpu.memory_space<vmem_shared>> -> memref<16x16xf32, #tpu.memory_space<vmem_shared>>
      %dma_wait3A_331 = arith.constant 0 : i32
      %dma_wait3A_332 = arith.constant 0 : i32
      %dma_wait3A_333 = tpu.memref_slice %arg11[%dma_wait3A_331, %dma_wait3A_332] : memref<80x16xf32, #tpu.memory_space<vmem>> -> memref<16x16xf32, #tpu.memory_space<vmem>>
      %dma_wait3A_334 = arith.constant 0 : i32
      %dma_wait3A_335 = tpu.memref_slice %arg16[%add3A_311, %dma_wait3A_334] : memref<100096x16xf32, #tpu.memory_space<vmem_shared>> -> memref<16x16xf32, #tpu.memory_space<vmem_shared>>
      tpu.wait_dma2 semaphore(%run_scoped3A_315 : memref<!tpu.dma_semaphore, #tpu.memory_space<semaphore_mem>>) src(%dma_wait3A_335 : memref<16x16xf32, #tpu.memory_space<vmem_shared>>) dst(%dma_wait3A_333 : memref<16x16xf32, #tpu.memory_space<vmem>>)
      tpu.yield
    }) : () -> ()
    %mul3A_312 = arith.constant 100096 : i32
    %mul3A_313 = arith.muli %arg0, %mul3A_312 : i32
    %add3A_314 = arith.addi %mul3A_313, %add3A_311 : i32
    "tpu.region"() ({
      %run_scoped3A_315 = tpu.sem_alloc : memref<!tpu.dma_semaphore, #tpu.memory_space<semaphore_mem>>
      %dma_start3A_316 = arith.constant 0 : i32
      %dma_start3A_317 = arith.constant 0 : i32
      %dma_start3A_318 = tpu.memref_slice %arg11[%dma_start3A_316, %dma_start3A_317] : memref<80x16xf32, #tpu.memory_space<vmem>> -> memref<16x16xf32, #tpu.memory_space<vmem>>
      %dma_start3A_319 = arith.constant 0 : i32
      %dma_start3A_320 = tpu.memref_slice %arg6[%add3A_314, %dma_start3A_319] : memref<200192x16xf32, #tpu.memory_space<hbm>> -> memref<16x16xf32, #tpu.memory_space<hbm>>
      %dma_start3A_321 = arith.constant 0 : i32
      %dma_start3A_322 = tpu.memref_slice %arg6[%add3A_314, %dma_start3A_321] : memref<200192x16xf32, #tpu.memory_space<hbm>> -> memref<16x16xf32, #tpu.memory_space<hbm>>
      %dma_start3A_323 = arith.constant 0 : i32
      %dma_start3A_324 = arith.constant 0 : i32
      %dma_start3A_325 = tpu.memref_slice %arg11[%dma_start3A_323, %dma_start3A_324] : memref<80x16xf32, #tpu.memory_space<vmem>> -> memref<16x16xf32, #tpu.memory_space<vmem>>
      tpu.enqueue_dma source(%dma_start3A_325 : memref<16x16xf32, #tpu.memory_space<vmem>>) target(%dma_start3A_322 : memref<16x16xf32, #tpu.memory_space<hbm>>) target_semaphore(%run_scoped3A_315 : memref<!tpu.dma_semaphore, #tpu.memory_space<semaphore_mem>>)
      %dma_wait3A_326 = arith.constant 0 : i32
      %dma_wait3A_327 = arith.constant 0 : i32
      %dma_wait3A_328 = tpu.memref_slice %arg11[%dma_wait3A_326, %dma_wait3A_327] : memref<80x16xf32, #tpu.memory_space<vmem>> -> memref<16x16xf32, #tpu.memory_space<vmem>>
      %dma_wait3A_329 = arith.constant 0 : i32
      %dma_wait3A_330 = tpu.memref_slice %arg6[%add3A_314, %dma_wait3A_329] : memref<200192x16xf32, #tpu.memory_space<hbm>> -> memref<16x16xf32, #tpu.memory_space<hbm>>
      %dma_wait3A_331 = arith.constant 0 : i32
      %dma_wait3A_332 = tpu.memref_slice %arg6[%add3A_314, %dma_wait3A_331] : memref<200192x16xf32, #tpu.memory_space<hbm>> -> memref<16x16xf32, #tpu.memory_space<hbm>>
      %dma_wait3A_333 = arith.constant 0 : i32
      %dma_wait3A_334 = arith.constant 0 : i32
      %dma_wait3A_335 = tpu.memref_slice %arg11[%dma_wait3A_333, %dma_wait3A_334] : memref<80x16xf32, #tpu.memory_space<vmem>> -> memref<16x16xf32, #tpu.memory_space<vmem>>
      tpu.wait_dma2 semaphore(%run_scoped3A_315 : memref<!tpu.dma_semaphore, #tpu.memory_space<semaphore_mem>>) src(%dma_wait3A_335 : memref<16x16xf32, #tpu.memory_space<vmem>>) dst(%dma_wait3A_332 : memref<16x16xf32, #tpu.memory_space<hbm>>)
      tpu.yield
    }) : () -> ()
    return
  }
}

#map = affine_map<(d0, d1) -> (0)>
#map1 = affine_map<(d0, d1) -> (0, 0)>
module attributes {stable_mosaic.version = 14 : i64} {
  func.func @_deg_body(%arg0: i32, %arg1: i32, %arg2: memref<3200000xi32, #tpu.memory_space<hbm>>, %arg3: memref<80x16xf32, #tpu.memory_space<hbm>>, %arg4: memref<80x16xf32, #tpu.memory_space<hbm>>, %arg5: memref<200192x16xf32, #tpu.memory_space<hbm>>, %arg6: memref<2x80xi32, #tpu.memory_space<vmem>>, %arg7: memref<80x16xf32, #tpu.memory_space<vmem>>, %arg8: memref<80x16xf32, #tpu.memory_space<vmem>>, %arg9: memref<!tpu.dma_semaphore, #tpu.memory_space<semaphore_mem>>, %arg10: memref<!tpu.dma_semaphore, #tpu.memory_space<semaphore_mem>>, %arg11: memref<100096x16xf32, #tpu.memory_space<vmem_shared>>) attributes {dimension_semantics = [#tpu.dimension_semantics<core_parallel>, #tpu.dimension_semantics<subcore_parallel>], iteration_bounds = array<i64: 2, 16>, scalar_prefetch = 0 : i64, scratch_operands = 6 : i64, tpu.core_type = #tpu.core_type<sc_vector_subcore>, window_params = [{transform_indices = #map}, {transform_indices = #map1}, {transform_indices = #map1}, {transform_indices = #map1}]} {
    "tpu.region"() ({
      %run_scoped3A_65 = tpu.sem_alloc : memref<!tpu.dma_semaphore, #tpu.memory_space<semaphore_mem>>
      tpu.enqueue_dma source(%arg3 : memref<80x16xf32, #tpu.memory_space<hbm>>) target(%arg7 : memref<80x16xf32, #tpu.memory_space<vmem>>) target_semaphore(%run_scoped3A_65 : memref<!tpu.dma_semaphore, #tpu.memory_space<semaphore_mem>>)
      tpu.wait_dma2 semaphore(%run_scoped3A_65 : memref<!tpu.dma_semaphore, #tpu.memory_space<semaphore_mem>>) src(%arg3 : memref<80x16xf32, #tpu.memory_space<hbm>>) dst(%arg7 : memref<80x16xf32, #tpu.memory_space<vmem>>)
      tpu.yield
    }) : () -> ()
    "tpu.region"() ({
      %run_scoped3A_65 = tpu.sem_alloc : memref<!tpu.dma_semaphore, #tpu.memory_space<semaphore_mem>>
      tpu.enqueue_dma source(%arg4 : memref<80x16xf32, #tpu.memory_space<hbm>>) target(%arg8 : memref<80x16xf32, #tpu.memory_space<vmem>>) target_semaphore(%run_scoped3A_65 : memref<!tpu.dma_semaphore, #tpu.memory_space<semaphore_mem>>)
      tpu.wait_dma2 semaphore(%run_scoped3A_65 : memref<!tpu.dma_semaphore, #tpu.memory_space<semaphore_mem>>) src(%arg4 : memref<80x16xf32, #tpu.memory_space<hbm>>) dst(%arg8 : memref<80x16xf32, #tpu.memory_space<vmem>>)
      tpu.yield
    }) : () -> ()
    %scan3A = arith.constant 0 : i32
    %scan3A_0 = arith.constant 0 : i32
    %scan3A_1 = arith.constant 78 : i32
    %scan3A_2 = arith.addi %scan3A_0, %scan3A_1 : i32
    %scan3A_3 = arith.constant 1 : i32
    scf.for %scan3A_65 = %scan3A_0 to %scan3A_2 step %scan3A_3  : i32 {
      %mul3A_66 = arith.constant 6256 : i32
      %mul3A_67 = arith.muli %arg1, %mul3A_66 : i32
      %mul3A_68 = arith.constant 80 : i32
      %mul3A_69 = arith.muli %scan3A_65, %mul3A_68 : i32
      %add3A_70 = arith.addi %mul3A_67, %mul3A_69 : i32
      "tpu.region"() ({
        %run_scoped3A_71 = tpu.sem_alloc : memref<!tpu.dma_semaphore, #tpu.memory_space<semaphore_mem>>
        %dma_start3A_72 = arith.constant 0 : i32
        %dma_start3A_73 = tpu.memref_slice %arg11[%add3A_70, %dma_start3A_72] : memref<100096x16xf32, #tpu.memory_space<vmem_shared>> -> memref<80x16xf32, #tpu.memory_space<vmem_shared>>
        %dma_start3A_74 = arith.constant 0 : i32
        %dma_start3A_75 = tpu.memref_slice %arg11[%add3A_70, %dma_start3A_74] : memref<100096x16xf32, #tpu.memory_space<vmem_shared>> -> memref<80x16xf32, #tpu.memory_space<vmem_shared>>
        tpu.enqueue_dma source(%arg8 : memref<80x16xf32, #tpu.memory_space<vmem>>) target(%dma_start3A_75 : memref<80x16xf32, #tpu.memory_space<vmem_shared>>) target_semaphore(%run_scoped3A_71 : memref<!tpu.dma_semaphore, #tpu.memory_space<semaphore_mem>>)
        %dma_wait3A_76 = arith.constant 0 : i32
        %dma_wait3A_77 = tpu.memref_slice %arg11[%add3A_70, %dma_wait3A_76] : memref<100096x16xf32, #tpu.memory_space<vmem_shared>> -> memref<80x16xf32, #tpu.memory_space<vmem_shared>>
        %dma_wait3A_78 = arith.constant 0 : i32
        %dma_wait3A_79 = tpu.memref_slice %arg11[%add3A_70, %dma_wait3A_78] : memref<100096x16xf32, #tpu.memory_space<vmem_shared>> -> memref<80x16xf32, #tpu.memory_space<vmem_shared>>
        tpu.wait_dma2 semaphore(%run_scoped3A_71 : memref<!tpu.dma_semaphore, #tpu.memory_space<semaphore_mem>>) src(%arg8 : memref<80x16xf32, #tpu.memory_space<vmem>>) dst(%dma_wait3A_79 : memref<80x16xf32, #tpu.memory_space<vmem_shared>>)
        tpu.yield
      }) : () -> ()
    }
    %scan3A_4 = arith.constant 78 : i32
    %mul3A = arith.constant 6256 : i32
    %mul3A_5 = arith.muli %arg1, %mul3A : i32
    %add3A = arith.constant 6240 : i32
    %add3A_6 = arith.addi %mul3A_5, %add3A : i32
    "tpu.region"() ({
      %run_scoped3A_65 = tpu.sem_alloc : memref<!tpu.dma_semaphore, #tpu.memory_space<semaphore_mem>>
      %dma_start3A_66 = arith.constant 0 : i32
      %dma_start3A_67 = arith.constant 0 : i32
      %dma_start3A_68 = tpu.memref_slice %arg8[%dma_start3A_66, %dma_start3A_67] : memref<80x16xf32, #tpu.memory_space<vmem>> -> memref<16x16xf32, #tpu.memory_space<vmem>>
      %dma_start3A_69 = arith.constant 0 : i32
      %dma_start3A_70 = tpu.memref_slice %arg11[%add3A_6, %dma_start3A_69] : memref<100096x16xf32, #tpu.memory_space<vmem_shared>> -> memref<16x16xf32, #tpu.memory_space<vmem_shared>>
      %dma_start3A_71 = arith.constant 0 : i32
      %dma_start3A_72 = tpu.memref_slice %arg11[%add3A_6, %dma_start3A_71] : memref<100096x16xf32, #tpu.memory_space<vmem_shared>> -> memref<16x16xf32, #tpu.memory_space<vmem_shared>>
      %dma_start3A_73 = arith.constant 0 : i32
      %dma_start3A_74 = arith.constant 0 : i32
      %dma_start3A_75 = tpu.memref_slice %arg8[%dma_start3A_73, %dma_start3A_74] : memref<80x16xf32, #tpu.memory_space<vmem>> -> memref<16x16xf32, #tpu.memory_space<vmem>>
      tpu.enqueue_dma source(%dma_start3A_75 : memref<16x16xf32, #tpu.memory_space<vmem>>) target(%dma_start3A_72 : memref<16x16xf32, #tpu.memory_space<vmem_shared>>) target_semaphore(%run_scoped3A_65 : memref<!tpu.dma_semaphore, #tpu.memory_space<semaphore_mem>>)
      %dma_wait3A_76 = arith.constant 0 : i32
      %dma_wait3A_77 = arith.constant 0 : i32
      %dma_wait3A_78 = tpu.memref_slice %arg8[%dma_wait3A_76, %dma_wait3A_77] : memref<80x16xf32, #tpu.memory_space<vmem>> -> memref<16x16xf32, #tpu.memory_space<vmem>>
      %dma_wait3A_79 = arith.constant 0 : i32
      %dma_wait3A_80 = tpu.memref_slice %arg11[%add3A_6, %dma_wait3A_79] : memref<100096x16xf32, #tpu.memory_space<vmem_shared>> -> memref<16x16xf32, #tpu.memory_space<vmem_shared>>
      %dma_wait3A_81 = arith.constant 0 : i32
      %dma_wait3A_82 = tpu.memref_slice %arg11[%add3A_6, %dma_wait3A_81] : memref<100096x16xf32, #tpu.memory_space<vmem_shared>> -> memref<16x16xf32, #tpu.memory_space<vmem_shared>>
      %dma_wait3A_83 = arith.constant 0 : i32
      %dma_wait3A_84 = arith.constant 0 : i32
      %dma_wait3A_85 = tpu.memref_slice %arg8[%dma_wait3A_83, %dma_wait3A_84] : memref<80x16xf32, #tpu.memory_space<vmem>> -> memref<16x16xf32, #tpu.memory_space<vmem>>
      tpu.wait_dma2 semaphore(%run_scoped3A_65 : memref<!tpu.dma_semaphore, #tpu.memory_space<semaphore_mem>>) src(%dma_wait3A_85 : memref<16x16xf32, #tpu.memory_space<vmem>>) dst(%dma_wait3A_82 : memref<16x16xf32, #tpu.memory_space<vmem_shared>>)
      tpu.yield
    }) : () -> ()
    %barrier3A = arith.constant 0 : index
    tpu.barrier barrier_id(%barrier3A)
    %mul3A_7 = arith.constant 16 : i32
    %mul3A_8 = arith.muli %arg0, %mul3A_7 : i32
    %add3A_9 = arith.addi %mul3A_8, %arg1 : i32
    %mul3A_10 = arith.constant 1250 : i32
    %mul3A_11 = arith.muli %add3A_9, %mul3A_10 : i32
    %mul3A_12 = arith.constant 80 : i32
    %mul3A_13 = arith.muli %mul3A_11, %mul3A_12 : i32
    %add3A_14 = arith.constant 0 : i32
    %add3A_15 = arith.addi %mul3A_13, %add3A_14 : i32
    %run_scoped3A = arith.constant 0 : i32
    "tpu.region"() ({
      %run_scoped3A_65 = tpu.sem_alloc : memref<!tpu.dma_semaphore, #tpu.memory_space<semaphore_mem>>
      %dma_start3A_66 = arith.constant 0 : i32
      %dma_start3A_67 = tpu.memref_slice %arg6[%run_scoped3A, %dma_start3A_66] : memref<2x80xi32, #tpu.memory_space<vmem>> -> memref<1x80xi32, #tpu.memory_space<vmem>>
      %dma_start3A_68 = tpu.memref_squeeze %dma_start3A_67 : memref<1x80xi32, #tpu.memory_space<vmem>> -> memref<80xi32, #tpu.memory_space<vmem>>
      %dma_start3A_69 = tpu.memref_slice %arg2[%add3A_15] : memref<3200000xi32, #tpu.memory_space<hbm>> -> memref<80xi32, #tpu.memory_space<hbm>>
      %dma_start3A_70 = arith.constant 0 : i32
      %dma_start3A_71 = tpu.memref_slice %arg6[%run_scoped3A, %dma_start3A_70] : memref<2x80xi32, #tpu.memory_space<vmem>> -> memref<1x80xi32, #tpu.memory_space<vmem>>
      %dma_start3A_72 = tpu.memref_squeeze %dma_start3A_71 : memref<1x80xi32, #tpu.memory_space<vmem>> -> memref<80xi32, #tpu.memory_space<vmem>>
      %dma_start3A_73 = tpu.memref_slice %arg2[%add3A_15] : memref<3200000xi32, #tpu.memory_space<hbm>> -> memref<80xi32, #tpu.memory_space<hbm>>
      tpu.enqueue_dma source(%dma_start3A_73 : memref<80xi32, #tpu.memory_space<hbm>>) target(%dma_start3A_72 : memref<80xi32, #tpu.memory_space<vmem>>) target_semaphore(%run_scoped3A_65 : memref<!tpu.dma_semaphore, #tpu.memory_space<semaphore_mem>>)
      %dma_wait3A_74 = arith.constant 0 : i32
      %dma_wait3A_75 = tpu.memref_slice %arg6[%run_scoped3A, %dma_wait3A_74] : memref<2x80xi32, #tpu.memory_space<vmem>> -> memref<1x80xi32, #tpu.memory_space<vmem>>
      %dma_wait3A_76 = tpu.memref_squeeze %dma_wait3A_75 : memref<1x80xi32, #tpu.memory_space<vmem>> -> memref<80xi32, #tpu.memory_space<vmem>>
      %dma_wait3A_77 = tpu.memref_slice %arg2[%add3A_15] : memref<3200000xi32, #tpu.memory_space<hbm>> -> memref<80xi32, #tpu.memory_space<hbm>>
      %dma_wait3A_78 = arith.constant 0 : i32
      %dma_wait3A_79 = tpu.memref_slice %arg6[%run_scoped3A, %dma_wait3A_78] : memref<2x80xi32, #tpu.memory_space<vmem>> -> memref<1x80xi32, #tpu.memory_space<vmem>>
      %dma_wait3A_80 = tpu.memref_squeeze %dma_wait3A_79 : memref<1x80xi32, #tpu.memory_space<vmem>> -> memref<80xi32, #tpu.memory_space<vmem>>
      %dma_wait3A_81 = tpu.memref_slice %arg2[%add3A_15] : memref<3200000xi32, #tpu.memory_space<hbm>> -> memref<80xi32, #tpu.memory_space<hbm>>
      tpu.wait_dma2 semaphore(%run_scoped3A_65 : memref<!tpu.dma_semaphore, #tpu.memory_space<semaphore_mem>>) src(%dma_wait3A_81 : memref<80xi32, #tpu.memory_space<hbm>>) dst(%dma_wait3A_80 : memref<80xi32, #tpu.memory_space<vmem>>)
      tpu.yield
    }) : () -> ()
    %dma_start3A = arith.constant 0 : i32
    %dma_start3A_16 = arith.constant 0 : i32
    %dma_start3A_17 = tpu.memref_slice %arg6[%dma_start3A, %dma_start3A_16] : memref<2x80xi32, #tpu.memory_space<vmem>> -> memref<1x80xi32, #tpu.memory_space<vmem>>
    %dma_start3A_18 = tpu.memref_squeeze %dma_start3A_17 : memref<1x80xi32, #tpu.memory_space<vmem>> -> memref<80xi32, #tpu.memory_space<vmem>>
    %dma_start3A_19 = arith.constant 0 : i32
    %dma_start3A_20 = arith.constant 0 : i32
    %dma_start3A_21 = tpu.memref_slice %arg11[%dma_start3A_19, %dma_start3A_20] : memref<100096x16xf32, #tpu.memory_space<vmem_shared>> -> memref<100096x16xf32, #tpu.memory_space<vmem_shared>>
    tpu.enqueue_indirect_dma source(%arg7 : memref<80x16xf32, #tpu.memory_space<vmem>>) target(%dma_start3A_21 : memref<100096x16xf32, #tpu.memory_space<vmem_shared>>) offsets(%dma_start3A_18 : memref<80xi32, #tpu.memory_space<vmem>>) semaphore(%arg9 : memref<!tpu.dma_semaphore, #tpu.memory_space<semaphore_mem>>) {add = true}
    %add3A_22 = arith.constant 80 : i32
    %add3A_23 = arith.addi %mul3A_13, %add3A_22 : i32
    %run_scoped3A_24 = arith.constant 1 : i32
    "tpu.region"() ({
      %run_scoped3A_65 = tpu.sem_alloc : memref<!tpu.dma_semaphore, #tpu.memory_space<semaphore_mem>>
      %dma_start3A_66 = arith.constant 0 : i32
      %dma_start3A_67 = tpu.memref_slice %arg6[%run_scoped3A_24, %dma_start3A_66] : memref<2x80xi32, #tpu.memory_space<vmem>> -> memref<1x80xi32, #tpu.memory_space<vmem>>
      %dma_start3A_68 = tpu.memref_squeeze %dma_start3A_67 : memref<1x80xi32, #tpu.memory_space<vmem>> -> memref<80xi32, #tpu.memory_space<vmem>>
      %dma_start3A_69 = tpu.memref_slice %arg2[%add3A_23] : memref<3200000xi32, #tpu.memory_space<hbm>> -> memref<80xi32, #tpu.memory_space<hbm>>
      %dma_start3A_70 = arith.constant 0 : i32
      %dma_start3A_71 = tpu.memref_slice %arg6[%run_scoped3A_24, %dma_start3A_70] : memref<2x80xi32, #tpu.memory_space<vmem>> -> memref<1x80xi32, #tpu.memory_space<vmem>>
      %dma_start3A_72 = tpu.memref_squeeze %dma_start3A_71 : memref<1x80xi32, #tpu.memory_space<vmem>> -> memref<80xi32, #tpu.memory_space<vmem>>
      %dma_start3A_73 = tpu.memref_slice %arg2[%add3A_23] : memref<3200000xi32, #tpu.memory_space<hbm>> -> memref<80xi32, #tpu.memory_space<hbm>>
      tpu.enqueue_dma source(%dma_start3A_73 : memref<80xi32, #tpu.memory_space<hbm>>) target(%dma_start3A_72 : memref<80xi32, #tpu.memory_space<vmem>>) target_semaphore(%run_scoped3A_65 : memref<!tpu.dma_semaphore, #tpu.memory_space<semaphore_mem>>)
      %dma_wait3A_74 = arith.constant 0 : i32
      %dma_wait3A_75 = tpu.memref_slice %arg6[%run_scoped3A_24, %dma_wait3A_74] : memref<2x80xi32, #tpu.memory_space<vmem>> -> memref<1x80xi32, #tpu.memory_space<vmem>>
      %dma_wait3A_76 = tpu.memref_squeeze %dma_wait3A_75 : memref<1x80xi32, #tpu.memory_space<vmem>> -> memref<80xi32, #tpu.memory_space<vmem>>
      %dma_wait3A_77 = tpu.memref_slice %arg2[%add3A_23] : memref<3200000xi32, #tpu.memory_space<hbm>> -> memref<80xi32, #tpu.memory_space<hbm>>
      %dma_wait3A_78 = arith.constant 0 : i32
      %dma_wait3A_79 = tpu.memref_slice %arg6[%run_scoped3A_24, %dma_wait3A_78] : memref<2x80xi32, #tpu.memory_space<vmem>> -> memref<1x80xi32, #tpu.memory_space<vmem>>
      %dma_wait3A_80 = tpu.memref_squeeze %dma_wait3A_79 : memref<1x80xi32, #tpu.memory_space<vmem>> -> memref<80xi32, #tpu.memory_space<vmem>>
      %dma_wait3A_81 = tpu.memref_slice %arg2[%add3A_23] : memref<3200000xi32, #tpu.memory_space<hbm>> -> memref<80xi32, #tpu.memory_space<hbm>>
      tpu.wait_dma2 semaphore(%run_scoped3A_65 : memref<!tpu.dma_semaphore, #tpu.memory_space<semaphore_mem>>) src(%dma_wait3A_81 : memref<80xi32, #tpu.memory_space<hbm>>) dst(%dma_wait3A_80 : memref<80xi32, #tpu.memory_space<vmem>>)
      tpu.yield
    }) : () -> ()
    %dma_start3A_25 = arith.constant 1 : i32
    %dma_start3A_26 = arith.constant 0 : i32
    %dma_start3A_27 = tpu.memref_slice %arg6[%dma_start3A_25, %dma_start3A_26] : memref<2x80xi32, #tpu.memory_space<vmem>> -> memref<1x80xi32, #tpu.memory_space<vmem>>
    %dma_start3A_28 = tpu.memref_squeeze %dma_start3A_27 : memref<1x80xi32, #tpu.memory_space<vmem>> -> memref<80xi32, #tpu.memory_space<vmem>>
    %dma_start3A_29 = arith.constant 0 : i32
    %dma_start3A_30 = arith.constant 0 : i32
    %dma_start3A_31 = tpu.memref_slice %arg11[%dma_start3A_29, %dma_start3A_30] : memref<100096x16xf32, #tpu.memory_space<vmem_shared>> -> memref<100096x16xf32, #tpu.memory_space<vmem_shared>>
    tpu.enqueue_indirect_dma source(%arg7 : memref<80x16xf32, #tpu.memory_space<vmem>>) target(%dma_start3A_31 : memref<100096x16xf32, #tpu.memory_space<vmem_shared>>) offsets(%dma_start3A_28 : memref<80xi32, #tpu.memory_space<vmem>>) semaphore(%arg10 : memref<!tpu.dma_semaphore, #tpu.memory_space<semaphore_mem>>) {add = true}
    %scan3A_32 = arith.constant 0 : i32
    %scan3A_33 = arith.constant 1 : i32
    %scan3A_34 = arith.constant 624 : i32
    %scan3A_35 = arith.addi %scan3A_33, %scan3A_34 : i32
    %scan3A_36 = arith.constant 1 : i32
    scf.for %scan3A_65 = %scan3A_33 to %scan3A_35 step %scan3A_36  : i32 {
      %mul3A_66 = arith.constant 2 : i32
      %mul3A_67 = arith.muli %mul3A_66, %scan3A_65 : i32
      %add3A_68 = arith.constant 0 : i32
      %add3A_69 = arith.addi %mul3A_67, %add3A_68 : i32
      %dma_wait3A_70 = arith.constant 0 : i32
      %dma_wait3A_71 = arith.constant 0 : i32
      %dma_wait3A_72 = tpu.memref_slice %arg6[%dma_wait3A_70, %dma_wait3A_71] : memref<2x80xi32, #tpu.memory_space<vmem>> -> memref<1x80xi32, #tpu.memory_space<vmem>>
      %dma_wait3A_73 = tpu.memref_squeeze %dma_wait3A_72 : memref<1x80xi32, #tpu.memory_space<vmem>> -> memref<80xi32, #tpu.memory_space<vmem>>
      %dma_wait3A_74 = arith.constant 0 : i32
      %dma_wait3A_75 = arith.constant 0 : i32
      %dma_wait3A_76 = tpu.memref_slice %arg11[%dma_wait3A_74, %dma_wait3A_75] : memref<100096x16xf32, #tpu.memory_space<vmem_shared>> -> memref<100096x16xf32, #tpu.memory_space<vmem_shared>>
      tpu.wait_indirect_dma semaphore(%arg9 : memref<!tpu.dma_semaphore, #tpu.memory_space<semaphore_mem>>) src(%arg7 : memref<80x16xf32, #tpu.memory_space<vmem>>) dst(%dma_wait3A_76 : memref<100096x16xf32, #tpu.memory_space<vmem_shared>>)
      %mul3A_77 = arith.constant 80 : i32
      %mul3A_78 = arith.muli %add3A_69, %mul3A_77 : i32
      %add3A_79 = arith.addi %mul3A_13, %mul3A_78 : i32
      %run_scoped3A_80 = arith.constant 0 : i32
      "tpu.region"() ({
        %run_scoped3A_110 = tpu.sem_alloc : memref<!tpu.dma_semaphore, #tpu.memory_space<semaphore_mem>>
        %dma_start3A_111 = arith.constant 0 : i32
        %dma_start3A_112 = tpu.memref_slice %arg6[%run_scoped3A_80, %dma_start3A_111] : memref<2x80xi32, #tpu.memory_space<vmem>> -> memref<1x80xi32, #tpu.memory_space<vmem>>
        %dma_start3A_113 = tpu.memref_squeeze %dma_start3A_112 : memref<1x80xi32, #tpu.memory_space<vmem>> -> memref<80xi32, #tpu.memory_space<vmem>>
        %dma_start3A_114 = tpu.memref_slice %arg2[%add3A_79] : memref<3200000xi32, #tpu.memory_space<hbm>> -> memref<80xi32, #tpu.memory_space<hbm>>
        %dma_start3A_115 = arith.constant 0 : i32
        %dma_start3A_116 = tpu.memref_slice %arg6[%run_scoped3A_80, %dma_start3A_115] : memref<2x80xi32, #tpu.memory_space<vmem>> -> memref<1x80xi32, #tpu.memory_space<vmem>>
        %dma_start3A_117 = tpu.memref_squeeze %dma_start3A_116 : memref<1x80xi32, #tpu.memory_space<vmem>> -> memref<80xi32, #tpu.memory_space<vmem>>
        %dma_start3A_118 = tpu.memref_slice %arg2[%add3A_79] : memref<3200000xi32, #tpu.memory_space<hbm>> -> memref<80xi32, #tpu.memory_space<hbm>>
        tpu.enqueue_dma source(%dma_start3A_118 : memref<80xi32, #tpu.memory_space<hbm>>) target(%dma_start3A_117 : memref<80xi32, #tpu.memory_space<vmem>>) target_semaphore(%run_scoped3A_110 : memref<!tpu.dma_semaphore, #tpu.memory_space<semaphore_mem>>)
        %dma_wait3A_119 = arith.constant 0 : i32
        %dma_wait3A_120 = tpu.memref_slice %arg6[%run_scoped3A_80, %dma_wait3A_119] : memref<2x80xi32, #tpu.memory_space<vmem>> -> memref<1x80xi32, #tpu.memory_space<vmem>>
        %dma_wait3A_121 = tpu.memref_squeeze %dma_wait3A_120 : memref<1x80xi32, #tpu.memory_space<vmem>> -> memref<80xi32, #tpu.memory_space<vmem>>
        %dma_wait3A_122 = tpu.memref_slice %arg2[%add3A_79] : memref<3200000xi32, #tpu.memory_space<hbm>> -> memref<80xi32, #tpu.memory_space<hbm>>
        %dma_wait3A_123 = arith.constant 0 : i32
        %dma_wait3A_124 = tpu.memref_slice %arg6[%run_scoped3A_80, %dma_wait3A_123] : memref<2x80xi32, #tpu.memory_space<vmem>> -> memref<1x80xi32, #tpu.memory_space<vmem>>
        %dma_wait3A_125 = tpu.memref_squeeze %dma_wait3A_124 : memref<1x80xi32, #tpu.memory_space<vmem>> -> memref<80xi32, #tpu.memory_space<vmem>>
        %dma_wait3A_126 = tpu.memref_slice %arg2[%add3A_79] : memref<3200000xi32, #tpu.memory_space<hbm>> -> memref<80xi32, #tpu.memory_space<hbm>>
        tpu.wait_dma2 semaphore(%run_scoped3A_110 : memref<!tpu.dma_semaphore, #tpu.memory_space<semaphore_mem>>) src(%dma_wait3A_126 : memref<80xi32, #tpu.memory_space<hbm>>) dst(%dma_wait3A_125 : memref<80xi32, #tpu.memory_space<vmem>>)
        tpu.yield
      }) : () -> ()
      %dma_start3A_81 = arith.constant 0 : i32
      %dma_start3A_82 = arith.constant 0 : i32
      %dma_start3A_83 = tpu.memref_slice %arg6[%dma_start3A_81, %dma_start3A_82] : memref<2x80xi32, #tpu.memory_space<vmem>> -> memref<1x80xi32, #tpu.memory_space<vmem>>
      %dma_start3A_84 = tpu.memref_squeeze %dma_start3A_83 : memref<1x80xi32, #tpu.memory_space<vmem>> -> memref<80xi32, #tpu.memory_space<vmem>>
      %dma_start3A_85 = arith.constant 0 : i32
      %dma_start3A_86 = arith.constant 0 : i32
      %dma_start3A_87 = tpu.memref_slice %arg11[%dma_start3A_85, %dma_start3A_86] : memref<100096x16xf32, #tpu.memory_space<vmem_shared>> -> memref<100096x16xf32, #tpu.memory_space<vmem_shared>>
      tpu.enqueue_indirect_dma source(%arg7 : memref<80x16xf32, #tpu.memory_space<vmem>>) target(%dma_start3A_87 : memref<100096x16xf32, #tpu.memory_space<vmem_shared>>) offsets(%dma_start3A_84 : memref<80xi32, #tpu.memory_space<vmem>>) semaphore(%arg9 : memref<!tpu.dma_semaphore, #tpu.memory_space<semaphore_mem>>) {add = true}
      %mul3A_88 = arith.constant 2 : i32
      %mul3A_89 = arith.muli %mul3A_88, %scan3A_65 : i32
      %add3A_90 = arith.constant 1 : i32
      %add3A_91 = arith.addi %mul3A_89, %add3A_90 : i32
      %dma_wait3A_92 = arith.constant 1 : i32
      %dma_wait3A_93 = arith.constant 0 : i32
      %dma_wait3A_94 = tpu.memref_slice %arg6[%dma_wait3A_92, %dma_wait3A_93] : memref<2x80xi32, #tpu.memory_space<vmem>> -> memref<1x80xi32, #tpu.memory_space<vmem>>
      %dma_wait3A_95 = tpu.memref_squeeze %dma_wait3A_94 : memref<1x80xi32, #tpu.memory_space<vmem>> -> memref<80xi32, #tpu.memory_space<vmem>>
      %dma_wait3A_96 = arith.constant 0 : i32
      %dma_wait3A_97 = arith.constant 0 : i32
      %dma_wait3A_98 = tpu.memref_slice %arg11[%dma_wait3A_96, %dma_wait3A_97] : memref<100096x16xf32, #tpu.memory_space<vmem_shared>> -> memref<100096x16xf32, #tpu.memory_space<vmem_shared>>
      tpu.wait_indirect_dma semaphore(%arg10 : memref<!tpu.dma_semaphore, #tpu.memory_space<semaphore_mem>>) src(%arg7 : memref<80x16xf32, #tpu.memory_space<vmem>>) dst(%dma_wait3A_98 : memref<100096x16xf32, #tpu.memory_space<vmem_shared>>)
      %mul3A_99 = arith.constant 80 : i32
      %mul3A_100 = arith.muli %add3A_91, %mul3A_99 : i32
      %add3A_101 = arith.addi %mul3A_13, %mul3A_100 : i32
      %run_scoped3A_102 = arith.constant 1 : i32
      "tpu.region"() ({
        %run_scoped3A_110 = tpu.sem_alloc : memref<!tpu.dma_semaphore, #tpu.memory_space<semaphore_mem>>
        %dma_start3A_111 = arith.constant 0 : i32
        %dma_start3A_112 = tpu.memref_slice %arg6[%run_scoped3A_102, %dma_start3A_111] : memref<2x80xi32, #tpu.memory_space<vmem>> -> memref<1x80xi32, #tpu.memory_space<vmem>>
        %dma_start3A_113 = tpu.memref_squeeze %dma_start3A_112 : memref<1x80xi32, #tpu.memory_space<vmem>> -> memref<80xi32, #tpu.memory_space<vmem>>
        %dma_start3A_114 = tpu.memref_slice %arg2[%add3A_101] : memref<3200000xi32, #tpu.memory_space<hbm>> -> memref<80xi32, #tpu.memory_space<hbm>>
        %dma_start3A_115 = arith.constant 0 : i32
        %dma_start3A_116 = tpu.memref_slice %arg6[%run_scoped3A_102, %dma_start3A_115] : memref<2x80xi32, #tpu.memory_space<vmem>> -> memref<1x80xi32, #tpu.memory_space<vmem>>
        %dma_start3A_117 = tpu.memref_squeeze %dma_start3A_116 : memref<1x80xi32, #tpu.memory_space<vmem>> -> memref<80xi32, #tpu.memory_space<vmem>>
        %dma_start3A_118 = tpu.memref_slice %arg2[%add3A_101] : memref<3200000xi32, #tpu.memory_space<hbm>> -> memref<80xi32, #tpu.memory_space<hbm>>
        tpu.enqueue_dma source(%dma_start3A_118 : memref<80xi32, #tpu.memory_space<hbm>>) target(%dma_start3A_117 : memref<80xi32, #tpu.memory_space<vmem>>) target_semaphore(%run_scoped3A_110 : memref<!tpu.dma_semaphore, #tpu.memory_space<semaphore_mem>>)
        %dma_wait3A_119 = arith.constant 0 : i32
        %dma_wait3A_120 = tpu.memref_slice %arg6[%run_scoped3A_102, %dma_wait3A_119] : memref<2x80xi32, #tpu.memory_space<vmem>> -> memref<1x80xi32, #tpu.memory_space<vmem>>
        %dma_wait3A_121 = tpu.memref_squeeze %dma_wait3A_120 : memref<1x80xi32, #tpu.memory_space<vmem>> -> memref<80xi32, #tpu.memory_space<vmem>>
        %dma_wait3A_122 = tpu.memref_slice %arg2[%add3A_101] : memref<3200000xi32, #tpu.memory_space<hbm>> -> memref<80xi32, #tpu.memory_space<hbm>>
        %dma_wait3A_123 = arith.constant 0 : i32
        %dma_wait3A_124 = tpu.memref_slice %arg6[%run_scoped3A_102, %dma_wait3A_123] : memref<2x80xi32, #tpu.memory_space<vmem>> -> memref<1x80xi32, #tpu.memory_space<vmem>>
        %dma_wait3A_125 = tpu.memref_squeeze %dma_wait3A_124 : memref<1x80xi32, #tpu.memory_space<vmem>> -> memref<80xi32, #tpu.memory_space<vmem>>
        %dma_wait3A_126 = tpu.memref_slice %arg2[%add3A_101] : memref<3200000xi32, #tpu.memory_space<hbm>> -> memref<80xi32, #tpu.memory_space<hbm>>
        tpu.wait_dma2 semaphore(%run_scoped3A_110 : memref<!tpu.dma_semaphore, #tpu.memory_space<semaphore_mem>>) src(%dma_wait3A_126 : memref<80xi32, #tpu.memory_space<hbm>>) dst(%dma_wait3A_125 : memref<80xi32, #tpu.memory_space<vmem>>)
        tpu.yield
      }) : () -> ()
      %dma_start3A_103 = arith.constant 1 : i32
      %dma_start3A_104 = arith.constant 0 : i32
      %dma_start3A_105 = tpu.memref_slice %arg6[%dma_start3A_103, %dma_start3A_104] : memref<2x80xi32, #tpu.memory_space<vmem>> -> memref<1x80xi32, #tpu.memory_space<vmem>>
      %dma_start3A_106 = tpu.memref_squeeze %dma_start3A_105 : memref<1x80xi32, #tpu.memory_space<vmem>> -> memref<80xi32, #tpu.memory_space<vmem>>
      %dma_start3A_107 = arith.constant 0 : i32
      %dma_start3A_108 = arith.constant 0 : i32
      %dma_start3A_109 = tpu.memref_slice %arg11[%dma_start3A_107, %dma_start3A_108] : memref<100096x16xf32, #tpu.memory_space<vmem_shared>> -> memref<100096x16xf32, #tpu.memory_space<vmem_shared>>
      tpu.enqueue_indirect_dma source(%arg7 : memref<80x16xf32, #tpu.memory_space<vmem>>) target(%dma_start3A_109 : memref<100096x16xf32, #tpu.memory_space<vmem_shared>>) offsets(%dma_start3A_106 : memref<80xi32, #tpu.memory_space<vmem>>) semaphore(%arg10 : memref<!tpu.dma_semaphore, #tpu.memory_space<semaphore_mem>>) {add = true}
    }
    %scan3A_37 = arith.constant 624 : i32
    %dma_wait3A = arith.constant 0 : i32
    %dma_wait3A_38 = arith.constant 0 : i32
    %dma_wait3A_39 = tpu.memref_slice %arg6[%dma_wait3A, %dma_wait3A_38] : memref<2x80xi32, #tpu.memory_space<vmem>> -> memref<1x80xi32, #tpu.memory_space<vmem>>
    %dma_wait3A_40 = tpu.memref_squeeze %dma_wait3A_39 : memref<1x80xi32, #tpu.memory_space<vmem>> -> memref<80xi32, #tpu.memory_space<vmem>>
    %dma_wait3A_41 = arith.constant 0 : i32
    %dma_wait3A_42 = arith.constant 0 : i32
    %dma_wait3A_43 = tpu.memref_slice %arg11[%dma_wait3A_41, %dma_wait3A_42] : memref<100096x16xf32, #tpu.memory_space<vmem_shared>> -> memref<100096x16xf32, #tpu.memory_space<vmem_shared>>
    tpu.wait_indirect_dma semaphore(%arg9 : memref<!tpu.dma_semaphore, #tpu.memory_space<semaphore_mem>>) src(%arg7 : memref<80x16xf32, #tpu.memory_space<vmem>>) dst(%dma_wait3A_43 : memref<100096x16xf32, #tpu.memory_space<vmem_shared>>)
    %dma_wait3A_44 = arith.constant 1 : i32
    %dma_wait3A_45 = arith.constant 0 : i32
    %dma_wait3A_46 = tpu.memref_slice %arg6[%dma_wait3A_44, %dma_wait3A_45] : memref<2x80xi32, #tpu.memory_space<vmem>> -> memref<1x80xi32, #tpu.memory_space<vmem>>
    %dma_wait3A_47 = tpu.memref_squeeze %dma_wait3A_46 : memref<1x80xi32, #tpu.memory_space<vmem>> -> memref<80xi32, #tpu.memory_space<vmem>>
    %dma_wait3A_48 = arith.constant 0 : i32
    %dma_wait3A_49 = arith.constant 0 : i32
    %dma_wait3A_50 = tpu.memref_slice %arg11[%dma_wait3A_48, %dma_wait3A_49] : memref<100096x16xf32, #tpu.memory_space<vmem_shared>> -> memref<100096x16xf32, #tpu.memory_space<vmem_shared>>
    tpu.wait_indirect_dma semaphore(%arg10 : memref<!tpu.dma_semaphore, #tpu.memory_space<semaphore_mem>>) src(%arg7 : memref<80x16xf32, #tpu.memory_space<vmem>>) dst(%dma_wait3A_50 : memref<100096x16xf32, #tpu.memory_space<vmem_shared>>)
    %barrier3A_51 = arith.constant 0 : index
    tpu.barrier barrier_id(%barrier3A_51)
    %scan3A_52 = arith.constant 0 : i32
    %scan3A_53 = arith.constant 0 : i32
    %scan3A_54 = arith.constant 78 : i32
    %scan3A_55 = arith.addi %scan3A_53, %scan3A_54 : i32
    %scan3A_56 = arith.constant 1 : i32
    scf.for %scan3A_65 = %scan3A_53 to %scan3A_55 step %scan3A_56  : i32 {
      %mul3A_66 = arith.constant 6256 : i32
      %mul3A_67 = arith.muli %arg1, %mul3A_66 : i32
      %mul3A_68 = arith.constant 80 : i32
      %mul3A_69 = arith.muli %scan3A_65, %mul3A_68 : i32
      %add3A_70 = arith.addi %mul3A_67, %mul3A_69 : i32
      "tpu.region"() ({
        %run_scoped3A_74 = tpu.sem_alloc : memref<!tpu.dma_semaphore, #tpu.memory_space<semaphore_mem>>
        %dma_start3A_75 = arith.constant 0 : i32
        %dma_start3A_76 = tpu.memref_slice %arg11[%add3A_70, %dma_start3A_75] : memref<100096x16xf32, #tpu.memory_space<vmem_shared>> -> memref<80x16xf32, #tpu.memory_space<vmem_shared>>
        %dma_start3A_77 = arith.constant 0 : i32
        %dma_start3A_78 = tpu.memref_slice %arg11[%add3A_70, %dma_start3A_77] : memref<100096x16xf32, #tpu.memory_space<vmem_shared>> -> memref<80x16xf32, #tpu.memory_space<vmem_shared>>
        tpu.enqueue_dma source(%dma_start3A_78 : memref<80x16xf32, #tpu.memory_space<vmem_shared>>) target(%arg8 : memref<80x16xf32, #tpu.memory_space<vmem>>) target_semaphore(%run_scoped3A_74 : memref<!tpu.dma_semaphore, #tpu.memory_space<semaphore_mem>>)
        %dma_wait3A_79 = arith.constant 0 : i32
        %dma_wait3A_80 = tpu.memref_slice %arg11[%add3A_70, %dma_wait3A_79] : memref<100096x16xf32, #tpu.memory_space<vmem_shared>> -> memref<80x16xf32, #tpu.memory_space<vmem_shared>>
        %dma_wait3A_81 = arith.constant 0 : i32
        %dma_wait3A_82 = tpu.memref_slice %arg11[%add3A_70, %dma_wait3A_81] : memref<100096x16xf32, #tpu.memory_space<vmem_shared>> -> memref<80x16xf32, #tpu.memory_space<vmem_shared>>
        tpu.wait_dma2 semaphore(%run_scoped3A_74 : memref<!tpu.dma_semaphore, #tpu.memory_space<semaphore_mem>>) src(%dma_wait3A_82 : memref<80x16xf32, #tpu.memory_space<vmem_shared>>) dst(%arg8 : memref<80x16xf32, #tpu.memory_space<vmem>>)
        tpu.yield
      }) : () -> ()
      %mul3A_71 = arith.constant 100096 : i32
      %mul3A_72 = arith.muli %arg0, %mul3A_71 : i32
      %add3A_73 = arith.addi %mul3A_72, %add3A_70 : i32
      "tpu.region"() ({
        %run_scoped3A_74 = tpu.sem_alloc : memref<!tpu.dma_semaphore, #tpu.memory_space<semaphore_mem>>
        %dma_start3A_75 = arith.constant 0 : i32
        %dma_start3A_76 = tpu.memref_slice %arg5[%add3A_73, %dma_start3A_75] : memref<200192x16xf32, #tpu.memory_space<hbm>> -> memref<80x16xf32, #tpu.memory_space<hbm>>
        %dma_start3A_77 = arith.constant 0 : i32
        %dma_start3A_78 = tpu.memref_slice %arg5[%add3A_73, %dma_start3A_77] : memref<200192x16xf32, #tpu.memory_space<hbm>> -> memref<80x16xf32, #tpu.memory_space<hbm>>
        tpu.enqueue_dma source(%arg8 : memref<80x16xf32, #tpu.memory_space<vmem>>) target(%dma_start3A_78 : memref<80x16xf32, #tpu.memory_space<hbm>>) target_semaphore(%run_scoped3A_74 : memref<!tpu.dma_semaphore, #tpu.memory_space<semaphore_mem>>)
        %dma_wait3A_79 = arith.constant 0 : i32
        %dma_wait3A_80 = tpu.memref_slice %arg5[%add3A_73, %dma_wait3A_79] : memref<200192x16xf32, #tpu.memory_space<hbm>> -> memref<80x16xf32, #tpu.memory_space<hbm>>
        %dma_wait3A_81 = arith.constant 0 : i32
        %dma_wait3A_82 = tpu.memref_slice %arg5[%add3A_73, %dma_wait3A_81] : memref<200192x16xf32, #tpu.memory_space<hbm>> -> memref<80x16xf32, #tpu.memory_space<hbm>>
        tpu.wait_dma2 semaphore(%run_scoped3A_74 : memref<!tpu.dma_semaphore, #tpu.memory_space<semaphore_mem>>) src(%arg8 : memref<80x16xf32, #tpu.memory_space<vmem>>) dst(%dma_wait3A_82 : memref<80x16xf32, #tpu.memory_space<hbm>>)
        tpu.yield
      }) : () -> ()
    }
    %scan3A_57 = arith.constant 78 : i32
    %mul3A_58 = arith.constant 6256 : i32
    %mul3A_59 = arith.muli %arg1, %mul3A_58 : i32
    %add3A_60 = arith.constant 6240 : i32
    %add3A_61 = arith.addi %mul3A_59, %add3A_60 : i32
    "tpu.region"() ({
      %run_scoped3A_65 = tpu.sem_alloc : memref<!tpu.dma_semaphore, #tpu.memory_space<semaphore_mem>>
      %dma_start3A_66 = arith.constant 0 : i32
      %dma_start3A_67 = arith.constant 0 : i32
      %dma_start3A_68 = tpu.memref_slice %arg8[%dma_start3A_66, %dma_start3A_67] : memref<80x16xf32, #tpu.memory_space<vmem>> -> memref<16x16xf32, #tpu.memory_space<vmem>>
      %dma_start3A_69 = arith.constant 0 : i32
      %dma_start3A_70 = tpu.memref_slice %arg11[%add3A_61, %dma_start3A_69] : memref<100096x16xf32, #tpu.memory_space<vmem_shared>> -> memref<16x16xf32, #tpu.memory_space<vmem_shared>>
      %dma_start3A_71 = arith.constant 0 : i32
      %dma_start3A_72 = arith.constant 0 : i32
      %dma_start3A_73 = tpu.memref_slice %arg8[%dma_start3A_71, %dma_start3A_72] : memref<80x16xf32, #tpu.memory_space<vmem>> -> memref<16x16xf32, #tpu.memory_space<vmem>>
      %dma_start3A_74 = arith.constant 0 : i32
      %dma_start3A_75 = tpu.memref_slice %arg11[%add3A_61, %dma_start3A_74] : memref<100096x16xf32, #tpu.memory_space<vmem_shared>> -> memref<16x16xf32, #tpu.memory_space<vmem_shared>>
      tpu.enqueue_dma source(%dma_start3A_75 : memref<16x16xf32, #tpu.memory_space<vmem_shared>>) target(%dma_start3A_73 : memref<16x16xf32, #tpu.memory_space<vmem>>) target_semaphore(%run_scoped3A_65 : memref<!tpu.dma_semaphore, #tpu.memory_space<semaphore_mem>>)
      %dma_wait3A_76 = arith.constant 0 : i32
      %dma_wait3A_77 = arith.constant 0 : i32
      %dma_wait3A_78 = tpu.memref_slice %arg8[%dma_wait3A_76, %dma_wait3A_77] : memref<80x16xf32, #tpu.memory_space<vmem>> -> memref<16x16xf32, #tpu.memory_space<vmem>>
      %dma_wait3A_79 = arith.constant 0 : i32
      %dma_wait3A_80 = tpu.memref_slice %arg11[%add3A_61, %dma_wait3A_79] : memref<100096x16xf32, #tpu.memory_space<vmem_shared>> -> memref<16x16xf32, #tpu.memory_space<vmem_shared>>
      %dma_wait3A_81 = arith.constant 0 : i32
      %dma_wait3A_82 = arith.constant 0 : i32
      %dma_wait3A_83 = tpu.memref_slice %arg8[%dma_wait3A_81, %dma_wait3A_82] : memref<80x16xf32, #tpu.memory_space<vmem>> -> memref<16x16xf32, #tpu.memory_space<vmem>>
      %dma_wait3A_84 = arith.constant 0 : i32
      %dma_wait3A_85 = tpu.memref_slice %arg11[%add3A_61, %dma_wait3A_84] : memref<100096x16xf32, #tpu.memory_space<vmem_shared>> -> memref<16x16xf32, #tpu.memory_space<vmem_shared>>
      tpu.wait_dma2 semaphore(%run_scoped3A_65 : memref<!tpu.dma_semaphore, #tpu.memory_space<semaphore_mem>>) src(%dma_wait3A_85 : memref<16x16xf32, #tpu.memory_space<vmem_shared>>) dst(%dma_wait3A_83 : memref<16x16xf32, #tpu.memory_space<vmem>>)
      tpu.yield
    }) : () -> ()
    %mul3A_62 = arith.constant 100096 : i32
    %mul3A_63 = arith.muli %arg0, %mul3A_62 : i32
    %add3A_64 = arith.addi %mul3A_63, %add3A_61 : i32
    "tpu.region"() ({
      %run_scoped3A_65 = tpu.sem_alloc : memref<!tpu.dma_semaphore, #tpu.memory_space<semaphore_mem>>
      %dma_start3A_66 = arith.constant 0 : i32
      %dma_start3A_67 = arith.constant 0 : i32
      %dma_start3A_68 = tpu.memref_slice %arg8[%dma_start3A_66, %dma_start3A_67] : memref<80x16xf32, #tpu.memory_space<vmem>> -> memref<16x16xf32, #tpu.memory_space<vmem>>
      %dma_start3A_69 = arith.constant 0 : i32
      %dma_start3A_70 = tpu.memref_slice %arg5[%add3A_64, %dma_start3A_69] : memref<200192x16xf32, #tpu.memory_space<hbm>> -> memref<16x16xf32, #tpu.memory_space<hbm>>
      %dma_start3A_71 = arith.constant 0 : i32
      %dma_start3A_72 = tpu.memref_slice %arg5[%add3A_64, %dma_start3A_71] : memref<200192x16xf32, #tpu.memory_space<hbm>> -> memref<16x16xf32, #tpu.memory_space<hbm>>
      %dma_start3A_73 = arith.constant 0 : i32
      %dma_start3A_74 = arith.constant 0 : i32
      %dma_start3A_75 = tpu.memref_slice %arg8[%dma_start3A_73, %dma_start3A_74] : memref<80x16xf32, #tpu.memory_space<vmem>> -> memref<16x16xf32, #tpu.memory_space<vmem>>
      tpu.enqueue_dma source(%dma_start3A_75 : memref<16x16xf32, #tpu.memory_space<vmem>>) target(%dma_start3A_72 : memref<16x16xf32, #tpu.memory_space<hbm>>) target_semaphore(%run_scoped3A_65 : memref<!tpu.dma_semaphore, #tpu.memory_space<semaphore_mem>>)
      %dma_wait3A_76 = arith.constant 0 : i32
      %dma_wait3A_77 = arith.constant 0 : i32
      %dma_wait3A_78 = tpu.memref_slice %arg8[%dma_wait3A_76, %dma_wait3A_77] : memref<80x16xf32, #tpu.memory_space<vmem>> -> memref<16x16xf32, #tpu.memory_space<vmem>>
      %dma_wait3A_79 = arith.constant 0 : i32
      %dma_wait3A_80 = tpu.memref_slice %arg5[%add3A_64, %dma_wait3A_79] : memref<200192x16xf32, #tpu.memory_space<hbm>> -> memref<16x16xf32, #tpu.memory_space<hbm>>
      %dma_wait3A_81 = arith.constant 0 : i32
      %dma_wait3A_82 = tpu.memref_slice %arg5[%add3A_64, %dma_wait3A_81] : memref<200192x16xf32, #tpu.memory_space<hbm>> -> memref<16x16xf32, #tpu.memory_space<hbm>>
      %dma_wait3A_83 = arith.constant 0 : i32
      %dma_wait3A_84 = arith.constant 0 : i32
      %dma_wait3A_85 = tpu.memref_slice %arg8[%dma_wait3A_83, %dma_wait3A_84] : memref<80x16xf32, #tpu.memory_space<vmem>> -> memref<16x16xf32, #tpu.memory_space<vmem>>
      tpu.wait_dma2 semaphore(%run_scoped3A_65 : memref<!tpu.dma_semaphore, #tpu.memory_space<semaphore_mem>>) src(%dma_wait3A_85 : memref<16x16xf32, #tpu.memory_space<vmem>>) dst(%dma_wait3A_82 : memref<16x16xf32, #tpu.memory_space<hbm>>)
      tpu.yield
    }) : () -> ()
    return
  }
}

module attributes {stable_mosaic.version = 14 : i64} {
  func.func @_norm_body(%arg0: i32, %arg1: memref<2000x1xf32, #tpu.memory_space<vmem>>, %arg2: memref<2000x1xf32, #tpu.memory_space<vmem>>, %arg3: memref<2000x2xf32, #tpu.memory_space<vmem>>, %arg4: memref<2000x1xf32, #tpu.memory_space<vmem>>, %arg5: memref<2000x16xf32, #tpu.memory_space<vmem>>) attributes {dimension_semantics = [#tpu.dimension_semantics<arbitrary>], iteration_bounds = array<i64: 50>, scalar_prefetch = 0 : i64, scratch_operands = 0 : i64, tpu.core_type = #tpu.core_type<tc>, window_params = [{transform_indices = @transform_0, window_bounds = array<i64: 2000, 1>}, {transform_indices = @transform_1, window_bounds = array<i64: 2000, 1>}, {transform_indices = @transform_2, window_bounds = array<i64: 2000, 2>}, {transform_indices = @transform_3, window_bounds = array<i64: 2000, 1>}, {transform_indices = @transform_4, window_bounds = array<i64: 2000, 16>}]} {
    %get3A = arith.constant 0 : index
    %get3A_0 = arith.constant 0 : index
    %get3A_1 = vector.load %arg1[%get3A, %get3A_0] : memref<2000x1xf32, #tpu.memory_space<vmem>>, vector<2000x1xf32>
    %get3A_2 = arith.constant 0 : index
    %get3A_3 = arith.constant 0 : index
    %get3A_4 = vector.load %arg2[%get3A_2, %get3A_3] : memref<2000x1xf32, #tpu.memory_space<vmem>>, vector<2000x1xf32>
    %add3A = arith.addf %get3A_1, %get3A_4 : vector<2000x1xf32>
    %add3A_5 = arith.constant 1.000000e+00 : f32
    %add3A_6 = vector.broadcast %add3A_5 : f32 to vector<2000x1xf32>
    %add3A_7 = arith.addf %add3A, %add3A_6 : vector<2000x1xf32>
    %rsqrt3A = math.rsqrt %add3A_7 : vector<2000x1xf32>
    %swap3A = arith.constant 0 : index
    %swap3A_8 = arith.constant 0 : index
    %swap3A_9 = vector.load %arg4[%swap3A, %swap3A_8] : memref<2000x1xf32, #tpu.memory_space<vmem>>, vector<2000x1xf32>
    tpu.vector_store %arg4[%swap3A, %swap3A_8], %rsqrt3A {strides = array<i32>} : memref<2000x1xf32, #tpu.memory_space<vmem>>, vector<2000x1xf32>,
    %get3A_10 = arith.constant 0 : index
    %get3A_11 = arith.constant 0 : index
    %get3A_12 = vector.load %arg3[%get3A_10, %get3A_11] : memref<2000x2xf32, #tpu.memory_space<vmem>>, vector<2000x2xf32>
    %mul3A = vector.broadcast %rsqrt3A : vector<2000x1xf32> to vector<2000x2xf32>
    %mul3A_13 = arith.mulf %mul3A, %get3A_12 : vector<2000x2xf32>
    %broadcast_in_dim3A = arith.constant 0.000000e+00 : f32
    %broadcast_in_dim3A_14 = vector.broadcast %broadcast_in_dim3A : f32 to vector<2000x14xf32>
    %concatenate3A = tpu.concatenate %mul3A_13, %broadcast_in_dim3A_14 in 1 : vector<2000x2xf32>, vector<2000x14xf32> -> vector<2000x16xf32>
    %swap3A_15 = arith.constant 0 : index
    %swap3A_16 = arith.constant 0 : index
    %swap3A_17 = vector.load %arg5[%swap3A_15, %swap3A_16] : memref<2000x16xf32, #tpu.memory_space<vmem>>, vector<2000x16xf32>
    tpu.vector_store %arg5[%swap3A_15, %swap3A_16], %concatenate3A {strides = array<i32>} : memref<2000x16xf32, #tpu.memory_space<vmem>>, vector<2000x16xf32>,
    return
  }
  func.func @transform_0(%arg0: i32) -> (i32, i32) {
    %c0_i32 = arith.constant 0 : i32
    %c0_i32_0 = arith.constant 0 : i32
    return %arg0, %c0_i32 : i32, i32
  }
  func.func @transform_1(%arg0: i32) -> (i32, i32) {
    %c0_i32 = arith.constant 0 : i32
    %c0_i32_0 = arith.constant 0 : i32
    return %arg0, %c0_i32 : i32, i32
  }
  func.func @transform_2(%arg0: i32) -> (i32, i32) {
    %c0_i32 = arith.constant 0 : i32
    %c0_i32_0 = arith.constant 0 : i32
    return %arg0, %c0_i32 : i32, i32
  }
  func.func @transform_3(%arg0: i32) -> (i32, i32) {
    %c0_i32 = arith.constant 0 : i32
    %c0_i32_0 = arith.constant 0 : i32
    return %arg0, %c0_i32 : i32, i32
  }
  func.func @transform_4(%arg0: i32) -> (i32, i32) {
    %c0_i32 = arith.constant 0 : i32
    %c0_i32_0 = arith.constant 0 : i32
    return %arg0, %c0_i32 : i32, i32
  }
}

module attributes {stable_mosaic.version = 14 : i64} {
  func.func @_h1_body(%arg0: i32, %arg1: i32, %arg2: memref<2000x2xf32, #tpu.memory_space<vmem>>, %arg3: memref<2000x2xf32, #tpu.memory_space<vmem>>, %arg4: memref<2000x2xf32, #tpu.memory_space<vmem>>, %arg5: memref<2000x1xf32, #tpu.memory_space<vmem>>, %arg6: memref<2x32xf32, #tpu.memory_space<vmem>>, %arg7: memref<1x32xf32, #tpu.memory_space<vmem>>, %arg8: memref<2000x32xf32, #tpu.memory_space<vmem>>, %arg9: memref<2000x16xf32, #tpu.memory_space<vmem>>) attributes {dimension_semantics = [#tpu.dimension_semantics<arbitrary>, #tpu.dimension_semantics<arbitrary>], iteration_bounds = array<i64: 2, 50>, scalar_prefetch = 0 : i64, scratch_operands = 0 : i64, tpu.core_type = #tpu.core_type<tc>, window_params = [{transform_indices = @transform_0, window_bounds = array<i64: 2000, 2>}, {transform_indices = @transform_1, window_bounds = array<i64: 2000, 2>}, {transform_indices = @transform_2, window_bounds = array<i64: 2000, 2>}, {transform_indices = @transform_3, window_bounds = array<i64: 2000, 1>}, {pipeline_mode = #tpu.pipeline_mode<synchronous>, transform_indices = @transform_4, window_bounds = array<i64: 2, 32>}, {pipeline_mode = #tpu.pipeline_mode<synchronous>, transform_indices = @transform_5, window_bounds = array<i64: 1, 32>}, {transform_indices = @transform_6, window_bounds = array<i64: 2000, 32>}, {transform_indices = @transform_7, window_bounds = array<i64: 2000, 16>}]} {
    %get3A = arith.constant 0 : index
    %get3A_0 = arith.constant 0 : index
    %get3A_1 = vector.load %arg5[%get3A, %get3A_0] : memref<2000x1xf32, #tpu.memory_space<vmem>>, vector<2000x1xf32>
    %get3A_2 = arith.constant 0 : index
    %get3A_3 = arith.constant 0 : index
    %get3A_4 = vector.load %arg2[%get3A_2, %get3A_3] : memref<2000x2xf32, #tpu.memory_space<vmem>>, vector<2000x2xf32>
    %get3A_5 = arith.constant 0 : index
    %get3A_6 = arith.constant 0 : index
    %get3A_7 = vector.load %arg3[%get3A_5, %get3A_6] : memref<2000x2xf32, #tpu.memory_space<vmem>>, vector<2000x2xf32>
    %add3A = arith.addf %get3A_4, %get3A_7 : vector<2000x2xf32>
    %get3A_8 = arith.constant 0 : index
    %get3A_9 = arith.constant 0 : index
    %get3A_10 = vector.load %arg4[%get3A_8, %get3A_9] : memref<2000x2xf32, #tpu.memory_space<vmem>>, vector<2000x2xf32>
    %add3A_11 = arith.addf %add3A, %get3A_10 : vector<2000x2xf32>
    %mul3A = vector.broadcast %get3A_1 : vector<2000x1xf32> to vector<2000x2xf32>
    %mul3A_12 = arith.mulf %mul3A, %add3A_11 : vector<2000x2xf32>
    %get3A_13 = arith.constant 0 : index
    %get3A_14 = arith.constant 0 : index
    %get3A_15 = vector.load %arg6[%get3A_13, %get3A_14] : memref<2x32xf32, #tpu.memory_space<vmem>>, vector<2x32xf32>
    %slice3A = vector.extract_strided_slice %mul3A_12 {offsets = [0, 0], sizes = [2000, 1], strides = [1, 1]} : vector<2000x2xf32> to vector<2000x1xf32>
    %slice3A_16 = vector.extract_strided_slice %get3A_15 {offsets = [0, 0], sizes = [1, 32], strides = [1, 1]} : vector<2x32xf32> to vector<1x32xf32>
    %mul3A_17 = vector.broadcast %slice3A : vector<2000x1xf32> to vector<2000x32xf32>
    %mul3A_18 = vector.broadcast %slice3A_16 : vector<1x32xf32> to vector<2000x32xf32>
    %mul3A_19 = arith.mulf %mul3A_17, %mul3A_18 : vector<2000x32xf32>
    %slice3A_20 = vector.extract_strided_slice %mul3A_12 {offsets = [0, 1], sizes = [2000, 1], strides = [1, 1]} : vector<2000x2xf32> to vector<2000x1xf32>
    %slice3A_21 = vector.extract_strided_slice %get3A_15 {offsets = [1, 0], sizes = [1, 32], strides = [1, 1]} : vector<2x32xf32> to vector<1x32xf32>
    %mul3A_22 = vector.broadcast %slice3A_20 : vector<2000x1xf32> to vector<2000x32xf32>
    %mul3A_23 = vector.broadcast %slice3A_21 : vector<1x32xf32> to vector<2000x32xf32>
    %mul3A_24 = arith.mulf %mul3A_22, %mul3A_23 : vector<2000x32xf32>
    %add3A_25 = arith.addf %mul3A_19, %mul3A_24 : vector<2000x32xf32>
    %get3A_26 = arith.constant 0 : index
    %get3A_27 = arith.constant 0 : index
    %get3A_28 = vector.load %arg7[%get3A_26, %get3A_27] : memref<1x32xf32, #tpu.memory_space<vmem>>, vector<1x32xf32>
    %add3A_29 = vector.broadcast %get3A_28 : vector<1x32xf32> to vector<2000x32xf32>
    %add3A_30 = arith.addf %add3A_25, %add3A_29 : vector<2000x32xf32>
    %max3A = arith.constant 0.000000e+00 : f32
    %max3A_31 = vector.broadcast %max3A : f32 to vector<2000x32xf32>
    %max3A_32 = arith.maximumf %add3A_30, %max3A_31 : vector<2000x32xf32>
    %mul3A_33 = vector.broadcast %get3A_1 : vector<2000x1xf32> to vector<2000x32xf32>
    %mul3A_34 = arith.mulf %mul3A_33, %max3A_32 : vector<2000x32xf32>
    %swap3A = arith.constant 0 : index
    %swap3A_35 = arith.constant 0 : index
    %swap3A_36 = vector.load %arg8[%swap3A, %swap3A_35] : memref<2000x32xf32, #tpu.memory_space<vmem>>, vector<2000x32xf32>
    tpu.vector_store %arg8[%swap3A, %swap3A_35], %mul3A_34 {strides = array<i32>} : memref<2000x32xf32, #tpu.memory_space<vmem>>, vector<2000x32xf32>,
    %eq3A = arith.constant 0 : i32
    %eq3A_37 = arith.cmpi eq, %arg0, %eq3A : i32
    %slice3A_38 = vector.extract_strided_slice %mul3A_34 {offsets = [0, 0], sizes = [2000, 16], strides = [1, 1]} : vector<2000x32xf32> to vector<2000x16xf32>
    %slice3A_39 = vector.extract_strided_slice %mul3A_34 {offsets = [0, 16], sizes = [2000, 16], strides = [1, 1]} : vector<2000x32xf32> to vector<2000x16xf32>
    %select_n3A = arith.select %eq3A_37, %slice3A_38, %slice3A_39 : vector<2000x16xf32>
    %swap3A_40 = arith.constant 0 : index
    %swap3A_41 = arith.constant 0 : index
    %swap3A_42 = vector.load %arg9[%swap3A_40, %swap3A_41] : memref<2000x16xf32, #tpu.memory_space<vmem>>, vector<2000x16xf32>
    tpu.vector_store %arg9[%swap3A_40, %swap3A_41], %select_n3A {strides = array<i32>} : memref<2000x16xf32, #tpu.memory_space<vmem>>, vector<2000x16xf32>,
    return
  }
  func.func @transform_0(%arg0: i32, %arg1: i32) -> (i32, i32) {
    %c0_i32 = arith.constant 0 : i32
    %c0_i32_0 = arith.constant 0 : i32
    return %arg1, %c0_i32 : i32, i32
  }
  func.func @transform_1(%arg0: i32, %arg1: i32) -> (i32, i32) {
    %c0_i32 = arith.constant 0 : i32
    %c0_i32_0 = arith.constant 0 : i32
    return %arg1, %c0_i32 : i32, i32
  }
  func.func @transform_2(%arg0: i32, %arg1: i32) -> (i32, i32) {
    %c0_i32 = arith.constant 0 : i32
    %c0_i32_0 = arith.constant 0 : i32
    return %arg1, %c0_i32 : i32, i32
  }
  func.func @transform_3(%arg0: i32, %arg1: i32) -> (i32, i32) {
    %c0_i32 = arith.constant 0 : i32
    %c0_i32_0 = arith.constant 0 : i32
    return %arg1, %c0_i32 : i32, i32
  }
  func.func @transform_4(%arg0: i32, %arg1: i32) -> (i32, i32) {
    %c0_i32 = arith.constant 0 : i32
    %c0_i32_0 = arith.constant 0 : i32
    %c0_i32_1 = arith.constant 0 : i32
    return %c0_i32, %c0_i32_0 : i32, i32
  }
  func.func @transform_5(%arg0: i32, %arg1: i32) -> (i32, i32) {
    %c0_i32 = arith.constant 0 : i32
    %c0_i32_0 = arith.constant 0 : i32
    %c0_i32_1 = arith.constant 0 : i32
    return %c0_i32, %c0_i32_0 : i32, i32
  }
  func.func @transform_6(%arg0: i32, %arg1: i32) -> (i32, i32) {
    %c0_i32 = arith.constant 0 : i32
    %c0_i32_0 = arith.constant 0 : i32
    return %arg1, %c0_i32 : i32, i32
  }
  func.func @transform_7(%arg0: i32, %arg1: i32) -> (i32, i32) {
    %mul3A = arith.constant 50 : i32
    %mul3A_0 = arith.muli %arg0, %mul3A : i32
    %add3A = arith.addi %mul3A_0, %arg1 : i32
    %c0_i32 = arith.constant 0 : i32
    %c0_i32_1 = arith.constant 0 : i32
    return %add3A, %c0_i32 : i32, i32
  }
}

module attributes {stable_mosaic.version = 14 : i64} {
  func.func @_head_body(%arg0: i32, %arg1: memref<2000x16xf32, #tpu.memory_space<vmem>>, %arg2: memref<2000x16xf32, #tpu.memory_space<vmem>>, %arg3: memref<2000x32xf32, #tpu.memory_space<vmem>>, %arg4: memref<2000x1xf32, #tpu.memory_space<vmem>>, %arg5: memref<32x32xf32, #tpu.memory_space<vmem>>, %arg6: memref<1x32xf32, #tpu.memory_space<vmem>>, %arg7: memref<32x1xf32, #tpu.memory_space<vmem>>, %arg8: memref<1x1xf32, #tpu.memory_space<vmem>>, %arg9: memref<2000x1xf32, #tpu.memory_space<vmem>>) attributes {dimension_semantics = [#tpu.dimension_semantics<arbitrary>], iteration_bounds = array<i64: 50>, scalar_prefetch = 0 : i64, scratch_operands = 0 : i64, tpu.core_type = #tpu.core_type<tc>, window_params = [{transform_indices = @transform_0, window_bounds = array<i64: 2000, 16>}, {transform_indices = @transform_1, window_bounds = array<i64: 2000, 16>}, {transform_indices = @transform_2, window_bounds = array<i64: 2000, 32>}, {transform_indices = @transform_3, window_bounds = array<i64: 2000, 1>}, {pipeline_mode = #tpu.pipeline_mode<synchronous>, transform_indices = @transform_4, window_bounds = array<i64: 32, 32>}, {pipeline_mode = #tpu.pipeline_mode<synchronous>, transform_indices = @transform_5, window_bounds = array<i64: 1, 32>}, {pipeline_mode = #tpu.pipeline_mode<synchronous>, transform_indices = @transform_6, window_bounds = array<i64: 32, 1>}, {pipeline_mode = #tpu.pipeline_mode<synchronous>, transform_indices = @transform_7, window_bounds = array<i64: 1, 1>}, {transform_indices = @transform_8, window_bounds = array<i64: 2000, 1>}]} {
    %get3A = arith.constant 0 : index
    %get3A_0 = arith.constant 0 : index
    %get3A_1 = vector.load %arg1[%get3A, %get3A_0] : memref<2000x16xf32, #tpu.memory_space<vmem>>, vector<2000x16xf32>
    %get3A_2 = arith.constant 0 : index
    %get3A_3 = arith.constant 0 : index
    %get3A_4 = vector.load %arg2[%get3A_2, %get3A_3] : memref<2000x16xf32, #tpu.memory_space<vmem>>, vector<2000x16xf32>
    %concatenate3A = tpu.concatenate %get3A_1, %get3A_4 in 1 : vector<2000x16xf32>, vector<2000x16xf32> -> vector<2000x32xf32>
    %get3A_5 = arith.constant 0 : index
    %get3A_6 = arith.constant 0 : index
    %get3A_7 = vector.load %arg3[%get3A_5, %get3A_6] : memref<2000x32xf32, #tpu.memory_space<vmem>>, vector<2000x32xf32>
    %add3A = arith.addf %concatenate3A, %get3A_7 : vector<2000x32xf32>
    %get3A_8 = arith.constant 0 : index
    %get3A_9 = arith.constant 0 : index
    %get3A_10 = vector.load %arg4[%get3A_8, %get3A_9] : memref<2000x1xf32, #tpu.memory_space<vmem>>, vector<2000x1xf32>
    %mul3A = vector.broadcast %get3A_10 : vector<2000x1xf32> to vector<2000x32xf32>
    %mul3A_11 = arith.mulf %mul3A, %add3A : vector<2000x32xf32>
    %get3A_12 = arith.constant 0 : index
    %get3A_13 = arith.constant 0 : index
    %get3A_14 = vector.load %arg5[%get3A_12, %get3A_13] : memref<32x32xf32, #tpu.memory_space<vmem>>, vector<32x32xf32>
    %dot_general3A = arith.constant dense<0.000000e+00> : vector<2000x32xf32>
    %dot_general3A_15 = tpu.matmul %mul3A_11, %get3A_14, %dot_general3A {dimension_numbers = #tpu.dot_dimension_numbers<[1], [0], [0], [1], [0, 0, 1, 1], [], []>, transpose_lhs_hint = false} : vector<2000x32xf32>, vector<32x32xf32>, vector<2000x32xf32> -> vector<2000x32xf32>
    %get3A_16 = arith.constant 0 : index
    %get3A_17 = arith.constant 0 : index
    %get3A_18 = vector.load %arg6[%get3A_16, %get3A_17] : memref<1x32xf32, #tpu.memory_space<vmem>>, vector<1x32xf32>
    %add3A_19 = vector.broadcast %get3A_18 : vector<1x32xf32> to vector<2000x32xf32>
    %add3A_20 = arith.addf %dot_general3A_15, %add3A_19 : vector<2000x32xf32>
    %max3A = arith.constant 0.000000e+00 : f32
    %max3A_21 = vector.broadcast %max3A : f32 to vector<2000x32xf32>
    %max3A_22 = arith.maximumf %add3A_20, %max3A_21 : vector<2000x32xf32>
    %get3A_23 = arith.constant 0 : index
    %get3A_24 = arith.constant 0 : index
    %get3A_25 = vector.load %arg7[%get3A_23, %get3A_24] : memref<32x1xf32, #tpu.memory_space<vmem>>, vector<32x1xf32>
    %dot_general3A_26 = arith.constant dense<0.000000e+00> : vector<2000x1xf32>
    %dot_general3A_27 = tpu.matmul %max3A_22, %get3A_25, %dot_general3A_26 {dimension_numbers = #tpu.dot_dimension_numbers<[1], [0], [0], [1], [0, 0, 1, 1], [], []>, transpose_lhs_hint = false} : vector<2000x32xf32>, vector<32x1xf32>, vector<2000x1xf32> -> vector<2000x1xf32>
    %get3A_28 = arith.constant 0 : index
    %get3A_29 = arith.constant 0 : index
    %get3A_30 = vector.load %arg8[%get3A_28, %get3A_29] : memref<1x1xf32, #tpu.memory_space<vmem>>, vector<1x1xf32>
    %add3A_31 = vector.broadcast %get3A_30 : vector<1x1xf32> to vector<2000x1xf32>
    %add3A_32 = arith.addf %dot_general3A_27, %add3A_31 : vector<2000x1xf32>
    %logistic3A = arith.negf %add3A_32 : vector<2000x1xf32>
    %logistic3A_33 = math.exp %logistic3A : vector<2000x1xf32>
    %logistic3A_34 = arith.constant 1.000000e+00 : f32
    %logistic3A_35 = vector.broadcast %logistic3A_34 : f32 to vector<2000x1xf32>
    %logistic3A_36 = arith.addf %logistic3A_35, %logistic3A_33 : vector<2000x1xf32>
    %logistic3A_37 = arith.divf %logistic3A_35, %logistic3A_36 : vector<2000x1xf32>
    %swap3A = arith.constant 0 : index
    %swap3A_38 = arith.constant 0 : index
    %swap3A_39 = vector.load %arg9[%swap3A, %swap3A_38] : memref<2000x1xf32, #tpu.memory_space<vmem>>, vector<2000x1xf32>
    tpu.vector_store %arg9[%swap3A, %swap3A_38], %logistic3A_37 {strides = array<i32>} : memref<2000x1xf32, #tpu.memory_space<vmem>>, vector<2000x1xf32>,
    return
  }
  func.func @transform_0(%arg0: i32) -> (i32, i32) {
    %c0_i32 = arith.constant 0 : i32
    %c0_i32_0 = arith.constant 0 : i32
    return %arg0, %c0_i32 : i32, i32
  }
  func.func @transform_1(%arg0: i32) -> (i32, i32) {
    %c0_i32 = arith.constant 0 : i32
    %c0_i32_0 = arith.constant 0 : i32
    return %arg0, %c0_i32 : i32, i32
  }
  func.func @transform_2(%arg0: i32) -> (i32, i32) {
    %c0_i32 = arith.constant 0 : i32
    %c0_i32_0 = arith.constant 0 : i32
    return %arg0, %c0_i32 : i32, i32
  }
  func.func @transform_3(%arg0: i32) -> (i32, i32) {
    %c0_i32 = arith.constant 0 : i32
    %c0_i32_0 = arith.constant 0 : i32
    return %arg0, %c0_i32 : i32, i32
  }
  func.func @transform_4(%arg0: i32) -> (i32, i32) {
    %c0_i32 = arith.constant 0 : i32
    %c0_i32_0 = arith.constant 0 : i32
    %c0_i32_1 = arith.constant 0 : i32
    return %c0_i32, %c0_i32_0 : i32, i32
  }
  func.func @transform_5(%arg0: i32) -> (i32, i32) {
    %c0_i32 = arith.constant 0 : i32
    %c0_i32_0 = arith.constant 0 : i32
    %c0_i32_1 = arith.constant 0 : i32
    return %c0_i32, %c0_i32_0 : i32, i32
  }
  func.func @transform_6(%arg0: i32) -> (i32, i32) {
    %c0_i32 = arith.constant 0 : i32
    %c0_i32_0 = arith.constant 0 : i32
    %c0_i32_1 = arith.constant 0 : i32
    return %c0_i32, %c0_i32_0 : i32, i32
  }
  func.func @transform_7(%arg0: i32) -> (i32, i32) {
    %c0_i32 = arith.constant 0 : i32
    %c0_i32_0 = arith.constant 0 : i32
    %c0_i32_1 = arith.constant 0 : i32
    return %c0_i32, %c0_i32_0 : i32, i32
  }
  func.func @transform_8(%arg0: i32) -> (i32, i32) {
    %c0_i32 = arith.constant 0 : i32
    %c0_i32_0 = arith.constant 0 : i32
    return %arg0, %c0_i32 : i32, i32
  }
}

</mosaic_0001>

<sc_bundles>
// kernel: kernel.11.cloned.1.call-start
scs
__scs_entry_jumppad:
0x0: {  	(pc) =	sbr.rel $0x88, $3  }
0x1: {  	(tag) =	ssettag $0x0;
	lr =	simm.s32 $0x1  }
0x2: {  	[smem:$0x3F99] =	sst lr;
	_ =	strace $0xD0000000  }
0x3: {  	_ = 	snop  }
0x4: {  	_ = 	snop  }
0x5: {  	_ = 	snop  }
0x6: {  	_ = 	snop  }
0x7: {  	_ = 	snop  }
__scs_overlays_trampoline_lowered:
0x8: {  	[smem:$0x3FA8] =	sst s0  }
0x9: {  	[smem:$0x3FA9] =	sst s1  }
0xa: {  	[smem:$0x3FAA] =	sst s2  }
0xb: {  	[smem:$0x3FAB] =	sst s3  }
0xc: {  	[smem:$0x3FAC] =	sst s4  }
0xd: {  	[smem:$0x3FAD] =	sst s5  }
0xe: {  	[smem:$0x3FAE] =	sst s6  }
0xf: {  	[smem:$0x3FAF] =	sst s7  }
0x10: {  	[smem:$0x3FB0] =	sst s8  }
0x11: {  	[smem:$0x3FB1] =	sst s9;
	s0 =	simm.s32 @!p0 $0x0  }
0x12: {  	s1 =	sld [smem:$0x3F97];
	s0 =	simm.s32 @p0 $0x1  }
0x13: {  	[smem:$0x3FB2] =	sst s0;
	s0 =	simm.s32 @!p1 $0x0  }
0x14: {  	s2 =	sld [smem:$0x3F96];
	s0 =	simm.s32 @p1 $0x1  }
0x15: {  	[smem:$0x3FB3] =	sst s0;
	s0 =	simm.s32 @!p2 $0x0  }
0x16: {  	s3 =	sld [smem:$0x3FDB];
	s0 =	simm.s32 @p2 $0x1  }
0x17: {  	s4 =	simm.s32 $0x1BF5;
	[smem:$0x3FB5] =	sst s0  }
0x18: {  	s0 =	sld [smem:$0x3F98];
	_ =	swait.ge [sflag:s4], $0x0  }
0x19: {  	s7 =	sld [smem:$0x3F99]  }
0x1a: {  	s8 =	sadd.s32 $0xFFFFE003, lr  }
0x1b: {  	s9 =	sadd.s32 $0xFFFFFEF7, lr;
	s5 =	simm.s32 $0xFFFFFFFF;
	p2 =	slt.u32 s8, $0xFFFFF086  }
0x1c: {  	p1 =	slt.u32 s9, $0xF7A;
	s5 =	simm.s32 @!p2 $0x0  }
0x1d: {  	s5 =	simm.s32 @p1 $0x1;
	p0 =	seq.s32 s7, s2  }
0x1e: {  	s7 =	smul.u32 @!p0 $0xF7A, s2;
	p2 =	seq.s32 @!p0 s5, $0x0  }
0x1f: {  	s9 =	smul.u32 $0xF7A, s1;
	s8 =	simm.s32 @!p0 $0x1BF5;
	p2 =	por !p2, p0  }
0x20: {  	[sflag:s8] =	ssyncset.s32 @!p0 $0xFFFFF086;
	s6 =	sadd.s32 @!p0 s3, s7;
	s7 =	simm.s32 @!p0 $0x108  }
0x21: {  	s3 =	sadd.s32 s3, s9;
	s6 =	sadd.s32 @!p0 $0x88, s6;
	s7 =	simm.s32 @p2 $0x1082  }
0x22: {  	[simem:s7], [sflag:s8] =	dma.local @!p0 [hbm:s6], $0xF7A  }
0x23: {  	s9 =	sor.u32 $0xD0000000, s2;
	s6 =	simm.s32 $0x108;
	_ =	swait.ge @!p0 [sflag:s8], $0x0  }
0x24: {  	s3 =	sadd.s32 $0x88, s3;
	s6 =	simm.s32 @!p1 $0x1082;
	[sflag:s4] =	ssyncset.s32 $0xFFFFF086  }
0x25: {  	[simem:s6], [sflag:s4] =	dma.local [hbm:s3], $0xF7A  }
0x26: {  	[smem:$0x3F99] =	sst s1;
	(tag) =	ssettag s2;
	_ =	strace s9  }
0x27: {  	s1 =	sld [smem:$0x3FA9]  }
0x28: {  	s2 =	sld [smem:$0x3FAA]  }
0x29: {  	s4 =	sld [smem:$0x3FAC]  }
0x2a: {  	p0 =	seq.s32 s5, $0x0;
	s5 =	sld [smem:$0x3FAD]  }
0x2b: {  	s6 =	sld [smem:$0x3FAE]  }
0x2c: {  	s7 =	sld [smem:$0x3FAF]  }
0x2d: {  	s3 =	simm.s32 $0x108;
	s8 =	sld [smem:$0x3FB0]  }
0x2e: {  	s3 =	simm.s32 @!p0 $0x1082;
	s9 =	sld [smem:$0x3FB1]  }
0x2f: {  	lr =	sadd.s32 s0, s3;
	s0 =	sld [smem:$0x3FA8]  }
0x30: {  	s3 =	sld [smem:$0x3FAB]  }
0x31: {  	[smem:$0x3FB4] =	sst s10  }
0x32: {  	s10 =	sld [smem:$0x3FB2];
	_ =	sdelay $0x3  }
0x33: {  	p0 =	seq.s32 s10, $0x1;
	s10 =	sld [smem:$0x3FB4];
	_ =	sdelay $0x3  }
0x34: {  	[smem:$0x3FB4] =	sst s10  }
0x35: {  	s10 =	sld [smem:$0x3FB3];
	_ =	sdelay $0x3  }
0x36: {  	p1 =	seq.s32 s10, $0x1;
	s10 =	sld [smem:$0x3FB4];
	_ =	sdelay $0x3  }
0x37: {  	[smem:$0x3FB4] =	sst s10  }
0x38: {  	s10 =	sld [smem:$0x3FB5]  }
0x39: {  	_ = 	snop;
	(pc) =	sbr.ind lr, $3  }
0x3a: {  	_ = 	snop  }
0x3b: {  	_ = 	snop  }
0x3c: {  	p2 =	seq.s32 s10, $0x1;
	s10 =	sld [smem:$0x3FB4]  }
0x3d: {  	_ =	shalt  }
0x3e: {  	_ =	shalt  }
0x3f: {  	_ =	shalt  }
0x40: {  	_ =	shalt  }
0x41: {  	_ =	shalt  }
0x42: {  	_ =	shalt  }
0x43: {  	_ =	shalt  }
0x44: {  	_ =	shalt  }
0x45: {  	_ =	shalt  }
0x46: {  	_ =	shalt  }
0x47: {  	_ =	shalt  }
0x48: {  	_ =	shalt  }
0x49: {  	_ =	shalt  }
0x4a: {  	_ =	shalt  }
0x4b: {  	_ =	shalt  }
0x4c: {  	_ =	shalt  }
0x4d: {  	_ =	shalt  }
0x4e: {  	_ =	shalt  }
0x4f: {  	_ =	shalt  }
0x50: {  	_ =	shalt  }
0x51: {  	_ =	shalt  }
0x52: {  	_ =	shalt  }
0x53: {  	_ =	shalt  }
0x54: {  	_ =	shalt  }
0x55: {  	_ =	shalt  }
0x56: {  	_ =	shalt  }
0x57: {  	_ =	shalt  }
0x58: {  	_ =	shalt  }
0x59: {  	_ =	shalt  }
0x5a: {  	_ =	shalt  }
0x5b: {  	_ =	shalt  }
0x5c: {  	_ =	shalt  }
0x5d: {  	_ =	shalt  }
0x5e: {  	_ =	shalt  }
0x5f: {  	_ =	shalt  }
0x60: {  	_ =	shalt  }
0x61: {  	_ =	shalt  }
0x62: {  	_ =	shalt  }
0x63: {  	_ =	shalt  }
0x64: {  	_ =	shalt  }
0x65: {  	_ =	shalt  }
0x66: {  	_ =	shalt  }
0x67: {  	_ =	shalt  }
0x68: {  	_ =	shalt  }
0x69: {  	_ =	shalt  }
0x6a: {  	_ =	shalt  }
0x6b: {  	_ =	shalt  }
0x6c: {  	_ =	shalt  }
0x6d: {  	_ =	shalt  }
0x6e: {  	_ =	shalt  }
0x6f: {  	_ =	shalt  }
0x70: {  	_ =	shalt  }
0x71: {  	_ =	shalt  }
0x72: {  	_ =	shalt  }
0x73: {  	_ =	shalt  }
0x74: {  	_ =	shalt  }
0x75: {  	_ =	shalt  }
0x76: {  	_ =	shalt  }
0x77: {  	_ =	shalt  }
0x78: {  	_ =	shalt  }
0x79: {  	_ =	shalt  }
0x7a: {  	_ =	shalt  }
0x7b: {  	_ =	shalt  }
0x7c: {  	_ =	shalt  }
0x7d: {  	_ =	shalt  }
0x7e: {  	_ =	shalt  }
0x7f: {  	_ =	shalt  }
0x80: {  	_ =	shalt  }
0x81: {  	_ =	shalt  }
0x82: {  	_ =	shalt  }
0x83: {  	_ =	shalt  }
0x84: {  	_ =	shalt  }
0x85: {  	_ =	shalt  }
0x86: {  	_ =	shalt  }
0x87: {  	_ =	shalt  }
.Lfunc_end0:
.L_simem_size_0:
called_computation.1_lowered:
.L_overlay_start_0:
0x88: {  	s2 =	sld [smem:$0x3FD9]  }
0x89: {  	s3 =	sld [smem:$0x3FFE];
	_ =	sdelay $0x1  }
0x8a: {  	s1 =	srdreg.scid  }
0x8b: {  	s0 =	sand.u32 $0x1, s1  }
0x8c: {  	s16 =	sshll.u32 s0, $0xA;
	s2 =	sadd.s32 s3, s2  }
0x8d: {  	s2 =	sadd.s32 s2, s16  }
0x8e: {  	[smem:$0x3FC0] =	sst s2  }
0x8f: {  	_ = 	snop  }
0x90: {  	(tm) =	ssettm $0x1  }
0x91: {  	s17 =	sld [smem:$0x3FFB];
	_ =	sdelay $0x3  }
0x92: {  	_ =	strace s17  }
0x93: {  	s2 =	sld [smem:$0x3FFC];
	_ =	sdelay $0x3  }
0x94: {  	_ =	strace s2  }
0x95: {  	s2 =	sld [smem:$0x3FFD];
	_ =	sdelay $0x3  }
0x96: {  	_ =	strace s2  }
0x97: {  	_ =	strace $0x8FFFFFFF  }
0x98: {  	s18 =	sld [smem:$0x3FDB];
	_ =	sdelay $0x1  }
0x99: {  	s19 =	simm.s32 $_scs_section_size  }
0x9a: {  	s4 =	simm.s32 $_size__tile_overlayer_lowered;
	s5 =	simm.s32 $_tile_overlayer_lowered  }
0x9b: {  	s22 =	simm.s32 $0x1BFF;
	s21 =	sshll.u32 s5, $0x1;
	s2 =	sadd.s32 s19, s18  }
0x9c: {  	s6 =	simm.s32 $0x0;
	s20 =	sshll.u32 s4, $0x1;
	s4 =	sadd.s32 s21, s2  }
0x9d: {  	[timem:s6], [sflag:s22] =	dma.local [hbm:s4], s20  }
0x9e: {  	_ =	swait.ge [sflag:s22], s20  }
0x9f: {  	s3 =	ssub.s32 $0x0, s20;
	[sflag:s22] =	ssyncset.done $0x0  }
0xa0: {  	[sflag:s22] =	ssyncadd.s32 s3;
	_ =	sdelay $0x1  }
0xa1: {  	s23 =	simm.s32 $0x1B8B  }
0xa2: {  	_ =	swait.ge [sflag:s23], $0x1  }
0xa3: {  	[sflag:s23] =	ssyncset.done $0x0  }
0xa4: {  	s25 =	simm.s32 $0x1B8E;
	s24 =	sld [smem:$0x3FFE];
	[sflag:s23] =	ssyncadd.s32 $0xFFFFFFFF  }
0xa5: {  	s26 =	simm.s32 $execute0_lowered;
	[smem:$0x3FD2] =	sst s25  }
0xa6: {  	s4 =	sshll.u32 s26, $0x1;
	_ =	strace $0x80000049;
	[dreg:$0x1] =	wrdreg $0xFFFFFFFF  }
0xa7: {  	s28 =	simm.s32 $_size_execute0_lowered;
	s2 =	sadd.s32 s2, s4;
	[dreg:$0x0] =	wrdreg $0x0  }
0xa8: {  	s4 =	sshll.u32 s28, $0x1;
	[dreg:$0x2] =	wrdreg s2  }
0xa9: {  	[dreg:$0x3] =	wrdreg s4  }
0xaa: {  	[dreg:$0x4] =	wrdreg $0xC0  }
0xab: {  	_ =	task [dreg:s6], $0x5FFFF  }
0xac: {  	[dreg:$0x1] =	wrdreg $0xFFFFFFFF  }
0xad: {  	[dreg:$0x0] =	wrdreg $0x60  }
0xae: {  	[dreg:$0x2] =	wrdreg s24  }
0xaf: {  	[dreg:$0x3] =	wrdreg $0x10E00  }
0xb0: {  	[dreg:$0x4] =	wrdreg $0x9  }
0xb1: {  	_ =	task.clear_ibuf [dreg:s6], $0x5FFFF;
	_ =	strace $0x90000049  }
0xb2: {  	s29 =	simm.s32 $0x9;
	_ =	strace $0x8000004B  }
0xb3: {  	_ =	swait.ge [sflag:s29], $0x1  }
0xb4: {  	[sflag:s29] =	ssyncadd.s32 $0xFFFFFFFF  }
0xb5: {  	_ =	strace $0x9000004B  }
0xb6: {  	_ =	sfence  }
0xb7: {  	s30 =	sld [smem:$0x0];
	_ =	sdelay $0x2  }
0xb8: {  	s31 =	sshll.u32 s1, $0xD;
	s1 =	sshrl.u32 s1, $0x2  }
0xb9: {  	s3 =	sand.u32 $0x4000, s31;
	s1 =	sadd.s32 s1, s30  }
0xba: {  	s0 =	sor.u32 s3, s0;
	s1 =	sshll.u32 s1, $0x11  }
0xbb: {  	s0 =	sor.u32 s1, s0  }
0xbc: {  	s0 =	sadd.s32 $0x8F2B, s0  }
0xbd: {  	[sflag:s0] =	ssyncadd.remote.s32 $0x1  }
0xbe: {  	_ =	sfence.sel $0xFFFF  }
0xbf: {  	[dreg:$0x0] =	wrdreg $0xFFFFFFFF;
	(pc) =	sbr.abs _section_cstart, $3  }
0xc0: {  	[dreg:$0x1] =	wrdreg $0xFFFFFFFF  }
0xc1: {  	_ =	task.clear_ibuf [dreg:s6], $0x2FFFF;
	_ =	strace $0x9FFFFFFF  }
0xc2: {  	(tm) =	ssettm $0x7FFFFFFF  }
0xc3: {  	_ =	shalt  }
tec
execute0_lowered:
.L_overlay_start_1:
0x0: {  	(tag) =	ssettag $0x1  }
0x1: {  	s0 =	rddreg [dreg:$0x0]  }
0x2: {  	s1 =	rddreg [dreg:$0x1]  }
0x3: {  	s2 =	simm.s32 $0x0;
	s3 =	srdreg.scid;
	s13 =	stileid.u32  }
0x4: {  	s28 =	simm.s32 $0xF0;
	s29 =	simm.s32 $0x1;
	s30 =	simm.s32 $0x1E0  }
0x5: {  	s31 =	simm.s32 $0x140;
	[smem:$0x7FF] =	sst s2;
	s5 =	sadd.s32 $0x65000, s0  }
0x6: {  	s3 =	sand.u32 $0x1, s3;
	s7 =	sadd.s32 $0x3400, s0;
	s6 =	smul.u32 $0x1870, s13  }
0x7: {  	s4 =	sadd.s32 $0xC6E00, s0;
	s9 =	sadd.s32 $0xC6C00, s0;
	s8 =	sshll.u32 s3, $0x4  }
0x8: {  	s0 =	sadd.s32 $0xF7C00, s0;
	_ =	strace $0x8000004A;
	s8 =	sor.u32 s13, s8  }
0x9: {  	[dreg:$0x3] =	wrdreg s9;
	s25 =	ssub.s32 $0x2, s3;
	s8 =	smul.u32 $0x186A0, s8  }
0xa: {  	s18 =	smul.u32 $0x186A00, s3;
	s10 =	sadd.s32 $0x1860, s6;
	s26 =	sshrl.u32 s25, $0x1  }
0xb: {  	s11 =	sshll.u32 s10, $0x4;
	s9 =	ssub.s32 s25, s26;
	s8 =	sshrl.u32 s8, $0x3  }
0xc: {  	s26 =	smul.u32 $0x30E0, s13;
	s6 =	sadd.s32 s11, s1;
	s12 =	sadd.s32 s5, s8  }
0xd: {  	s14 =	sadd.s32 s7, s8;
	s15 =	sadd.s32 $0xA, s8;
	[dreg:$0x4] =	wrdreg s12  }
0xe: {  	s16 =	sadd.s32 $0x14, s8;
	[dreg:$0x5] =	wrdreg s14;
	s12 =	sadd.s32 s5, s15  }
0xf: {  	s8 =	sadd.s32 $0x1E, s8;
	s11 =	sadd.s32 s7, s15;
	[dreg:$0x6] =	wrdreg s12  }
0x10: {  	s14 =	smul.u32 $0x18700, s3;
	s17 =	sadd.s32 s5, s16;
	[dreg:$0x7] =	wrdreg s11  }
0x11: {  	s15 =	smul.u32 $0x186A0, s13;
	s19 =	sadd.s32 s5, s8;
	[dreg:$0x8] =	wrdreg s17  }
0x12: {  	s3 =	smul.u32 $0x30E00, s3;
	s12 =	sadd.s32 s7, s16;
	[dreg:$0xa] =	wrdreg s19  }
0x13: {  	s16 =	smul.u32 $0x61C00, s13;
	[dreg:$0x9] =	wrdreg s12;
	s10 =	sadd.s32 s14, s10  }
0x14: {  	s14 =	sadd.s32 s7, s8;
	s21 =	sadd.s32 s15, s18;
	s8 =	simm.s32 $0x4  }
0x15: {  	s20 =	sshll.u32 s10, $0x1;
	s22 =	sshrl.u32 s16, $0x2;
	s17 =	sadd.s32 $0x190, s21  }
0x16: {  	s16 =	smax.u32 s9, $0x1;
	s24 =	sadd.s32 $0x140, s21;
	s9 =	simm.s32 $0x0  }
0x17: {  	s15 =	sadd.s32 s0, s20;
	s11 =	sadd.s32 s22, s1;
	s23 =	sshrl.u32 s17, $0x3  }
0x18: {  	s25 =	sshrl.u32 s24, $0x3;
	s0 =	sadd.s32 s3, s0;
	s24 =	simm.s32 $0x5  }
0x19: {  	s3 =	simm.s32 $0x6E0;
	s18 =	sadd.s32 s23, s7;
	s19 =	sadd.s32 s23, s5  }
0x1a: {  	s20 =	sadd.s32 s25, s7;
	s21 =	sadd.s32 s25, s5;
	s22 =	sadd.s32 s26, s0  }
0x1b: {  	s23 =	simm.s32 $0xBE0;
	s25 =	simm.s32 $0xA0;
	s26 =	simm.s32 $0x50  }
0x1c: {  	s0 =	simm.s32 $0x2;
	s5 =	simm.s32 $0x190;
	s7 =	simm.s32 $0x3  }
.LBB2_1:
0x1d: {  	s10 =	rddreg [dreg:$0x3]  }
0x1e: {  	[tilespmem:s23], [sflag:$0x5] =	stream.linear.gather [hbm4b:s10+s2], $0x500, $0x38;
	[tilespmem:$0x197E0] =	vst v63  }
0x1f: {  	_ =	swait.ge [sflag:s24], $0x500  }
0x20: {  	[sflag:s24] =	ssyncset.done $0x0  }
0x21: {  	s17 =	sadd.s32 $0x0, s11;
	[sflag:s24] =	ssyncadd.s32 $0xFFFFFB00  }
0x22: {  	[spmem:s17] =	stream.linear.scatter [tilespmem:s23], [sflag:$0x5], $0x500, $0x38;
	[tilespmem:$0x197E0] =	vst v63  }
0x23: {  	s10 =	simm.s32 $0x1400;
	_ =	swait.ge [sflag:s24], $0x500  }
.LBB2_2:
0x24: {  	s17 =	sshra.s32 s10, $0x2;
	[sflag:s24] =	ssyncset.done $0x0;
	p0 =	sne.s32 s10, $0x60400  }
.Ltmp0:
0x25: {  	s17 =	sadd.s32 s17, s11;
	[sflag:s24] =	ssyncadd.s32 $0xFFFFFB00;
	(pc) =	sbr.rel @p0 .LBB2_2-.Ltmp0, $3  }
0x26: {  	[spmem:s17] =	stream.linear.scatter [tilespmem:s23], [sflag:$0x5], $0x500, $0x38;
	[tilespmem:$0x197E0] =	vst v63  }
0x27: {  	s10 =	sadd.s32 $0x1400, s10;
	_ =	sdelay $0x1  }
0x28: {  	_ =	swait.ge [sflag:s24], $0x500  }
0x29: {  	[sflag:s24] =	ssyncset.done $0x0  }
0x2a: {  	[sflag:s24] =	ssyncadd.s32 $0xFFFFFB00  }
0x2b: {  	[spmem:s6] =	stream.linear.scatter [tilespmem:s23], [sflag:$0x5], $0x100, $0x38;
	[tilespmem:$0x197E0] =	vst v63  }
0x2c: {  	_ =	swait.ge [sflag:s24], $0x100  }
0x2d: {  	[sflag:s24] =	ssyncset.done $0x0  }
0x2e: {  	[sflag:s24] =	ssyncadd.s32 $0xFFFFFF00  }
0x2f: {  	[bflag:$0x0] =	sbarrier.arrive $0xFFFF  }
0x30: {  	s10 =	simm.s32 $0x0;
	s12 =	rddreg [dreg:$0x4]  }
0x31: {  	[tilespmem:s10], [sflag:$0x1] =	stream.linear.gather [hbm4b:s12+s10], $0x50, $0x38;
	[tilespmem:$0x197E0] =	vst v63  }
0x32: {  	s13 =	rddreg [dreg:$0x5]  }
0x33: {  	[tilespmem:s25], [sflag:$0x1] =	stream.linear.gather [hbm4b:s13+s10], $0x50, $0x38;
	[tilespmem:$0x197E0] =	vst v63  }
0x34: {  	s17 =	rddreg [dreg:$0x6]  }
0x35: {  	[tilespmem:s26], [sflag:$0x2] =	stream.linear.gather [hbm4b:s17+s10], $0x50, $0x38;
	[tilespmem:$0x197E0] =	vst v63  }
0x36: {  	s13 =	rddreg [dreg:$0x7]  }
0x37: {  	[tilespmem:s28], [sflag:$0x2] =	stream.linear.gather [hbm4b:s13+s10], $0x50, $0x38;
	[tilespmem:$0x197E0] =	vst v63  }
0x38: {  	_ =	swait.ge [sflag:s29], $0x50  }
0x39: {  	[sflag:s29] =	ssyncset.done $0x0  }
0x3a: {  	[sflag:s29] =	ssyncadd.s32 $0xFFFFFFB0  }
0x3b: {  	_ =	swait.ge [sflag:s29], $0x50  }
0x3c: {  	[sflag:s29] =	ssyncset.done $0x0  }
0x3d: {  	[sflag:s29] =	ssyncadd.s32 $0xFFFFFFB0  }
0x3e: {  	[tilespmem:s30], [sflag:$0x5] =	stream.indirect.gather [hbm4b:s4+s26], $0x10, s10, s26, $0xb8;
	[tilespmem:$0x197E0] =	vst v63  }
0x3f: {  	_ =	swait.ge [sflag:s24], $0x500  }
0x40: {  	[sflag:s24] =	ssyncset.done $0x0  }
0x41: {  	[sflag:s24] =	ssyncadd.s32 $0xFFFFFB00  }
0x42: {  	v0 =	vld [tilespmem:$0xA0]  }
0x43: {  	v1 =	vld [tilespmem:$0xB0]  }
0x44: {  	v2 =	vld [tilespmem:$0xC0]  }
0x45: {  	v3 =	vld [tilespmem:$0xD0]  }
0x46: {  	v4 =	vld [tilespmem:$0xE0]  }
0x47: {  	[tilespmem:$0x140] =	vst v0  }
0x48: {  	[tilespmem:$0x150] =	vst v1  }
0x49: {  	[tilespmem:$0x160] =	vst v2  }
0x4a: {  	[tilespmem:$0x170] =	vst v3  }
0x4b: {  	s17 =	rddreg [dreg:$0x8];
	[tilespmem:$0x180] =	vst v4  }
0x4c: {  	[tilespmem:s10], [sflag:$0x1] =	stream.linear.gather [hbm4b:s17+s10], $0x50, $0x38;
	[tilespmem:$0x197E0] =	vst v63  }
0x4d: {  	s13 =	rddreg [dreg:$0x9]  }
0x4e: {  	[tilespmem:s25], [sflag:$0x1] =	stream.linear.gather [hbm4b:s13+s10], $0x50, $0x38;
	[tilespmem:$0x197E0] =	vst v63  }
0x4f: {  	_ = 	snop  }
0x50: {  	[spmem:s1] =	stream.indirect.scatter.add.f32 [tilespmem:s30], [sflag:$0x3], $0x10, s31, s26, $0xb8;
	[tilespmem:$0x197E0] =	vst v63  }
0x51: {  	_ =	swait.ge [sflag:s0], $0x50  }
0x52: {  	[sflag:s0] =	ssyncset.done $0x0  }
0x53: {  	[sflag:s0] =	ssyncadd.s32 $0xFFFFFFB0  }
0x54: {  	_ =	swait.ge [sflag:s0], $0x50  }
0x55: {  	[sflag:s0] =	ssyncset.done $0x0  }
0x56: {  	[sflag:s0] =	ssyncadd.s32 $0xFFFFFFB0  }
0x57: {  	[tilespmem:s3], [sflag:$0x5] =	stream.indirect.gather [hbm4b:s4+s26], $0x10, s26, s26, $0xb8;
	[tilespmem:$0x197E0] =	vst v63  }
0x58: {  	_ =	swait.ge [sflag:s24], $0x500  }
0x59: {  	[sflag:s24] =	ssyncset.done $0x0  }
0x5a: {  	[sflag:s24] =	ssyncadd.s32 $0xFFFFFB00  }
0x5b: {  	v59 =	vld [tilespmem:$0xF0]  }
0x5c: {  	v60 =	vld [tilespmem:$0x100]  }
0x5d: {  	v61 =	vld [tilespmem:$0x110]  }
0x5e: {  	v62 =	vld [tilespmem:$0x120]  }
0x5f: {  	v63 =	vld [tilespmem:$0x130]  }
0x60: {  	[tilespmem:$0x190] =	vst v59  }
0x61: {  	[tilespmem:$0x1A0] =	vst v60  }
0x62: {  	[tilespmem:$0x1B0] =	vst v61  }
0x63: {  	[tilespmem:$0x1C0] =	vst v62  }
0x64: {  	s17 =	rddreg [dreg:$0xa];
	[tilespmem:$0x1D0] =	vst v63  }
0x65: {  	[tilespmem:s26], [sflag:$0x2] =	stream.linear.gather [hbm4b:s17+s10], $0x50, $0x38;
	[tilespmem:$0x197E0] =	vst v63  }
0x66: {  	_ = 	snop  }
0x67: {  	[tilespmem:s28], [sflag:$0x2] =	stream.linear.gather [hbm4b:s14+s10], $0x50, $0x38;
	[tilespmem:$0x197E0] =	vst v63  }
0x68: {  	_ = 	snop  }
0x69: {  	[spmem:s1] =	stream.indirect.scatter.add.f32 [tilespmem:s3], [sflag:$0x4], $0x10, s5, s26, $0xb8;
	[tilespmem:$0x197E0] =	vst v63  }
.LBB2_4:
0x6a: {  	_ =	swait.ge [sflag:s29], $0x50  }
0x6b: {  	[sflag:s29] =	ssyncset.done $0x0  }
0x6c: {  	[sflag:s29] =	ssyncadd.s32 $0xFFFFFFB0  }
0x6d: {  	_ =	swait.ge [sflag:s29], $0x50  }
0x6e: {  	[sflag:s29] =	ssyncset.done $0x0  }
0x6f: {  	[sflag:s29] =	ssyncadd.s32 $0xFFFFFFB0  }
0x70: {  	_ =	swait.ge [sflag:s7], $0x500  }
0x71: {  	[sflag:s7] =	ssyncset.done $0x0  }
0x72: {  	[sflag:s7] =	ssyncadd.s32 $0xFFFFFB00  }
0x73: {  	[tilespmem:s30], [sflag:$0x5] =	stream.indirect.gather [hbm4b:s4+s26], $0x10, s2, s26, $0xb8;
	[tilespmem:$0x197E0] =	vst v63  }
0x74: {  	_ =	swait.ge [sflag:s24], $0x500  }
0x75: {  	[sflag:s24] =	ssyncset.done $0x0  }
0x76: {  	[sflag:s24] =	ssyncadd.s32 $0xFFFFFB00  }
0x77: {  	v0 =	vld [tilespmem:$0xA0]  }
0x78: {  	v1 =	vld [tilespmem:$0xB0]  }
0x79: {  	v2 =	vld [tilespmem:$0xC0]  }
0x7a: {  	v3 =	vld [tilespmem:$0xD0]  }
0x7b: {  	v4 =	vld [tilespmem:$0xE0]  }
0x7c: {  	[tilespmem:$0x140] =	vst v0  }
0x7d: {  	[tilespmem:$0x150] =	vst v1  }
0x7e: {  	[tilespmem:$0x160] =	vst v2  }
0x7f: {  	p0 =	seq.s32 s10, $0x30AC;
	[tilespmem:$0x170] =	vst v3  }
0x80: {  	s17 =	sadd.s32 @!p0 s10, s21;
	s12 =	simm.s32 @!p0 $0x0;
	[tilespmem:$0x180] =	vst v4  }
0x81: {  	[tilespmem:s12], [sflag:$0x1] =	stream.linear.gather @!p0 [hbm4b:s17+s12], $0x50, $0x38;
	[tilespmem:$0x197E0] =	vst v63  }
0x82: {  	s13 =	simm.s32 @!p0 $0xA0;
	s17 =	sadd.s32 @!p0 s10, s20  }
0x83: {  	[tilespmem:s13], [sflag:$0x1] =	stream.linear.gather @!p0 [hbm4b:s17+s12], $0x50, $0x38;
	[tilespmem:$0x197E0] =	vst v63  }
0x84: {  	_ = 	snop  }
0x85: {  	[spmem:s1] =	stream.indirect.scatter.add.f32 [tilespmem:s30], [sflag:$0x3], $0x10, s31, s26, $0xb8;
	[tilespmem:$0x197E0] =	vst v63  }
0x86: {  	_ =	swait.ge [sflag:s0], $0x50  }
0x87: {  	[sflag:s0] =	ssyncset.done $0x0  }
0x88: {  	[sflag:s0] =	ssyncadd.s32 $0xFFFFFFB0  }
0x89: {  	_ =	swait.ge [sflag:s0], $0x50  }
0x8a: {  	[sflag:s0] =	ssyncset.done $0x0  }
0x8b: {  	[sflag:s0] =	ssyncadd.s32 $0xFFFFFFB0  }
0x8c: {  	_ =	swait.ge [sflag:s8], $0x500  }
0x8d: {  	[sflag:s8] =	ssyncset.done $0x0  }
0x8e: {  	[sflag:s8] =	ssyncadd.s32 $0xFFFFFB00  }
0x8f: {  	[tilespmem:s3], [sflag:$0x5] =	stream.indirect.gather [hbm4b:s4+s26], $0x10, s26, s26, $0xb8;
	[tilespmem:$0x197E0] =	vst v63  }
0x90: {  	_ =	swait.ge [sflag:s24], $0x500  }
0x91: {  	[sflag:s24] =	ssyncset.done $0x0  }
0x92: {  	[sflag:s24] =	ssyncadd.s32 $0xFFFFFB00  }
0x93: {  	v59 =	vld [tilespmem:$0xF0]  }
0x94: {  	v60 =	vld [tilespmem:$0x100]  }
0x95: {  	v61 =	vld [tilespmem:$0x110]  }
0x96: {  	v62 =	vld [tilespmem:$0x120]  }
0x97: {  	v63 =	vld [tilespmem:$0x130]  }
.Ltmp1:
0x98: {  	[tilespmem:$0x190] =	vst v59;
	(pc) =	sbr.rel @p0 .LBB2_6-.Ltmp1, $4  }
0x99: {  	[tilespmem:$0x1A0] =	vst v60  }
0x9a: {  	[tilespmem:$0x1B0] =	vst v61  }
0x9b: {  	[tilespmem:$0x1C0] =	vst v62  }
0x9c: {  	[tilespmem:$0x1D0] =	vst v63  }
0x9d: {  	s12 =	sadd.s32 s10, s19  }
0x9e: {  	[tilespmem:s26], [sflag:$0x2] =	stream.linear.gather [hbm4b:s12+s2], $0x50, $0x38;
	[tilespmem:$0x197E0] =	vst v63  }
.Ltmp2:
0x9f: {  	_ = 	snop;
	(pc) =	sbr.rel .LBB2_4-.Ltmp2, $4  }
0xa0: {  	s17 =	sadd.s32 s10, s18  }
0xa1: {  	[tilespmem:s28], [sflag:$0x2] =	stream.linear.gather [hbm4b:s17+s2], $0x50, $0x38;
	[tilespmem:$0x197E0] =	vst v63  }
0xa2: {  	s10 =	sadd.s32 $0x14, s10  }
0xa3: {  	[spmem:s1] =	stream.indirect.scatter.add.f32 [tilespmem:s3], [sflag:$0x4], $0x10, s5, s26, $0xb8;
	[tilespmem:$0x197E0] =	vst v63  }
.LBB2_6:
0xa4: {  	[spmem:s1] =	stream.indirect.scatter.add.f32 [tilespmem:s3], [sflag:$0x4], $0x10, s5, s26, $0xb8;
	[tilespmem:$0x197E0] =	vst v63  }
0xa5: {  	_ =	swait.ge [sflag:s7], $0x500  }
0xa6: {  	[sflag:s7] =	ssyncset.done $0x0  }
0xa7: {  	[sflag:s7] =	ssyncadd.s32 $0xFFFFFB00  }
0xa8: {  	_ =	swait.ge [sflag:s8], $0x500  }
0xa9: {  	[sflag:s8] =	ssyncset.done $0x0  }
0xaa: {  	[sflag:s8] =	ssyncadd.s32 $0xFFFFFB00  }
0xab: {  	[bflag:$0x0] =	sbarrier.arrive $0xFFFF  }
0xac: {  	[tilespmem:s23], [sflag:$0x5] =	stream.linear.gather [spmem:s11], $0x500, $0x38;
	[tilespmem:$0x197E0] =	vst v63  }
0xad: {  	_ =	swait.ge [sflag:s24], $0x500  }
0xae: {  	[sflag:s24] =	ssyncset.done $0x0  }
0xaf: {  	s10 =	sadd.s32 $0x0, s22;
	[sflag:s24] =	ssyncadd.s32 $0xFFFFFB00  }
0xb0: {  	[hbm4b:s10+s2] =	stream.linear.scatter [tilespmem:s23], [sflag:$0x5], $0x500, $0x38;
	[tilespmem:$0x197E0] =	vst v63  }
0xb1: {  	_ =	swait.ge [sflag:s24], $0x500  }
0xb2: {  	s17 =	smov.u32 s11;
	s10 =	simm.s32 $0xA0;
	[sflag:s24] =	ssyncset.done $0x0  }
.LBB2_7:
0xb3: {  	p0 =	sne.s32 s10, $0x3020;
	[sflag:s24] =	ssyncadd.s32 $0xFFFFFB00;
	s17 =	sadd.s32 $0x500, s17  }
0xb4: {  	[tilespmem:s23], [sflag:$0x5] =	stream.linear.gather [spmem:s17], $0x500, $0x38;
	[tilespmem:$0x197E0] =	vst v63  }
0xb5: {  	s12 =	smov.u32 s10;
	s10 =	sadd.s32 $0xA0, s10;
	_ =	swait.ge [sflag:s24], $0x500  }
.Ltmp3:
0xb6: {  	[sflag:s24] =	ssyncset.done $0x0;
	(pc) =	sbr.rel @p0 .LBB2_7-.Ltmp3, $4  }
0xb7: {  	s12 =	sadd.s32 s12, s22;
	[sflag:s24] =	ssyncadd.s32 $0xFFFFFB00  }
0xb8: {  	[hbm4b:s12+s2] =	stream.linear.scatter [tilespmem:s23], [sflag:$0x5], $0x500, $0x38;
	[tilespmem:$0x197E0] =	vst v63  }
0xb9: {  	_ =	swait.ge [sflag:s24], $0x500  }
0xba: {  	[sflag:s24] =	ssyncset.done $0x0  }
0xbb: {  	[sflag:s24] =	ssyncadd.s32 $0xFFFFFB00  }
0xbc: {  	[tilespmem:s23], [sflag:$0x5] =	stream.linear.gather [spmem:s6], $0x100, $0x38;
	[tilespmem:$0x197E0] =	vst v63  }
0xbd: {  	s9 =	sadd.s32 $0x1, s9;
	_ =	swait.ge [sflag:s24], $0x100  }
0xbe: {  	p0 =	sne.s32 s9, s16;
	[sflag:s24] =	ssyncset.done $0x0  }
.Ltmp4:
0xbf: {  	[sflag:s24] =	ssyncadd.s32 $0xFFFFFF00;
	(pc) =	sbr.rel @p0 .LBB2_1-.Ltmp4, $4  }
0xc0: {  	[hbm4b:s15+s2] =	stream.linear.scatter [tilespmem:s23], [sflag:$0x5], $0x100, $0x38;
	[tilespmem:$0x197E0] =	vst v63  }
0xc1: {  	_ =	swait.ge [sflag:s24], $0x100  }
0xc2: {  	[sflag:s24] =	ssyncset.done $0x0  }
0xc3: {  	[sflag:s24] =	ssyncadd.s32 $0xFFFFFF00  }
0xc4: {  	_ =	sfence.sel $0x180000  }
0xc5: {  	[bflag:$0x0] =	sbarrier.arrive $0xFFFF  }
0xc6: {  	_ =	strace $0x9000004A  }
0xc7: {  	s0 =	stileid.u32;
	[bflag:$0x2] =	sbarrier.arrive $0xFFFF  }
0xc8: {  	p0 =	sne.s32 s0, $0x0;
	s0 =	rddreg [dreg:$0x2]  }
0xc9: {  	s0 =	sadd.s32 @!p0 $0x100000, s0  }
0xca: {  	[sflag:s0] =	ssyncadd.tile.s32 @!p0 $0x1;
	_ =	shalt  }
.Lfunc_end2:
_tile_overlayer_lowered:
.L_overlay_start_2:
0xcb: {  	(tag) =	ssettag $0x2  }
0xcc: {  	s0 =	rddreg [dreg:$0x0];
	s2 =	stileid.u32  }
0xcd: {  	s1 =	rddreg [dreg:$0x1];
	p0 =	sne.s32 s2, $0x0  }
0xce: {  	s3 =	rddreg [dreg:$0x2];
	[bflag:$0x3] =	sbarrier.arrive $0xFFFF;
	s2 =	simm.s32 @!p0 $0x1C05  }
0xcf: {  	[timem:s3], [sflag:s2] =	dma.local @!p0 [hbm:s0], s1  }
0xd0: {  	s0 =	simm.s32 @!p0 $0x5  }
0xd1: {  	_ =	swait.ge @!p0 [sflag:s0], s1  }
0xd2: {  	s1 =	ssub.s32 @!p0 $0x0, s1;
	[sflag:s0] =	ssyncset.done @!p0 $0x0  }
0xd3: {  	[sflag:s0] =	ssyncadd.s32 @!p0 s1  }
0xd4: {  	[bflag:$0x3] =	sbarrier.arrive $0xFFFF  }
0xd5: {  	_ =	shalt  }

// kernel: kernel.14.cloned.1.call-start
scs
__scs_entry_jumppad:
0x0: {  	(pc) =	sbr.rel $0x88, $3  }
0x1: {  	(tag) =	ssettag $0x0;
	lr =	simm.s32 $0x1  }
0x2: {  	[smem:$0x3F99] =	sst lr;
	_ =	strace $0xD0000000  }
0x3: {  	_ = 	snop  }
0x4: {  	_ = 	snop  }
0x5: {  	_ = 	snop  }
0x6: {  	_ = 	snop  }
0x7: {  	_ = 	snop  }
__scs_overlays_trampoline_lowered:
0x8: {  	[smem:$0x3FA8] =	sst s0  }
0x9: {  	[smem:$0x3FA9] =	sst s1  }
0xa: {  	[smem:$0x3FAA] =	sst s2  }
0xb: {  	[smem:$0x3FAB] =	sst s3  }
0xc: {  	[smem:$0x3FAC] =	sst s4  }
0xd: {  	[smem:$0x3FAD] =	sst s5  }
0xe: {  	[smem:$0x3FAE] =	sst s6  }
0xf: {  	[smem:$0x3FAF] =	sst s7  }
0x10: {  	[smem:$0x3FB0] =	sst s8  }
0x11: {  	[smem:$0x3FB1] =	sst s9;
	s0 =	simm.s32 @!p0 $0x0  }
0x12: {  	s1 =	sld [smem:$0x3F97];
	s0 =	simm.s32 @p0 $0x1  }
0x13: {  	[smem:$0x3FB2] =	sst s0;
	s0 =	simm.s32 @!p1 $0x0  }
0x14: {  	s2 =	sld [smem:$0x3F96];
	s0 =	simm.s32 @p1 $0x1  }
0x15: {  	[smem:$0x3FB3] =	sst s0;
	s0 =	simm.s32 @!p2 $0x0  }
0x16: {  	s3 =	sld [smem:$0x3FDB];
	s0 =	simm.s32 @p2 $0x1  }
0x17: {  	s4 =	simm.s32 $0x1BF5;
	[smem:$0x3FB5] =	sst s0  }
0x18: {  	s0 =	sld [smem:$0x3F98];
	_ =	swait.ge [sflag:s4], $0x0  }
0x19: {  	s7 =	sld [smem:$0x3F99]  }
0x1a: {  	s8 =	sadd.s32 $0xFFFFE003, lr  }
0x1b: {  	s9 =	sadd.s32 $0xFFFFFEF7, lr;
	s5 =	simm.s32 $0xFFFFFFFF;
	p2 =	slt.u32 s8, $0xFFFFF086  }
0x1c: {  	p1 =	slt.u32 s9, $0xF7A;
	s5 =	simm.s32 @!p2 $0x0  }
0x1d: {  	s5 =	simm.s32 @p1 $0x1;
	p0 =	seq.s32 s7, s2  }
0x1e: {  	s7 =	smul.u32 @!p0 $0xF7A, s2;
	p2 =	seq.s32 @!p0 s5, $0x0  }
0x1f: {  	s9 =	smul.u32 $0xF7A, s1;
	s8 =	simm.s32 @!p0 $0x1BF5;
	p2 =	por !p2, p0  }
0x20: {  	[sflag:s8] =	ssyncset.s32 @!p0 $0xFFFFF086;
	s6 =	sadd.s32 @!p0 s3, s7;
	s7 =	simm.s32 @!p0 $0x108  }
0x21: {  	s3 =	sadd.s32 s3, s9;
	s6 =	sadd.s32 @!p0 $0x88, s6;
	s7 =	simm.s32 @p2 $0x1082  }
0x22: {  	[simem:s7], [sflag:s8] =	dma.local @!p0 [hbm:s6], $0xF7A  }
0x23: {  	s9 =	sor.u32 $0xD0000000, s2;
	s6 =	simm.s32 $0x108;
	_ =	swait.ge @!p0 [sflag:s8], $0x0  }
0x24: {  	s3 =	sadd.s32 $0x88, s3;
	s6 =	simm.s32 @!p1 $0x1082;
	[sflag:s4] =	ssyncset.s32 $0xFFFFF086  }
0x25: {  	[simem:s6], [sflag:s4] =	dma.local [hbm:s3], $0xF7A  }
0x26: {  	[smem:$0x3F99] =	sst s1;
	(tag) =	ssettag s2;
	_ =	strace s9  }
0x27: {  	s1 =	sld [smem:$0x3FA9]  }
0x28: {  	s2 =	sld [smem:$0x3FAA]  }
0x29: {  	s4 =	sld [smem:$0x3FAC]  }
0x2a: {  	p0 =	seq.s32 s5, $0x0;
	s5 =	sld [smem:$0x3FAD]  }
0x2b: {  	s6 =	sld [smem:$0x3FAE]  }
0x2c: {  	s7 =	sld [smem:$0x3FAF]  }
0x2d: {  	s3 =	simm.s32 $0x108;
	s8 =	sld [smem:$0x3FB0]  }
0x2e: {  	s3 =	simm.s32 @!p0 $0x1082;
	s9 =	sld [smem:$0x3FB1]  }
0x2f: {  	lr =	sadd.s32 s0, s3;
	s0 =	sld [smem:$0x3FA8]  }
0x30: {  	s3 =	sld [smem:$0x3FAB]  }
0x31: {  	[smem:$0x3FB4] =	sst s10  }
0x32: {  	s10 =	sld [smem:$0x3FB2];
	_ =	sdelay $0x3  }
0x33: {  	p0 =	seq.s32 s10, $0x1;
	s10 =	sld [smem:$0x3FB4];
	_ =	sdelay $0x3  }
0x34: {  	[smem:$0x3FB4] =	sst s10  }
0x35: {  	s10 =	sld [smem:$0x3FB3];
	_ =	sdelay $0x3  }
0x36: {  	p1 =	seq.s32 s10, $0x1;
	s10 =	sld [smem:$0x3FB4];
	_ =	sdelay $0x3  }
0x37: {  	[smem:$0x3FB4] =	sst s10  }
0x38: {  	s10 =	sld [smem:$0x3FB5]  }
0x39: {  	_ = 	snop;
	(pc) =	sbr.ind lr, $3  }
0x3a: {  	_ = 	snop  }
0x3b: {  	_ = 	snop  }
0x3c: {  	p2 =	seq.s32 s10, $0x1;
	s10 =	sld [smem:$0x3FB4]  }
0x3d: {  	_ =	shalt  }
0x3e: {  	_ =	shalt  }
0x3f: {  	_ =	shalt  }
0x40: {  	_ =	shalt  }
0x41: {  	_ =	shalt  }
0x42: {  	_ =	shalt  }
0x43: {  	_ =	shalt  }
0x44: {  	_ =	shalt  }
0x45: {  	_ =	shalt  }
0x46: {  	_ =	shalt  }
0x47: {  	_ =	shalt  }
0x48: {  	_ =	shalt  }
0x49: {  	_ =	shalt  }
0x4a: {  	_ =	shalt  }
0x4b: {  	_ =	shalt  }
0x4c: {  	_ =	shalt  }
0x4d: {  	_ =	shalt  }
0x4e: {  	_ =	shalt  }
0x4f: {  	_ =	shalt  }
0x50: {  	_ =	shalt  }
0x51: {  	_ =	shalt  }
0x52: {  	_ =	shalt  }
0x53: {  	_ =	shalt  }
0x54: {  	_ =	shalt  }
0x55: {  	_ =	shalt  }
0x56: {  	_ =	shalt  }
0x57: {  	_ =	shalt  }
0x58: {  	_ =	shalt  }
0x59: {  	_ =	shalt  }
0x5a: {  	_ =	shalt  }
0x5b: {  	_ =	shalt  }
0x5c: {  	_ =	shalt  }
0x5d: {  	_ =	shalt  }
0x5e: {  	_ =	shalt  }
0x5f: {  	_ =	shalt  }
0x60: {  	_ =	shalt  }
0x61: {  	_ =	shalt  }
0x62: {  	_ =	shalt  }
0x63: {  	_ =	shalt  }
0x64: {  	_ =	shalt  }
0x65: {  	_ =	shalt  }
0x66: {  	_ =	shalt  }
0x67: {  	_ =	shalt  }
0x68: {  	_ =	shalt  }
0x69: {  	_ =	shalt  }
0x6a: {  	_ =	shalt  }
0x6b: {  	_ =	shalt  }
0x6c: {  	_ =	shalt  }
0x6d: {  	_ =	shalt  }
0x6e: {  	_ =	shalt  }
0x6f: {  	_ =	shalt  }
0x70: {  	_ =	shalt  }
0x71: {  	_ =	shalt  }
0x72: {  	_ =	shalt  }
0x73: {  	_ =	shalt  }
0x74: {  	_ =	shalt  }
0x75: {  	_ =	shalt  }
0x76: {  	_ =	shalt  }
0x77: {  	_ =	shalt  }
0x78: {  	_ =	shalt  }
0x79: {  	_ =	shalt  }
0x7a: {  	_ =	shalt  }
0x7b: {  	_ =	shalt  }
0x7c: {  	_ =	shalt  }
0x7d: {  	_ =	shalt  }
0x7e: {  	_ =	shalt  }
0x7f: {  	_ =	shalt  }
0x80: {  	_ =	shalt  }
0x81: {  	_ =	shalt  }
0x82: {  	_ =	shalt  }
0x83: {  	_ =	shalt  }
0x84: {  	_ =	shalt  }
0x85: {  	_ =	shalt  }
0x86: {  	_ =	shalt  }
0x87: {  	_ =	shalt  }
.Lfunc_end0:
.L_simem_size_0:
called_computation.2_lowered:
.L_overlay_start_0:
0x88: {  	s2 =	sld [smem:$0x3FD9]  }
0x89: {  	s3 =	sld [smem:$0x3FFE];
	_ =	sdelay $0x1  }
0x8a: {  	s1 =	srdreg.scid  }
0x8b: {  	s0 =	sand.u32 $0x1, s1  }
0x8c: {  	s16 =	sshll.u32 s0, $0xA;
	s2 =	sadd.s32 s3, s2  }
0x8d: {  	s2 =	sadd.s32 s2, s16  }
0x8e: {  	[smem:$0x3FC0] =	sst s2  }
0x8f: {  	_ = 	snop  }
0x90: {  	(tm) =	ssettm $0x1  }
0x91: {  	s17 =	sld [smem:$0x3FFB];
	_ =	sdelay $0x3  }
0x92: {  	_ =	strace s17  }
0x93: {  	s2 =	sld [smem:$0x3FFC];
	_ =	sdelay $0x3  }
0x94: {  	_ =	strace s2  }
0x95: {  	s2 =	sld [smem:$0x3FFD];
	_ =	sdelay $0x3  }
0x96: {  	_ =	strace s2  }
0x97: {  	_ =	strace $0x8FFFFFFF  }
0x98: {  	s18 =	sld [smem:$0x3FDB];
	_ =	sdelay $0x1  }
0x99: {  	s19 =	simm.s32 $_scs_section_size  }
0x9a: {  	s4 =	simm.s32 $_size__tile_overlayer_lowered;
	s5 =	simm.s32 $_tile_overlayer_lowered  }
0x9b: {  	s22 =	simm.s32 $0x1BFF;
	s21 =	sshll.u32 s5, $0x1;
	s2 =	sadd.s32 s19, s18  }
0x9c: {  	s6 =	simm.s32 $0x0;
	s20 =	sshll.u32 s4, $0x1;
	s4 =	sadd.s32 s21, s2  }
0x9d: {  	[timem:s6], [sflag:s22] =	dma.local [hbm:s4], s20  }
0x9e: {  	_ =	swait.ge [sflag:s22], s20  }
0x9f: {  	s3 =	ssub.s32 $0x0, s20;
	[sflag:s22] =	ssyncset.done $0x0  }
0xa0: {  	[sflag:s22] =	ssyncadd.s32 s3;
	_ =	sdelay $0x1  }
0xa1: {  	s23 =	simm.s32 $0x1B8B  }
0xa2: {  	_ =	swait.ge [sflag:s23], $0x1  }
0xa3: {  	[sflag:s23] =	ssyncset.done $0x0  }
0xa4: {  	s25 =	simm.s32 $0x1B8E;
	s24 =	sld [smem:$0x3FFE];
	[sflag:s23] =	ssyncadd.s32 $0xFFFFFFFF  }
0xa5: {  	s26 =	simm.s32 $execute0_lowered;
	[smem:$0x3FD2] =	sst s25  }
0xa6: {  	s4 =	sshll.u32 s26, $0x1;
	_ =	strace $0x8000004C;
	[dreg:$0x1] =	wrdreg $0xFFFFFFFF  }
0xa7: {  	s28 =	simm.s32 $_size_execute0_lowered;
	s2 =	sadd.s32 s2, s4;
	[dreg:$0x0] =	wrdreg $0x0  }
0xa8: {  	s4 =	sshll.u32 s28, $0x1;
	[dreg:$0x2] =	wrdreg s2  }
0xa9: {  	[dreg:$0x3] =	wrdreg s4  }
0xaa: {  	[dreg:$0x4] =	wrdreg $0xC0  }
0xab: {  	_ =	task [dreg:s6], $0x5FFFF  }
0xac: {  	[dreg:$0x1] =	wrdreg $0xFFFFFFFF  }
0xad: {  	[dreg:$0x0] =	wrdreg $0x60  }
0xae: {  	[dreg:$0x2] =	wrdreg s24  }
0xaf: {  	[dreg:$0x3] =	wrdreg $0x1CC00  }
0xb0: {  	[dreg:$0x4] =	wrdreg $0x9  }
0xb1: {  	_ =	task.clear_ibuf [dreg:s6], $0x5FFFF;
	_ =	strace $0x9000004C  }
0xb2: {  	s29 =	simm.s32 $0x9;
	_ =	strace $0x8000004E  }
0xb3: {  	_ =	swait.ge [sflag:s29], $0x1  }
0xb4: {  	[sflag:s29] =	ssyncadd.s32 $0xFFFFFFFF  }
0xb5: {  	_ =	strace $0x9000004E  }
0xb6: {  	_ =	sfence  }
0xb7: {  	s30 =	sld [smem:$0x0];
	_ =	sdelay $0x2  }
0xb8: {  	s31 =	sshll.u32 s1, $0xD;
	s1 =	sshrl.u32 s1, $0x2  }
0xb9: {  	s3 =	sand.u32 $0x4000, s31;
	s1 =	sadd.s32 s1, s30  }
0xba: {  	s0 =	sor.u32 s3, s0;
	s1 =	sshll.u32 s1, $0x11  }
0xbb: {  	s0 =	sor.u32 s1, s0  }
0xbc: {  	s0 =	sadd.s32 $0x8F2B, s0  }
0xbd: {  	[sflag:s0] =	ssyncadd.remote.s32 $0x1  }
0xbe: {  	_ =	sfence.sel $0xFFFF  }
0xbf: {  	[dreg:$0x0] =	wrdreg $0xFFFFFFFF;
	(pc) =	sbr.abs _section_cstart, $3  }
0xc0: {  	[dreg:$0x1] =	wrdreg $0xFFFFFFFF  }
0xc1: {  	_ =	task.clear_ibuf [dreg:s6], $0x2FFFF;
	_ =	strace $0x9FFFFFFF  }
0xc2: {  	(tm) =	ssettm $0x7FFFFFFF  }
0xc3: {  	_ =	shalt  }
tec
execute0_lowered:
.L_overlay_start_1:
0x0: {  	(tag) =	ssettag $0x1  }
0x1: {  	s0 =	srdreg.scid  }
0x2: {  	s2 =	rddreg [dreg:$0x0];
	s16 =	stileid.u32;
	s1 =	simm.s32 $0x0  }
0x3: {  	s13 =	simm.s32 $0x65000;
	s30 =	simm.s32 $0x17C0;
	s31 =	simm.s32 $0xD  }
0x4: {  	s28 =	simm.s32 $0x8;
	s0 =	sand.u32 $0x1, s0;
	s4 =	smul.u32 $0x30D40, s16  }
0x5: {  	[smem:$0x7FF] =	sst s1;
	s6 =	smul.u32 $0x1870, s16;
	s7 =	sadd.s32 $0x3400, s2  }
0x6: {  	s3 =	ssub.s32 $0x2, s0;
	p0 =	seq.s32 s0, $0x0;
	s15 =	smul.u32 $0x18700, s0  }
0x7: {  	s0 =	smul.u32 $0x30E00, s0;
	s5 =	sshrl.u32 s3, $0x1;
	s4 =	sshrl.u32 s4, $0x3  }
0x8: {  	s13 =	simm.s32 @!p0 $0x159800;
	s26 =	sadd.s32 $0xA, s4;
	s8 =	sadd.s32 s7, s4  }
0x9: {  	s19 =	sadd.s32 $0x14, s4;
	[dreg:$0x3] =	wrdreg s8;
	s18 =	sadd.s32 s7, s26  }
0xa: {  	s20 =	sadd.s32 $0x1E, s4;
	s9 =	sadd.s32 s7, s19;
	[dreg:$0x4] =	wrdreg s18  }
0xb: {  	s10 =	sadd.s32 $0x28, s4;
	s11 =	sadd.s32 s7, s20;
	[dreg:$0x5] =	wrdreg s9  }
0xc: {  	s22 =	sadd.s32 $0x32, s4;
	s21 =	sadd.s32 s7, s10;
	[dreg:$0x6] =	wrdreg s11  }
0xd: {  	s23 =	sadd.s32 $0x3C, s4;
	s12 =	sadd.s32 s7, s22;
	[dreg:$0x7] =	wrdreg s21  }
0xe: {  	s14 =	sadd.s32 $0x46, s4;
	s17 =	sadd.s32 s7, s23;
	[dreg:$0x8] =	wrdreg s12  }
0xf: {  	s13 =	sadd.s32 s13, s2;
	s24 =	sadd.s32 s7, s14;
	[dreg:$0x9] =	wrdreg s17  }
0x10: {  	s3 =	ssub.s32 s3, s5;
	s4 =	sadd.s32 s13, s4;
	[dreg:$0xa] =	wrdreg s24  }
0x11: {  	s5 =	sadd.s32 $0x1860, s6;
	s25 =	sadd.s32 s13, s26;
	[dreg:$0xb] =	wrdreg s4  }
0x12: {  	s15 =	sadd.s32 s15, s5;
	s26 =	sadd.s32 s13, s19;
	[dreg:$0xc] =	wrdreg s25  }
0x13: {  	s6 =	sadd.s32 s13, s20;
	s8 =	smul.u32 $0x61A8, s16;
	[dreg:$0xd] =	wrdreg s26  }
0x14: {  	s20 =	sadd.s32 $0xC6C00, s2;
	[dreg:$0xe] =	wrdreg s6;
	s9 =	sadd.s32 s13, s10  }
0x15: {  	s10 =	sadd.s32 s13, s22;
	s11 =	sadd.s32 s13, s23;
	s12 =	sadd.s32 s13, s14  }
0x16: {  	s14 =	sshll.u32 s15, $0x1;
	s22 =	rddreg [dreg:$0x1];
	s15 =	smul.u32 $0x30E0, s16  }
0x17: {  	s17 =	smul.u32 $0x61C00, s16;
	s24 =	sadd.s32 $0xC6E00, s2;
	[dreg:$0xf] =	wrdreg s9  }
0x18: {  	s21 =	sshll.u32 s5, $0x4;
	s26 =	smax.u32 s3, $0x1;
	[dreg:$0x10] =	wrdreg s10  }
0x19: {  	s16 =	simm.s32 $0x3C0;
	s4 =	simm.s32 $0x9;
	[dreg:$0x11] =	wrdreg s11  }
0x1a: {  	s3 =	simm.s32 $0x0;
	[dreg:$0x12] =	wrdreg s12;
	s18 =	sadd.s32 s8, s7  }
0x1b: {  	s19 =	sadd.s32 s8, s13;
	s13 =	sadd.s32 $0x1BB400, s2;
	s5 =	sadd.s32 s21, s22  }
0x1c: {  	s7 =	simm.s32 $0x1;
	s11 =	simm.s32 $0x2;
	s10 =	simm.s32 $0xC  }
0x1d: {  	s6 =	sadd.s32 s13, s14;
	s0 =	sadd.s32 s0, s13;
	s25 =	sshrl.u32 s17, $0x2  }
0x1e: {  	s13 =	simm.s32 $0x6;
	s17 =	simm.s32 $0x7;
	[dreg:$0x13] =	wrdreg s6  }
0x1f: {  	s23 =	sadd.s32 s15, s0;
	s29 =	sadd.s32 s25, s22;
	s0 =	simm.s32 $0x50  }
0x20: {  	s15 =	simm.s32 $0x3;
	_ =	strace $0x8000004D;
	[dreg:$0x14] =	wrdreg s20  }
0x21: {  	s25 =	simm.s32 $0x4;
	s6 =	simm.s32 $0xB;
	[dreg:$0x16] =	wrdreg s26  }
0x22: {  	s26 =	simm.s32 $0xA;
	[dreg:$0x15] =	wrdreg s5;
	s20 =	simm.s32 $0x3C0  }
.LBB2_1:
0x23: {  	[dreg:$0x17] =	wrdreg s3  }
0x24: {  	s2 =	rddreg [dreg:$0x14]  }
0x25: {  	[tilespmem:s30], [sflag:$0xD] =	stream.linear.gather [hbm4b:s2+s1], $0x500, $0x38;
	[tilespmem:$0x1A3C0] =	vst v63  }
0x26: {  	_ =	swait.ge [sflag:s31], $0x500  }
0x27: {  	[sflag:s31] =	ssyncset.done $0x0  }
0x28: {  	s21 =	sadd.s32 $0x0, s29;
	[sflag:s31] =	ssyncadd.s32 $0xFFFFFB00  }
0x29: {  	[spmem:s21] =	stream.linear.scatter [tilespmem:s30], [sflag:$0xD], $0x500, $0x38;
	[tilespmem:$0x1A3C0] =	vst v63  }
0x2a: {  	s2 =	simm.s32 $0x1400;
	_ =	swait.ge [sflag:s31], $0x500  }
.LBB2_2:
0x2b: {  	s14 =	sshra.s32 s2, $0x2;
	[sflag:s31] =	ssyncset.done $0x0;
	p0 =	sne.s32 s2, $0x60400  }
.Ltmp0:
0x2c: {  	s14 =	sadd.s32 s14, s29;
	[sflag:s31] =	ssyncadd.s32 $0xFFFFFB00;
	(pc) =	sbr.rel @p0 .LBB2_2-.Ltmp0, $3  }
0x2d: {  	[spmem:s14] =	stream.linear.scatter [tilespmem:s30], [sflag:$0xD], $0x500, $0x38;
	[tilespmem:$0x1A3C0] =	vst v63  }
0x2e: {  	s2 =	sadd.s32 $0x1400, s2;
	_ =	sdelay $0x1  }
0x2f: {  	_ =	swait.ge [sflag:s31], $0x500  }
0x30: {  	[sflag:s31] =	ssyncset.done $0x0  }
0x31: {  	[sflag:s31] =	ssyncadd.s32 $0xFFFFFB00  }
0x32: {  	[spmem:s5] =	stream.linear.scatter [tilespmem:s30], [sflag:$0xD], $0x100, $0x38;
	[tilespmem:$0x1A3C0] =	vst v63  }
0x33: {  	_ =	swait.ge [sflag:s31], $0x100  }
0x34: {  	[sflag:s31] =	ssyncset.done $0x0  }
0x35: {  	[sflag:s31] =	ssyncadd.s32 $0xFFFFFF00  }
0x36: {  	[bflag:$0x0] =	sbarrier.arrive $0xFFFF  }
0x37: {  	s14 =	simm.s32 $0x0;
	s2 =	rddreg [dreg:$0xb]  }
0x38: {  	[tilespmem:s14], [sflag:$0x1] =	stream.linear.gather [hbm4b:s2+s14], $0x50, $0x38;
	[tilespmem:$0x1A3C0] =	vst v63  }
0x39: {  	s3 =	simm.s32 $0x140;
	s21 =	rddreg [dreg:$0x3]  }
0x3a: {  	[tilespmem:s3], [sflag:$0x1] =	stream.linear.gather [hbm4b:s21+s14], $0x50, $0x38;
	[tilespmem:$0x1A3C0] =	vst v63  }
0x3b: {  	s5 =	rddreg [dreg:$0xc]  }
0x3c: {  	[tilespmem:s0], [sflag:$0x2] =	stream.linear.gather [hbm4b:s5+s14], $0x50, $0x38;
	[tilespmem:$0x1A3C0] =	vst v63  }
0x3d: {  	s8 =	rddreg [dreg:$0x4];
	s5 =	simm.s32 $0x190  }
0x3e: {  	[tilespmem:s5], [sflag:$0x2] =	stream.linear.gather [hbm4b:s8+s14], $0x50, $0x38;
	[tilespmem:$0x1A3C0] =	vst v63  }
0x3f: {  	s9 =	rddreg [dreg:$0xd];
	s8 =	simm.s32 $0xA0  }
0x40: {  	[tilespmem:s8], [sflag:$0x3] =	stream.linear.gather [hbm4b:s9+s14], $0x50, $0x38;
	[tilespmem:$0x1A3C0] =	vst v63  }
0x41: {  	s12 =	rddreg [dreg:$0x5];
	s21 =	simm.s32 $0x1E0  }
0x42: {  	[tilespmem:s21], [sflag:$0x3] =	stream.linear.gather [hbm4b:s12+s14], $0x50, $0x38;
	[tilespmem:$0x1A3C0] =	vst v63  }
0x43: {  	s9 =	rddreg [dreg:$0xe];
	s12 =	simm.s32 $0xF0  }
0x44: {  	[tilespmem:s12], [sflag:$0x4] =	stream.linear.gather [hbm4b:s9+s14], $0x50, $0x38;
	[tilespmem:$0x1A3C0] =	vst v63  }
0x45: {  	s2 =	rddreg [dreg:$0x6];
	s9 =	simm.s32 $0x230  }
0x46: {  	[tilespmem:s9], [sflag:$0x4] =	stream.linear.gather [hbm4b:s2+s14], $0x50, $0x38;
	[tilespmem:$0x1A3C0] =	vst v63  }
0x47: {  	_ =	swait.ge [sflag:s7], $0x50  }
0x48: {  	[sflag:s7] =	ssyncset.done $0x0  }
0x49: {  	[sflag:s7] =	ssyncadd.s32 $0xFFFFFFB0  }
0x4a: {  	_ =	swait.ge [sflag:s7], $0x50  }
0x4b: {  	[sflag:s7] =	ssyncset.done $0x0  }
0x4c: {  	s9 =	simm.s32 $0x5;
	[sflag:s7] =	ssyncadd.s32 $0xFFFFFFB0  }
0x4d: {  	[tilespmem:s16], [sflag:$0x5] =	stream.indirect.gather [hbm4b:s24+s0], $0x10, s14, s0, $0xb8;
	[tilespmem:$0x1A3C0] =	vst v63  }
0x4e: {  	_ =	swait.ge [sflag:s9], $0x500  }
0x4f: {  	[sflag:s9] =	ssyncset.done $0x0  }
0x50: {  	[sflag:s9] =	ssyncadd.s32 $0xFFFFFB00  }
0x51: {  	v0 =	vld [tilespmem:$0x140]  }
0x52: {  	v1 =	vld [tilespmem:$0x150]  }
0x53: {  	v2 =	vld [tilespmem:$0x160]  }
0x54: {  	v3 =	vld [tilespmem:$0x170]  }
0x55: {  	v4 =	vld [tilespmem:$0x180]  }
0x56: {  	[tilespmem:$0x280] =	vst v0  }
0x57: {  	[tilespmem:$0x290] =	vst v1  }
0x58: {  	[tilespmem:$0x2A0] =	vst v2  }
0x59: {  	[tilespmem:$0x2B0] =	vst v3  }
0x5a: {  	s9 =	rddreg [dreg:$0xf];
	[tilespmem:$0x2C0] =	vst v4  }
0x5b: {  	[tilespmem:s14], [sflag:$0x1] =	stream.linear.gather [hbm4b:s9+s14], $0x50, $0x38;
	[tilespmem:$0x1A3C0] =	vst v63  }
0x5c: {  	s9 =	rddreg [dreg:$0x7]  }
0x5d: {  	[tilespmem:s3], [sflag:$0x1] =	stream.linear.gather [hbm4b:s9+s14], $0x50, $0x38;
	[tilespmem:$0x1A3C0] =	vst v63  }
0x5e: {  	s9 =	simm.s32 $0x280  }
0x5f: {  	[spmem:s22] =	stream.indirect.scatter.add.f32 [tilespmem:s16], [sflag:$0x9], $0x10, s9, s0, $0xb8;
	[tilespmem:$0x1A3C0] =	vst v63  }
0x60: {  	_ =	swait.ge [sflag:s11], $0x50  }
0x61: {  	[sflag:s11] =	ssyncset.done $0x0  }
0x62: {  	[sflag:s11] =	ssyncadd.s32 $0xFFFFFFB0  }
0x63: {  	_ =	swait.ge [sflag:s11], $0x50  }
0x64: {  	[sflag:s11] =	ssyncset.done $0x0  }
0x65: {  	s3 =	simm.s32 $0x8C0;
	[sflag:s11] =	ssyncadd.s32 $0xFFFFFFB0  }
0x66: {  	[tilespmem:s3], [sflag:$0x6] =	stream.indirect.gather [hbm4b:s24+s0], $0x10, s0, s0, $0xb8;
	[tilespmem:$0x1A3C0] =	vst v63  }
0x67: {  	_ =	swait.ge [sflag:s13], $0x500  }
0x68: {  	[sflag:s13] =	ssyncset.done $0x0  }
0x69: {  	[sflag:s13] =	ssyncadd.s32 $0xFFFFFB00  }
0x6a: {  	v49 =	vld [tilespmem:$0x190]  }
0x6b: {  	v50 =	vld [tilespmem:$0x1A0]  }
0x6c: {  	v51 =	vld [tilespmem:$0x1B0]  }
0x6d: {  	v52 =	vld [tilespmem:$0x1C0]  }
0x6e: {  	v53 =	vld [tilespmem:$0x1D0]  }
0x6f: {  	[tilespmem:$0x2D0] =	vst v49  }
0x70: {  	[tilespmem:$0x2E0] =	vst v50  }
0x71: {  	[tilespmem:$0x2F0] =	vst v51  }
0x72: {  	[tilespmem:$0x300] =	vst v52  }
0x73: {  	s16 =	rddreg [dreg:$0x10];
	[tilespmem:$0x310] =	vst v53  }
0x74: {  	[tilespmem:s0], [sflag:$0x2] =	stream.linear.gather [hbm4b:s16+s14], $0x50, $0x38;
	[tilespmem:$0x1A3C0] =	vst v63  }
0x75: {  	s9 =	rddreg [dreg:$0x8]  }
0x76: {  	[tilespmem:s5], [sflag:$0x2] =	stream.linear.gather [hbm4b:s9+s14], $0x50, $0x38;
	[tilespmem:$0x1A3C0] =	vst v63  }
0x77: {  	s16 =	simm.s32 $0x2D0  }
0x78: {  	[spmem:s22] =	stream.indirect.scatter.add.f32 [tilespmem:s3], [sflag:$0xA], $0x10, s16, s0, $0xb8;
	[tilespmem:$0x1A3C0] =	vst v63  }
0x79: {  	_ =	swait.ge [sflag:s15], $0x50  }
0x7a: {  	[sflag:s15] =	ssyncset.done $0x0  }
0x7b: {  	[sflag:s15] =	ssyncadd.s32 $0xFFFFFFB0  }
0x7c: {  	_ =	swait.ge [sflag:s15], $0x50  }
0x7d: {  	[sflag:s15] =	ssyncset.done $0x0  }
0x7e: {  	s5 =	simm.s32 $0xDC0;
	[sflag:s15] =	ssyncadd.s32 $0xFFFFFFB0  }
0x7f: {  	[tilespmem:s5], [sflag:$0x7] =	stream.indirect.gather [hbm4b:s24+s0], $0x10, s8, s0, $0xb8;
	[tilespmem:$0x1A3C0] =	vst v63  }
0x80: {  	_ =	swait.ge [sflag:s17], $0x500  }
0x81: {  	[sflag:s17] =	ssyncset.done $0x0  }
0x82: {  	[sflag:s17] =	ssyncadd.s32 $0xFFFFFB00  }
0x83: {  	v54 =	vld [tilespmem:$0x1E0]  }
0x84: {  	v55 =	vld [tilespmem:$0x1F0]  }
0x85: {  	v56 =	vld [tilespmem:$0x200]  }
0x86: {  	v57 =	vld [tilespmem:$0x210]  }
0x87: {  	v58 =	vld [tilespmem:$0x220]  }
0x88: {  	[tilespmem:$0x320] =	vst v54  }
0x89: {  	[tilespmem:$0x330] =	vst v55  }
0x8a: {  	[tilespmem:$0x340] =	vst v56  }
0x8b: {  	[tilespmem:$0x350] =	vst v57  }
0x8c: {  	s9 =	rddreg [dreg:$0x11];
	[tilespmem:$0x360] =	vst v58  }
0x8d: {  	[tilespmem:s8], [sflag:$0x3] =	stream.linear.gather [hbm4b:s9+s14], $0x50, $0x38;
	[tilespmem:$0x1A3C0] =	vst v63  }
0x8e: {  	s16 =	rddreg [dreg:$0x9]  }
0x8f: {  	[tilespmem:s21], [sflag:$0x3] =	stream.linear.gather [hbm4b:s16+s14], $0x50, $0x38;
	[tilespmem:$0x1A3C0] =	vst v63  }
0x90: {  	s21 =	simm.s32 $0x320  }
0x91: {  	[spmem:s22] =	stream.indirect.scatter.add.f32 [tilespmem:s5], [sflag:$0xB], $0x10, s21, s0, $0xb8;
	[tilespmem:$0x1A3C0] =	vst v63  }
0x92: {  	_ =	swait.ge [sflag:s25], $0x50  }
0x93: {  	[sflag:s25] =	ssyncset.done $0x0  }
0x94: {  	[sflag:s25] =	ssyncadd.s32 $0xFFFFFFB0  }
0x95: {  	_ =	swait.ge [sflag:s25], $0x50  }
0x96: {  	[sflag:s25] =	ssyncset.done $0x0  }
0x97: {  	s9 =	simm.s32 $0x12C0;
	[sflag:s25] =	ssyncadd.s32 $0xFFFFFFB0  }
0x98: {  	[tilespmem:s9], [sflag:$0x8] =	stream.indirect.gather [hbm4b:s24+s0], $0x10, s12, s0, $0xb8;
	[tilespmem:$0x1A3C0] =	vst v63  }
0x99: {  	_ =	swait.ge [sflag:s28], $0x500  }
0x9a: {  	[sflag:s28] =	ssyncset.done $0x0  }
0x9b: {  	[sflag:s28] =	ssyncadd.s32 $0xFFFFFB00  }
0x9c: {  	v59 =	vld [tilespmem:$0x230]  }
0x9d: {  	v60 =	vld [tilespmem:$0x240]  }
0x9e: {  	v61 =	vld [tilespmem:$0x250]  }
0x9f: {  	v62 =	vld [tilespmem:$0x260]  }
0xa0: {  	v63 =	vld [tilespmem:$0x270]  }
0xa1: {  	[tilespmem:$0x370] =	vst v59  }
0xa2: {  	[tilespmem:$0x380] =	vst v60  }
0xa3: {  	[tilespmem:$0x390] =	vst v61  }
0xa4: {  	[tilespmem:$0x3A0] =	vst v62  }
0xa5: {  	s5 =	rddreg [dreg:$0x12];
	[tilespmem:$0x3B0] =	vst v63  }
0xa6: {  	[tilespmem:s12], [sflag:$0x4] =	stream.linear.gather [hbm4b:s5+s14], $0x50, $0x38;
	[tilespmem:$0x1A3C0] =	vst v63  }
0xa7: {  	s16 =	simm.s32 $0x230;
	s8 =	rddreg [dreg:$0xa]  }
0xa8: {  	[tilespmem:s16], [sflag:$0x4] =	stream.linear.gather [hbm4b:s8+s14], $0x50, $0x38;
	[tilespmem:$0x1A3C0] =	vst v63  }
0xa9: {  	s21 =	simm.s32 $0x370  }
0xaa: {  	[spmem:s22] =	stream.indirect.scatter.add.f32 [tilespmem:s9], [sflag:$0xC], $0x10, s21, s0, $0xb8;
	[tilespmem:$0x1A3C0] =	vst v63  }
0xab: {  	_ =	swait.ge [sflag:s7], $0x50  }
0xac: {  	[sflag:s7] =	ssyncset.done $0x0  }
0xad: {  	[sflag:s7] =	ssyncadd.s32 $0xFFFFFFB0  }
0xae: {  	_ =	swait.ge [sflag:s7], $0x50  }
0xaf: {  	[sflag:s7] =	ssyncset.done $0x0  }
0xb0: {  	[sflag:s7] =	ssyncadd.s32 $0xFFFFFFB0  }
0xb1: {  	_ =	swait.ge [sflag:s4], $0x500  }
0xb2: {  	[sflag:s4] =	ssyncset.done $0x0  }
0xb3: {  	[sflag:s4] =	ssyncadd.s32 $0xFFFFFB00  }
0xb4: {  	[tilespmem:s20], [sflag:$0x5] =	stream.indirect.gather [hbm4b:s24+s0], $0x10, s14, s0, $0xb8;
	[tilespmem:$0x1A3C0] =	vst v63  }
.LBB2_4:
0xb5: {  	s2 =	simm.s32 $0x5  }
0xb6: {  	_ =	swait.ge [sflag:s2], $0x500  }
0xb7: {  	[sflag:s2] =	ssyncset.done $0x0  }
0xb8: {  	[sflag:s2] =	ssyncadd.s32 $0xFFFFFB00  }
0xb9: {  	v0 =	vld [tilespmem:$0x140]  }
0xba: {  	v1 =	vld [tilespmem:$0x150]  }
0xbb: {  	v2 =	vld [tilespmem:$0x160]  }
0xbc: {  	v3 =	vld [tilespmem:$0x170]  }
0xbd: {  	v4 =	vld [tilespmem:$0x180]  }
0xbe: {  	[tilespmem:$0x280] =	vst v0  }
0xbf: {  	[tilespmem:$0x290] =	vst v1  }
0xc0: {  	p0 =	seq.s32 s14, $0x6158;
	[tilespmem:$0x2A0] =	vst v2  }
0xc1: {  	s2 =	sadd.s32 @!p0 s14, s19;
	[tilespmem:$0x2B0] =	vst v3  }
0xc2: {  	s21 =	simm.s32 @!p0 $0x0;
	s3 =	sadd.s32 @!p0 $0x50, s2;
	[tilespmem:$0x2C0] =	vst v4  }
0xc3: {  	[tilespmem:s21], [sflag:$0x1] =	stream.linear.gather @!p0 [hbm4b:s3+s21], $0x50, $0x38;
	[tilespmem:$0x1A3C0] =	vst v63  }
0xc4: {  	s3 =	sadd.s32 @!p0 s14, s18  }
0xc5: {  	s8 =	simm.s32 @!p0 $0x140;
	s5 =	sadd.s32 @!p0 $0x50, s3  }
0xc6: {  	[tilespmem:s8], [sflag:$0x1] =	stream.linear.gather @!p0 [hbm4b:s5+s21], $0x50, $0x38;
	[tilespmem:$0x1A3C0] =	vst v63  }
0xc7: {  	s16 =	simm.s32 $0x280  }
0xc8: {  	[spmem:s22] =	stream.indirect.scatter.add.f32 [tilespmem:s20], [sflag:$0x9], $0x10, s16, s0, $0xb8;
	[tilespmem:$0x1A3C0] =	vst v63  }
0xc9: {  	_ =	swait.ge [sflag:s11], $0x50  }
0xca: {  	[sflag:s11] =	ssyncset.done $0x0  }
0xcb: {  	[sflag:s11] =	ssyncadd.s32 $0xFFFFFFB0  }
0xcc: {  	_ =	swait.ge [sflag:s11], $0x50  }
0xcd: {  	[sflag:s11] =	ssyncset.done $0x0  }
0xce: {  	[sflag:s11] =	ssyncadd.s32 $0xFFFFFFB0  }
0xcf: {  	_ =	swait.ge [sflag:s26], $0x500  }
0xd0: {  	[sflag:s26] =	ssyncset.done $0x0  }
0xd1: {  	s16 =	simm.s32 $0x8C0;
	[sflag:s26] =	ssyncadd.s32 $0xFFFFFB00  }
0xd2: {  	[tilespmem:s16], [sflag:$0x6] =	stream.indirect.gather [hbm4b:s24+s0], $0x10, s0, s0, $0xb8;
	[tilespmem:$0x1A3C0] =	vst v63  }
0xd3: {  	_ =	swait.ge [sflag:s13], $0x500  }
0xd4: {  	[sflag:s13] =	ssyncset.done $0x0  }
0xd5: {  	[sflag:s13] =	ssyncadd.s32 $0xFFFFFB00  }
0xd6: {  	v49 =	vld [tilespmem:$0x190]  }
0xd7: {  	v50 =	vld [tilespmem:$0x1A0]  }
0xd8: {  	v51 =	vld [tilespmem:$0x1B0]  }
0xd9: {  	v52 =	vld [tilespmem:$0x1C0]  }
0xda: {  	v53 =	vld [tilespmem:$0x1D0]  }
0xdb: {  	[tilespmem:$0x2D0] =	vst v49  }
0xdc: {  	[tilespmem:$0x2E0] =	vst v50  }
0xdd: {  	[tilespmem:$0x2F0] =	vst v51  }
0xde: {  	[tilespmem:$0x300] =	vst v52  }
0xdf: {  	s5 =	sadd.s32 @!p0 $0x5A, s2;
	s8 =	simm.s32 @!p0 $0x50;
	[tilespmem:$0x310] =	vst v53  }
0xe0: {  	[tilespmem:s8], [sflag:$0x2] =	stream.linear.gather @!p0 [hbm4b:s5+s21], $0x50, $0x38;
	[tilespmem:$0x1A3C0] =	vst v63  }
0xe1: {  	s5 =	sadd.s32 @!p0 $0x5A, s3;
	s8 =	simm.s32 @!p0 $0x190  }
0xe2: {  	[tilespmem:s8], [sflag:$0x2] =	stream.linear.gather @!p0 [hbm4b:s5+s21], $0x50, $0x38;
	[tilespmem:$0x1A3C0] =	vst v63  }
0xe3: {  	s8 =	simm.s32 $0x2D0  }
0xe4: {  	[spmem:s22] =	stream.indirect.scatter.add.f32 [tilespmem:s16], [sflag:$0xA], $0x10, s8, s0, $0xb8;
	[tilespmem:$0x1A3C0] =	vst v63  }
0xe5: {  	_ =	swait.ge [sflag:s15], $0x50  }
0xe6: {  	[sflag:s15] =	ssyncset.done $0x0  }
0xe7: {  	[sflag:s15] =	ssyncadd.s32 $0xFFFFFFB0  }
0xe8: {  	_ =	swait.ge [sflag:s15], $0x50  }
0xe9: {  	[sflag:s15] =	ssyncset.done $0x0  }
0xea: {  	[sflag:s15] =	ssyncadd.s32 $0xFFFFFFB0  }
0xeb: {  	_ =	swait.ge [sflag:s6], $0x500  }
0xec: {  	[sflag:s6] =	ssyncset.done $0x0  }
0xed: {  	s8 =	simm.s32 $0xA0;
	s16 =	simm.s32 $0xDC0;
	[sflag:s6] =	ssyncadd.s32 $0xFFFFFB00  }
0xee: {  	[tilespmem:s16], [sflag:$0x7] =	stream.indirect.gather [hbm4b:s24+s0], $0x10, s8, s0, $0xb8;
	[tilespmem:$0x1A3C0] =	vst v63  }
0xef: {  	_ =	swait.ge [sflag:s17], $0x500  }
0xf0: {  	[sflag:s17] =	ssyncset.done $0x0  }
0xf1: {  	[sflag:s17] =	ssyncadd.s32 $0xFFFFFB00  }
0xf2: {  	v54 =	vld [tilespmem:$0x1E0]  }
0xf3: {  	v55 =	vld [tilespmem:$0x1F0]  }
0xf4: {  	v56 =	vld [tilespmem:$0x200]  }
0xf5: {  	v57 =	vld [tilespmem:$0x210]  }
0xf6: {  	v58 =	vld [tilespmem:$0x220]  }
0xf7: {  	[tilespmem:$0x320] =	vst v54  }
0xf8: {  	[tilespmem:$0x330] =	vst v55  }
0xf9: {  	[tilespmem:$0x340] =	vst v56  }
0xfa: {  	[tilespmem:$0x350] =	vst v57  }
0xfb: {  	s2 =	sadd.s32 @!p0 $0x64, s2;
	s5 =	simm.s32 @!p0 $0xA0;
	[tilespmem:$0x360] =	vst v58  }
0xfc: {  	[tilespmem:s5], [sflag:$0x3] =	stream.linear.gather @!p0 [hbm4b:s2+s21], $0x50, $0x38;
	[tilespmem:$0x1A3C0] =	vst v63  }
0xfd: {  	s2 =	sadd.s32 @!p0 $0x64, s3;
	s3 =	simm.s32 @!p0 $0x1E0  }
0xfe: {  	[tilespmem:s3], [sflag:$0x3] =	stream.linear.gather @!p0 [hbm4b:s2+s21], $0x50, $0x38;
	[tilespmem:$0x1A3C0] =	vst v63  }
0xff: {  	s21 =	simm.s32 $0x320  }
0x100: {  	[spmem:s22] =	stream.indirect.scatter.add.f32 [tilespmem:s16], [sflag:$0xB], $0x10, s21, s0, $0xb8;
	[tilespmem:$0x1A3C0] =	vst v63  }
0x101: {  	_ =	swait.ge [sflag:s25], $0x50  }
0x102: {  	[sflag:s25] =	ssyncset.done $0x0  }
0x103: {  	[sflag:s25] =	ssyncadd.s32 $0xFFFFFFB0  }
0x104: {  	_ =	swait.ge [sflag:s25], $0x50  }
0x105: {  	[sflag:s25] =	ssyncset.done $0x0  }
0x106: {  	[sflag:s25] =	ssyncadd.s32 $0xFFFFFFB0  }
0x107: {  	_ =	swait.ge [sflag:s10], $0x500  }
0x108: {  	[sflag:s10] =	ssyncset.done $0x0  }
0x109: {  	[sflag:s10] =	ssyncadd.s32 $0xFFFFFB00  }
0x10a: {  	[tilespmem:s9], [sflag:$0x8] =	stream.indirect.gather [hbm4b:s24+s0], $0x10, s12, s0, $0xb8;
	[tilespmem:$0x1A3C0] =	vst v63  }
0x10b: {  	_ =	swait.ge [sflag:s28], $0x500  }
0x10c: {  	[sflag:s28] =	ssyncset.done $0x0  }
0x10d: {  	[sflag:s28] =	ssyncadd.s32 $0xFFFFFB00  }
0x10e: {  	v59 =	vld [tilespmem:$0x230]  }
0x10f: {  	v60 =	vld [tilespmem:$0x240]  }
0x110: {  	v61 =	vld [tilespmem:$0x250]  }
0x111: {  	v62 =	vld [tilespmem:$0x260]  }
0x112: {  	v63 =	vld [tilespmem:$0x270]  }
.Ltmp1:
0x113: {  	[tilespmem:$0x370] =	vst v59;
	(pc) =	sbr.rel @p0 .LBB2_6-.Ltmp1, $4  }
0x114: {  	[tilespmem:$0x380] =	vst v60  }
0x115: {  	[tilespmem:$0x390] =	vst v61  }
0x116: {  	[tilespmem:$0x3A0] =	vst v62  }
0x117: {  	s5 =	simm.s32 $0x12C0;
	s3 =	simm.s32 $0xF0;
	[tilespmem:$0x3B0] =	vst v63  }
0x118: {  	s2 =	sadd.s32 s14, s19  }
0x119: {  	s12 =	sadd.s32 s14, s18;
	s2 =	sadd.s32 $0x6E, s2  }
0x11a: {  	[tilespmem:s3], [sflag:$0x4] =	stream.linear.gather [hbm4b:s2+s1], $0x50, $0x38;
	[tilespmem:$0x1A3C0] =	vst v63  }
0x11b: {  	s16 =	simm.s32 $0x230;
	s2 =	sadd.s32 $0x6E, s12  }
0x11c: {  	[tilespmem:s16], [sflag:$0x4] =	stream.linear.gather [hbm4b:s2+s1], $0x50, $0x38;
	[tilespmem:$0x1A3C0] =	vst v63  }
0x11d: {  	s21 =	simm.s32 $0x370  }
0x11e: {  	[spmem:s22] =	stream.indirect.scatter.add.f32 [tilespmem:s5], [sflag:$0xC], $0x10, s21, s0, $0xb8;
	[tilespmem:$0x1A3C0] =	vst v63  }
0x11f: {  	_ =	swait.ge [sflag:s7], $0x50  }
0x120: {  	[sflag:s7] =	ssyncset.done $0x0  }
0x121: {  	[sflag:s7] =	ssyncadd.s32 $0xFFFFFFB0  }
0x122: {  	_ =	swait.ge [sflag:s7], $0x50  }
0x123: {  	[sflag:s7] =	ssyncset.done $0x0  }
.Ltmp2:
0x124: {  	[sflag:s7] =	ssyncadd.s32 $0xFFFFFFB0;
	(pc) =	sbr.rel .LBB2_4-.Ltmp2, $4  }
0x125: {  	_ =	swait.ge [sflag:s4], $0x500  }
0x126: {  	s14 =	sadd.s32 $0x28, s14;
	[sflag:s4] =	ssyncset.done $0x0  }
0x127: {  	s9 =	simm.s32 $0x12C0;
	s12 =	simm.s32 $0xF0;
	[sflag:s4] =	ssyncadd.s32 $0xFFFFFB00  }
0x128: {  	[tilespmem:s20], [sflag:$0x5] =	stream.indirect.gather [hbm4b:s24+s0], $0x10, s1, s0, $0xb8;
	[tilespmem:$0x1A3C0] =	vst v63  }
.LBB2_6:
0x129: {  	s2 =	simm.s32 $0x370  }
0x12a: {  	[spmem:s22] =	stream.indirect.scatter.add.f32 [tilespmem:s5], [sflag:$0xC], $0x10, s2, s0, $0xb8;
	[tilespmem:$0x1A3C0] =	vst v63  }
0x12b: {  	_ =	swait.ge [sflag:s4], $0x500  }
0x12c: {  	[sflag:s4] =	ssyncset.done $0x0  }
0x12d: {  	[sflag:s4] =	ssyncadd.s32 $0xFFFFFB00  }
0x12e: {  	_ =	swait.ge [sflag:s26], $0x500  }
0x12f: {  	[sflag:s26] =	ssyncset.done $0x0  }
0x130: {  	[sflag:s26] =	ssyncadd.s32 $0xFFFFFB00  }
0x131: {  	_ =	swait.ge [sflag:s6], $0x500  }
0x132: {  	[sflag:s6] =	ssyncset.done $0x0  }
0x133: {  	[sflag:s6] =	ssyncadd.s32 $0xFFFFFB00  }
0x134: {  	_ =	swait.ge [sflag:s10], $0x500  }
0x135: {  	[sflag:s10] =	ssyncset.done $0x0  }
0x136: {  	[sflag:s10] =	ssyncadd.s32 $0xFFFFFB00  }
0x137: {  	[bflag:$0x0] =	sbarrier.arrive $0xFFFF  }
0x138: {  	[tilespmem:s30], [sflag:$0xD] =	stream.linear.gather [spmem:s29], $0x500, $0x38;
	[tilespmem:$0x1A3C0] =	vst v63  }
0x139: {  	_ =	swait.ge [sflag:s31], $0x500  }
0x13a: {  	[sflag:s31] =	ssyncset.done $0x0  }
0x13b: {  	s21 =	sadd.s32 $0x0, s23;
	[sflag:s31] =	ssyncadd.s32 $0xFFFFFB00  }
0x13c: {  	[hbm4b:s21+s1] =	stream.linear.scatter [tilespmem:s30], [sflag:$0xD], $0x500, $0x38;
	[tilespmem:$0x1A3C0] =	vst v63  }
0x13d: {  	s14 =	smov.u32 s29;
	_ =	swait.ge [sflag:s31], $0x500  }
0x13e: {  	s2 =	simm.s32 $0xA0;
	[sflag:s31] =	ssyncset.done $0x0;
	s5 =	rddreg [dreg:$0x15]  }
.LBB2_7:
0x13f: {  	p0 =	sne.s32 s2, $0x3020;
	[sflag:s31] =	ssyncadd.s32 $0xFFFFFB00;
	s14 =	sadd.s32 $0x500, s14  }
0x140: {  	[tilespmem:s30], [sflag:$0xD] =	stream.linear.gather [spmem:s14], $0x500, $0x38;
	[tilespmem:$0x1A3C0] =	vst v63  }
0x141: {  	s3 =	smov.u32 s2;
	s2 =	sadd.s32 $0xA0, s2;
	_ =	swait.ge [sflag:s31], $0x500  }
.Ltmp3:
0x142: {  	[sflag:s31] =	ssyncset.done $0x0;
	(pc) =	sbr.rel @p0 .LBB2_7-.Ltmp3, $4  }
0x143: {  	s3 =	sadd.s32 s3, s23;
	[sflag:s31] =	ssyncadd.s32 $0xFFFFFB00  }
0x144: {  	[hbm4b:s3+s1] =	stream.linear.scatter [tilespmem:s30], [sflag:$0xD], $0x500, $0x38;
	[tilespmem:$0x1A3C0] =	vst v63  }
0x145: {  	_ =	swait.ge [sflag:s31], $0x500  }
0x146: {  	[sflag:s31] =	ssyncset.done $0x0  }
0x147: {  	[sflag:s31] =	ssyncadd.s32 $0xFFFFFB00  }
0x148: {  	[tilespmem:s30], [sflag:$0xD] =	stream.linear.gather [spmem:s5], $0x100, $0x38;
	[tilespmem:$0x1A3C0] =	vst v63  }
0x149: {  	_ =	swait.ge [sflag:s31], $0x100  }
0x14a: {  	[sflag:s31] =	ssyncset.done $0x0  }
0x14b: {  	s2 =	rddreg [dreg:$0x13];
	[sflag:s31] =	ssyncadd.s32 $0xFFFFFF00  }
0x14c: {  	[hbm4b:s2+s1] =	stream.linear.scatter [tilespmem:s30], [sflag:$0xD], $0x100, $0x38;
	[tilespmem:$0x1A3C0] =	vst v63  }
0x14d: {  	_ =	swait.ge [sflag:s31], $0x100  }
0x14e: {  	s3 =	rddreg [dreg:$0x17]  }
0x14f: {  	s21 =	rddreg [dreg:$0x16];
	s3 =	sadd.s32 $0x1, s3  }
0x150: {  	p0 =	sne.s32 s3, s21  }
.Ltmp4:
0x151: {  	_ = 	snop;
	(pc) =	sbr.rel @p0 .LBB2_1-.Ltmp4, $3  }
0x152: {  	_ =	sdelay $0x1  }
0x153: {  	[sflag:s31] =	ssyncset.done $0x0  }
0x154: {  	s16 =	simm.s32 $0x3C0;
	[sflag:s31] =	ssyncadd.s32 $0xFFFFFF00  }
0x155: {  	_ =	sfence.sel $0x180000  }
0x156: {  	[bflag:$0x0] =	sbarrier.arrive $0xFFFF  }
0x157: {  	_ =	strace $0x9000004D  }
0x158: {  	s0 =	stileid.u32;
	[bflag:$0x2] =	sbarrier.arrive $0xFFFF  }
0x159: {  	p0 =	sne.s32 s0, $0x0;
	s0 =	rddreg [dreg:$0x2]  }
0x15a: {  	s0 =	sadd.s32 @!p0 $0x100000, s0  }
0x15b: {  	[sflag:s0] =	ssyncadd.tile.s32 @!p0 $0x1;
	_ =	shalt  }
.Lfunc_end2:
_tile_overlayer_lowered:
.L_overlay_start_2:
0x15c: {  	(tag) =	ssettag $0x2  }
0x15d: {  	s0 =	rddreg [dreg:$0x0];
	s2 =	stileid.u32  }
0x15e: {  	s1 =	rddreg [dreg:$0x1];
	p0 =	sne.s32 s2, $0x0  }
0x15f: {  	s3 =	rddreg [dreg:$0x2];
	[bflag:$0x3] =	sbarrier.arrive $0xFFFF;
	s2 =	simm.s32 @!p0 $0x1C0D  }
0x160: {  	[timem:s3], [sflag:s2] =	dma.local @!p0 [hbm:s0], s1  }
0x161: {  	s0 =	simm.s32 @!p0 $0xD  }
0x162: {  	_ =	swait.ge @!p0 [sflag:s0], s1  }
0x163: {  	s1 =	ssub.s32 @!p0 $0x0, s1;
	[sflag:s0] =	ssyncset.done @!p0 $0x0  }
0x164: {  	[sflag:s0] =	ssyncadd.s32 @!p0 s1  }
0x165: {  	[bflag:$0x3] =	sbarrier.arrive $0xFFFF  }
0x166: {  	_ =	shalt  }

// kernel: kernel.8.cloned.1.call-start
scs
__scs_entry_jumppad:
0x0: {  	(pc) =	sbr.rel $0x88, $3  }
0x1: {  	(tag) =	ssettag $0x0;
	lr =	simm.s32 $0x1  }
0x2: {  	[smem:$0x3F99] =	sst lr;
	_ =	strace $0xD0000000  }
0x3: {  	_ = 	snop  }
0x4: {  	_ = 	snop  }
0x5: {  	_ = 	snop  }
0x6: {  	_ = 	snop  }
0x7: {  	_ = 	snop  }
__scs_overlays_trampoline_lowered:
0x8: {  	[smem:$0x3FA8] =	sst s0  }
0x9: {  	[smem:$0x3FA9] =	sst s1  }
0xa: {  	[smem:$0x3FAA] =	sst s2  }
0xb: {  	[smem:$0x3FAB] =	sst s3  }
0xc: {  	[smem:$0x3FAC] =	sst s4  }
0xd: {  	[smem:$0x3FAD] =	sst s5  }
0xe: {  	[smem:$0x3FAE] =	sst s6  }
0xf: {  	[smem:$0x3FAF] =	sst s7  }
0x10: {  	[smem:$0x3FB0] =	sst s8  }
0x11: {  	[smem:$0x3FB1] =	sst s9;
	s0 =	simm.s32 @!p0 $0x0  }
0x12: {  	s1 =	sld [smem:$0x3F97];
	s0 =	simm.s32 @p0 $0x1  }
0x13: {  	[smem:$0x3FB2] =	sst s0;
	s0 =	simm.s32 @!p1 $0x0  }
0x14: {  	s2 =	sld [smem:$0x3F96];
	s0 =	simm.s32 @p1 $0x1  }
0x15: {  	[smem:$0x3FB3] =	sst s0;
	s0 =	simm.s32 @!p2 $0x0  }
0x16: {  	s3 =	sld [smem:$0x3FDB];
	s0 =	simm.s32 @p2 $0x1  }
0x17: {  	s4 =	simm.s32 $0x1BF5;
	[smem:$0x3FB5] =	sst s0  }
0x18: {  	s0 =	sld [smem:$0x3F98];
	_ =	swait.ge [sflag:s4], $0x0  }
0x19: {  	s7 =	sld [smem:$0x3F99]  }
0x1a: {  	s8 =	sadd.s32 $0xFFFFE003, lr  }
0x1b: {  	s9 =	sadd.s32 $0xFFFFFEF7, lr;
	s5 =	simm.s32 $0xFFFFFFFF;
	p2 =	slt.u32 s8, $0xFFFFF086  }
0x1c: {  	p1 =	slt.u32 s9, $0xF7A;
	s5 =	simm.s32 @!p2 $0x0  }
0x1d: {  	s5 =	simm.s32 @p1 $0x1;
	p0 =	seq.s32 s7, s2  }
0x1e: {  	s7 =	smul.u32 @!p0 $0xF7A, s2;
	p2 =	seq.s32 @!p0 s5, $0x0  }
0x1f: {  	s9 =	smul.u32 $0xF7A, s1;
	s8 =	simm.s32 @!p0 $0x1BF5;
	p2 =	por !p2, p0  }
0x20: {  	[sflag:s8] =	ssyncset.s32 @!p0 $0xFFFFF086;
	s6 =	sadd.s32 @!p0 s3, s7;
	s7 =	simm.s32 @!p0 $0x108  }
0x21: {  	s3 =	sadd.s32 s3, s9;
	s6 =	sadd.s32 @!p0 $0x88, s6;
	s7 =	simm.s32 @p2 $0x1082  }
0x22: {  	[simem:s7], [sflag:s8] =	dma.local @!p0 [hbm:s6], $0xF7A  }
0x23: {  	s9 =	sor.u32 $0xD0000000, s2;
	s6 =	simm.s32 $0x108;
	_ =	swait.ge @!p0 [sflag:s8], $0x0  }
0x24: {  	s3 =	sadd.s32 $0x88, s3;
	s6 =	simm.s32 @!p1 $0x1082;
	[sflag:s4] =	ssyncset.s32 $0xFFFFF086  }
0x25: {  	[simem:s6], [sflag:s4] =	dma.local [hbm:s3], $0xF7A  }
0x26: {  	[smem:$0x3F99] =	sst s1;
	(tag) =	ssettag s2;
	_ =	strace s9  }
0x27: {  	s1 =	sld [smem:$0x3FA9]  }
0x28: {  	s2 =	sld [smem:$0x3FAA]  }
0x29: {  	s4 =	sld [smem:$0x3FAC]  }
0x2a: {  	p0 =	seq.s32 s5, $0x0;
	s5 =	sld [smem:$0x3FAD]  }
0x2b: {  	s6 =	sld [smem:$0x3FAE]  }
0x2c: {  	s7 =	sld [smem:$0x3FAF]  }
0x2d: {  	s3 =	simm.s32 $0x108;
	s8 =	sld [smem:$0x3FB0]  }
0x2e: {  	s3 =	simm.s32 @!p0 $0x1082;
	s9 =	sld [smem:$0x3FB1]  }
0x2f: {  	lr =	sadd.s32 s0, s3;
	s0 =	sld [smem:$0x3FA8]  }
0x30: {  	s3 =	sld [smem:$0x3FAB]  }
0x31: {  	[smem:$0x3FB4] =	sst s10  }
0x32: {  	s10 =	sld [smem:$0x3FB2];
	_ =	sdelay $0x3  }
0x33: {  	p0 =	seq.s32 s10, $0x1;
	s10 =	sld [smem:$0x3FB4];
	_ =	sdelay $0x3  }
0x34: {  	[smem:$0x3FB4] =	sst s10  }
0x35: {  	s10 =	sld [smem:$0x3FB3];
	_ =	sdelay $0x3  }
0x36: {  	p1 =	seq.s32 s10, $0x1;
	s10 =	sld [smem:$0x3FB4];
	_ =	sdelay $0x3  }
0x37: {  	[smem:$0x3FB4] =	sst s10  }
0x38: {  	s10 =	sld [smem:$0x3FB5]  }
0x39: {  	_ = 	snop;
	(pc) =	sbr.ind lr, $3  }
0x3a: {  	_ = 	snop  }
0x3b: {  	_ = 	snop  }
0x3c: {  	p2 =	seq.s32 s10, $0x1;
	s10 =	sld [smem:$0x3FB4]  }
0x3d: {  	_ =	shalt  }
0x3e: {  	_ =	shalt  }
0x3f: {  	_ =	shalt  }
0x40: {  	_ =	shalt  }
0x41: {  	_ =	shalt  }
0x42: {  	_ =	shalt  }
0x43: {  	_ =	shalt  }
0x44: {  	_ =	shalt  }
0x45: {  	_ =	shalt  }
0x46: {  	_ =	shalt  }
0x47: {  	_ =	shalt  }
0x48: {  	_ =	shalt  }
0x49: {  	_ =	shalt  }
0x4a: {  	_ =	shalt  }
0x4b: {  	_ =	shalt  }
0x4c: {  	_ =	shalt  }
0x4d: {  	_ =	shalt  }
0x4e: {  	_ =	shalt  }
0x4f: {  	_ =	shalt  }
0x50: {  	_ =	shalt  }
0x51: {  	_ =	shalt  }
0x52: {  	_ =	shalt  }
0x53: {  	_ =	shalt  }
0x54: {  	_ =	shalt  }
0x55: {  	_ =	shalt  }
0x56: {  	_ =	shalt  }
0x57: {  	_ =	shalt  }
0x58: {  	_ =	shalt  }
0x59: {  	_ =	shalt  }
0x5a: {  	_ =	shalt  }
0x5b: {  	_ =	shalt  }
0x5c: {  	_ =	shalt  }
0x5d: {  	_ =	shalt  }
0x5e: {  	_ =	shalt  }
0x5f: {  	_ =	shalt  }
0x60: {  	_ =	shalt  }
0x61: {  	_ =	shalt  }
0x62: {  	_ =	shalt  }
0x63: {  	_ =	shalt  }
0x64: {  	_ =	shalt  }
0x65: {  	_ =	shalt  }
0x66: {  	_ =	shalt  }
0x67: {  	_ =	shalt  }
0x68: {  	_ =	shalt  }
0x69: {  	_ =	shalt  }
0x6a: {  	_ =	shalt  }
0x6b: {  	_ =	shalt  }
0x6c: {  	_ =	shalt  }
0x6d: {  	_ =	shalt  }
0x6e: {  	_ =	shalt  }
0x6f: {  	_ =	shalt  }
0x70: {  	_ =	shalt  }
0x71: {  	_ =	shalt  }
0x72: {  	_ =	shalt  }
0x73: {  	_ =	shalt  }
0x74: {  	_ =	shalt  }
0x75: {  	_ =	shalt  }
0x76: {  	_ =	shalt  }
0x77: {  	_ =	shalt  }
0x78: {  	_ =	shalt  }
0x79: {  	_ =	shalt  }
0x7a: {  	_ =	shalt  }
0x7b: {  	_ =	shalt  }
0x7c: {  	_ =	shalt  }
0x7d: {  	_ =	shalt  }
0x7e: {  	_ =	shalt  }
0x7f: {  	_ =	shalt  }
0x80: {  	_ =	shalt  }
0x81: {  	_ =	shalt  }
0x82: {  	_ =	shalt  }
0x83: {  	_ =	shalt  }
0x84: {  	_ =	shalt  }
0x85: {  	_ =	shalt  }
0x86: {  	_ =	shalt  }
0x87: {  	_ =	shalt  }
.Lfunc_end0:
.L_simem_size_0:
called_computation_lowered:
.L_overlay_start_0:
0x88: {  	s2 =	sld [smem:$0x3FD9]  }
0x89: {  	s3 =	sld [smem:$0x3FFE];
	_ =	sdelay $0x1  }
0x8a: {  	s1 =	srdreg.scid  }
0x8b: {  	s0 =	sand.u32 $0x1, s1  }
0x8c: {  	s17 =	sshll.u32 s0, $0xA;
	s2 =	sadd.s32 s3, s2  }
0x8d: {  	s2 =	sadd.s32 s2, s17  }
0x8e: {  	[smem:$0x3FC0] =	sst s2  }
0x8f: {  	_ = 	snop  }
0x90: {  	s2 =	sld [smem:$0x3FD0];
	(tm) =	ssettm $0x1  }
0x91: {  	s18 =	sld [smem:$0x3FFB];
	_ =	sdelay $0x3  }
0x92: {  	_ =	strace s18  }
0x93: {  	s3 =	sld [smem:$0x3FFC];
	_ =	sdelay $0x3  }
0x94: {  	_ =	strace s3  }
0x95: {  	s3 =	sld [smem:$0x3FFD];
	_ =	sdelay $0x3  }
0x96: {  	_ =	strace s3  }
0x97: {  	_ =	strace $0x8FFFFFFF  }
0x98: {  	s19 =	sld [smem:$0x3FDB];
	_ =	sdelay $0x1  }
0x99: {  	s4 =	simm.s32 $_scs_section_size  }
0x9a: {  	s5 =	simm.s32 $_size__tile_overlayer_lowered;
	s6 =	simm.s32 $_tile_overlayer_lowered  }
0x9b: {  	s22 =	simm.s32 $0x1BFF;
	s21 =	sshll.u32 s6, $0x1;
	s3 =	sadd.s32 s4, s19  }
0x9c: {  	s7 =	simm.s32 $0x0;
	s20 =	sshll.u32 s5, $0x1;
	s5 =	sadd.s32 s21, s3  }
0x9d: {  	[timem:s7], [sflag:s22] =	dma.local [hbm:s5], s20  }
0x9e: {  	_ =	swait.ge [sflag:s22], s20  }
0x9f: {  	s4 =	ssub.s32 $0x0, s20;
	[sflag:s22] =	ssyncset.done $0x0  }
0xa0: {  	[sflag:s22] =	ssyncadd.s32 s4;
	_ =	sdelay $0x1  }
0xa1: {  	s23 =	simm.s32 $0x1B8B  }
0xa2: {  	_ =	swait.ge [sflag:s23], $0x1  }
0xa3: {  	[sflag:s23] =	ssyncset.done $0x0  }
0xa4: {  	s25 =	simm.s32 $0x1B8E;
	s24 =	sld [smem:$0x3FFE];
	[sflag:s23] =	ssyncadd.s32 $0xFFFFFFFF  }
0xa5: {  	s26 =	simm.s32 $execute0_lowered;
	[smem:$0x3FD2] =	sst s25  }
0xa6: {  	s5 =	sshll.u32 s26, $0x1;
	_ =	strace $0x80000046;
	[dreg:$0x1] =	wrdreg $0xFFFFFFFF  }
0xa7: {  	s28 =	simm.s32 $_size_execute0_lowered;
	s3 =	sadd.s32 s3, s5;
	[dreg:$0x0] =	wrdreg $0x0  }
0xa8: {  	s5 =	sshll.u32 s28, $0x1;
	[dreg:$0x2] =	wrdreg s3  }
0xa9: {  	[dreg:$0x3] =	wrdreg s5  }
0xaa: {  	[dreg:$0x4] =	wrdreg $0xC0  }
0xab: {  	_ =	task [dreg:s7], $0x5FFFF  }
0xac: {  	[dreg:$0x1] =	wrdreg $0xFFFFFFFF  }
0xad: {  	[dreg:$0x0] =	wrdreg $0x60  }
0xae: {  	[dreg:$0x2] =	wrdreg s24  }
0xaf: {  	[dreg:$0x3] =	wrdreg s2  }
0xb0: {  	[dreg:$0x4] =	wrdreg $0xAA00  }
0xb1: {  	[dreg:$0x5] =	wrdreg $0x9  }
0xb2: {  	_ =	task.clear_ibuf [dreg:s7], $0x6FFFF;
	_ =	strace $0x90000046  }
0xb3: {  	s29 =	simm.s32 $0x9;
	_ =	strace $0x80000048  }
0xb4: {  	_ =	swait.ge [sflag:s29], $0x1  }
0xb5: {  	[sflag:s29] =	ssyncadd.s32 $0xFFFFFFFF  }
0xb6: {  	_ =	strace $0x90000048  }
0xb7: {  	_ =	sfence  }
0xb8: {  	s30 =	sld [smem:$0x0];
	_ =	sdelay $0x2  }
0xb9: {  	s31 =	sshll.u32 s1, $0xD;
	s1 =	sshrl.u32 s1, $0x2  }
0xba: {  	s3 =	sand.u32 $0x4000, s31;
	s1 =	sadd.s32 s1, s30  }
0xbb: {  	s0 =	sor.u32 s3, s0;
	s1 =	sshll.u32 s1, $0x11  }
0xbc: {  	s0 =	sor.u32 s1, s0  }
0xbd: {  	s0 =	sadd.s32 $0x8F2B, s0  }
0xbe: {  	[sflag:s0] =	ssyncadd.remote.s32 $0x1  }
0xbf: {  	_ =	sfence.sel $0xFFFF  }
0xc0: {  	[dreg:$0x0] =	wrdreg $0xFFFFFFFF;
	(pc) =	sbr.abs _section_cstart, $3  }
0xc1: {  	[dreg:$0x1] =	wrdreg $0xFFFFFFFF  }
0xc2: {  	_ =	task.clear_ibuf [dreg:s7], $0x2FFFF;
	_ =	strace $0x9FFFFFFF  }
0xc3: {  	(tm) =	ssettm $0x7FFFFFFF  }
tec
execute0_lowered:
.L_overlay_start_1:
0x0: {  	(tag) =	ssettag $0x1  }
0x1: {  	s7 =	rddreg [dreg:$0x0]  }
0x2: {  	s1 =	rddreg [dreg:$0x1]  }
0x3: {  	s2 =	rddreg [dreg:$0x2];
	s4 =	srdreg.scid  }
0x4: {  	s0 =	rddreg [dreg:$0x3];
	s12 =	sand.u32 $0x1, s4;
	s4 =	stileid.u32  }
0x5: {  	s3 =	simm.s32 $0x0;
	s18 =	simm.s32 $0x5A0;
	s10 =	smul.u32 $0x1870, s4  }
0x6: {  	s19 =	simm.s32 $0x50;
	s20 =	simm.s32 $0x1;
	s25 =	smul.u32 $0x18700, s12  }
0x7: {  	s21 =	simm.s32 $0x2;
	s22 =	simm.s32 $0x0;
	s15 =	smul.u32 $0x186A00, s12  }
0x8: {  	[smem:$0x7FF] =	sst s3;
	s5 =	sadd.s32 $0x3400, s7;
	s16 =	smul.u32 $0x186A0, s4  }
0x9: {  	s6 =	sadd.s32 $0xC6C00, s7;
	s14 =	sadd.s32 $0xC6E00, s7;
	s28 =	smul.u32 $0x61C00, s4  }
0xa: {  	s8 =	sshll.u32 s12, $0x4;
	s9 =	ssub.s32 $0x2, s12;
	s17 =	smul.u32 $0x30E00, s12  }
0xb: {  	s31 =	smul.u32 $0x30E0, s4;
	s8 =	sor.u32 s4, s8;
	s23 =	sshrl.u32 s9, $0x1  }
0xc: {  	_ =	strace $0x80000047;
	s8 =	smul.u32 $0x186A0, s8;
	s11 =	ssub.s32 s9, s23  }
0xd: {  	s24 =	sadd.s32 $0x1860, s10;
	s15 =	sadd.s32 s16, s15;
	s29 =	sshrl.u32 s28, $0x2  }
0xe: {  	s17 =	sadd.s32 s17, s14;
	s13 =	sshll.u32 s24, $0x4;
	s10 =	sadd.s32 s25, s24  }
0xf: {  	s11 =	smax.u32 s11, $0x1;
	s16 =	sadd.s32 $0xF0, s15;
	s12 =	sadd.s32 s29, s2  }
0x10: {  	s26 =	sshrl.u32 s8, $0x3;
	s8 =	sadd.s32 s13, s2;
	s10 =	sshll.u32 s10, $0x1  }
0x11: {  	s30 =	sshrl.u32 s16, $0x3;
	s16 =	simm.s32 $0xA0;
	s7 =	sadd.s32 s5, s26  }
0x12: {  	s10 =	sadd.s32 s14, s10;
	s13 =	sadd.s32 s30, s5;
	s14 =	sadd.s32 $0xA0, s15  }
0x13: {  	s15 =	sadd.s32 s31, s17;
	s17 =	simm.s32 $0x3;
	s9 =	sadd.s32 $0xA, s7  }
.LBB2_1:
0x14: {  	[tilespmem:s16], [sflag:$0x3] =	stream.linear.gather [hbm4b:s1+s3], $0x500, $0x38;
	[tilespmem:$0x191A0] =	vst v63  }
0x15: {  	_ =	swait.ge [sflag:s17], $0x500  }
0x16: {  	[sflag:s17] =	ssyncset.done $0x0  }
0x17: {  	[sflag:s17] =	ssyncadd.s32 $0xFFFFFB00  }
0x18: {  	[tilespmem:s18], [sflag:$0x3] =	stream.linear.gather [hbm4b:s6+s3], $0x500, $0x38;
	[tilespmem:$0x191A0] =	vst v63  }
0x19: {  	_ =	swait.ge [sflag:s17], $0x500  }
0x1a: {  	[sflag:s17] =	ssyncset.done $0x0  }
0x1b: {  	s23 =	sadd.s32 $0x0, s12;
	[sflag:s17] =	ssyncadd.s32 $0xFFFFFB00  }
0x1c: {  	[spmem:s23] =	stream.linear.scatter [tilespmem:s18], [sflag:$0x3], $0x500, $0x38;
	[tilespmem:$0x191A0] =	vst v63  }
0x1d: {  	s23 =	simm.s32 $0x1400;
	_ =	swait.ge [sflag:s17], $0x500  }
.LBB2_2:
0x1e: {  	s24 =	sshra.s32 s23, $0x2;
	[sflag:s17] =	ssyncset.done $0x0;
	p0 =	sne.s32 s23, $0x60400  }
.Ltmp0:
0x1f: {  	s24 =	sadd.s32 s24, s12;
	[sflag:s17] =	ssyncadd.s32 $0xFFFFFB00;
	(pc) =	sbr.rel @p0 .LBB2_2-.Ltmp0, $3  }
0x20: {  	[spmem:s24] =	stream.linear.scatter [tilespmem:s18], [sflag:$0x3], $0x500, $0x38;
	[tilespmem:$0x191A0] =	vst v63  }
0x21: {  	s23 =	sadd.s32 $0x1400, s23;
	_ =	sdelay $0x1  }
0x22: {  	_ =	swait.ge [sflag:s17], $0x500  }
0x23: {  	[sflag:s17] =	ssyncset.done $0x0  }
0x24: {  	[sflag:s17] =	ssyncadd.s32 $0xFFFFFB00  }
0x25: {  	[spmem:s8] =	stream.linear.scatter [tilespmem:s18], [sflag:$0x3], $0x100, $0x38;
	[tilespmem:$0x191A0] =	vst v63  }
0x26: {  	_ =	swait.ge [sflag:s17], $0x100  }
0x27: {  	[sflag:s17] =	ssyncset.done $0x0  }
0x28: {  	[sflag:s17] =	ssyncadd.s32 $0xFFFFFF00  }
0x29: {  	s23 =	simm.s32 $0x0;
	[bflag:$0x0] =	sbarrier.arrive $0xFFFF  }
0x2a: {  	[tilespmem:s23], [sflag:$0x3] =	stream.linear.gather [hbm4b:s7+s23], $0x50, $0x38;
	[tilespmem:$0x191A0] =	vst v63  }
0x2b: {  	_ =	swait.ge [sflag:s17], $0x50  }
0x2c: {  	[sflag:s17] =	ssyncset.done $0x0  }
0x2d: {  	[sflag:s17] =	ssyncadd.s32 $0xFFFFFFB0  }
0x2e: {  	[spmem:s2] =	stream.indirect.scatter.add.f32 [tilespmem:s16], [sflag:$0x1], $0x10, s23, s19, $0xb8;
	[tilespmem:$0x191A0] =	vst v63  }
0x2f: {  	_ = 	snop  }
0x30: {  	[tilespmem:s19], [sflag:$0x3] =	stream.linear.gather [hbm4b:s9+s23], $0x50, $0x38;
	[tilespmem:$0x191A0] =	vst v63  }
0x31: {  	_ =	swait.ge [sflag:s17], $0x50  }
0x32: {  	[sflag:s17] =	ssyncset.done $0x0  }
0x33: {  	[sflag:s17] =	ssyncadd.s32 $0xFFFFFFB0  }
0x34: {  	[spmem:s2] =	stream.indirect.scatter.add.f32 [tilespmem:s16], [sflag:$0x2], $0x10, s19, s19, $0xb8;
	[tilespmem:$0x191A0] =	vst v63  }
0x35: {  	_ =	swait.ge [sflag:s20], $0x500  }
0x36: {  	s30 =	sshrl.u32 s14, $0x3;
	[sflag:s20] =	ssyncset.done $0x0  }
0x37: {  	s23 =	sadd.s32 s5, s30;
	[sflag:s20] =	ssyncadd.s32 $0xFFFFFB00  }
0x38: {  	[tilespmem:s3], [sflag:$0x3] =	stream.linear.gather [hbm4b:s23+s3], $0x50, $0x38;
	[tilespmem:$0x191A0] =	vst v63  }
0x39: {  	_ =	swait.ge [sflag:s17], $0x50  }
0x3a: {  	[sflag:s17] =	ssyncset.done $0x0  }
0x3b: {  	[sflag:s17] =	ssyncadd.s32 $0xFFFFFFB0  }
0x3c: {  	[spmem:s2] =	stream.indirect.scatter.add.f32 [tilespmem:s16], [sflag:$0x1], $0x10, s3, s19, $0xb8;
	[tilespmem:$0x191A0] =	vst v63  }
0x3d: {  	_ =	swait.ge [sflag:s21], $0x500  }
0x3e: {  	[sflag:s21] =	ssyncset.done $0x0  }
0x3f: {  	s31 =	sadd.s32 $0x0, s13;
	[sflag:s21] =	ssyncadd.s32 $0xFFFFFB00  }
0x40: {  	[tilespmem:s19], [sflag:$0x3] =	stream.linear.gather [hbm4b:s31+s3], $0x50, $0x38;
	[tilespmem:$0x191A0] =	vst v63  }
0x41: {  	_ =	swait.ge [sflag:s17], $0x50  }
0x42: {  	[sflag:s17] =	ssyncset.done $0x0  }
0x43: {  	s24 =	sadd.s32 $0xA0, s14;
	s23 =	simm.s32 $0x14;
	[sflag:s17] =	ssyncadd.s32 $0xFFFFFFB0  }
.LBB2_4:
0x44: {  	[spmem:s2] =	stream.indirect.scatter.add.f32 [tilespmem:s16], [sflag:$0x2], $0x10, s19, s19, $0xb8;
	[tilespmem:$0x191A0] =	vst v63  }
0x45: {  	s25 =	smov.u32 s23  }
0x46: {  	p0 =	sne.s32 s23, $0x30AC;
	s23 =	sadd.s32 $0x14, s23;
	_ =	swait.ge [sflag:s20], $0x500  }
0x47: {  	s26 =	sshrl.u32 s24, $0x3;
	[sflag:s20] =	ssyncset.done $0x0  }
0x48: {  	s26 =	sadd.s32 s5, s26;
	[sflag:s20] =	ssyncadd.s32 $0xFFFFFB00  }
0x49: {  	[tilespmem:s3], [sflag:$0x3] =	stream.linear.gather [hbm4b:s26+s3], $0x50, $0x38;
	[tilespmem:$0x191A0] =	vst v63  }
0x4a: {  	_ =	swait.ge [sflag:s17], $0x50  }
0x4b: {  	[sflag:s17] =	ssyncset.done $0x0  }
0x4c: {  	[sflag:s17] =	ssyncadd.s32 $0xFFFFFFB0  }
0x4d: {  	[spmem:s2] =	stream.indirect.scatter.add.f32 [tilespmem:s16], [sflag:$0x1], $0x10, s3, s19, $0xb8;
	[tilespmem:$0x191A0] =	vst v63  }
0x4e: {  	_ =	swait.ge [sflag:s21], $0x500  }
0x4f: {  	[sflag:s21] =	ssyncset.done $0x0  }
.Ltmp1:
0x50: {  	s25 =	sadd.s32 s25, s13;
	[sflag:s21] =	ssyncadd.s32 $0xFFFFFB00;
	(pc) =	sbr.rel @p0 .LBB2_4-.Ltmp1, $4  }
0x51: {  	[tilespmem:s19], [sflag:$0x3] =	stream.linear.gather [hbm4b:s25+s3], $0x50, $0x38;
	[tilespmem:$0x191A0] =	vst v63  }
0x52: {  	_ =	swait.ge [sflag:s17], $0x50  }
0x53: {  	[sflag:s17] =	ssyncset.done $0x0  }
0x54: {  	s24 =	sadd.s32 $0xA0, s24;
	[sflag:s17] =	ssyncadd.s32 $0xFFFFFFB0  }
0x55: {  	[spmem:s2] =	stream.indirect.scatter.add.f32 [tilespmem:s16], [sflag:$0x2], $0x10, s19, s19, $0xb8;
	[tilespmem:$0x191A0] =	vst v63  }
0x56: {  	_ =	swait.ge [sflag:s20], $0x500  }
0x57: {  	[sflag:s20] =	ssyncset.done $0x0  }
0x58: {  	[sflag:s20] =	ssyncadd.s32 $0xFFFFFB00  }
0x59: {  	_ =	swait.ge [sflag:s21], $0x500  }
0x5a: {  	[sflag:s21] =	ssyncset.done $0x0  }
0x5b: {  	[sflag:s21] =	ssyncadd.s32 $0xFFFFFB00  }
0x5c: {  	[bflag:$0x0] =	sbarrier.arrive $0xFFFF  }
0x5d: {  	[tilespmem:s18], [sflag:$0x3] =	stream.linear.gather [spmem:s12], $0x500, $0x38;
	[tilespmem:$0x191A0] =	vst v63  }
0x5e: {  	_ =	swait.ge [sflag:s17], $0x500  }
0x5f: {  	[sflag:s17] =	ssyncset.done $0x0  }
0x60: {  	s23 =	sadd.s32 $0x0, s15;
	[sflag:s17] =	ssyncadd.s32 $0xFFFFFB00  }
0x61: {  	[hbm4b:s23+s3] =	stream.linear.scatter [tilespmem:s18], [sflag:$0x3], $0x500, $0x38;
	[tilespmem:$0x191A0] =	vst v63  }
0x62: {  	_ =	swait.ge [sflag:s17], $0x500  }
0x63: {  	s24 =	smov.u32 s12;
	s23 =	simm.s32 $0xA0;
	[sflag:s17] =	ssyncset.done $0x0  }
.LBB2_6:
0x64: {  	p0 =	sne.s32 s23, $0x3020;
	[sflag:s17] =	ssyncadd.s32 $0xFFFFFB00;
	s24 =	sadd.s32 $0x500, s24  }
0x65: {  	[tilespmem:s18], [sflag:$0x3] =	stream.linear.gather [spmem:s24], $0x500, $0x38;
	[tilespmem:$0x191A0] =	vst v63  }
0x66: {  	s25 =	smov.u32 s23;
	s23 =	sadd.s32 $0xA0, s23;
	_ =	swait.ge [sflag:s17], $0x500  }
.Ltmp2:
0x67: {  	[sflag:s17] =	ssyncset.done $0x0;
	(pc) =	sbr.rel @p0 .LBB2_6-.Ltmp2, $4  }
0x68: {  	s25 =	sadd.s32 s25, s15;
	[sflag:s17] =	ssyncadd.s32 $0xFFFFFB00  }
0x69: {  	[hbm4b:s25+s3] =	stream.linear.scatter [tilespmem:s18], [sflag:$0x3], $0x500, $0x38;
	[tilespmem:$0x191A0] =	vst v63  }
0x6a: {  	_ =	swait.ge [sflag:s17], $0x500  }
0x6b: {  	[sflag:s17] =	ssyncset.done $0x0  }
0x6c: {  	[sflag:s17] =	ssyncadd.s32 $0xFFFFFB00  }
0x6d: {  	[tilespmem:s18], [sflag:$0x3] =	stream.linear.gather [spmem:s8], $0x100, $0x38;
	[tilespmem:$0x191A0] =	vst v63  }
0x6e: {  	s22 =	sadd.s32 $0x1, s22;
	_ =	swait.ge [sflag:s17], $0x100  }
0x6f: {  	p0 =	sne.s32 s22, s11;
	[sflag:s17] =	ssyncset.done $0x0  }
.Ltmp3:
0x70: {  	[sflag:s17] =	ssyncadd.s32 $0xFFFFFF00;
	(pc) =	sbr.rel @p0 .LBB2_1-.Ltmp3, $4  }
0x71: {  	[hbm4b:s10+s3] =	stream.linear.scatter [tilespmem:s18], [sflag:$0x3], $0x100, $0x38;
	[tilespmem:$0x191A0] =	vst v63  }
0x72: {  	_ =	swait.ge [sflag:s17], $0x100  }
0x73: {  	[sflag:s17] =	ssyncset.done $0x0  }
0x74: {  	[sflag:s17] =	ssyncadd.s32 $0xFFFFFF00  }
0x75: {  	_ =	sfence.sel $0x180000  }
0x76: {  	[bflag:$0x0] =	sbarrier.arrive $0xFFFF  }
0x77: {  	p0 =	sne.s32 s4, $0x0;
	_ =	strace $0x90000047  }
0x78: {  	s0 =	sadd.s32 @!p0 $0x100000, s0;
	[bflag:$0x2] =	sbarrier.arrive $0xFFFF  }
0x79: {  	[sflag:s0] =	ssyncadd.tile.s32 @!p0 $0x1;
	_ =	shalt  }
.Lfunc_end2:
_tile_overlayer_lowered:
.L_overlay_start_2:
0x7a: {  	(tag) =	ssettag $0x2  }
0x7b: {  	s0 =	rddreg [dreg:$0x0];
	s2 =	stileid.u32  }
0x7c: {  	s1 =	rddreg [dreg:$0x1];
	p0 =	sne.s32 s2, $0x0  }
0x7d: {  	s3 =	rddreg [dreg:$0x2];
	[bflag:$0x3] =	sbarrier.arrive $0xFFFF;
	s2 =	simm.s32 @!p0 $0x1C03  }
0x7e: {  	[timem:s3], [sflag:s2] =	dma.local @!p0 [hbm:s0], s1  }
0x7f: {  	s0 =	simm.s32 @!p0 $0x3  }
0x80: {  	_ =	swait.ge @!p0 [sflag:s0], s1  }
0x81: {  	s1 =	ssub.s32 @!p0 $0x0, s1;
	[sflag:s0] =	ssyncset.done @!p0 $0x0  }
0x82: {  	[sflag:s0] =	ssyncadd.s32 @!p0 s1  }
0x83: {  	[bflag:$0x3] =	sbarrier.arrive $0xFFFF  }
0x84: {  	_ =	shalt  }

</sc_bundles>
